<compile_context>
chip_gen: v7x
topology: tpu7x:2x2x1
jax: 0.10.2.dev20260603
libtpu: 0.0.44.dev20260713+nightly
codegen_flags: <defaults>
</compile_context>

<pallas_src>
import functools

import jax
import jax.numpy as jnp
from jax import lax
from jax.experimental import pallas as pl
from jax.experimental.pallas import tpu as pltpu, tpu_sc as plsc

N = 10000
E = 160000
NT = 512
EMB = 128
DH = 128
H = 4
B = 64

NC = 2
NS = 16
NW = NC * NS
L = 16

N_PAD = 10112
E_PAD = 163840
EPT = E_PAD // NW
KA = 512
KC = 64
NB = N_PAD // 16
GRID = 16

_mesh = plsc.VectorSubcoreMesh(
    core_axis_name="c", subcore_axis_name="s", num_cores=NC, num_subcores=NS)
_sc_params = pltpu.CompilerParams(needs_layout_passes=False)
_mesh1 = plsc.VectorSubcoreMesh(
    core_axis_name="c", subcore_axis_name="s", num_cores=1, num_subcores=NS)
EPTC = E_PAD // NS


def _f32(*shape):
    return jax.ShapeDtypeStruct(shape, jnp.float32)



def _tck0_body(emb_ref, w1a_ref, ea_ref, ew_ref, aux_ref):
    ew_ref[...] = jnp.dot(emb_ref[...], w1a_ref[...],
                          preferred_element_type=jnp.float32)
    m = jnp.sum(ea_ref[...]) / E
    aux_ref[...] = jnp.full((1, 128), m, jnp.float32)


def _tck1_body(x_ref, y_ref, ew_ref, wy_ref, a_ref, c_ref, aux_ref,
               h_ref, as_ref, ad_ref, exl_ref):
    iota = lax.broadcasted_iota(jnp.int32, (NB, NT), 1)
    onehot = (x_ref[...] == iota).astype(jnp.float32)
    hb = jnp.dot(onehot, ew_ref[...], preferred_element_type=jnp.float32)
    hb = hb + y_ref[...] * wy_ref[...]
    h_ref[...] = hb
    asd = jnp.dot(hb, a_ref[...], preferred_element_type=jnp.float32)
    as_ref[...] = asd[:, :4]
    ad_ref[...] = asd[:, 4:]
    al = asd[:, :4] + asd[:, 4:] + aux_ref[0, 0] * c_ref[...]
    al = jnp.where(al > 0, al, 0.2 * al)
    exl_ref[...] = jnp.exp(al)


def _tck2_body(dp_ref, exl_ref, h_ref, inv_ref, ml_ref):
    den = jnp.sum(dp_ref[...], axis=0) + exl_ref[...]
    inv = 1.0 / (den + 1e-16)
    inv_ref[...] = inv
    wl = exl_ref[...] * inv
    acc = jnp.zeros((NB, DH), jnp.float32)
    for hh in range(H):
        acc = acc + wl[:, hh:hh + 1] * h_ref[:, hh * DH:(hh + 1) * DH]
    ml_ref[...] = acc


def _tck3_body(pc_ref, ml_ref, b1_ref, w2_ref, a_ref, c_ref, aux_ref,
               h1_ref, h2_ref, as_ref, ad_ref, exl_ref):
    h1 = 0.25 * (pc_ref[...] + ml_ref[...]) + b1_ref[...]
    h1_ref[...] = h1
    hb = jnp.dot(h1, w2_ref[...], preferred_element_type=jnp.float32)
    h2_ref[...] = hb
    asd = jnp.dot(hb, a_ref[...], preferred_element_type=jnp.float32)
    as_ref[...] = asd[:, :4]
    ad_ref[...] = asd[:, 4:]
    al = asd[:, :4] + asd[:, 4:] + aux_ref[0, 0] * c_ref[...]
    al = jnp.where(al > 0, al, 0.2 * al)
    exl_ref[...] = jnp.exp(al)


def _tck4_body(pc_ref, ml_ref, b2_ref, h1_ref, batch_ref, hcat_ref):
    i = pl.program_id(0)

    @pl.when(i == 0)
    def _init():
        hcat_ref[...] = jnp.zeros((B, 2 * DH), jnp.float32)

    h2 = 0.25 * (pc_ref[...] + ml_ref[...]) + b2_ref[...]
    iota = lax.broadcasted_iota(jnp.int32, (NB, B), 1)
    onehot = (batch_ref[...] == iota).astype(jnp.float32)
    p1 = jnp.dot(onehot.T, h1_ref[...], preferred_element_type=jnp.float32)
    p2 = jnp.dot(onehot.T, h2, preferred_element_type=jnp.float32)
    hcat_ref[...] += jnp.concatenate([p1, p2], axis=1)


def _tck5_body(hcat_ref, fW1_ref, fb1_ref, fW2_ref, fb2_ref,
               bW1_ref, bb1_ref, bW2_ref, bb2_ref, of_ref, ob_ref):
    hcat = hcat_ref[...]
    f1 = jnp.maximum(jnp.dot(hcat, fW1_ref[...],
                             preferred_element_type=jnp.float32)
                     + fb1_ref[...], 0.0)
    of_ref[...] = jnp.dot(f1, fW2_ref[...],
                          preferred_element_type=jnp.float32) + fb2_ref[...]
    g1 = jnp.maximum(jnp.dot(hcat, bW1_ref[...],
                             preferred_element_type=jnp.float32)
                     + bb1_ref[...], 0.0)
    ob_ref[...] = jnp.dot(g1, bW2_ref[...],
                          preferred_element_type=jnp.float32) + bb2_ref[...]


def _row_spec(r, c_):
    return pl.BlockSpec((r, c_), lambda i: (i, 0))


def _full_spec(r, c_):
    return pl.BlockSpec((r, c_), lambda i: (0, 0))



def _sca_body(src_hbm, dst_hbm, ea_hbm, as_hbm, ad_hbm, c_hbm,
              ex0_hbm, ex1_hbm, ex2_hbm, ex3_hbm, denp_hbm,
              as_v, ad_v, den_v, c_v, src_v, dst_v, ea_v,
              eb0, eb1, eb2, eb3):
    cc = lax.axis_index("c")
    ss = lax.axis_index("s")
    wid = ss * NC + cc
    ex_hbms = (ex0_hbm, ex1_hbm, ex2_hbm, ex3_hbm)
    ebufs = (eb0, eb1, eb2, eb3)
    pltpu.sync_copy(as_hbm, as_v)
    pltpu.sync_copy(ad_hbm, ad_v)
    pltpu.sync_copy(c_hbm, c_v)
    cv16 = c_v[pl.ds(0, L)]
    ch = [cv16[hh] for hh in range(H)]

    def _zero(z, _):
        den_v[pl.ds(pl.multiple_of(z * L, L), L)] = jnp.zeros((L,), jnp.float32)
        return 0
    lax.fori_loop(0, (N_PAD * 4) // L, _zero, 0)

    def _chunk(j, _):
        cbase = pl.multiple_of(wid * EPT + j * KA, KA)
        pltpu.sync_copy(src_hbm.at[pl.ds(cbase, KA)], src_v)
        pltpu.sync_copy(dst_hbm.at[pl.ds(cbase, KA)], dst_v)
        pltpu.sync_copy(ea_hbm.at[pl.ds(cbase, KA)], ea_v)

        def _grp(g, _):
            o = pl.multiple_of(g * L, L)
            sl4 = src_v[pl.ds(o, L)] * 4
            dl4 = dst_v[pl.ds(o, L)] * 4
            ev = ea_v[pl.ds(o, L)]
            for hh in range(H):
                a = plsc.load_gather(as_v, [sl4 + hh])
                b = plsc.load_gather(ad_v, [dl4 + hh])
                al = a + b + ev * ch[hh]
                al = jnp.where(al > 0, al, 0.2 * al)
                exv = jnp.exp(al)
                plsc.addupdate_scatter(den_v, [dl4 + hh], exv)
                ebufs[hh][pl.ds(o, L)] = exv
            return 0
        lax.fori_loop(0, KA // L, _grp, 0)
        for hh in range(H):
            pltpu.sync_copy(ebufs[hh], ex_hbms[hh].at[pl.ds(cbase, KA)])
        return 0
    lax.fori_loop(0, EPT // KA, _chunk, 0)
    pltpu.sync_copy(den_v, denp_hbm.at[wid])


_sca = functools.partial(
    pl.kernel,
    out_type=(_f32(E_PAD), _f32(E_PAD), _f32(E_PAD), _f32(E_PAD),
              _f32(NW, N_PAD * 4)),
    mesh=_mesh,
    compiler_params=_sc_params,
    scratch_types=[
        pltpu.VMEM((N_PAD * 4,), jnp.float32),
        pltpu.VMEM((N_PAD * 4,), jnp.float32),
        pltpu.VMEM((N_PAD * 4,), jnp.float32),
        pltpu.VMEM((L,), jnp.float32),
        pltpu.VMEM((KA,), jnp.int32),
        pltpu.VMEM((KA,), jnp.int32),
        pltpu.VMEM((KA,), jnp.float32),
        pltpu.VMEM((KA,), jnp.float32),
        pltpu.VMEM((KA,), jnp.float32),
        pltpu.VMEM((KA,), jnp.float32),
        pltpu.VMEM((KA,), jnp.float32),
    ],
)(_sca_body)



def _scb_body(dst_hbm, ex0_hbm, ex1_hbm, ex2_hbm, ex3_hbm, inv_hbm,
              w0_hbm, w1_hbm, w2_hbm, w3_hbm,
              inv_v, dst_v, e0, e1, e2, e3, wb0, wb1, wb2, wb3):
    cc = lax.axis_index("c")
    ss = lax.axis_index("s")
    wid = ss * NC + cc
    ex_hbms = (ex0_hbm, ex1_hbm, ex2_hbm, ex3_hbm)
    w_hbms = (w0_hbm, w1_hbm, w2_hbm, w3_hbm)
    ebufs = (e0, e1, e2, e3)
    wbufs = (wb0, wb1, wb2, wb3)
    pltpu.sync_copy(inv_hbm, inv_v)

    def _chunk(j, _):
        cbase = pl.multiple_of(wid * EPT + j * KA, KA)
        pltpu.sync_copy(dst_hbm.at[pl.ds(cbase, KA)], dst_v)
        for hh in range(H):
            pltpu.sync_copy(ex_hbms[hh].at[pl.ds(cbase, KA)], ebufs[hh])

        def _grp(g, _):
            o = pl.multiple_of(g * L, L)
            dl4 = dst_v[pl.ds(o, L)] * 4
            for hh in range(H):
                iv = plsc.load_gather(inv_v, [dl4 + hh])
                wbufs[hh][pl.ds(o, L)] = ebufs[hh][pl.ds(o, L)] * iv
            return 0
        lax.fori_loop(0, KA // L, _grp, 0)
        for hh in range(H):
            pltpu.sync_copy(wbufs[hh], w_hbms[hh].at[pl.ds(cbase, KA)])
        return 0
    lax.fori_loop(0, EPT // KA, _chunk, 0)


_scb = functools.partial(
    pl.kernel,
    out_type=(_f32(E_PAD), _f32(E_PAD), _f32(E_PAD), _f32(E_PAD)),
    mesh=_mesh,
    compiler_params=_sc_params,
    scratch_types=[
        pltpu.VMEM((N_PAD * 4,), jnp.float32),
        pltpu.VMEM((KA,), jnp.int32),
        pltpu.VMEM((KA,), jnp.float32),
        pltpu.VMEM((KA,), jnp.float32),
        pltpu.VMEM((KA,), jnp.float32),
        pltpu.VMEM((KA,), jnp.float32),
        pltpu.VMEM((KA,), jnp.float32),
        pltpu.VMEM((KA,), jnp.float32),
        pltpu.VMEM((KA,), jnp.float32),
        pltpu.VMEM((KA,), jnp.float32),
    ],
)(_scb_body)


def _scc_body(src_hbm, dst_hbm, w0_hbm, w1_hbm, w2_hbm, w3_hbm, hre_hbm,
              accp_hbm,
              tab_v, acc_v, src_v, dst_v, wb0, wb1, wb2, wb3):
    cc = lax.axis_index("c")
    ss = lax.axis_index("s")
    wid = ss * NC + cc
    w_hbms = (w0_hbm, w1_hbm, w2_hbm, w3_hbm)
    wbufs = (wb0, wb1, wb2, wb3)

    for pp in range(2):
        pltpu.sync_copy(hre_hbm.at[pp, wid], tab_v)

        def _zero(z, _):
            acc_v[pl.ds(pl.multiple_of(z * L, L), L)] = \
                jnp.zeros((L,), jnp.float32)
            return 0
        lax.fori_loop(0, (N_PAD * 2) // L, _zero, 0)

        def _chunk(j, _):
            cbase = pl.multiple_of(j * KA, KA)
            pltpu.sync_copy(src_hbm.at[pl.ds(cbase, KA)], src_v)
            pltpu.sync_copy(dst_hbm.at[pl.ds(cbase, KA)], dst_v)
            for hh in range(H):
                pltpu.sync_copy(w_hbms[hh].at[pl.ds(cbase, KA)], wbufs[hh])

            def _grp(g, _):
                o = pl.multiple_of(g * L, L)
                sl8 = src_v[pl.ds(o, L)] * 8
                dl2 = dst_v[pl.ds(o, L)] * 2
                ws = [wbufs[hh][pl.ds(o, L)] for hh in range(H)]
                for dd in range(2):
                    acc = ws[0] * plsc.load_gather(tab_v, [sl8 + dd])
                    for hh in range(1, H):
                        acc = acc + ws[hh] * plsc.load_gather(
                            tab_v, [sl8 + (hh * 2 + dd)])
                    plsc.addupdate_scatter(acc_v, [dl2 + dd], acc)
                return 0
            lax.fori_loop(0, KA // L, _grp, 0)
            return 0
        lax.fori_loop(0, E_PAD // KA, _chunk, 0)
        pltpu.sync_copy(acc_v, accp_hbm.at[pp, wid])


_scc = functools.partial(
    pl.kernel,
    out_type=_f32(2, NW, N_PAD * 2),
    mesh=_mesh,
    compiler_params=_sc_params,
    scratch_types=[
        pltpu.VMEM((N_PAD * 8,), jnp.float32),
        pltpu.VMEM((N_PAD * 2,), jnp.float32),
        pltpu.VMEM((KA,), jnp.int32),
        pltpu.VMEM((KA,), jnp.int32),
        pltpu.VMEM((KA,), jnp.float32),
        pltpu.VMEM((KA,), jnp.float32),
        pltpu.VMEM((KA,), jnp.float32),
        pltpu.VMEM((KA,), jnp.float32),
    ],
)(_scc_body)



def _edge_layer(src_p, dst_p, ea_p, h_tab, as_tab, ad_tab, exloop, cpad):
    ex0, ex1, ex2, ex3, denp = _sca(
        src_p, dst_p, ea_p,
        as_tab.reshape(N_PAD * 4), ad_tab.reshape(N_PAD * 4), cpad)
    inv, mloop = pl.pallas_call(
        _tck2_body,
        grid=(GRID,),
        in_specs=[
            pl.BlockSpec((NW, NB, 4), lambda i: (0, i, 0)),
            _row_spec(NB, 4),
            _row_spec(NB, NT),
        ],
        out_specs=[_row_spec(NB, 4), _row_spec(NB, DH)],
        out_shape=(_f32(N_PAD, 4), _f32(N_PAD, DH)),
    )(denp.reshape(NW, N_PAD, 4), exloop, h_tab)
    inv_flat = inv.reshape(N_PAD * 4)
    w0, w1, w2, w3 = _scb(dst_p, ex0, ex1, ex2, ex3, inv_flat)
    hre = (h_tab.reshape(N_PAD, H, 2, NW, 2)
           .transpose(2, 3, 0, 1, 4).reshape(2, NW, N_PAD * 8))
    accp = _scc(src_p, dst_p, w0, w1, w2, w3, hre)
    acc = (accp.reshape(2, NW, N_PAD, 2)
           .transpose(2, 0, 1, 3).reshape(N_PAD, DH))
    return acc, mloop


def kernel(x, y, edge_index, edge_attr, batch, emb, W1, as1, ad1, We1, ae1, b1,
           W2, as2, ad2, We2, ae2, b2, lfW1, lfb1, lfW2, lfb2,
           lbW1, lbb1, lbW2, lbb2):
    f32 = jnp.float32
    src = edge_index[0].astype(jnp.int32)
    dst = edge_index[1].astype(jnp.int32)
    ea = edge_attr[:, 0].astype(f32)

    src_p = jnp.pad(src, (0, E_PAD - E))
    dst_p = jnp.pad(dst, (0, E_PAD - E), constant_values=N)
    ea_p = jnp.pad(ea, (0, E_PAD - E))

    x_p = jnp.pad(x.astype(jnp.int32), ((0, N_PAD - N), (0, 0)))
    y_p = jnp.pad(y.astype(f32), (0, N_PAD - N))[:, None]
    batch_p = jnp.pad(batch.astype(jnp.int32), (0, N_PAD - N),
                      constant_values=B)[:, None]

    def _amat(a_s, a_d):
        eye = jnp.eye(H, dtype=f32)
        As = jnp.einsum("hd,hg->hdg", a_s[0], eye).reshape(H * DH, H)
        Ad = jnp.einsum("hd,hg->hdg", a_d[0], eye).reshape(H * DH, H)
        return jnp.concatenate([As, Ad], axis=1)
    A1 = _amat(as1, ad1)
    A2 = _amat(as2, ad2)
    c1 = jnp.sum(We1.reshape(H, DH) * ae1[0], axis=1)
    c2 = jnp.sum(We2.reshape(H, DH) * ae2[0], axis=1)
    c1pad = jnp.pad(c1, (0, L - H))
    c2pad = jnp.pad(c2, (0, L - H))

    EW, aux = pl.pallas_call(
        _tck0_body,
        out_shape=(_f32(NT, H * DH), _f32(1, 128)),
    )(emb, W1[:EMB], ea.reshape(1250, 128))
    wy = W1[EMB:EMB + 1]

    h1t, as1t, ad1t, exl1 = pl.pallas_call(
        _tck1_body,
        grid=(GRID,),
        in_specs=[
            _row_spec(NB, 1), _row_spec(NB, 1),
            _full_spec(NT, H * DH), _full_spec(1, H * DH),
            _full_spec(H * DH, 2 * H), _full_spec(1, H), _full_spec(1, 128),
        ],
        out_specs=[_row_spec(NB, NT), _row_spec(NB, 4), _row_spec(NB, 4),
                   _row_spec(NB, 4)],
        out_shape=(_f32(N_PAD, NT), _f32(N_PAD, 4), _f32(N_PAD, 4),
                   _f32(N_PAD, 4)),
    )(x_p, y_p, EW, wy, A1, c1[None, :], aux)

    accp1, mloop1 = _edge_layer(src_p, dst_p, ea_p, h1t,
                                as1t, ad1t, exl1, c1pad)

    h1f, h2t, as2t, ad2t, exl2 = pl.pallas_call(
        _tck3_body,
        grid=(GRID,),
        in_specs=[
            _row_spec(NB, DH),
            _row_spec(NB, DH), _full_spec(1, DH),
            _full_spec(DH, H * DH), _full_spec(H * DH, 2 * H),
            _full_spec(1, H), _full_spec(1, 128),
        ],
        out_specs=[_row_spec(NB, DH), _row_spec(NB, NT), _row_spec(NB, 4),
                   _row_spec(NB, 4), _row_spec(NB, 4)],
        out_shape=(_f32(N_PAD, DH), _f32(N_PAD, NT), _f32(N_PAD, 4),
                   _f32(N_PAD, 4), _f32(N_PAD, 4)),
    )(accp1, mloop1, b1[None, :], W2, A2, c2[None, :], aux)

    accp2, mloop2 = _edge_layer(src_p, dst_p, ea_p, h2t,
                                as2t, ad2t, exl2, c2pad)

    hcat = pl.pallas_call(
        _tck4_body,
        grid=(GRID,),
        in_specs=[
            _row_spec(NB, DH),
            _row_spec(NB, DH), _full_spec(1, DH),
            _row_spec(NB, DH), _row_spec(NB, 1),
        ],
        out_specs=_full_spec(B, 2 * DH),
        out_shape=_f32(B, 2 * DH),
    )(accp2, mloop2, b2[None, :], h1f, batch_p)

    logits_f, logits_b = pl.pallas_call(
        _tck5_body,
        out_shape=(_f32(B, NT), _f32(B, NT)),
    )(hcat, lfW1, lfb1[None, :], lfW2, lfb2[None, :],
      lbW1, lbb1[None, :], lbW2, lbb2[None, :])
    return (logits_f, logits_b)

# --- scband reference (transcript-rebuilt; emitter-appended) ---
"""Pipeline reference for scband-gat-terms-52115133169841 (READ-ONLY COPY).

The authoritative reference and input builder live on the scoring server;
editing this copy changes nothing except your own understanding.
"""

import jax, jax.numpy as jnp
import numpy as np

N = 10000
E = 160000
NT = 512
EMB = 128
DH = 128
H = 4
B = 64


def _gat_conv(x, src0, dst0, edge_attr, W, a_s, a_d, We, a_e, bias):
    n = x.shape[0]
    loop = jnp.arange(n, dtype=src0.dtype)
    src = jnp.concatenate([src0, loop])
    dst = jnp.concatenate([dst0, loop])
    mean_attr = jnp.mean(edge_attr, axis=0, keepdims=True)
    ea = jnp.concatenate([edge_attr, jnp.broadcast_to(mean_attr, (n, edge_attr.shape[1]))], axis=0)
    h = (x @ W).reshape(n, H, DH)
    alpha_src = jnp.sum(h * a_s, axis=-1)
    alpha_dst = jnp.sum(h * a_d, axis=-1)
    alpha_edge = jnp.sum((ea @ We).reshape(-1, H, DH) * a_e, axis=-1)
    alpha = alpha_src[src] + alpha_dst[dst] + alpha_edge
    alpha = jnp.where(alpha > 0, alpha, 0.2 * alpha)
    amax = jax.ops.segment_max(alpha, dst, num_segments=n)
    amax = jnp.where(jnp.isfinite(amax), amax, 0.0)
    ex = jnp.exp(alpha - amax[dst])
    denom = jax.ops.segment_sum(ex, dst, num_segments=n)
    coef = ex / (denom[dst] + 1e-16)
    out = jax.ops.segment_sum(h[src] * coef[:, :, None], dst, num_segments=n)
    return jnp.mean(out, axis=1) + bias


def _mlp(h, W1, b1, W2, b2):
    return jax.nn.relu(h @ W1 + b1) @ W2 + b2


def setup_inputs(seed: int = 0):
    key = jax.random.key(seed)
    ks = jax.random.split(key, 32)
    s = 0.05
    d = {}
    d["x"] = jax.random.randint(ks[0], (N, 1), 0, NT)
    d["y"] = jax.random.normal(ks[1], (N,), dtype=jnp.float32)
    d["edge_index"] = jax.random.randint(ks[2], (2, E), 0, N)
    d["edge_attr"] = jax.random.uniform(ks[3], (E, 1), dtype=jnp.float32)
    d["batch"] = jnp.sort(jax.random.randint(ks[4], (N,), 0, B))
    d["emb"] = jax.random.normal(ks[5], (NT, EMB), dtype=jnp.float32) * s
    d["W1"] = jax.random.normal(ks[6], (EMB + 1, H * DH), dtype=jnp.float32) * s
    d["as1"] = jax.random.normal(ks[7], (1, H, DH), dtype=jnp.float32) * s
    d["ad1"] = jax.random.normal(ks[8], (1, H, DH), dtype=jnp.float32) * s
    d["We1"] = jax.random.normal(ks[9], (1, H * DH), dtype=jnp.float32) * s
    d["ae1"] = jax.random.normal(ks[10], (1, H, DH), dtype=jnp.float32) * s
    d["b1"] = jnp.zeros((DH,), dtype=jnp.float32)
    d["W2"] = jax.random.normal(ks[11], (DH, H * DH), dtype=jnp.float32) * s
    d["as2"] = jax.random.normal(ks[12], (1, H, DH), dtype=jnp.float32) * s
    d["ad2"] = jax.random.normal(ks[13], (1, H, DH), dtype=jnp.float32) * s
    d["We2"] = jax.random.normal(ks[14], (1, H * DH), dtype=jnp.float32) * s
    d["ae2"] = jax.random.normal(ks[15], (1, H, DH), dtype=jnp.float32) * s
    d["b2"] = jnp.zeros((DH,), dtype=jnp.float32)
    d["lfW1"] = jax.random.normal(ks[16], (2 * DH, DH), dtype=jnp.float32) * s
    d["lfb1"] = jnp.zeros((DH,), dtype=jnp.float32)
    d["lfW2"] = jax.random.normal(ks[17], (DH, NT), dtype=jnp.float32) * s
    d["lfb2"] = jnp.zeros((NT,), dtype=jnp.float32)
    d["lbW1"] = jax.random.normal(ks[18], (2 * DH, DH), dtype=jnp.float32) * s
    d["lbb1"] = jnp.zeros((DH,), dtype=jnp.float32)
    d["lbW2"] = jax.random.normal(ks[19], (DH, NT), dtype=jnp.float32) * s
    d["lbb2"] = jnp.zeros((NT,), dtype=jnp.float32)
    return d


def reference(x, y, edge_index, edge_attr, batch, emb, W1, as1, ad1, We1, ae1, b1, W2, as2, ad2, We2, ae2, b2, lfW1, lfb1, lfW2, lfb2, lbW1, lbb1, lbW2, lbb2):
    xe = jnp.squeeze(emb[x], axis=1)
    xy = jnp.concatenate([xe, y[:, None]], axis=1)
    ea = edge_attr.astype(jnp.float32)
    src, dst = edge_index[0], edge_index[1]
    h1 = _gat_conv(xy, src, dst, ea, W1, as1, ad1, We1, ae1, b1)
    h2 = _gat_conv(h1, src, dst, ea, W2, as2, ad2, We2, ae2, b2)
    p1 = jax.ops.segment_sum(h1, batch, num_segments=B)
    p2 = jax.ops.segment_sum(h2, batch, num_segments=B)
    hcat = jnp.concatenate([p1, p2], axis=1)
    logits_f = _mlp(hcat, lfW1, lfb1, lfW2, lfb2)
    logits_b = _mlp(hcat, lbW1, lbb1, lbW2, lbb2)
    return (logits_f, logits_b)

if __name__ == "__main__":
    import jax
    _d = setup_inputs()
    print(jax.jit(kernel)(*tuple(_d.values())))

</pallas_src>

<mosaic_0001>
#map = affine_map<(d0, d1) -> (0)>
#map1 = affine_map<(d0, d1) -> (0, 0)>
module attributes {stable_mosaic.version = 14 : i64} {
  func.func @_sca_body(%arg0: i32, %arg1: i32, %arg2: memref<163840xi32, #tpu.memory_space<hbm>>, %arg3: memref<163840xi32, #tpu.memory_space<hbm>>, %arg4: memref<163840xf32, #tpu.memory_space<hbm>>, %arg5: memref<40448xf32, #tpu.memory_space<hbm>>, %arg6: memref<40448xf32, #tpu.memory_space<hbm>>, %arg7: memref<16xf32, #tpu.memory_space<hbm>>, %arg8: memref<163840xf32, #tpu.memory_space<hbm>>, %arg9: memref<163840xf32, #tpu.memory_space<hbm>>, %arg10: memref<163840xf32, #tpu.memory_space<hbm>>, %arg11: memref<163840xf32, #tpu.memory_space<hbm>>, %arg12: memref<32x40448xf32, #tpu.memory_space<hbm>>, %arg13: memref<40448xf32, #tpu.memory_space<vmem>>, %arg14: memref<40448xf32, #tpu.memory_space<vmem>>, %arg15: memref<40448xf32, #tpu.memory_space<vmem>>, %arg16: memref<16xf32, #tpu.memory_space<vmem>>, %arg17: memref<512xi32, #tpu.memory_space<vmem>>, %arg18: memref<512xi32, #tpu.memory_space<vmem>>, %arg19: memref<512xf32, #tpu.memory_space<vmem>>, %arg20: memref<512xf32, #tpu.memory_space<vmem>>, %arg21: memref<512xf32, #tpu.memory_space<vmem>>, %arg22: memref<512xf32, #tpu.memory_space<vmem>>, %arg23: memref<512xf32, #tpu.memory_space<vmem>>) attributes {dimension_semantics = [#tpu.dimension_semantics<core_parallel>, #tpu.dimension_semantics<subcore_parallel>], iteration_bounds = array<i64: 2, 16>, scalar_prefetch = 0 : i64, scratch_operands = 11 : i64, tpu.core_type = #tpu.core_type<sc_vector_subcore>, window_params = [{transform_indices = #map}, {transform_indices = #map}, {transform_indices = #map}, {transform_indices = #map}, {transform_indices = #map}, {transform_indices = #map}, {transform_indices = #map}, {transform_indices = #map}, {transform_indices = #map}, {transform_indices = #map}, {transform_indices = #map1}]} {
    %mul3A = arith.constant 2 : i32
    %mul3A_0 = arith.muli %arg1, %mul3A : i32
    %add3A = arith.addi %mul3A_0, %arg0 : i32
    "tpu.region"() ({
      %run_scoped3A = tpu.sem_alloc : memref<!tpu.dma_semaphore, #tpu.memory_space<semaphore_mem>>
      tpu.enqueue_dma source(%arg5 : memref<40448xf32, #tpu.memory_space<hbm>>) target(%arg13 : memref<40448xf32, #tpu.memory_space<vmem>>) target_semaphore(%run_scoped3A : memref<!tpu.dma_semaphore, #tpu.memory_space<semaphore_mem>>)
      tpu.wait_dma2 semaphore(%run_scoped3A : memref<!tpu.dma_semaphore, #tpu.memory_space<semaphore_mem>>) src(%arg5 : memref<40448xf32, #tpu.memory_space<hbm>>) dst(%arg13 : memref<40448xf32, #tpu.memory_space<vmem>>)
      tpu.yield
    }) : () -> ()
    "tpu.region"() ({
      %run_scoped3A = tpu.sem_alloc : memref<!tpu.dma_semaphore, #tpu.memory_space<semaphore_mem>>
      tpu.enqueue_dma source(%arg6 : memref<40448xf32, #tpu.memory_space<hbm>>) target(%arg14 : memref<40448xf32, #tpu.memory_space<vmem>>) target_semaphore(%run_scoped3A : memref<!tpu.dma_semaphore, #tpu.memory_space<semaphore_mem>>)
      tpu.wait_dma2 semaphore(%run_scoped3A : memref<!tpu.dma_semaphore, #tpu.memory_space<semaphore_mem>>) src(%arg6 : memref<40448xf32, #tpu.memory_space<hbm>>) dst(%arg14 : memref<40448xf32, #tpu.memory_space<vmem>>)
      tpu.yield
    }) : () -> ()
    "tpu.region"() ({
      %run_scoped3A = tpu.sem_alloc : memref<!tpu.dma_semaphore, #tpu.memory_space<semaphore_mem>>
      tpu.enqueue_dma source(%arg7 : memref<16xf32, #tpu.memory_space<hbm>>) target(%arg16 : memref<16xf32, #tpu.memory_space<vmem>>) target_semaphore(%run_scoped3A : memref<!tpu.dma_semaphore, #tpu.memory_space<semaphore_mem>>)
      tpu.wait_dma2 semaphore(%run_scoped3A : memref<!tpu.dma_semaphore, #tpu.memory_space<semaphore_mem>>) src(%arg7 : memref<16xf32, #tpu.memory_space<hbm>>) dst(%arg16 : memref<16xf32, #tpu.memory_space<vmem>>)
      tpu.yield
    }) : () -> ()
    %get3A = arith.constant 0 : index
    %get3A_1 = tpu.vector_load %arg16[%get3A] {strides = array<i32>} : memref<16xf32, #tpu.memory_space<vmem>>, vector<16xf32>,
    %slice3A = vector.extract_strided_slice %get3A_1 {offsets = [0], sizes = [1], strides = [1]} : vector<16xf32> to vector<1xf32>
    %squeeze3A = vector.extract %slice3A[0] : f32 from vector<1xf32>
    %slice3A_2 = vector.extract_strided_slice %get3A_1 {offsets = [1], sizes = [1], strides = [1]} : vector<16xf32> to vector<1xf32>
    %squeeze3A_3 = vector.extract %slice3A_2[0] : f32 from vector<1xf32>
    %slice3A_4 = vector.extract_strided_slice %get3A_1 {offsets = [2], sizes = [1], strides = [1]} : vector<16xf32> to vector<1xf32>
    %squeeze3A_5 = vector.extract %slice3A_4[0] : f32 from vector<1xf32>
    %slice3A_6 = vector.extract_strided_slice %get3A_1 {offsets = [3], sizes = [1], strides = [1]} : vector<16xf32> to vector<1xf32>
    %squeeze3A_7 = vector.extract %slice3A_6[0] : f32 from vector<1xf32>
    %scan3A = arith.constant 0 : i32
    %scan3A_8 = arith.constant 0 : i32
    %scan3A_9 = arith.constant 2528 : i32
    %scan3A_10 = arith.addi %scan3A_8, %scan3A_9 : i32
    %scan3A_11 = arith.constant 1 : i32
    %scan3A_12 = scf.for %scan3A_21 = %scan3A_8 to %scan3A_10 step %scan3A_11 iter_args(%scan3A_22 = %scan3A) -> (i32)  : i32 {
      %broadcast_in_dim3A = arith.constant 0.000000e+00 : f32
      %broadcast_in_dim3A_23 = vector.broadcast %broadcast_in_dim3A : f32 to vector<16xf32>
      %mul3A_24 = arith.constant 16 : i32
      %mul3A_25 = arith.muli %scan3A_21, %mul3A_24 : i32
      %multiple_of3A = tpu.assume_multiple %mul3A_25, 16 : i32
      %swap3A = arith.index_cast %multiple_of3A : i32 to index
      %swap3A_26 = tpu.vector_load %arg15[%swap3A] {strides = array<i32>} : memref<40448xf32, #tpu.memory_space<vmem>>, vector<16xf32>,
      tpu.vector_store %arg15[%swap3A], %broadcast_in_dim3A_23 {strides = array<i32>} : memref<40448xf32, #tpu.memory_space<vmem>>, vector<16xf32>,
      %scan3A_27 = arith.constant 0 : i32
      scf.yield %scan3A_27 : i32
    }
    %scan3A_13 = arith.constant 2528 : i32
    %scan3A_14 = arith.constant 0 : i32
    %scan3A_15 = arith.constant 0 : i32
    %scan3A_16 = arith.constant 10 : i32
    %scan3A_17 = arith.addi %scan3A_15, %scan3A_16 : i32
    %scan3A_18 = arith.constant 1 : i32
    %scan3A_19 = scf.for %scan3A_21 = %scan3A_15 to %scan3A_17 step %scan3A_18 iter_args(%scan3A_22 = %scan3A_14) -> (i32)  : i32 {
      %mul3A_23 = arith.constant 5120 : i32
      %mul3A_24 = arith.muli %add3A, %mul3A_23 : i32
      %mul3A_25 = arith.constant 512 : i32
      %mul3A_26 = arith.muli %scan3A_21, %mul3A_25 : i32
      %add3A_27 = arith.addi %mul3A_24, %mul3A_26 : i32
      %multiple_of3A = tpu.assume_multiple %add3A_27, 512 : i32
      "tpu.region"() ({
        %run_scoped3A = tpu.sem_alloc : memref<!tpu.dma_semaphore, #tpu.memory_space<semaphore_mem>>
        %dma_start3A = tpu.memref_slice %arg2[%multiple_of3A] : memref<163840xi32, #tpu.memory_space<hbm>> -> memref<512xi32, #tpu.memory_space<hbm>>
        %dma_start3A_36 = tpu.memref_slice %arg2[%multiple_of3A] : memref<163840xi32, #tpu.memory_space<hbm>> -> memref<512xi32, #tpu.memory_space<hbm>>
        tpu.enqueue_dma source(%dma_start3A_36 : memref<512xi32, #tpu.memory_space<hbm>>) target(%arg17 : memref<512xi32, #tpu.memory_space<vmem>>) target_semaphore(%run_scoped3A : memref<!tpu.dma_semaphore, #tpu.memory_space<semaphore_mem>>)
        %dma_wait3A = tpu.memref_slice %arg2[%multiple_of3A] : memref<163840xi32, #tpu.memory_space<hbm>> -> memref<512xi32, #tpu.memory_space<hbm>>
        %dma_wait3A_37 = tpu.memref_slice %arg2[%multiple_of3A] : memref<163840xi32, #tpu.memory_space<hbm>> -> memref<512xi32, #tpu.memory_space<hbm>>
        tpu.wait_dma2 semaphore(%run_scoped3A : memref<!tpu.dma_semaphore, #tpu.memory_space<semaphore_mem>>) src(%dma_wait3A_37 : memref<512xi32, #tpu.memory_space<hbm>>) dst(%arg17 : memref<512xi32, #tpu.memory_space<vmem>>)
        tpu.yield
      }) : () -> ()
      "tpu.region"() ({
        %run_scoped3A = tpu.sem_alloc : memref<!tpu.dma_semaphore, #tpu.memory_space<semaphore_mem>>
        %dma_start3A = tpu.memref_slice %arg3[%multiple_of3A] : memref<163840xi32, #tpu.memory_space<hbm>> -> memref<512xi32, #tpu.memory_space<hbm>>
        %dma_start3A_36 = tpu.memref_slice %arg3[%multiple_of3A] : memref<163840xi32, #tpu.memory_space<hbm>> -> memref<512xi32, #tpu.memory_space<hbm>>
        tpu.enqueue_dma source(%dma_start3A_36 : memref<512xi32, #tpu.memory_space<hbm>>) target(%arg18 : memref<512xi32, #tpu.memory_space<vmem>>) target_semaphore(%run_scoped3A : memref<!tpu.dma_semaphore, #tpu.memory_space<semaphore_mem>>)
        %dma_wait3A = tpu.memref_slice %arg3[%multiple_of3A] : memref<163840xi32, #tpu.memory_space<hbm>> -> memref<512xi32, #tpu.memory_space<hbm>>
        %dma_wait3A_37 = tpu.memref_slice %arg3[%multiple_of3A] : memref<163840xi32, #tpu.memory_space<hbm>> -> memref<512xi32, #tpu.memory_space<hbm>>
        tpu.wait_dma2 semaphore(%run_scoped3A : memref<!tpu.dma_semaphore, #tpu.memory_space<semaphore_mem>>) src(%dma_wait3A_37 : memref<512xi32, #tpu.memory_space<hbm>>) dst(%arg18 : memref<512xi32, #tpu.memory_space<vmem>>)
        tpu.yield
      }) : () -> ()
      "tpu.region"() ({
        %run_scoped3A = tpu.sem_alloc : memref<!tpu.dma_semaphore, #tpu.memory_space<semaphore_mem>>
        %dma_start3A = tpu.memref_slice %arg4[%multiple_of3A] : memref<163840xf32, #tpu.memory_space<hbm>> -> memref<512xf32, #tpu.memory_space<hbm>>
        %dma_start3A_36 = tpu.memref_slice %arg4[%multiple_of3A] : memref<163840xf32, #tpu.memory_space<hbm>> -> memref<512xf32, #tpu.memory_space<hbm>>
        tpu.enqueue_dma source(%dma_start3A_36 : memref<512xf32, #tpu.memory_space<hbm>>) target(%arg19 : memref<512xf32, #tpu.memory_space<vmem>>) target_semaphore(%run_scoped3A : memref<!tpu.dma_semaphore, #tpu.memory_space<semaphore_mem>>)
        %dma_wait3A = tpu.memref_slice %arg4[%multiple_of3A] : memref<163840xf32, #tpu.memory_space<hbm>> -> memref<512xf32, #tpu.memory_space<hbm>>
        %dma_wait3A_37 = tpu.memref_slice %arg4[%multiple_of3A] : memref<163840xf32, #tpu.memory_space<hbm>> -> memref<512xf32, #tpu.memory_space<hbm>>
        tpu.wait_dma2 semaphore(%run_scoped3A : memref<!tpu.dma_semaphore, #tpu.memory_space<semaphore_mem>>) src(%dma_wait3A_37 : memref<512xf32, #tpu.memory_space<hbm>>) dst(%arg19 : memref<512xf32, #tpu.memory_space<vmem>>)
        tpu.yield
      }) : () -> ()
      %scan3A_28 = arith.constant 0 : i32
      %scan3A_29 = arith.constant 0 : i32
      %scan3A_30 = arith.constant 32 : i32
      %scan3A_31 = arith.addi %scan3A_29, %scan3A_30 : i32
      %scan3A_32 = arith.constant 1 : i32
      %scan3A_33 = scf.for %scan3A_36 = %scan3A_29 to %scan3A_31 step %scan3A_32 iter_args(%scan3A_37 = %scan3A_28) -> (i32)  : i32 {
        %mul3A_38 = arith.constant 16 : i32
        %mul3A_39 = arith.muli %scan3A_36, %mul3A_38 : i32
        %multiple_of3A_40 = tpu.assume_multiple %mul3A_39, 16 : i32
        %get3A_41 = arith.index_cast %multiple_of3A_40 : i32 to index
        %get3A_42 = tpu.vector_load %arg17[%get3A_41] {strides = array<i32>} : memref<512xi32, #tpu.memory_space<vmem>>, vector<16xi32>,
        %mul3A_43 = arith.constant 4 : i32
        %mul3A_44 = vector.broadcast %mul3A_43 : i32 to vector<16xi32>
        %mul3A_45 = arith.muli %get3A_42, %mul3A_44 : vector<16xi32>
        %get3A_46 = arith.index_cast %multiple_of3A_40 : i32 to index
        %get3A_47 = tpu.vector_load %arg18[%get3A_46] {strides = array<i32>} : memref<512xi32, #tpu.memory_space<vmem>>, vector<16xi32>,
        %mul3A_48 = arith.constant 4 : i32
        %mul3A_49 = vector.broadcast %mul3A_48 : i32 to vector<16xi32>
        %mul3A_50 = arith.muli %get3A_47, %mul3A_49 : vector<16xi32>
        %get3A_51 = arith.index_cast %multiple_of3A_40 : i32 to index
        %get3A_52 = tpu.vector_load %arg19[%get3A_51] {strides = array<i32>} : memref<512xf32, #tpu.memory_space<vmem>>, vector<16xf32>,
        %add3A_53 = arith.constant 0 : i32
        %add3A_54 = vector.broadcast %add3A_53 : i32 to vector<16xi32>
        %add3A_55 = arith.addi %mul3A_45, %add3A_54 : vector<16xi32>
        %gather3A = tpu.vector_load_idx %arg13[%add3A_55] : memref<40448xf32, #tpu.memory_space<vmem>>[vector<16xi32>], vector<16xf32>,
        %add3A_56 = arith.constant 0 : i32
        %add3A_57 = vector.broadcast %add3A_56 : i32 to vector<16xi32>
        %add3A_58 = arith.addi %mul3A_50, %add3A_57 : vector<16xi32>
        %gather3A_59 = tpu.vector_load_idx %arg14[%add3A_58] : memref<40448xf32, #tpu.memory_space<vmem>>[vector<16xi32>], vector<16xf32>,
        %add3A_60 = arith.addf %gather3A, %gather3A_59 : vector<16xf32>
        %mul3A_61 = vector.broadcast %squeeze3A : f32 to vector<16xf32>
        %mul3A_62 = arith.mulf %get3A_52, %mul3A_61 : vector<16xf32>
        %add3A_63 = arith.addf %add3A_60, %mul3A_62 : vector<16xf32>
        %gt3A = arith.constant 0.000000e+00 : f32
        %gt3A_64 = vector.broadcast %gt3A : f32 to vector<16xf32>
        %gt3A_65 = arith.cmpf ogt, %add3A_63, %gt3A_64 : vector<16xf32>
        %mul3A_66 = arith.constant 2.000000e-01 : f32
        %mul3A_67 = vector.broadcast %mul3A_66 : f32 to vector<16xf32>
        %mul3A_68 = arith.mulf %mul3A_67, %add3A_63 : vector<16xf32>
        %select_n3A = arith.select %gt3A_65, %add3A_63, %mul3A_68 : vector<16xi1>, vector<16xf32>
        %exp3A = math.exp %select_n3A : vector<16xf32>
        %add3A_69 = arith.constant 0 : i32
        %add3A_70 = vector.broadcast %add3A_69 : i32 to vector<16xi32>
        %add3A_71 = arith.addi %mul3A_50, %add3A_70 : vector<16xi32>
        tpu.vector_store_idx %arg15[%add3A_71], %exp3A {add = true} : memref<40448xf32, #tpu.memory_space<vmem>>[vector<16xi32>], vector<16xf32>,
        %swap3A = arith.index_cast %multiple_of3A_40 : i32 to index
        %swap3A_72 = tpu.vector_load %arg20[%swap3A] {strides = array<i32>} : memref<512xf32, #tpu.memory_space<vmem>>, vector<16xf32>,
        tpu.vector_store %arg20[%swap3A], %exp3A {strides = array<i32>} : memref<512xf32, #tpu.memory_space<vmem>>, vector<16xf32>,
        %add3A_73 = arith.constant 1 : i32
        %add3A_74 = vector.broadcast %add3A_73 : i32 to vector<16xi32>
        %add3A_75 = arith.addi %mul3A_45, %add3A_74 : vector<16xi32>
        %gather3A_76 = tpu.vector_load_idx %arg13[%add3A_75] : memref<40448xf32, #tpu.memory_space<vmem>>[vector<16xi32>], vector<16xf32>,
        %add3A_77 = arith.constant 1 : i32
        %add3A_78 = vector.broadcast %add3A_77 : i32 to vector<16xi32>
        %add3A_79 = arith.addi %mul3A_50, %add3A_78 : vector<16xi32>
        %gather3A_80 = tpu.vector_load_idx %arg14[%add3A_79] : memref<40448xf32, #tpu.memory_space<vmem>>[vector<16xi32>], vector<16xf32>,
        %add3A_81 = arith.addf %gather3A_76, %gather3A_80 : vector<16xf32>
        %mul3A_82 = vector.broadcast %squeeze3A_3 : f32 to vector<16xf32>
        %mul3A_83 = arith.mulf %get3A_52, %mul3A_82 : vector<16xf32>
        %add3A_84 = arith.addf %add3A_81, %mul3A_83 : vector<16xf32>
        %gt3A_85 = arith.constant 0.000000e+00 : f32
        %gt3A_86 = vector.broadcast %gt3A_85 : f32 to vector<16xf32>
        %gt3A_87 = arith.cmpf ogt, %add3A_84, %gt3A_86 : vector<16xf32>
        %mul3A_88 = arith.constant 2.000000e-01 : f32
        %mul3A_89 = vector.broadcast %mul3A_88 : f32 to vector<16xf32>
        %mul3A_90 = arith.mulf %mul3A_89, %add3A_84 : vector<16xf32>
        %select_n3A_91 = arith.select %gt3A_87, %add3A_84, %mul3A_90 : vector<16xi1>, vector<16xf32>
        %exp3A_92 = math.exp %select_n3A_91 : vector<16xf32>
        %add3A_93 = arith.constant 1 : i32
        %add3A_94 = vector.broadcast %add3A_93 : i32 to vector<16xi32>
        %add3A_95 = arith.addi %mul3A_50, %add3A_94 : vector<16xi32>
        tpu.vector_store_idx %arg15[%add3A_95], %exp3A_92 {add = true} : memref<40448xf32, #tpu.memory_space<vmem>>[vector<16xi32>], vector<16xf32>,
        %swap3A_96 = arith.index_cast %multiple_of3A_40 : i32 to index
        %swap3A_97 = tpu.vector_load %arg21[%swap3A_96] {strides = array<i32>} : memref<512xf32, #tpu.memory_space<vmem>>, vector<16xf32>,
        tpu.vector_store %arg21[%swap3A_96], %exp3A_92 {strides = array<i32>} : memref<512xf32, #tpu.memory_space<vmem>>, vector<16xf32>,
        %add3A_98 = arith.constant 2 : i32
        %add3A_99 = vector.broadcast %add3A_98 : i32 to vector<16xi32>
        %add3A_100 = arith.addi %mul3A_45, %add3A_99 : vector<16xi32>
        %gather3A_101 = tpu.vector_load_idx %arg13[%add3A_100] : memref<40448xf32, #tpu.memory_space<vmem>>[vector<16xi32>], vector<16xf32>,
        %add3A_102 = arith.constant 2 : i32
        %add3A_103 = vector.broadcast %add3A_102 : i32 to vector<16xi32>
        %add3A_104 = arith.addi %mul3A_50, %add3A_103 : vector<16xi32>
        %gather3A_105 = tpu.vector_load_idx %arg14[%add3A_104] : memref<40448xf32, #tpu.memory_space<vmem>>[vector<16xi32>], vector<16xf32>,
        %add3A_106 = arith.addf %gather3A_101, %gather3A_105 : vector<16xf32>
        %mul3A_107 = vector.broadcast %squeeze3A_5 : f32 to vector<16xf32>
        %mul3A_108 = arith.mulf %get3A_52, %mul3A_107 : vector<16xf32>
        %add3A_109 = arith.addf %add3A_106, %mul3A_108 : vector<16xf32>
        %gt3A_110 = arith.constant 0.000000e+00 : f32
        %gt3A_111 = vector.broadcast %gt3A_110 : f32 to vector<16xf32>
        %gt3A_112 = arith.cmpf ogt, %add3A_109, %gt3A_111 : vector<16xf32>
        %mul3A_113 = arith.constant 2.000000e-01 : f32
        %mul3A_114 = vector.broadcast %mul3A_113 : f32 to vector<16xf32>
        %mul3A_115 = arith.mulf %mul3A_114, %add3A_109 : vector<16xf32>
        %select_n3A_116 = arith.select %gt3A_112, %add3A_109, %mul3A_115 : vector<16xi1>, vector<16xf32>
        %exp3A_117 = math.exp %select_n3A_116 : vector<16xf32>
        %add3A_118 = arith.constant 2 : i32
        %add3A_119 = vector.broadcast %add3A_118 : i32 to vector<16xi32>
        %add3A_120 = arith.addi %mul3A_50, %add3A_119 : vector<16xi32>
        tpu.vector_store_idx %arg15[%add3A_120], %exp3A_117 {add = true} : memref<40448xf32, #tpu.memory_space<vmem>>[vector<16xi32>], vector<16xf32>,
        %swap3A_121 = arith.index_cast %multiple_of3A_40 : i32 to index
        %swap3A_122 = tpu.vector_load %arg22[%swap3A_121] {strides = array<i32>} : memref<512xf32, #tpu.memory_space<vmem>>, vector<16xf32>,
        tpu.vector_store %arg22[%swap3A_121], %exp3A_117 {strides = array<i32>} : memref<512xf32, #tpu.memory_space<vmem>>, vector<16xf32>,
        %add3A_123 = arith.constant 3 : i32
        %add3A_124 = vector.broadcast %add3A_123 : i32 to vector<16xi32>
        %add3A_125 = arith.addi %mul3A_45, %add3A_124 : vector<16xi32>
        %gather3A_126 = tpu.vector_load_idx %arg13[%add3A_125] : memref<40448xf32, #tpu.memory_space<vmem>>[vector<16xi32>], vector<16xf32>,
        %add3A_127 = arith.constant 3 : i32
        %add3A_128 = vector.broadcast %add3A_127 : i32 to vector<16xi32>
        %add3A_129 = arith.addi %mul3A_50, %add3A_128 : vector<16xi32>
        %gather3A_130 = tpu.vector_load_idx %arg14[%add3A_129] : memref<40448xf32, #tpu.memory_space<vmem>>[vector<16xi32>], vector<16xf32>,
        %add3A_131 = arith.addf %gather3A_126, %gather3A_130 : vector<16xf32>
        %mul3A_132 = vector.broadcast %squeeze3A_7 : f32 to vector<16xf32>
        %mul3A_133 = arith.mulf %get3A_52, %mul3A_132 : vector<16xf32>
        %add3A_134 = arith.addf %add3A_131, %mul3A_133 : vector<16xf32>
        %gt3A_135 = arith.constant 0.000000e+00 : f32
        %gt3A_136 = vector.broadcast %gt3A_135 : f32 to vector<16xf32>
        %gt3A_137 = arith.cmpf ogt, %add3A_134, %gt3A_136 : vector<16xf32>
        %mul3A_138 = arith.constant 2.000000e-01 : f32
        %mul3A_139 = vector.broadcast %mul3A_138 : f32 to vector<16xf32>
        %mul3A_140 = arith.mulf %mul3A_139, %add3A_134 : vector<16xf32>
        %select_n3A_141 = arith.select %gt3A_137, %add3A_134, %mul3A_140 : vector<16xi1>, vector<16xf32>
        %exp3A_142 = math.exp %select_n3A_141 : vector<16xf32>
        %add3A_143 = arith.constant 3 : i32
        %add3A_144 = vector.broadcast %add3A_143 : i32 to vector<16xi32>
        %add3A_145 = arith.addi %mul3A_50, %add3A_144 : vector<16xi32>
        tpu.vector_store_idx %arg15[%add3A_145], %exp3A_142 {add = true} : memref<40448xf32, #tpu.memory_space<vmem>>[vector<16xi32>], vector<16xf32>,
        %swap3A_146 = arith.index_cast %multiple_of3A_40 : i32 to index
        %swap3A_147 = tpu.vector_load %arg23[%swap3A_146] {strides = array<i32>} : memref<512xf32, #tpu.memory_space<vmem>>, vector<16xf32>,
        tpu.vector_store %arg23[%swap3A_146], %exp3A_142 {strides = array<i32>} : memref<512xf32, #tpu.memory_space<vmem>>, vector<16xf32>,
        %scan3A_148 = arith.constant 0 : i32
        scf.yield %scan3A_148 : i32
      }
      %scan3A_34 = arith.constant 32 : i32
      "tpu.region"() ({
        %run_scoped3A = tpu.sem_alloc : memref<!tpu.dma_semaphore, #tpu.memory_space<semaphore_mem>>
        %dma_start3A = tpu.memref_slice %arg8[%multiple_of3A] : memref<163840xf32, #tpu.memory_space<hbm>> -> memref<512xf32, #tpu.memory_space<hbm>>
        %dma_start3A_36 = tpu.memref_slice %arg8[%multiple_of3A] : memref<163840xf32, #tpu.memory_space<hbm>> -> memref<512xf32, #tpu.memory_space<hbm>>
        tpu.enqueue_dma source(%arg20 : memref<512xf32, #tpu.memory_space<vmem>>) target(%dma_start3A_36 : memref<512xf32, #tpu.memory_space<hbm>>) target_semaphore(%run_scoped3A : memref<!tpu.dma_semaphore, #tpu.memory_space<semaphore_mem>>)
        %dma_wait3A = tpu.memref_slice %arg8[%multiple_of3A] : memref<163840xf32, #tpu.memory_space<hbm>> -> memref<512xf32, #tpu.memory_space<hbm>>
        %dma_wait3A_37 = tpu.memref_slice %arg8[%multiple_of3A] : memref<163840xf32, #tpu.memory_space<hbm>> -> memref<512xf32, #tpu.memory_space<hbm>>
        tpu.wait_dma2 semaphore(%run_scoped3A : memref<!tpu.dma_semaphore, #tpu.memory_space<semaphore_mem>>) src(%arg20 : memref<512xf32, #tpu.memory_space<vmem>>) dst(%dma_wait3A_37 : memref<512xf32, #tpu.memory_space<hbm>>)
        tpu.yield
      }) : () -> ()
      "tpu.region"() ({
        %run_scoped3A = tpu.sem_alloc : memref<!tpu.dma_semaphore, #tpu.memory_space<semaphore_mem>>
        %dma_start3A = tpu.memref_slice %arg9[%multiple_of3A] : memref<163840xf32, #tpu.memory_space<hbm>> -> memref<512xf32, #tpu.memory_space<hbm>>
        %dma_start3A_36 = tpu.memref_slice %arg9[%multiple_of3A] : memref<163840xf32, #tpu.memory_space<hbm>> -> memref<512xf32, #tpu.memory_space<hbm>>
        tpu.enqueue_dma source(%arg21 : memref<512xf32, #tpu.memory_space<vmem>>) target(%dma_start3A_36 : memref<512xf32, #tpu.memory_space<hbm>>) target_semaphore(%run_scoped3A : memref<!tpu.dma_semaphore, #tpu.memory_space<semaphore_mem>>)
        %dma_wait3A = tpu.memref_slice %arg9[%multiple_of3A] : memref<163840xf32, #tpu.memory_space<hbm>> -> memref<512xf32, #tpu.memory_space<hbm>>
        %dma_wait3A_37 = tpu.memref_slice %arg9[%multiple_of3A] : memref<163840xf32, #tpu.memory_space<hbm>> -> memref<512xf32, #tpu.memory_space<hbm>>
        tpu.wait_dma2 semaphore(%run_scoped3A : memref<!tpu.dma_semaphore, #tpu.memory_space<semaphore_mem>>) src(%arg21 : memref<512xf32, #tpu.memory_space<vmem>>) dst(%dma_wait3A_37 : memref<512xf32, #tpu.memory_space<hbm>>)
        tpu.yield
      }) : () -> ()
      "tpu.region"() ({
        %run_scoped3A = tpu.sem_alloc : memref<!tpu.dma_semaphore, #tpu.memory_space<semaphore_mem>>
        %dma_start3A = tpu.memref_slice %arg10[%multiple_of3A] : memref<163840xf32, #tpu.memory_space<hbm>> -> memref<512xf32, #tpu.memory_space<hbm>>
        %dma_start3A_36 = tpu.memref_slice %arg10[%multiple_of3A] : memref<163840xf32, #tpu.memory_space<hbm>> -> memref<512xf32, #tpu.memory_space<hbm>>
        tpu.enqueue_dma source(%arg22 : memref<512xf32, #tpu.memory_space<vmem>>) target(%dma_start3A_36 : memref<512xf32, #tpu.memory_space<hbm>>) target_semaphore(%run_scoped3A : memref<!tpu.dma_semaphore, #tpu.memory_space<semaphore_mem>>)
        %dma_wait3A = tpu.memref_slice %arg10[%multiple_of3A] : memref<163840xf32, #tpu.memory_space<hbm>> -> memref<512xf32, #tpu.memory_space<hbm>>
        %dma_wait3A_37 = tpu.memref_slice %arg10[%multiple_of3A] : memref<163840xf32, #tpu.memory_space<hbm>> -> memref<512xf32, #tpu.memory_space<hbm>>
        tpu.wait_dma2 semaphore(%run_scoped3A : memref<!tpu.dma_semaphore, #tpu.memory_space<semaphore_mem>>) src(%arg22 : memref<512xf32, #tpu.memory_space<vmem>>) dst(%dma_wait3A_37 : memref<512xf32, #tpu.memory_space<hbm>>)
        tpu.yield
      }) : () -> ()
      "tpu.region"() ({
        %run_scoped3A = tpu.sem_alloc : memref<!tpu.dma_semaphore, #tpu.memory_space<semaphore_mem>>
        %dma_start3A = tpu.memref_slice %arg11[%multiple_of3A] : memref<163840xf32, #tpu.memory_space<hbm>> -> memref<512xf32, #tpu.memory_space<hbm>>
        %dma_start3A_36 = tpu.memref_slice %arg11[%multiple_of3A] : memref<163840xf32, #tpu.memory_space<hbm>> -> memref<512xf32, #tpu.memory_space<hbm>>
        tpu.enqueue_dma source(%arg23 : memref<512xf32, #tpu.memory_space<vmem>>) target(%dma_start3A_36 : memref<512xf32, #tpu.memory_space<hbm>>) target_semaphore(%run_scoped3A : memref<!tpu.dma_semaphore, #tpu.memory_space<semaphore_mem>>)
        %dma_wait3A = tpu.memref_slice %arg11[%multiple_of3A] : memref<163840xf32, #tpu.memory_space<hbm>> -> memref<512xf32, #tpu.memory_space<hbm>>
        %dma_wait3A_37 = tpu.memref_slice %arg11[%multiple_of3A] : memref<163840xf32, #tpu.memory_space<hbm>> -> memref<512xf32, #tpu.memory_space<hbm>>
        tpu.wait_dma2 semaphore(%run_scoped3A : memref<!tpu.dma_semaphore, #tpu.memory_space<semaphore_mem>>) src(%arg23 : memref<512xf32, #tpu.memory_space<vmem>>) dst(%dma_wait3A_37 : memref<512xf32, #tpu.memory_space<hbm>>)
        tpu.yield
      }) : () -> ()
      %scan3A_35 = arith.constant 0 : i32
      scf.yield %scan3A_35 : i32
    }
    %scan3A_20 = arith.constant 10 : i32
    "tpu.region"() ({
      %run_scoped3A = tpu.sem_alloc : memref<!tpu.dma_semaphore, #tpu.memory_space<semaphore_mem>>
      %dma_start3A = arith.constant 0 : i32
      %dma_start3A_21 = tpu.memref_slice %arg12[%add3A, %dma_start3A] : memref<32x40448xf32, #tpu.memory_space<hbm>> -> memref<1x40448xf32, #tpu.memory_space<hbm>>
      %dma_start3A_22 = tpu.memref_squeeze %dma_start3A_21 : memref<1x40448xf32, #tpu.memory_space<hbm>> -> memref<40448xf32, #tpu.memory_space<hbm>>
      %dma_start3A_23 = arith.constant 0 : i32
      %dma_start3A_24 = tpu.memref_slice %arg12[%add3A, %dma_start3A_23] : memref<32x40448xf32, #tpu.memory_space<hbm>> -> memref<1x40448xf32, #tpu.memory_space<hbm>>
      %dma_start3A_25 = tpu.memref_squeeze %dma_start3A_24 : memref<1x40448xf32, #tpu.memory_space<hbm>> -> memref<40448xf32, #tpu.memory_space<hbm>>
      tpu.enqueue_dma source(%arg15 : memref<40448xf32, #tpu.memory_space<vmem>>) target(%dma_start3A_25 : memref<40448xf32, #tpu.memory_space<hbm>>) target_semaphore(%run_scoped3A : memref<!tpu.dma_semaphore, #tpu.memory_space<semaphore_mem>>)
      %dma_wait3A = arith.constant 0 : i32
      %dma_wait3A_26 = tpu.memref_slice %arg12[%add3A, %dma_wait3A] : memref<32x40448xf32, #tpu.memory_space<hbm>> -> memref<1x40448xf32, #tpu.memory_space<hbm>>
      %dma_wait3A_27 = tpu.memref_squeeze %dma_wait3A_26 : memref<1x40448xf32, #tpu.memory_space<hbm>> -> memref<40448xf32, #tpu.memory_space<hbm>>
      %dma_wait3A_28 = arith.constant 0 : i32
      %dma_wait3A_29 = tpu.memref_slice %arg12[%add3A, %dma_wait3A_28] : memref<32x40448xf32, #tpu.memory_space<hbm>> -> memref<1x40448xf32, #tpu.memory_space<hbm>>
      %dma_wait3A_30 = tpu.memref_squeeze %dma_wait3A_29 : memref<1x40448xf32, #tpu.memory_space<hbm>> -> memref<40448xf32, #tpu.memory_space<hbm>>
      tpu.wait_dma2 semaphore(%run_scoped3A : memref<!tpu.dma_semaphore, #tpu.memory_space<semaphore_mem>>) src(%arg15 : memref<40448xf32, #tpu.memory_space<vmem>>) dst(%dma_wait3A_30 : memref<40448xf32, #tpu.memory_space<hbm>>)
      tpu.yield
    }) : () -> ()
    return
  }
}

#map = affine_map<(d0, d1) -> (0)>
#map1 = affine_map<(d0, d1) -> (0, 0)>
module attributes {stable_mosaic.version = 14 : i64} {
  func.func @_sca_body(%arg0: i32, %arg1: i32, %arg2: memref<163840xi32, #tpu.memory_space<hbm>>, %arg3: memref<163840xi32, #tpu.memory_space<hbm>>, %arg4: memref<163840xf32, #tpu.memory_space<hbm>>, %arg5: memref<40448xf32, #tpu.memory_space<hbm>>, %arg6: memref<40448xf32, #tpu.memory_space<hbm>>, %arg7: memref<16xf32, #tpu.memory_space<hbm>>, %arg8: memref<163840xf32, #tpu.memory_space<hbm>>, %arg9: memref<163840xf32, #tpu.memory_space<hbm>>, %arg10: memref<163840xf32, #tpu.memory_space<hbm>>, %arg11: memref<163840xf32, #tpu.memory_space<hbm>>, %arg12: memref<32x40448xf32, #tpu.memory_space<hbm>>, %arg13: memref<40448xf32, #tpu.memory_space<vmem>>, %arg14: memref<40448xf32, #tpu.memory_space<vmem>>, %arg15: memref<40448xf32, #tpu.memory_space<vmem>>, %arg16: memref<16xf32, #tpu.memory_space<vmem>>, %arg17: memref<512xi32, #tpu.memory_space<vmem>>, %arg18: memref<512xi32, #tpu.memory_space<vmem>>, %arg19: memref<512xf32, #tpu.memory_space<vmem>>, %arg20: memref<512xf32, #tpu.memory_space<vmem>>, %arg21: memref<512xf32, #tpu.memory_space<vmem>>, %arg22: memref<512xf32, #tpu.memory_space<vmem>>, %arg23: memref<512xf32, #tpu.memory_space<vmem>>) attributes {dimension_semantics = [#tpu.dimension_semantics<core_parallel>, #tpu.dimension_semantics<subcore_parallel>], iteration_bounds = array<i64: 2, 16>, scalar_prefetch = 0 : i64, scratch_operands = 11 : i64, tpu.core_type = #tpu.core_type<sc_vector_subcore>, window_params = [{transform_indices = #map}, {transform_indices = #map}, {transform_indices = #map}, {transform_indices = #map}, {transform_indices = #map}, {transform_indices = #map}, {transform_indices = #map}, {transform_indices = #map}, {transform_indices = #map}, {transform_indices = #map}, {transform_indices = #map1}]} {
    %mul3A = arith.constant 2 : i32
    %mul3A_0 = arith.muli %arg1, %mul3A : i32
    %add3A = arith.addi %mul3A_0, %arg0 : i32
    "tpu.region"() ({
      %run_scoped3A = tpu.sem_alloc : memref<!tpu.dma_semaphore, #tpu.memory_space<semaphore_mem>>
      tpu.enqueue_dma source(%arg5 : memref<40448xf32, #tpu.memory_space<hbm>>) target(%arg13 : memref<40448xf32, #tpu.memory_space<vmem>>) target_semaphore(%run_scoped3A : memref<!tpu.dma_semaphore, #tpu.memory_space<semaphore_mem>>)
      tpu.wait_dma2 semaphore(%run_scoped3A : memref<!tpu.dma_semaphore, #tpu.memory_space<semaphore_mem>>) src(%arg5 : memref<40448xf32, #tpu.memory_space<hbm>>) dst(%arg13 : memref<40448xf32, #tpu.memory_space<vmem>>)
      tpu.yield
    }) : () -> ()
    "tpu.region"() ({
      %run_scoped3A = tpu.sem_alloc : memref<!tpu.dma_semaphore, #tpu.memory_space<semaphore_mem>>
      tpu.enqueue_dma source(%arg6 : memref<40448xf32, #tpu.memory_space<hbm>>) target(%arg14 : memref<40448xf32, #tpu.memory_space<vmem>>) target_semaphore(%run_scoped3A : memref<!tpu.dma_semaphore, #tpu.memory_space<semaphore_mem>>)
      tpu.wait_dma2 semaphore(%run_scoped3A : memref<!tpu.dma_semaphore, #tpu.memory_space<semaphore_mem>>) src(%arg6 : memref<40448xf32, #tpu.memory_space<hbm>>) dst(%arg14 : memref<40448xf32, #tpu.memory_space<vmem>>)
      tpu.yield
    }) : () -> ()
    "tpu.region"() ({
      %run_scoped3A = tpu.sem_alloc : memref<!tpu.dma_semaphore, #tpu.memory_space<semaphore_mem>>
      tpu.enqueue_dma source(%arg7 : memref<16xf32, #tpu.memory_space<hbm>>) target(%arg16 : memref<16xf32, #tpu.memory_space<vmem>>) target_semaphore(%run_scoped3A : memref<!tpu.dma_semaphore, #tpu.memory_space<semaphore_mem>>)
      tpu.wait_dma2 semaphore(%run_scoped3A : memref<!tpu.dma_semaphore, #tpu.memory_space<semaphore_mem>>) src(%arg7 : memref<16xf32, #tpu.memory_space<hbm>>) dst(%arg16 : memref<16xf32, #tpu.memory_space<vmem>>)
      tpu.yield
    }) : () -> ()
    %get3A = arith.constant 0 : index
    %get3A_1 = tpu.vector_load %arg16[%get3A] {strides = array<i32>} : memref<16xf32, #tpu.memory_space<vmem>>, vector<16xf32>,
    %slice3A = vector.extract_strided_slice %get3A_1 {offsets = [0], sizes = [1], strides = [1]} : vector<16xf32> to vector<1xf32>
    %squeeze3A = vector.extract %slice3A[0] : f32 from vector<1xf32>
    %slice3A_2 = vector.extract_strided_slice %get3A_1 {offsets = [1], sizes = [1], strides = [1]} : vector<16xf32> to vector<1xf32>
    %squeeze3A_3 = vector.extract %slice3A_2[0] : f32 from vector<1xf32>
    %slice3A_4 = vector.extract_strided_slice %get3A_1 {offsets = [2], sizes = [1], strides = [1]} : vector<16xf32> to vector<1xf32>
    %squeeze3A_5 = vector.extract %slice3A_4[0] : f32 from vector<1xf32>
    %slice3A_6 = vector.extract_strided_slice %get3A_1 {offsets = [3], sizes = [1], strides = [1]} : vector<16xf32> to vector<1xf32>
    %squeeze3A_7 = vector.extract %slice3A_6[0] : f32 from vector<1xf32>
    %scan3A = arith.constant 0 : i32
    %scan3A_8 = arith.constant 0 : i32
    %scan3A_9 = arith.constant 2528 : i32
    %scan3A_10 = arith.addi %scan3A_8, %scan3A_9 : i32
    %scan3A_11 = arith.constant 1 : i32
    %scan3A_12 = scf.for %scan3A_21 = %scan3A_8 to %scan3A_10 step %scan3A_11 iter_args(%scan3A_22 = %scan3A) -> (i32)  : i32 {
      %broadcast_in_dim3A = arith.constant 0.000000e+00 : f32
      %broadcast_in_dim3A_23 = vector.broadcast %broadcast_in_dim3A : f32 to vector<16xf32>
      %mul3A_24 = arith.constant 16 : i32
      %mul3A_25 = arith.muli %scan3A_21, %mul3A_24 : i32
      %multiple_of3A = tpu.assume_multiple %mul3A_25, 16 : i32
      %swap3A = arith.index_cast %multiple_of3A : i32 to index
      %swap3A_26 = tpu.vector_load %arg15[%swap3A] {strides = array<i32>} : memref<40448xf32, #tpu.memory_space<vmem>>, vector<16xf32>,
      tpu.vector_store %arg15[%swap3A], %broadcast_in_dim3A_23 {strides = array<i32>} : memref<40448xf32, #tpu.memory_space<vmem>>, vector<16xf32>,
      %scan3A_27 = arith.constant 0 : i32
      scf.yield %scan3A_27 : i32
    }
    %scan3A_13 = arith.constant 2528 : i32
    %scan3A_14 = arith.constant 0 : i32
    %scan3A_15 = arith.constant 0 : i32
    %scan3A_16 = arith.constant 10 : i32
    %scan3A_17 = arith.addi %scan3A_15, %scan3A_16 : i32
    %scan3A_18 = arith.constant 1 : i32
    %scan3A_19 = scf.for %scan3A_21 = %scan3A_15 to %scan3A_17 step %scan3A_18 iter_args(%scan3A_22 = %scan3A_14) -> (i32)  : i32 {
      %mul3A_23 = arith.constant 5120 : i32
      %mul3A_24 = arith.muli %add3A, %mul3A_23 : i32
      %mul3A_25 = arith.constant 512 : i32
      %mul3A_26 = arith.muli %scan3A_21, %mul3A_25 : i32
      %add3A_27 = arith.addi %mul3A_24, %mul3A_26 : i32
      %multiple_of3A = tpu.assume_multiple %add3A_27, 512 : i32
      "tpu.region"() ({
        %run_scoped3A = tpu.sem_alloc : memref<!tpu.dma_semaphore, #tpu.memory_space<semaphore_mem>>
        %dma_start3A = tpu.memref_slice %arg2[%multiple_of3A] : memref<163840xi32, #tpu.memory_space<hbm>> -> memref<512xi32, #tpu.memory_space<hbm>>
        %dma_start3A_36 = tpu.memref_slice %arg2[%multiple_of3A] : memref<163840xi32, #tpu.memory_space<hbm>> -> memref<512xi32, #tpu.memory_space<hbm>>
        tpu.enqueue_dma source(%dma_start3A_36 : memref<512xi32, #tpu.memory_space<hbm>>) target(%arg17 : memref<512xi32, #tpu.memory_space<vmem>>) target_semaphore(%run_scoped3A : memref<!tpu.dma_semaphore, #tpu.memory_space<semaphore_mem>>)
        %dma_wait3A = tpu.memref_slice %arg2[%multiple_of3A] : memref<163840xi32, #tpu.memory_space<hbm>> -> memref<512xi32, #tpu.memory_space<hbm>>
        %dma_wait3A_37 = tpu.memref_slice %arg2[%multiple_of3A] : memref<163840xi32, #tpu.memory_space<hbm>> -> memref<512xi32, #tpu.memory_space<hbm>>
        tpu.wait_dma2 semaphore(%run_scoped3A : memref<!tpu.dma_semaphore, #tpu.memory_space<semaphore_mem>>) src(%dma_wait3A_37 : memref<512xi32, #tpu.memory_space<hbm>>) dst(%arg17 : memref<512xi32, #tpu.memory_space<vmem>>)
        tpu.yield
      }) : () -> ()
      "tpu.region"() ({
        %run_scoped3A = tpu.sem_alloc : memref<!tpu.dma_semaphore, #tpu.memory_space<semaphore_mem>>
        %dma_start3A = tpu.memref_slice %arg3[%multiple_of3A] : memref<163840xi32, #tpu.memory_space<hbm>> -> memref<512xi32, #tpu.memory_space<hbm>>
        %dma_start3A_36 = tpu.memref_slice %arg3[%multiple_of3A] : memref<163840xi32, #tpu.memory_space<hbm>> -> memref<512xi32, #tpu.memory_space<hbm>>
        tpu.enqueue_dma source(%dma_start3A_36 : memref<512xi32, #tpu.memory_space<hbm>>) target(%arg18 : memref<512xi32, #tpu.memory_space<vmem>>) target_semaphore(%run_scoped3A : memref<!tpu.dma_semaphore, #tpu.memory_space<semaphore_mem>>)
        %dma_wait3A = tpu.memref_slice %arg3[%multiple_of3A] : memref<163840xi32, #tpu.memory_space<hbm>> -> memref<512xi32, #tpu.memory_space<hbm>>
        %dma_wait3A_37 = tpu.memref_slice %arg3[%multiple_of3A] : memref<163840xi32, #tpu.memory_space<hbm>> -> memref<512xi32, #tpu.memory_space<hbm>>
        tpu.wait_dma2 semaphore(%run_scoped3A : memref<!tpu.dma_semaphore, #tpu.memory_space<semaphore_mem>>) src(%dma_wait3A_37 : memref<512xi32, #tpu.memory_space<hbm>>) dst(%arg18 : memref<512xi32, #tpu.memory_space<vmem>>)
        tpu.yield
      }) : () -> ()
      "tpu.region"() ({
        %run_scoped3A = tpu.sem_alloc : memref<!tpu.dma_semaphore, #tpu.memory_space<semaphore_mem>>
        %dma_start3A = tpu.memref_slice %arg4[%multiple_of3A] : memref<163840xf32, #tpu.memory_space<hbm>> -> memref<512xf32, #tpu.memory_space<hbm>>
        %dma_start3A_36 = tpu.memref_slice %arg4[%multiple_of3A] : memref<163840xf32, #tpu.memory_space<hbm>> -> memref<512xf32, #tpu.memory_space<hbm>>
        tpu.enqueue_dma source(%dma_start3A_36 : memref<512xf32, #tpu.memory_space<hbm>>) target(%arg19 : memref<512xf32, #tpu.memory_space<vmem>>) target_semaphore(%run_scoped3A : memref<!tpu.dma_semaphore, #tpu.memory_space<semaphore_mem>>)
        %dma_wait3A = tpu.memref_slice %arg4[%multiple_of3A] : memref<163840xf32, #tpu.memory_space<hbm>> -> memref<512xf32, #tpu.memory_space<hbm>>
        %dma_wait3A_37 = tpu.memref_slice %arg4[%multiple_of3A] : memref<163840xf32, #tpu.memory_space<hbm>> -> memref<512xf32, #tpu.memory_space<hbm>>
        tpu.wait_dma2 semaphore(%run_scoped3A : memref<!tpu.dma_semaphore, #tpu.memory_space<semaphore_mem>>) src(%dma_wait3A_37 : memref<512xf32, #tpu.memory_space<hbm>>) dst(%arg19 : memref<512xf32, #tpu.memory_space<vmem>>)
        tpu.yield
      }) : () -> ()
      %scan3A_28 = arith.constant 0 : i32
      %scan3A_29 = arith.constant 0 : i32
      %scan3A_30 = arith.constant 32 : i32
      %scan3A_31 = arith.addi %scan3A_29, %scan3A_30 : i32
      %scan3A_32 = arith.constant 1 : i32
      %scan3A_33 = scf.for %scan3A_36 = %scan3A_29 to %scan3A_31 step %scan3A_32 iter_args(%scan3A_37 = %scan3A_28) -> (i32)  : i32 {
        %mul3A_38 = arith.constant 16 : i32
        %mul3A_39 = arith.muli %scan3A_36, %mul3A_38 : i32
        %multiple_of3A_40 = tpu.assume_multiple %mul3A_39, 16 : i32
        %get3A_41 = arith.index_cast %multiple_of3A_40 : i32 to index
        %get3A_42 = tpu.vector_load %arg17[%get3A_41] {strides = array<i32>} : memref<512xi32, #tpu.memory_space<vmem>>, vector<16xi32>,
        %mul3A_43 = arith.constant 4 : i32
        %mul3A_44 = vector.broadcast %mul3A_43 : i32 to vector<16xi32>
        %mul3A_45 = arith.muli %get3A_42, %mul3A_44 : vector<16xi32>
        %get3A_46 = arith.index_cast %multiple_of3A_40 : i32 to index
        %get3A_47 = tpu.vector_load %arg18[%get3A_46] {strides = array<i32>} : memref<512xi32, #tpu.memory_space<vmem>>, vector<16xi32>,
        %mul3A_48 = arith.constant 4 : i32
        %mul3A_49 = vector.broadcast %mul3A_48 : i32 to vector<16xi32>
        %mul3A_50 = arith.muli %get3A_47, %mul3A_49 : vector<16xi32>
        %get3A_51 = arith.index_cast %multiple_of3A_40 : i32 to index
        %get3A_52 = tpu.vector_load %arg19[%get3A_51] {strides = array<i32>} : memref<512xf32, #tpu.memory_space<vmem>>, vector<16xf32>,
        %add3A_53 = arith.constant 0 : i32
        %add3A_54 = vector.broadcast %add3A_53 : i32 to vector<16xi32>
        %add3A_55 = arith.addi %mul3A_45, %add3A_54 : vector<16xi32>
        %gather3A = tpu.vector_load_idx %arg13[%add3A_55] : memref<40448xf32, #tpu.memory_space<vmem>>[vector<16xi32>], vector<16xf32>,
        %add3A_56 = arith.constant 0 : i32
        %add3A_57 = vector.broadcast %add3A_56 : i32 to vector<16xi32>
        %add3A_58 = arith.addi %mul3A_50, %add3A_57 : vector<16xi32>
        %gather3A_59 = tpu.vector_load_idx %arg14[%add3A_58] : memref<40448xf32, #tpu.memory_space<vmem>>[vector<16xi32>], vector<16xf32>,
        %add3A_60 = arith.addf %gather3A, %gather3A_59 : vector<16xf32>
        %mul3A_61 = vector.broadcast %squeeze3A : f32 to vector<16xf32>
        %mul3A_62 = arith.mulf %get3A_52, %mul3A_61 : vector<16xf32>
        %add3A_63 = arith.addf %add3A_60, %mul3A_62 : vector<16xf32>
        %gt3A = arith.constant 0.000000e+00 : f32
        %gt3A_64 = vector.broadcast %gt3A : f32 to vector<16xf32>
        %gt3A_65 = arith.cmpf ogt, %add3A_63, %gt3A_64 : vector<16xf32>
        %mul3A_66 = arith.constant 2.000000e-01 : f32
        %mul3A_67 = vector.broadcast %mul3A_66 : f32 to vector<16xf32>
        %mul3A_68 = arith.mulf %mul3A_67, %add3A_63 : vector<16xf32>
        %select_n3A = arith.select %gt3A_65, %add3A_63, %mul3A_68 : vector<16xi1>, vector<16xf32>
        %exp3A = math.exp %select_n3A : vector<16xf32>
        %add3A_69 = arith.constant 0 : i32
        %add3A_70 = vector.broadcast %add3A_69 : i32 to vector<16xi32>
        %add3A_71 = arith.addi %mul3A_50, %add3A_70 : vector<16xi32>
        tpu.vector_store_idx %arg15[%add3A_71], %exp3A {add = true} : memref<40448xf32, #tpu.memory_space<vmem>>[vector<16xi32>], vector<16xf32>,
        %swap3A = arith.index_cast %multiple_of3A_40 : i32 to index
        %swap3A_72 = tpu.vector_load %arg20[%swap3A] {strides = array<i32>} : memref<512xf32, #tpu.memory_space<vmem>>, vector<16xf32>,
        tpu.vector_store %arg20[%swap3A], %exp3A {strides = array<i32>} : memref<512xf32, #tpu.memory_space<vmem>>, vector<16xf32>,
        %add3A_73 = arith.constant 1 : i32
        %add3A_74 = vector.broadcast %add3A_73 : i32 to vector<16xi32>
        %add3A_75 = arith.addi %mul3A_45, %add3A_74 : vector<16xi32>
        %gather3A_76 = tpu.vector_load_idx %arg13[%add3A_75] : memref<40448xf32, #tpu.memory_space<vmem>>[vector<16xi32>], vector<16xf32>,
        %add3A_77 = arith.constant 1 : i32
        %add3A_78 = vector.broadcast %add3A_77 : i32 to vector<16xi32>
        %add3A_79 = arith.addi %mul3A_50, %add3A_78 : vector<16xi32>
        %gather3A_80 = tpu.vector_load_idx %arg14[%add3A_79] : memref<40448xf32, #tpu.memory_space<vmem>>[vector<16xi32>], vector<16xf32>,
        %add3A_81 = arith.addf %gather3A_76, %gather3A_80 : vector<16xf32>
        %mul3A_82 = vector.broadcast %squeeze3A_3 : f32 to vector<16xf32>
        %mul3A_83 = arith.mulf %get3A_52, %mul3A_82 : vector<16xf32>
        %add3A_84 = arith.addf %add3A_81, %mul3A_83 : vector<16xf32>
        %gt3A_85 = arith.constant 0.000000e+00 : f32
        %gt3A_86 = vector.broadcast %gt3A_85 : f32 to vector<16xf32>
        %gt3A_87 = arith.cmpf ogt, %add3A_84, %gt3A_86 : vector<16xf32>
        %mul3A_88 = arith.constant 2.000000e-01 : f32
        %mul3A_89 = vector.broadcast %mul3A_88 : f32 to vector<16xf32>
        %mul3A_90 = arith.mulf %mul3A_89, %add3A_84 : vector<16xf32>
        %select_n3A_91 = arith.select %gt3A_87, %add3A_84, %mul3A_90 : vector<16xi1>, vector<16xf32>
        %exp3A_92 = math.exp %select_n3A_91 : vector<16xf32>
        %add3A_93 = arith.constant 1 : i32
        %add3A_94 = vector.broadcast %add3A_93 : i32 to vector<16xi32>
        %add3A_95 = arith.addi %mul3A_50, %add3A_94 : vector<16xi32>
        tpu.vector_store_idx %arg15[%add3A_95], %exp3A_92 {add = true} : memref<40448xf32, #tpu.memory_space<vmem>>[vector<16xi32>], vector<16xf32>,
        %swap3A_96 = arith.index_cast %multiple_of3A_40 : i32 to index
        %swap3A_97 = tpu.vector_load %arg21[%swap3A_96] {strides = array<i32>} : memref<512xf32, #tpu.memory_space<vmem>>, vector<16xf32>,
        tpu.vector_store %arg21[%swap3A_96], %exp3A_92 {strides = array<i32>} : memref<512xf32, #tpu.memory_space<vmem>>, vector<16xf32>,
        %add3A_98 = arith.constant 2 : i32
        %add3A_99 = vector.broadcast %add3A_98 : i32 to vector<16xi32>
        %add3A_100 = arith.addi %mul3A_45, %add3A_99 : vector<16xi32>
        %gather3A_101 = tpu.vector_load_idx %arg13[%add3A_100] : memref<40448xf32, #tpu.memory_space<vmem>>[vector<16xi32>], vector<16xf32>,
        %add3A_102 = arith.constant 2 : i32
        %add3A_103 = vector.broadcast %add3A_102 : i32 to vector<16xi32>
        %add3A_104 = arith.addi %mul3A_50, %add3A_103 : vector<16xi32>
        %gather3A_105 = tpu.vector_load_idx %arg14[%add3A_104] : memref<40448xf32, #tpu.memory_space<vmem>>[vector<16xi32>], vector<16xf32>,
        %add3A_106 = arith.addf %gather3A_101, %gather3A_105 : vector<16xf32>
        %mul3A_107 = vector.broadcast %squeeze3A_5 : f32 to vector<16xf32>
        %mul3A_108 = arith.mulf %get3A_52, %mul3A_107 : vector<16xf32>
        %add3A_109 = arith.addf %add3A_106, %mul3A_108 : vector<16xf32>
        %gt3A_110 = arith.constant 0.000000e+00 : f32
        %gt3A_111 = vector.broadcast %gt3A_110 : f32 to vector<16xf32>
        %gt3A_112 = arith.cmpf ogt, %add3A_109, %gt3A_111 : vector<16xf32>
        %mul3A_113 = arith.constant 2.000000e-01 : f32
        %mul3A_114 = vector.broadcast %mul3A_113 : f32 to vector<16xf32>
        %mul3A_115 = arith.mulf %mul3A_114, %add3A_109 : vector<16xf32>
        %select_n3A_116 = arith.select %gt3A_112, %add3A_109, %mul3A_115 : vector<16xi1>, vector<16xf32>
        %exp3A_117 = math.exp %select_n3A_116 : vector<16xf32>
        %add3A_118 = arith.constant 2 : i32
        %add3A_119 = vector.broadcast %add3A_118 : i32 to vector<16xi32>
        %add3A_120 = arith.addi %mul3A_50, %add3A_119 : vector<16xi32>
        tpu.vector_store_idx %arg15[%add3A_120], %exp3A_117 {add = true} : memref<40448xf32, #tpu.memory_space<vmem>>[vector<16xi32>], vector<16xf32>,
        %swap3A_121 = arith.index_cast %multiple_of3A_40 : i32 to index
        %swap3A_122 = tpu.vector_load %arg22[%swap3A_121] {strides = array<i32>} : memref<512xf32, #tpu.memory_space<vmem>>, vector<16xf32>,
        tpu.vector_store %arg22[%swap3A_121], %exp3A_117 {strides = array<i32>} : memref<512xf32, #tpu.memory_space<vmem>>, vector<16xf32>,
        %add3A_123 = arith.constant 3 : i32
        %add3A_124 = vector.broadcast %add3A_123 : i32 to vector<16xi32>
        %add3A_125 = arith.addi %mul3A_45, %add3A_124 : vector<16xi32>
        %gather3A_126 = tpu.vector_load_idx %arg13[%add3A_125] : memref<40448xf32, #tpu.memory_space<vmem>>[vector<16xi32>], vector<16xf32>,
        %add3A_127 = arith.constant 3 : i32
        %add3A_128 = vector.broadcast %add3A_127 : i32 to vector<16xi32>
        %add3A_129 = arith.addi %mul3A_50, %add3A_128 : vector<16xi32>
        %gather3A_130 = tpu.vector_load_idx %arg14[%add3A_129] : memref<40448xf32, #tpu.memory_space<vmem>>[vector<16xi32>], vector<16xf32>,
        %add3A_131 = arith.addf %gather3A_126, %gather3A_130 : vector<16xf32>
        %mul3A_132 = vector.broadcast %squeeze3A_7 : f32 to vector<16xf32>
        %mul3A_133 = arith.mulf %get3A_52, %mul3A_132 : vector<16xf32>
        %add3A_134 = arith.addf %add3A_131, %mul3A_133 : vector<16xf32>
        %gt3A_135 = arith.constant 0.000000e+00 : f32
        %gt3A_136 = vector.broadcast %gt3A_135 : f32 to vector<16xf32>
        %gt3A_137 = arith.cmpf ogt, %add3A_134, %gt3A_136 : vector<16xf32>
        %mul3A_138 = arith.constant 2.000000e-01 : f32
        %mul3A_139 = vector.broadcast %mul3A_138 : f32 to vector<16xf32>
        %mul3A_140 = arith.mulf %mul3A_139, %add3A_134 : vector<16xf32>
        %select_n3A_141 = arith.select %gt3A_137, %add3A_134, %mul3A_140 : vector<16xi1>, vector<16xf32>
        %exp3A_142 = math.exp %select_n3A_141 : vector<16xf32>
        %add3A_143 = arith.constant 3 : i32
        %add3A_144 = vector.broadcast %add3A_143 : i32 to vector<16xi32>
        %add3A_145 = arith.addi %mul3A_50, %add3A_144 : vector<16xi32>
        tpu.vector_store_idx %arg15[%add3A_145], %exp3A_142 {add = true} : memref<40448xf32, #tpu.memory_space<vmem>>[vector<16xi32>], vector<16xf32>,
        %swap3A_146 = arith.index_cast %multiple_of3A_40 : i32 to index
        %swap3A_147 = tpu.vector_load %arg23[%swap3A_146] {strides = array<i32>} : memref<512xf32, #tpu.memory_space<vmem>>, vector<16xf32>,
        tpu.vector_store %arg23[%swap3A_146], %exp3A_142 {strides = array<i32>} : memref<512xf32, #tpu.memory_space<vmem>>, vector<16xf32>,
        %scan3A_148 = arith.constant 0 : i32
        scf.yield %scan3A_148 : i32
      }
      %scan3A_34 = arith.constant 32 : i32
      "tpu.region"() ({
        %run_scoped3A = tpu.sem_alloc : memref<!tpu.dma_semaphore, #tpu.memory_space<semaphore_mem>>
        %dma_start3A = tpu.memref_slice %arg8[%multiple_of3A] : memref<163840xf32, #tpu.memory_space<hbm>> -> memref<512xf32, #tpu.memory_space<hbm>>
        %dma_start3A_36 = tpu.memref_slice %arg8[%multiple_of3A] : memref<163840xf32, #tpu.memory_space<hbm>> -> memref<512xf32, #tpu.memory_space<hbm>>
        tpu.enqueue_dma source(%arg20 : memref<512xf32, #tpu.memory_space<vmem>>) target(%dma_start3A_36 : memref<512xf32, #tpu.memory_space<hbm>>) target_semaphore(%run_scoped3A : memref<!tpu.dma_semaphore, #tpu.memory_space<semaphore_mem>>)
        %dma_wait3A = tpu.memref_slice %arg8[%multiple_of3A] : memref<163840xf32, #tpu.memory_space<hbm>> -> memref<512xf32, #tpu.memory_space<hbm>>
        %dma_wait3A_37 = tpu.memref_slice %arg8[%multiple_of3A] : memref<163840xf32, #tpu.memory_space<hbm>> -> memref<512xf32, #tpu.memory_space<hbm>>
        tpu.wait_dma2 semaphore(%run_scoped3A : memref<!tpu.dma_semaphore, #tpu.memory_space<semaphore_mem>>) src(%arg20 : memref<512xf32, #tpu.memory_space<vmem>>) dst(%dma_wait3A_37 : memref<512xf32, #tpu.memory_space<hbm>>)
        tpu.yield
      }) : () -> ()
      "tpu.region"() ({
        %run_scoped3A = tpu.sem_alloc : memref<!tpu.dma_semaphore, #tpu.memory_space<semaphore_mem>>
        %dma_start3A = tpu.memref_slice %arg9[%multiple_of3A] : memref<163840xf32, #tpu.memory_space<hbm>> -> memref<512xf32, #tpu.memory_space<hbm>>
        %dma_start3A_36 = tpu.memref_slice %arg9[%multiple_of3A] : memref<163840xf32, #tpu.memory_space<hbm>> -> memref<512xf32, #tpu.memory_space<hbm>>
        tpu.enqueue_dma source(%arg21 : memref<512xf32, #tpu.memory_space<vmem>>) target(%dma_start3A_36 : memref<512xf32, #tpu.memory_space<hbm>>) target_semaphore(%run_scoped3A : memref<!tpu.dma_semaphore, #tpu.memory_space<semaphore_mem>>)
        %dma_wait3A = tpu.memref_slice %arg9[%multiple_of3A] : memref<163840xf32, #tpu.memory_space<hbm>> -> memref<512xf32, #tpu.memory_space<hbm>>
        %dma_wait3A_37 = tpu.memref_slice %arg9[%multiple_of3A] : memref<163840xf32, #tpu.memory_space<hbm>> -> memref<512xf32, #tpu.memory_space<hbm>>
        tpu.wait_dma2 semaphore(%run_scoped3A : memref<!tpu.dma_semaphore, #tpu.memory_space<semaphore_mem>>) src(%arg21 : memref<512xf32, #tpu.memory_space<vmem>>) dst(%dma_wait3A_37 : memref<512xf32, #tpu.memory_space<hbm>>)
        tpu.yield
      }) : () -> ()
      "tpu.region"() ({
        %run_scoped3A = tpu.sem_alloc : memref<!tpu.dma_semaphore, #tpu.memory_space<semaphore_mem>>
        %dma_start3A = tpu.memref_slice %arg10[%multiple_of3A] : memref<163840xf32, #tpu.memory_space<hbm>> -> memref<512xf32, #tpu.memory_space<hbm>>
        %dma_start3A_36 = tpu.memref_slice %arg10[%multiple_of3A] : memref<163840xf32, #tpu.memory_space<hbm>> -> memref<512xf32, #tpu.memory_space<hbm>>
        tpu.enqueue_dma source(%arg22 : memref<512xf32, #tpu.memory_space<vmem>>) target(%dma_start3A_36 : memref<512xf32, #tpu.memory_space<hbm>>) target_semaphore(%run_scoped3A : memref<!tpu.dma_semaphore, #tpu.memory_space<semaphore_mem>>)
        %dma_wait3A = tpu.memref_slice %arg10[%multiple_of3A] : memref<163840xf32, #tpu.memory_space<hbm>> -> memref<512xf32, #tpu.memory_space<hbm>>
        %dma_wait3A_37 = tpu.memref_slice %arg10[%multiple_of3A] : memref<163840xf32, #tpu.memory_space<hbm>> -> memref<512xf32, #tpu.memory_space<hbm>>
        tpu.wait_dma2 semaphore(%run_scoped3A : memref<!tpu.dma_semaphore, #tpu.memory_space<semaphore_mem>>) src(%arg22 : memref<512xf32, #tpu.memory_space<vmem>>) dst(%dma_wait3A_37 : memref<512xf32, #tpu.memory_space<hbm>>)
        tpu.yield
      }) : () -> ()
      "tpu.region"() ({
        %run_scoped3A = tpu.sem_alloc : memref<!tpu.dma_semaphore, #tpu.memory_space<semaphore_mem>>
        %dma_start3A = tpu.memref_slice %arg11[%multiple_of3A] : memref<163840xf32, #tpu.memory_space<hbm>> -> memref<512xf32, #tpu.memory_space<hbm>>
        %dma_start3A_36 = tpu.memref_slice %arg11[%multiple_of3A] : memref<163840xf32, #tpu.memory_space<hbm>> -> memref<512xf32, #tpu.memory_space<hbm>>
        tpu.enqueue_dma source(%arg23 : memref<512xf32, #tpu.memory_space<vmem>>) target(%dma_start3A_36 : memref<512xf32, #tpu.memory_space<hbm>>) target_semaphore(%run_scoped3A : memref<!tpu.dma_semaphore, #tpu.memory_space<semaphore_mem>>)
        %dma_wait3A = tpu.memref_slice %arg11[%multiple_of3A] : memref<163840xf32, #tpu.memory_space<hbm>> -> memref<512xf32, #tpu.memory_space<hbm>>
        %dma_wait3A_37 = tpu.memref_slice %arg11[%multiple_of3A] : memref<163840xf32, #tpu.memory_space<hbm>> -> memref<512xf32, #tpu.memory_space<hbm>>
        tpu.wait_dma2 semaphore(%run_scoped3A : memref<!tpu.dma_semaphore, #tpu.memory_space<semaphore_mem>>) src(%arg23 : memref<512xf32, #tpu.memory_space<vmem>>) dst(%dma_wait3A_37 : memref<512xf32, #tpu.memory_space<hbm>>)
        tpu.yield
      }) : () -> ()
      %scan3A_35 = arith.constant 0 : i32
      scf.yield %scan3A_35 : i32
    }
    %scan3A_20 = arith.constant 10 : i32
    "tpu.region"() ({
      %run_scoped3A = tpu.sem_alloc : memref<!tpu.dma_semaphore, #tpu.memory_space<semaphore_mem>>
      %dma_start3A = arith.constant 0 : i32
      %dma_start3A_21 = tpu.memref_slice %arg12[%add3A, %dma_start3A] : memref<32x40448xf32, #tpu.memory_space<hbm>> -> memref<1x40448xf32, #tpu.memory_space<hbm>>
      %dma_start3A_22 = tpu.memref_squeeze %dma_start3A_21 : memref<1x40448xf32, #tpu.memory_space<hbm>> -> memref<40448xf32, #tpu.memory_space<hbm>>
      %dma_start3A_23 = arith.constant 0 : i32
      %dma_start3A_24 = tpu.memref_slice %arg12[%add3A, %dma_start3A_23] : memref<32x40448xf32, #tpu.memory_space<hbm>> -> memref<1x40448xf32, #tpu.memory_space<hbm>>
      %dma_start3A_25 = tpu.memref_squeeze %dma_start3A_24 : memref<1x40448xf32, #tpu.memory_space<hbm>> -> memref<40448xf32, #tpu.memory_space<hbm>>
      tpu.enqueue_dma source(%arg15 : memref<40448xf32, #tpu.memory_space<vmem>>) target(%dma_start3A_25 : memref<40448xf32, #tpu.memory_space<hbm>>) target_semaphore(%run_scoped3A : memref<!tpu.dma_semaphore, #tpu.memory_space<semaphore_mem>>)
      %dma_wait3A = arith.constant 0 : i32
      %dma_wait3A_26 = tpu.memref_slice %arg12[%add3A, %dma_wait3A] : memref<32x40448xf32, #tpu.memory_space<hbm>> -> memref<1x40448xf32, #tpu.memory_space<hbm>>
      %dma_wait3A_27 = tpu.memref_squeeze %dma_wait3A_26 : memref<1x40448xf32, #tpu.memory_space<hbm>> -> memref<40448xf32, #tpu.memory_space<hbm>>
      %dma_wait3A_28 = arith.constant 0 : i32
      %dma_wait3A_29 = tpu.memref_slice %arg12[%add3A, %dma_wait3A_28] : memref<32x40448xf32, #tpu.memory_space<hbm>> -> memref<1x40448xf32, #tpu.memory_space<hbm>>
      %dma_wait3A_30 = tpu.memref_squeeze %dma_wait3A_29 : memref<1x40448xf32, #tpu.memory_space<hbm>> -> memref<40448xf32, #tpu.memory_space<hbm>>
      tpu.wait_dma2 semaphore(%run_scoped3A : memref<!tpu.dma_semaphore, #tpu.memory_space<semaphore_mem>>) src(%arg15 : memref<40448xf32, #tpu.memory_space<vmem>>) dst(%dma_wait3A_30 : memref<40448xf32, #tpu.memory_space<hbm>>)
      tpu.yield
    }) : () -> ()
    return
  }
}

#map = affine_map<(d0, d1) -> (0)>
module attributes {stable_mosaic.version = 14 : i64} {
  func.func @_scb_body(%arg0: i32, %arg1: i32, %arg2: memref<163840xi32, #tpu.memory_space<hbm>>, %arg3: memref<163840xf32, #tpu.memory_space<hbm>>, %arg4: memref<163840xf32, #tpu.memory_space<hbm>>, %arg5: memref<163840xf32, #tpu.memory_space<hbm>>, %arg6: memref<163840xf32, #tpu.memory_space<hbm>>, %arg7: memref<40448xf32, #tpu.memory_space<hbm>>, %arg8: memref<163840xf32, #tpu.memory_space<hbm>>, %arg9: memref<163840xf32, #tpu.memory_space<hbm>>, %arg10: memref<163840xf32, #tpu.memory_space<hbm>>, %arg11: memref<163840xf32, #tpu.memory_space<hbm>>, %arg12: memref<40448xf32, #tpu.memory_space<vmem>>, %arg13: memref<512xi32, #tpu.memory_space<vmem>>, %arg14: memref<512xf32, #tpu.memory_space<vmem>>, %arg15: memref<512xf32, #tpu.memory_space<vmem>>, %arg16: memref<512xf32, #tpu.memory_space<vmem>>, %arg17: memref<512xf32, #tpu.memory_space<vmem>>, %arg18: memref<512xf32, #tpu.memory_space<vmem>>, %arg19: memref<512xf32, #tpu.memory_space<vmem>>, %arg20: memref<512xf32, #tpu.memory_space<vmem>>, %arg21: memref<512xf32, #tpu.memory_space<vmem>>) attributes {dimension_semantics = [#tpu.dimension_semantics<core_parallel>, #tpu.dimension_semantics<subcore_parallel>], iteration_bounds = array<i64: 2, 16>, scalar_prefetch = 0 : i64, scratch_operands = 10 : i64, tpu.core_type = #tpu.core_type<sc_vector_subcore>, window_params = [{transform_indices = #map}, {transform_indices = #map}, {transform_indices = #map}, {transform_indices = #map}, {transform_indices = #map}, {transform_indices = #map}, {transform_indices = #map}, {transform_indices = #map}, {transform_indices = #map}, {transform_indices = #map}]} {
    %mul3A = arith.constant 2 : i32
    %mul3A_0 = arith.muli %arg1, %mul3A : i32
    %add3A = arith.addi %mul3A_0, %arg0 : i32
    "tpu.region"() ({
      %run_scoped3A = tpu.sem_alloc : memref<!tpu.dma_semaphore, #tpu.memory_space<semaphore_mem>>
      tpu.enqueue_dma source(%arg7 : memref<40448xf32, #tpu.memory_space<hbm>>) target(%arg12 : memref<40448xf32, #tpu.memory_space<vmem>>) target_semaphore(%run_scoped3A : memref<!tpu.dma_semaphore, #tpu.memory_space<semaphore_mem>>)
      tpu.wait_dma2 semaphore(%run_scoped3A : memref<!tpu.dma_semaphore, #tpu.memory_space<semaphore_mem>>) src(%arg7 : memref<40448xf32, #tpu.memory_space<hbm>>) dst(%arg12 : memref<40448xf32, #tpu.memory_space<vmem>>)
      tpu.yield
    }) : () -> ()
    %scan3A = arith.constant 0 : i32
    %scan3A_1 = arith.constant 0 : i32
    %scan3A_2 = arith.constant 10 : i32
    %scan3A_3 = arith.addi %scan3A_1, %scan3A_2 : i32
    %scan3A_4 = arith.constant 1 : i32
    %scan3A_5 = scf.for %scan3A_7 = %scan3A_1 to %scan3A_3 step %scan3A_4 iter_args(%scan3A_8 = %scan3A) -> (i32)  : i32 {
      %mul3A_9 = arith.constant 5120 : i32
      %mul3A_10 = arith.muli %add3A, %mul3A_9 : i32
      %mul3A_11 = arith.constant 512 : i32
      %mul3A_12 = arith.muli %scan3A_7, %mul3A_11 : i32
      %add3A_13 = arith.addi %mul3A_10, %mul3A_12 : i32
      %multiple_of3A = tpu.assume_multiple %add3A_13, 512 : i32
      "tpu.region"() ({
        %run_scoped3A = tpu.sem_alloc : memref<!tpu.dma_semaphore, #tpu.memory_space<semaphore_mem>>
        %dma_start3A = tpu.memref_slice %arg2[%multiple_of3A] : memref<163840xi32, #tpu.memory_space<hbm>> -> memref<512xi32, #tpu.memory_space<hbm>>
        %dma_start3A_22 = tpu.memref_slice %arg2[%multiple_of3A] : memref<163840xi32, #tpu.memory_space<hbm>> -> memref<512xi32, #tpu.memory_space<hbm>>
        tpu.enqueue_dma source(%dma_start3A_22 : memref<512xi32, #tpu.memory_space<hbm>>) target(%arg13 : memref<512xi32, #tpu.memory_space<vmem>>) target_semaphore(%run_scoped3A : memref<!tpu.dma_semaphore, #tpu.memory_space<semaphore_mem>>)
        %dma_wait3A = tpu.memref_slice %arg2[%multiple_of3A] : memref<163840xi32, #tpu.memory_space<hbm>> -> memref<512xi32, #tpu.memory_space<hbm>>
        %dma_wait3A_23 = tpu.memref_slice %arg2[%multiple_of3A] : memref<163840xi32, #tpu.memory_space<hbm>> -> memref<512xi32, #tpu.memory_space<hbm>>
        tpu.wait_dma2 semaphore(%run_scoped3A : memref<!tpu.dma_semaphore, #tpu.memory_space<semaphore_mem>>) src(%dma_wait3A_23 : memref<512xi32, #tpu.memory_space<hbm>>) dst(%arg13 : memref<512xi32, #tpu.memory_space<vmem>>)
        tpu.yield
      }) : () -> ()
      "tpu.region"() ({
        %run_scoped3A = tpu.sem_alloc : memref<!tpu.dma_semaphore, #tpu.memory_space<semaphore_mem>>
        %dma_start3A = tpu.memref_slice %arg3[%multiple_of3A] : memref<163840xf32, #tpu.memory_space<hbm>> -> memref<512xf32, #tpu.memory_space<hbm>>
        %dma_start3A_22 = tpu.memref_slice %arg3[%multiple_of3A] : memref<163840xf32, #tpu.memory_space<hbm>> -> memref<512xf32, #tpu.memory_space<hbm>>
        tpu.enqueue_dma source(%dma_start3A_22 : memref<512xf32, #tpu.memory_space<hbm>>) target(%arg14 : memref<512xf32, #tpu.memory_space<vmem>>) target_semaphore(%run_scoped3A : memref<!tpu.dma_semaphore, #tpu.memory_space<semaphore_mem>>)
        %dma_wait3A = tpu.memref_slice %arg3[%multiple_of3A] : memref<163840xf32, #tpu.memory_space<hbm>> -> memref<512xf32, #tpu.memory_space<hbm>>
        %dma_wait3A_23 = tpu.memref_slice %arg3[%multiple_of3A] : memref<163840xf32, #tpu.memory_space<hbm>> -> memref<512xf32, #tpu.memory_space<hbm>>
        tpu.wait_dma2 semaphore(%run_scoped3A : memref<!tpu.dma_semaphore, #tpu.memory_space<semaphore_mem>>) src(%dma_wait3A_23 : memref<512xf32, #tpu.memory_space<hbm>>) dst(%arg14 : memref<512xf32, #tpu.memory_space<vmem>>)
        tpu.yield
      }) : () -> ()
      "tpu.region"() ({
        %run_scoped3A = tpu.sem_alloc : memref<!tpu.dma_semaphore, #tpu.memory_space<semaphore_mem>>
        %dma_start3A = tpu.memref_slice %arg4[%multiple_of3A] : memref<163840xf32, #tpu.memory_space<hbm>> -> memref<512xf32, #tpu.memory_space<hbm>>
        %dma_start3A_22 = tpu.memref_slice %arg4[%multiple_of3A] : memref<163840xf32, #tpu.memory_space<hbm>> -> memref<512xf32, #tpu.memory_space<hbm>>
        tpu.enqueue_dma source(%dma_start3A_22 : memref<512xf32, #tpu.memory_space<hbm>>) target(%arg15 : memref<512xf32, #tpu.memory_space<vmem>>) target_semaphore(%run_scoped3A : memref<!tpu.dma_semaphore, #tpu.memory_space<semaphore_mem>>)
        %dma_wait3A = tpu.memref_slice %arg4[%multiple_of3A] : memref<163840xf32, #tpu.memory_space<hbm>> -> memref<512xf32, #tpu.memory_space<hbm>>
        %dma_wait3A_23 = tpu.memref_slice %arg4[%multiple_of3A] : memref<163840xf32, #tpu.memory_space<hbm>> -> memref<512xf32, #tpu.memory_space<hbm>>
        tpu.wait_dma2 semaphore(%run_scoped3A : memref<!tpu.dma_semaphore, #tpu.memory_space<semaphore_mem>>) src(%dma_wait3A_23 : memref<512xf32, #tpu.memory_space<hbm>>) dst(%arg15 : memref<512xf32, #tpu.memory_space<vmem>>)
        tpu.yield
      }) : () -> ()
      "tpu.region"() ({
        %run_scoped3A = tpu.sem_alloc : memref<!tpu.dma_semaphore, #tpu.memory_space<semaphore_mem>>
        %dma_start3A = tpu.memref_slice %arg5[%multiple_of3A] : memref<163840xf32, #tpu.memory_space<hbm>> -> memref<512xf32, #tpu.memory_space<hbm>>
        %dma_start3A_22 = tpu.memref_slice %arg5[%multiple_of3A] : memref<163840xf32, #tpu.memory_space<hbm>> -> memref<512xf32, #tpu.memory_space<hbm>>
        tpu.enqueue_dma source(%dma_start3A_22 : memref<512xf32, #tpu.memory_space<hbm>>) target(%arg16 : memref<512xf32, #tpu.memory_space<vmem>>) target_semaphore(%run_scoped3A : memref<!tpu.dma_semaphore, #tpu.memory_space<semaphore_mem>>)
        %dma_wait3A = tpu.memref_slice %arg5[%multiple_of3A] : memref<163840xf32, #tpu.memory_space<hbm>> -> memref<512xf32, #tpu.memory_space<hbm>>
        %dma_wait3A_23 = tpu.memref_slice %arg5[%multiple_of3A] : memref<163840xf32, #tpu.memory_space<hbm>> -> memref<512xf32, #tpu.memory_space<hbm>>
        tpu.wait_dma2 semaphore(%run_scoped3A : memref<!tpu.dma_semaphore, #tpu.memory_space<semaphore_mem>>) src(%dma_wait3A_23 : memref<512xf32, #tpu.memory_space<hbm>>) dst(%arg16 : memref<512xf32, #tpu.memory_space<vmem>>)
        tpu.yield
      }) : () -> ()
      "tpu.region"() ({
        %run_scoped3A = tpu.sem_alloc : memref<!tpu.dma_semaphore, #tpu.memory_space<semaphore_mem>>
        %dma_start3A = tpu.memref_slice %arg6[%multiple_of3A] : memref<163840xf32, #tpu.memory_space<hbm>> -> memref<512xf32, #tpu.memory_space<hbm>>
        %dma_start3A_22 = tpu.memref_slice %arg6[%multiple_of3A] : memref<163840xf32, #tpu.memory_space<hbm>> -> memref<512xf32, #tpu.memory_space<hbm>>
        tpu.enqueue_dma source(%dma_start3A_22 : memref<512xf32, #tpu.memory_space<hbm>>) target(%arg17 : memref<512xf32, #tpu.memory_space<vmem>>) target_semaphore(%run_scoped3A : memref<!tpu.dma_semaphore, #tpu.memory_space<semaphore_mem>>)
        %dma_wait3A = tpu.memref_slice %arg6[%multiple_of3A] : memref<163840xf32, #tpu.memory_space<hbm>> -> memref<512xf32, #tpu.memory_space<hbm>>
        %dma_wait3A_23 = tpu.memref_slice %arg6[%multiple_of3A] : memref<163840xf32, #tpu.memory_space<hbm>> -> memref<512xf32, #tpu.memory_space<hbm>>
        tpu.wait_dma2 semaphore(%run_scoped3A : memref<!tpu.dma_semaphore, #tpu.memory_space<semaphore_mem>>) src(%dma_wait3A_23 : memref<512xf32, #tpu.memory_space<hbm>>) dst(%arg17 : memref<512xf32, #tpu.memory_space<vmem>>)
        tpu.yield
      }) : () -> ()
      %scan3A_14 = arith.constant 0 : i32
      %scan3A_15 = arith.constant 0 : i32
      %scan3A_16 = arith.constant 32 : i32
      %scan3A_17 = arith.addi %scan3A_15, %scan3A_16 : i32
      %scan3A_18 = arith.constant 1 : i32
      %scan3A_19 = scf.for %scan3A_22 = %scan3A_15 to %scan3A_17 step %scan3A_18 iter_args(%scan3A_23 = %scan3A_14) -> (i32)  : i32 {
        %mul3A_24 = arith.constant 16 : i32
        %mul3A_25 = arith.muli %scan3A_22, %mul3A_24 : i32
        %multiple_of3A_26 = tpu.assume_multiple %mul3A_25, 16 : i32
        %get3A = arith.index_cast %multiple_of3A_26 : i32 to index
        %get3A_27 = tpu.vector_load %arg13[%get3A] {strides = array<i32>} : memref<512xi32, #tpu.memory_space<vmem>>, vector<16xi32>,
        %mul3A_28 = arith.constant 4 : i32
        %mul3A_29 = vector.broadcast %mul3A_28 : i32 to vector<16xi32>
        %mul3A_30 = arith.muli %get3A_27, %mul3A_29 : vector<16xi32>
        %add3A_31 = arith.constant 0 : i32
        %add3A_32 = vector.broadcast %add3A_31 : i32 to vector<16xi32>
        %add3A_33 = arith.addi %mul3A_30, %add3A_32 : vector<16xi32>
        %gather3A = tpu.vector_load_idx %arg12[%add3A_33] : memref<40448xf32, #tpu.memory_space<vmem>>[vector<16xi32>], vector<16xf32>,
        %get3A_34 = arith.index_cast %multiple_of3A_26 : i32 to index
        %get3A_35 = tpu.vector_load %arg14[%get3A_34] {strides = array<i32>} : memref<512xf32, #tpu.memory_space<vmem>>, vector<16xf32>,
        %mul3A_36 = arith.mulf %get3A_35, %gather3A : vector<16xf32>
        %swap3A = arith.index_cast %multiple_of3A_26 : i32 to index
        %swap3A_37 = tpu.vector_load %arg18[%swap3A] {strides = array<i32>} : memref<512xf32, #tpu.memory_space<vmem>>, vector<16xf32>,
        tpu.vector_store %arg18[%swap3A], %mul3A_36 {strides = array<i32>} : memref<512xf32, #tpu.memory_space<vmem>>, vector<16xf32>,
        %add3A_38 = arith.constant 1 : i32
        %add3A_39 = vector.broadcast %add3A_38 : i32 to vector<16xi32>
        %add3A_40 = arith.addi %mul3A_30, %add3A_39 : vector<16xi32>
        %gather3A_41 = tpu.vector_load_idx %arg12[%add3A_40] : memref<40448xf32, #tpu.memory_space<vmem>>[vector<16xi32>], vector<16xf32>,
        %get3A_42 = arith.index_cast %multiple_of3A_26 : i32 to index
        %get3A_43 = tpu.vector_load %arg15[%get3A_42] {strides = array<i32>} : memref<512xf32, #tpu.memory_space<vmem>>, vector<16xf32>,
        %mul3A_44 = arith.mulf %get3A_43, %gather3A_41 : vector<16xf32>
        %swap3A_45 = arith.index_cast %multiple_of3A_26 : i32 to index
        %swap3A_46 = tpu.vector_load %arg19[%swap3A_45] {strides = array<i32>} : memref<512xf32, #tpu.memory_space<vmem>>, vector<16xf32>,
        tpu.vector_store %arg19[%swap3A_45], %mul3A_44 {strides = array<i32>} : memref<512xf32, #tpu.memory_space<vmem>>, vector<16xf32>,
        %add3A_47 = arith.constant 2 : i32
        %add3A_48 = vector.broadcast %add3A_47 : i32 to vector<16xi32>
        %add3A_49 = arith.addi %mul3A_30, %add3A_48 : vector<16xi32>
        %gather3A_50 = tpu.vector_load_idx %arg12[%add3A_49] : memref<40448xf32, #tpu.memory_space<vmem>>[vector<16xi32>], vector<16xf32>,
        %get3A_51 = arith.index_cast %multiple_of3A_26 : i32 to index
        %get3A_52 = tpu.vector_load %arg16[%get3A_51] {strides = array<i32>} : memref<512xf32, #tpu.memory_space<vmem>>, vector<16xf32>,
        %mul3A_53 = arith.mulf %get3A_52, %gather3A_50 : vector<16xf32>
        %swap3A_54 = arith.index_cast %multiple_of3A_26 : i32 to index
        %swap3A_55 = tpu.vector_load %arg20[%swap3A_54] {strides = array<i32>} : memref<512xf32, #tpu.memory_space<vmem>>, vector<16xf32>,
        tpu.vector_store %arg20[%swap3A_54], %mul3A_53 {strides = array<i32>} : memref<512xf32, #tpu.memory_space<vmem>>, vector<16xf32>,
        %add3A_56 = arith.constant 3 : i32
        %add3A_57 = vector.broadcast %add3A_56 : i32 to vector<16xi32>
        %add3A_58 = arith.addi %mul3A_30, %add3A_57 : vector<16xi32>
        %gather3A_59 = tpu.vector_load_idx %arg12[%add3A_58] : memref<40448xf32, #tpu.memory_space<vmem>>[vector<16xi32>], vector<16xf32>,
        %get3A_60 = arith.index_cast %multiple_of3A_26 : i32 to index
        %get3A_61 = tpu.vector_load %arg17[%get3A_60] {strides = array<i32>} : memref<512xf32, #tpu.memory_space<vmem>>, vector<16xf32>,
        %mul3A_62 = arith.mulf %get3A_61, %gather3A_59 : vector<16xf32>
        %swap3A_63 = arith.index_cast %multiple_of3A_26 : i32 to index
        %swap3A_64 = tpu.vector_load %arg21[%swap3A_63] {strides = array<i32>} : memref<512xf32, #tpu.memory_space<vmem>>, vector<16xf32>,
        tpu.vector_store %arg21[%swap3A_63], %mul3A_62 {strides = array<i32>} : memref<512xf32, #tpu.memory_space<vmem>>, vector<16xf32>,
        %scan3A_65 = arith.constant 0 : i32
        scf.yield %scan3A_65 : i32
      }
      %scan3A_20 = arith.constant 32 : i32
      "tpu.region"() ({
        %run_scoped3A = tpu.sem_alloc : memref<!tpu.dma_semaphore, #tpu.memory_space<semaphore_mem>>
        %dma_start3A = tpu.memref_slice %arg8[%multiple_of3A] : memref<163840xf32, #tpu.memory_space<hbm>> -> memref<512xf32, #tpu.memory_space<hbm>>
        %dma_start3A_22 = tpu.memref_slice %arg8[%multiple_of3A] : memref<163840xf32, #tpu.memory_space<hbm>> -> memref<512xf32, #tpu.memory_space<hbm>>
        tpu.enqueue_dma source(%arg18 : memref<512xf32, #tpu.memory_space<vmem>>) target(%dma_start3A_22 : memref<512xf32, #tpu.memory_space<hbm>>) target_semaphore(%run_scoped3A : memref<!tpu.dma_semaphore, #tpu.memory_space<semaphore_mem>>)
        %dma_wait3A = tpu.memref_slice %arg8[%multiple_of3A] : memref<163840xf32, #tpu.memory_space<hbm>> -> memref<512xf32, #tpu.memory_space<hbm>>
        %dma_wait3A_23 = tpu.memref_slice %arg8[%multiple_of3A] : memref<163840xf32, #tpu.memory_space<hbm>> -> memref<512xf32, #tpu.memory_space<hbm>>
        tpu.wait_dma2 semaphore(%run_scoped3A : memref<!tpu.dma_semaphore, #tpu.memory_space<semaphore_mem>>) src(%arg18 : memref<512xf32, #tpu.memory_space<vmem>>) dst(%dma_wait3A_23 : memref<512xf32, #tpu.memory_space<hbm>>)
        tpu.yield
      }) : () -> ()
      "tpu.region"() ({
        %run_scoped3A = tpu.sem_alloc : memref<!tpu.dma_semaphore, #tpu.memory_space<semaphore_mem>>
        %dma_start3A = tpu.memref_slice %arg9[%multiple_of3A] : memref<163840xf32, #tpu.memory_space<hbm>> -> memref<512xf32, #tpu.memory_space<hbm>>
        %dma_start3A_22 = tpu.memref_slice %arg9[%multiple_of3A] : memref<163840xf32, #tpu.memory_space<hbm>> -> memref<512xf32, #tpu.memory_space<hbm>>
        tpu.enqueue_dma source(%arg19 : memref<512xf32, #tpu.memory_space<vmem>>) target(%dma_start3A_22 : memref<512xf32, #tpu.memory_space<hbm>>) target_semaphore(%run_scoped3A : memref<!tpu.dma_semaphore, #tpu.memory_space<semaphore_mem>>)
        %dma_wait3A = tpu.memref_slice %arg9[%multiple_of3A] : memref<163840xf32, #tpu.memory_space<hbm>> -> memref<512xf32, #tpu.memory_space<hbm>>
        %dma_wait3A_23 = tpu.memref_slice %arg9[%multiple_of3A] : memref<163840xf32, #tpu.memory_space<hbm>> -> memref<512xf32, #tpu.memory_space<hbm>>
        tpu.wait_dma2 semaphore(%run_scoped3A : memref<!tpu.dma_semaphore, #tpu.memory_space<semaphore_mem>>) src(%arg19 : memref<512xf32, #tpu.memory_space<vmem>>) dst(%dma_wait3A_23 : memref<512xf32, #tpu.memory_space<hbm>>)
        tpu.yield
      }) : () -> ()
      "tpu.region"() ({
        %run_scoped3A = tpu.sem_alloc : memref<!tpu.dma_semaphore, #tpu.memory_space<semaphore_mem>>
        %dma_start3A = tpu.memref_slice %arg10[%multiple_of3A] : memref<163840xf32, #tpu.memory_space<hbm>> -> memref<512xf32, #tpu.memory_space<hbm>>
        %dma_start3A_22 = tpu.memref_slice %arg10[%multiple_of3A] : memref<163840xf32, #tpu.memory_space<hbm>> -> memref<512xf32, #tpu.memory_space<hbm>>
        tpu.enqueue_dma source(%arg20 : memref<512xf32, #tpu.memory_space<vmem>>) target(%dma_start3A_22 : memref<512xf32, #tpu.memory_space<hbm>>) target_semaphore(%run_scoped3A : memref<!tpu.dma_semaphore, #tpu.memory_space<semaphore_mem>>)
        %dma_wait3A = tpu.memref_slice %arg10[%multiple_of3A] : memref<163840xf32, #tpu.memory_space<hbm>> -> memref<512xf32, #tpu.memory_space<hbm>>
        %dma_wait3A_23 = tpu.memref_slice %arg10[%multiple_of3A] : memref<163840xf32, #tpu.memory_space<hbm>> -> memref<512xf32, #tpu.memory_space<hbm>>
        tpu.wait_dma2 semaphore(%run_scoped3A : memref<!tpu.dma_semaphore, #tpu.memory_space<semaphore_mem>>) src(%arg20 : memref<512xf32, #tpu.memory_space<vmem>>) dst(%dma_wait3A_23 : memref<512xf32, #tpu.memory_space<hbm>>)
        tpu.yield
      }) : () -> ()
      "tpu.region"() ({
        %run_scoped3A = tpu.sem_alloc : memref<!tpu.dma_semaphore, #tpu.memory_space<semaphore_mem>>
        %dma_start3A = tpu.memref_slice %arg11[%multiple_of3A] : memref<163840xf32, #tpu.memory_space<hbm>> -> memref<512xf32, #tpu.memory_space<hbm>>
        %dma_start3A_22 = tpu.memref_slice %arg11[%multiple_of3A] : memref<163840xf32, #tpu.memory_space<hbm>> -> memref<512xf32, #tpu.memory_space<hbm>>
        tpu.enqueue_dma source(%arg21 : memref<512xf32, #tpu.memory_space<vmem>>) target(%dma_start3A_22 : memref<512xf32, #tpu.memory_space<hbm>>) target_semaphore(%run_scoped3A : memref<!tpu.dma_semaphore, #tpu.memory_space<semaphore_mem>>)
        %dma_wait3A = tpu.memref_slice %arg11[%multiple_of3A] : memref<163840xf32, #tpu.memory_space<hbm>> -> memref<512xf32, #tpu.memory_space<hbm>>
        %dma_wait3A_23 = tpu.memref_slice %arg11[%multiple_of3A] : memref<163840xf32, #tpu.memory_space<hbm>> -> memref<512xf32, #tpu.memory_space<hbm>>
        tpu.wait_dma2 semaphore(%run_scoped3A : memref<!tpu.dma_semaphore, #tpu.memory_space<semaphore_mem>>) src(%arg21 : memref<512xf32, #tpu.memory_space<vmem>>) dst(%dma_wait3A_23 : memref<512xf32, #tpu.memory_space<hbm>>)
        tpu.yield
      }) : () -> ()
      %scan3A_21 = arith.constant 0 : i32
      scf.yield %scan3A_21 : i32
    }
    %scan3A_6 = arith.constant 10 : i32
    return
  }
}

#map = affine_map<(d0, d1) -> (0)>
#map1 = affine_map<(d0, d1) -> (0, 0, 0)>
module attributes {stable_mosaic.version = 14 : i64} {
  func.func @_scc_body(%arg0: i32, %arg1: i32, %arg2: memref<163840xi32, #tpu.memory_space<hbm>>, %arg3: memref<163840xi32, #tpu.memory_space<hbm>>, %arg4: memref<163840xf32, #tpu.memory_space<hbm>>, %arg5: memref<163840xf32, #tpu.memory_space<hbm>>, %arg6: memref<163840xf32, #tpu.memory_space<hbm>>, %arg7: memref<163840xf32, #tpu.memory_space<hbm>>, %arg8: memref<2x32x80896xf32, #tpu.memory_space<hbm>>, %arg9: memref<2x32x20224xf32, #tpu.memory_space<hbm>>, %arg10: memref<80896xf32, #tpu.memory_space<vmem>>, %arg11: memref<20224xf32, #tpu.memory_space<vmem>>, %arg12: memref<512xi32, #tpu.memory_space<vmem>>, %arg13: memref<512xi32, #tpu.memory_space<vmem>>, %arg14: memref<512xf32, #tpu.memory_space<vmem>>, %arg15: memref<512xf32, #tpu.memory_space<vmem>>, %arg16: memref<512xf32, #tpu.memory_space<vmem>>, %arg17: memref<512xf32, #tpu.memory_space<vmem>>) attributes {dimension_semantics = [#tpu.dimension_semantics<core_parallel>, #tpu.dimension_semantics<subcore_parallel>], iteration_bounds = array<i64: 2, 16>, scalar_prefetch = 0 : i64, scratch_operands = 8 : i64, tpu.core_type = #tpu.core_type<sc_vector_subcore>, window_params = [{transform_indices = #map}, {transform_indices = #map}, {transform_indices = #map}, {transform_indices = #map}, {transform_indices = #map}, {transform_indices = #map}, {transform_indices = #map1}, {transform_indices = #map1}]} {
    %mul3A = arith.constant 2 : i32
    %mul3A_0 = arith.muli %arg1, %mul3A : i32
    %add3A = arith.addi %mul3A_0, %arg0 : i32
    %run_scoped3A = arith.constant 0 : i32
    "tpu.region"() ({
      %run_scoped3A_31 = tpu.sem_alloc : memref<!tpu.dma_semaphore, #tpu.memory_space<semaphore_mem>>
      %dma_start3A = arith.constant 0 : i32
      %dma_start3A_32 = tpu.memref_slice %arg8[%run_scoped3A, %add3A, %dma_start3A] : memref<2x32x80896xf32, #tpu.memory_space<hbm>> -> memref<1x1x80896xf32, #tpu.memory_space<hbm>>
      %dma_start3A_33 = tpu.memref_squeeze %dma_start3A_32 : memref<1x1x80896xf32, #tpu.memory_space<hbm>> -> memref<80896xf32, #tpu.memory_space<hbm>>
      %dma_start3A_34 = arith.constant 0 : i32
      %dma_start3A_35 = tpu.memref_slice %arg8[%run_scoped3A, %add3A, %dma_start3A_34] : memref<2x32x80896xf32, #tpu.memory_space<hbm>> -> memref<1x1x80896xf32, #tpu.memory_space<hbm>>
      %dma_start3A_36 = tpu.memref_squeeze %dma_start3A_35 : memref<1x1x80896xf32, #tpu.memory_space<hbm>> -> memref<80896xf32, #tpu.memory_space<hbm>>
      tpu.enqueue_dma source(%dma_start3A_36 : memref<80896xf32, #tpu.memory_space<hbm>>) target(%arg10 : memref<80896xf32, #tpu.memory_space<vmem>>) target_semaphore(%run_scoped3A_31 : memref<!tpu.dma_semaphore, #tpu.memory_space<semaphore_mem>>)
      %dma_wait3A = arith.constant 0 : i32
      %dma_wait3A_37 = tpu.memref_slice %arg8[%run_scoped3A, %add3A, %dma_wait3A] : memref<2x32x80896xf32, #tpu.memory_space<hbm>> -> memref<1x1x80896xf32, #tpu.memory_space<hbm>>
      %dma_wait3A_38 = tpu.memref_squeeze %dma_wait3A_37 : memref<1x1x80896xf32, #tpu.memory_space<hbm>> -> memref<80896xf32, #tpu.memory_space<hbm>>
      %dma_wait3A_39 = arith.constant 0 : i32
      %dma_wait3A_40 = tpu.memref_slice %arg8[%run_scoped3A, %add3A, %dma_wait3A_39] : memref<2x32x80896xf32, #tpu.memory_space<hbm>> -> memref<1x1x80896xf32, #tpu.memory_space<hbm>>
      %dma_wait3A_41 = tpu.memref_squeeze %dma_wait3A_40 : memref<1x1x80896xf32, #tpu.memory_space<hbm>> -> memref<80896xf32, #tpu.memory_space<hbm>>
      tpu.wait_dma2 semaphore(%run_scoped3A_31 : memref<!tpu.dma_semaphore, #tpu.memory_space<semaphore_mem>>) src(%dma_wait3A_41 : memref<80896xf32, #tpu.memory_space<hbm>>) dst(%arg10 : memref<80896xf32, #tpu.memory_space<vmem>>)
      tpu.yield
    }) : () -> ()
    %scan3A = arith.constant 0 : i32
    %scan3A_1 = arith.constant 0 : i32
    %scan3A_2 = arith.constant 1264 : i32
    %scan3A_3 = arith.addi %scan3A_1, %scan3A_2 : i32
    %scan3A_4 = arith.constant 1 : i32
    %scan3A_5 = scf.for %scan3A_31 = %scan3A_1 to %scan3A_3 step %scan3A_4 iter_args(%scan3A_32 = %scan3A) -> (i32)  : i32 {
      %broadcast_in_dim3A = arith.constant 0.000000e+00 : f32
      %broadcast_in_dim3A_33 = vector.broadcast %broadcast_in_dim3A : f32 to vector<16xf32>
      %mul3A_34 = arith.constant 16 : i32
      %mul3A_35 = arith.muli %scan3A_31, %mul3A_34 : i32
      %multiple_of3A = tpu.assume_multiple %mul3A_35, 16 : i32
      %swap3A = arith.index_cast %multiple_of3A : i32 to index
      %swap3A_36 = tpu.vector_load %arg11[%swap3A] {strides = array<i32>} : memref<20224xf32, #tpu.memory_space<vmem>>, vector<16xf32>,
      tpu.vector_store %arg11[%swap3A], %broadcast_in_dim3A_33 {strides = array<i32>} : memref<20224xf32, #tpu.memory_space<vmem>>, vector<16xf32>,
      %scan3A_37 = arith.constant 0 : i32
      scf.yield %scan3A_37 : i32
    }
    %scan3A_6 = arith.constant 1264 : i32
    %scan3A_7 = arith.constant 0 : i32
    %scan3A_8 = arith.constant 0 : i32
    %scan3A_9 = arith.constant 320 : i32
    %scan3A_10 = arith.addi %scan3A_8, %scan3A_9 : i32
    %scan3A_11 = arith.constant 1 : i32
    %scan3A_12 = scf.for %scan3A_31 = %scan3A_8 to %scan3A_10 step %scan3A_11 iter_args(%scan3A_32 = %scan3A_7) -> (i32)  : i32 {
      %mul3A_33 = arith.constant 512 : i32
      %mul3A_34 = arith.muli %scan3A_31, %mul3A_33 : i32
      %multiple_of3A = tpu.assume_multiple %mul3A_34, 512 : i32
      "tpu.region"() ({
        %run_scoped3A_43 = tpu.sem_alloc : memref<!tpu.dma_semaphore, #tpu.memory_space<semaphore_mem>>
        %dma_start3A = tpu.memref_slice %arg2[%multiple_of3A] : memref<163840xi32, #tpu.memory_space<hbm>> -> memref<512xi32, #tpu.memory_space<hbm>>
        %dma_start3A_44 = tpu.memref_slice %arg2[%multiple_of3A] : memref<163840xi32, #tpu.memory_space<hbm>> -> memref<512xi32, #tpu.memory_space<hbm>>
        tpu.enqueue_dma source(%dma_start3A_44 : memref<512xi32, #tpu.memory_space<hbm>>) target(%arg12 : memref<512xi32, #tpu.memory_space<vmem>>) target_semaphore(%run_scoped3A_43 : memref<!tpu.dma_semaphore, #tpu.memory_space<semaphore_mem>>)
        %dma_wait3A = tpu.memref_slice %arg2[%multiple_of3A] : memref<163840xi32, #tpu.memory_space<hbm>> -> memref<512xi32, #tpu.memory_space<hbm>>
        %dma_wait3A_45 = tpu.memref_slice %arg2[%multiple_of3A] : memref<163840xi32, #tpu.memory_space<hbm>> -> memref<512xi32, #tpu.memory_space<hbm>>
        tpu.wait_dma2 semaphore(%run_scoped3A_43 : memref<!tpu.dma_semaphore, #tpu.memory_space<semaphore_mem>>) src(%dma_wait3A_45 : memref<512xi32, #tpu.memory_space<hbm>>) dst(%arg12 : memref<512xi32, #tpu.memory_space<vmem>>)
        tpu.yield
      }) : () -> ()
      "tpu.region"() ({
        %run_scoped3A_43 = tpu.sem_alloc : memref<!tpu.dma_semaphore, #tpu.memory_space<semaphore_mem>>
        %dma_start3A = tpu.memref_slice %arg3[%multiple_of3A] : memref<163840xi32, #tpu.memory_space<hbm>> -> memref<512xi32, #tpu.memory_space<hbm>>
        %dma_start3A_44 = tpu.memref_slice %arg3[%multiple_of3A] : memref<163840xi32, #tpu.memory_space<hbm>> -> memref<512xi32, #tpu.memory_space<hbm>>
        tpu.enqueue_dma source(%dma_start3A_44 : memref<512xi32, #tpu.memory_space<hbm>>) target(%arg13 : memref<512xi32, #tpu.memory_space<vmem>>) target_semaphore(%run_scoped3A_43 : memref<!tpu.dma_semaphore, #tpu.memory_space<semaphore_mem>>)
        %dma_wait3A = tpu.memref_slice %arg3[%multiple_of3A] : memref<163840xi32, #tpu.memory_space<hbm>> -> memref<512xi32, #tpu.memory_space<hbm>>
        %dma_wait3A_45 = tpu.memref_slice %arg3[%multiple_of3A] : memref<163840xi32, #tpu.memory_space<hbm>> -> memref<512xi32, #tpu.memory_space<hbm>>
        tpu.wait_dma2 semaphore(%run_scoped3A_43 : memref<!tpu.dma_semaphore, #tpu.memory_space<semaphore_mem>>) src(%dma_wait3A_45 : memref<512xi32, #tpu.memory_space<hbm>>) dst(%arg13 : memref<512xi32, #tpu.memory_space<vmem>>)
        tpu.yield
      }) : () -> ()
      "tpu.region"() ({
        %run_scoped3A_43 = tpu.sem_alloc : memref<!tpu.dma_semaphore, #tpu.memory_space<semaphore_mem>>
        %dma_start3A = tpu.memref_slice %arg4[%multiple_of3A] : memref<163840xf32, #tpu.memory_space<hbm>> -> memref<512xf32, #tpu.memory_space<hbm>>
        %dma_start3A_44 = tpu.memref_slice %arg4[%multiple_of3A] : memref<163840xf32, #tpu.memory_space<hbm>> -> memref<512xf32, #tpu.memory_space<hbm>>
        tpu.enqueue_dma source(%dma_start3A_44 : memref<512xf32, #tpu.memory_space<hbm>>) target(%arg14 : memref<512xf32, #tpu.memory_space<vmem>>) target_semaphore(%run_scoped3A_43 : memref<!tpu.dma_semaphore, #tpu.memory_space<semaphore_mem>>)
        %dma_wait3A = tpu.memref_slice %arg4[%multiple_of3A] : memref<163840xf32, #tpu.memory_space<hbm>> -> memref<512xf32, #tpu.memory_space<hbm>>
        %dma_wait3A_45 = tpu.memref_slice %arg4[%multiple_of3A] : memref<163840xf32, #tpu.memory_space<hbm>> -> memref<512xf32, #tpu.memory_space<hbm>>
        tpu.wait_dma2 semaphore(%run_scoped3A_43 : memref<!tpu.dma_semaphore, #tpu.memory_space<semaphore_mem>>) src(%dma_wait3A_45 : memref<512xf32, #tpu.memory_space<hbm>>) dst(%arg14 : memref<512xf32, #tpu.memory_space<vmem>>)
        tpu.yield
      }) : () -> ()
      "tpu.region"() ({
        %run_scoped3A_43 = tpu.sem_alloc : memref<!tpu.dma_semaphore, #tpu.memory_space<semaphore_mem>>
        %dma_start3A = tpu.memref_slice %arg5[%multiple_of3A] : memref<163840xf32, #tpu.memory_space<hbm>> -> memref<512xf32, #tpu.memory_space<hbm>>
        %dma_start3A_44 = tpu.memref_slice %arg5[%multiple_of3A] : memref<163840xf32, #tpu.memory_space<hbm>> -> memref<512xf32, #tpu.memory_space<hbm>>
        tpu.enqueue_dma source(%dma_start3A_44 : memref<512xf32, #tpu.memory_space<hbm>>) target(%arg15 : memref<512xf32, #tpu.memory_space<vmem>>) target_semaphore(%run_scoped3A_43 : memref<!tpu.dma_semaphore, #tpu.memory_space<semaphore_mem>>)
        %dma_wait3A = tpu.memref_slice %arg5[%multiple_of3A] : memref<163840xf32, #tpu.memory_space<hbm>> -> memref<512xf32, #tpu.memory_space<hbm>>
        %dma_wait3A_45 = tpu.memref_slice %arg5[%multiple_of3A] : memref<163840xf32, #tpu.memory_space<hbm>> -> memref<512xf32, #tpu.memory_space<hbm>>
        tpu.wait_dma2 semaphore(%run_scoped3A_43 : memref<!tpu.dma_semaphore, #tpu.memory_space<semaphore_mem>>) src(%dma_wait3A_45 : memref<512xf32, #tpu.memory_space<hbm>>) dst(%arg15 : memref<512xf32, #tpu.memory_space<vmem>>)
        tpu.yield
      }) : () -> ()
      "tpu.region"() ({
        %run_scoped3A_43 = tpu.sem_alloc : memref<!tpu.dma_semaphore, #tpu.memory_space<semaphore_mem>>
        %dma_start3A = tpu.memref_slice %arg6[%multiple_of3A] : memref<163840xf32, #tpu.memory_space<hbm>> -> memref<512xf32, #tpu.memory_space<hbm>>
        %dma_start3A_44 = tpu.memref_slice %arg6[%multiple_of3A] : memref<163840xf32, #tpu.memory_space<hbm>> -> memref<512xf32, #tpu.memory_space<hbm>>
        tpu.enqueue_dma source(%dma_start3A_44 : memref<512xf32, #tpu.memory_space<hbm>>) target(%arg16 : memref<512xf32, #tpu.memory_space<vmem>>) target_semaphore(%run_scoped3A_43 : memref<!tpu.dma_semaphore, #tpu.memory_space<semaphore_mem>>)
        %dma_wait3A = tpu.memref_slice %arg6[%multiple_of3A] : memref<163840xf32, #tpu.memory_space<hbm>> -> memref<512xf32, #tpu.memory_space<hbm>>
        %dma_wait3A_45 = tpu.memref_slice %arg6[%multiple_of3A] : memref<163840xf32, #tpu.memory_space<hbm>> -> memref<512xf32, #tpu.memory_space<hbm>>
        tpu.wait_dma2 semaphore(%run_scoped3A_43 : memref<!tpu.dma_semaphore, #tpu.memory_space<semaphore_mem>>) src(%dma_wait3A_45 : memref<512xf32, #tpu.memory_space<hbm>>) dst(%arg16 : memref<512xf32, #tpu.memory_space<vmem>>)
        tpu.yield
      }) : () -> ()
      "tpu.region"() ({
        %run_scoped3A_43 = tpu.sem_alloc : memref<!tpu.dma_semaphore, #tpu.memory_space<semaphore_mem>>
        %dma_start3A = tpu.memref_slice %arg7[%multiple_of3A] : memref<163840xf32, #tpu.memory_space<hbm>> -> memref<512xf32, #tpu.memory_space<hbm>>
        %dma_start3A_44 = tpu.memref_slice %arg7[%multiple_of3A] : memref<163840xf32, #tpu.memory_space<hbm>> -> memref<512xf32, #tpu.memory_space<hbm>>
        tpu.enqueue_dma source(%dma_start3A_44 : memref<512xf32, #tpu.memory_space<hbm>>) target(%arg17 : memref<512xf32, #tpu.memory_space<vmem>>) target_semaphore(%run_scoped3A_43 : memref<!tpu.dma_semaphore, #tpu.memory_space<semaphore_mem>>)
        %dma_wait3A = tpu.memref_slice %arg7[%multiple_of3A] : memref<163840xf32, #tpu.memory_space<hbm>> -> memref<512xf32, #tpu.memory_space<hbm>>
        %dma_wait3A_45 = tpu.memref_slice %arg7[%multiple_of3A] : memref<163840xf32, #tpu.memory_space<hbm>> -> memref<512xf32, #tpu.memory_space<hbm>>
        tpu.wait_dma2 semaphore(%run_scoped3A_43 : memref<!tpu.dma_semaphore, #tpu.memory_space<semaphore_mem>>) src(%dma_wait3A_45 : memref<512xf32, #tpu.memory_space<hbm>>) dst(%arg17 : memref<512xf32, #tpu.memory_space<vmem>>)
        tpu.yield
      }) : () -> ()
      %scan3A_35 = arith.constant 0 : i32
      %scan3A_36 = arith.constant 0 : i32
      %scan3A_37 = arith.constant 32 : i32
      %scan3A_38 = arith.addi %scan3A_36, %scan3A_37 : i32
      %scan3A_39 = arith.constant 1 : i32
      %scan3A_40 = scf.for %scan3A_43 = %scan3A_36 to %scan3A_38 step %scan3A_39 iter_args(%scan3A_44 = %scan3A_35) -> (i32)  : i32 {
        %mul3A_45 = arith.constant 16 : i32
        %mul3A_46 = arith.muli %scan3A_43, %mul3A_45 : i32
        %multiple_of3A_47 = tpu.assume_multiple %mul3A_46, 16 : i32
        %get3A = arith.index_cast %multiple_of3A_47 : i32 to index
        %get3A_48 = tpu.vector_load %arg12[%get3A] {strides = array<i32>} : memref<512xi32, #tpu.memory_space<vmem>>, vector<16xi32>,
        %mul3A_49 = arith.constant 8 : i32
        %mul3A_50 = vector.broadcast %mul3A_49 : i32 to vector<16xi32>
        %mul3A_51 = arith.muli %get3A_48, %mul3A_50 : vector<16xi32>
        %get3A_52 = arith.index_cast %multiple_of3A_47 : i32 to index
        %get3A_53 = tpu.vector_load %arg13[%get3A_52] {strides = array<i32>} : memref<512xi32, #tpu.memory_space<vmem>>, vector<16xi32>,
        %mul3A_54 = arith.constant 2 : i32
        %mul3A_55 = vector.broadcast %mul3A_54 : i32 to vector<16xi32>
        %mul3A_56 = arith.muli %get3A_53, %mul3A_55 : vector<16xi32>
        %get3A_57 = arith.index_cast %multiple_of3A_47 : i32 to index
        %get3A_58 = tpu.vector_load %arg14[%get3A_57] {strides = array<i32>} : memref<512xf32, #tpu.memory_space<vmem>>, vector<16xf32>,
        %get3A_59 = arith.index_cast %multiple_of3A_47 : i32 to index
        %get3A_60 = tpu.vector_load %arg15[%get3A_59] {strides = array<i32>} : memref<512xf32, #tpu.memory_space<vmem>>, vector<16xf32>,
        %get3A_61 = arith.index_cast %multiple_of3A_47 : i32 to index
        %get3A_62 = tpu.vector_load %arg16[%get3A_61] {strides = array<i32>} : memref<512xf32, #tpu.memory_space<vmem>>, vector<16xf32>,
        %get3A_63 = arith.index_cast %multiple_of3A_47 : i32 to index
        %get3A_64 = tpu.vector_load %arg17[%get3A_63] {strides = array<i32>} : memref<512xf32, #tpu.memory_space<vmem>>, vector<16xf32>,
        %add3A_65 = arith.constant 0 : i32
        %add3A_66 = vector.broadcast %add3A_65 : i32 to vector<16xi32>
        %add3A_67 = arith.addi %mul3A_51, %add3A_66 : vector<16xi32>
        %gather3A = tpu.vector_load_idx %arg10[%add3A_67] : memref<80896xf32, #tpu.memory_space<vmem>>[vector<16xi32>], vector<16xf32>,
        %mul3A_68 = arith.mulf %get3A_58, %gather3A : vector<16xf32>
        %add3A_69 = arith.constant 2 : i32
        %add3A_70 = vector.broadcast %add3A_69 : i32 to vector<16xi32>
        %add3A_71 = arith.addi %mul3A_51, %add3A_70 : vector<16xi32>
        %gather3A_72 = tpu.vector_load_idx %arg10[%add3A_71] : memref<80896xf32, #tpu.memory_space<vmem>>[vector<16xi32>], vector<16xf32>,
        %mul3A_73 = arith.mulf %get3A_60, %gather3A_72 : vector<16xf32>
        %add3A_74 = arith.addf %mul3A_68, %mul3A_73 : vector<16xf32>
        %add3A_75 = arith.constant 4 : i32
        %add3A_76 = vector.broadcast %add3A_75 : i32 to vector<16xi32>
        %add3A_77 = arith.addi %mul3A_51, %add3A_76 : vector<16xi32>
        %gather3A_78 = tpu.vector_load_idx %arg10[%add3A_77] : memref<80896xf32, #tpu.memory_space<vmem>>[vector<16xi32>], vector<16xf32>,
        %mul3A_79 = arith.mulf %get3A_62, %gather3A_78 : vector<16xf32>
        %add3A_80 = arith.addf %add3A_74, %mul3A_79 : vector<16xf32>
        %add3A_81 = arith.constant 6 : i32
        %add3A_82 = vector.broadcast %add3A_81 : i32 to vector<16xi32>
        %add3A_83 = arith.addi %mul3A_51, %add3A_82 : vector<16xi32>
        %gather3A_84 = tpu.vector_load_idx %arg10[%add3A_83] : memref<80896xf32, #tpu.memory_space<vmem>>[vector<16xi32>], vector<16xf32>,
        %mul3A_85 = arith.mulf %get3A_64, %gather3A_84 : vector<16xf32>
        %add3A_86 = arith.addf %add3A_80, %mul3A_85 : vector<16xf32>
        %add3A_87 = arith.constant 0 : i32
        %add3A_88 = vector.broadcast %add3A_87 : i32 to vector<16xi32>
        %add3A_89 = arith.addi %mul3A_56, %add3A_88 : vector<16xi32>
        tpu.vector_store_idx %arg11[%add3A_89], %add3A_86 {add = true} : memref<20224xf32, #tpu.memory_space<vmem>>[vector<16xi32>], vector<16xf32>,
        %add3A_90 = arith.constant 1 : i32
        %add3A_91 = vector.broadcast %add3A_90 : i32 to vector<16xi32>
        %add3A_92 = arith.addi %mul3A_51, %add3A_91 : vector<16xi32>
        %gather3A_93 = tpu.vector_load_idx %arg10[%add3A_92] : memref<80896xf32, #tpu.memory_space<vmem>>[vector<16xi32>], vector<16xf32>,
        %mul3A_94 = arith.mulf %get3A_58, %gather3A_93 : vector<16xf32>
        %add3A_95 = arith.constant 3 : i32
        %add3A_96 = vector.broadcast %add3A_95 : i32 to vector<16xi32>
        %add3A_97 = arith.addi %mul3A_51, %add3A_96 : vector<16xi32>
        %gather3A_98 = tpu.vector_load_idx %arg10[%add3A_97] : memref<80896xf32, #tpu.memory_space<vmem>>[vector<16xi32>], vector<16xf32>,
        %mul3A_99 = arith.mulf %get3A_60, %gather3A_98 : vector<16xf32>
        %add3A_100 = arith.addf %mul3A_94, %mul3A_99 : vector<16xf32>
        %add3A_101 = arith.constant 5 : i32
        %add3A_102 = vector.broadcast %add3A_101 : i32 to vector<16xi32>
        %add3A_103 = arith.addi %mul3A_51, %add3A_102 : vector<16xi32>
        %gather3A_104 = tpu.vector_load_idx %arg10[%add3A_103] : memref<80896xf32, #tpu.memory_space<vmem>>[vector<16xi32>], vector<16xf32>,
        %mul3A_105 = arith.mulf %get3A_62, %gather3A_104 : vector<16xf32>
        %add3A_106 = arith.addf %add3A_100, %mul3A_105 : vector<16xf32>
        %add3A_107 = arith.constant 7 : i32
        %add3A_108 = vector.broadcast %add3A_107 : i32 to vector<16xi32>
        %add3A_109 = arith.addi %mul3A_51, %add3A_108 : vector<16xi32>
        %gather3A_110 = tpu.vector_load_idx %arg10[%add3A_109] : memref<80896xf32, #tpu.memory_space<vmem>>[vector<16xi32>], vector<16xf32>,
        %mul3A_111 = arith.mulf %get3A_64, %gather3A_110 : vector<16xf32>
        %add3A_112 = arith.addf %add3A_106, %mul3A_111 : vector<16xf32>
        %add3A_113 = arith.constant 1 : i32
        %add3A_114 = vector.broadcast %add3A_113 : i32 to vector<16xi32>
        %add3A_115 = arith.addi %mul3A_56, %add3A_114 : vector<16xi32>
        tpu.vector_store_idx %arg11[%add3A_115], %add3A_112 {add = true} : memref<20224xf32, #tpu.memory_space<vmem>>[vector<16xi32>], vector<16xf32>,
        %scan3A_116 = arith.constant 0 : i32
        scf.yield %scan3A_116 : i32
      }
      %scan3A_41 = arith.constant 32 : i32
      %scan3A_42 = arith.constant 0 : i32
      scf.yield %scan3A_42 : i32
    }
    %scan3A_13 = arith.constant 320 : i32
    %run_scoped3A_14 = arith.constant 0 : i32
    "tpu.region"() ({
      %run_scoped3A_31 = tpu.sem_alloc : memref<!tpu.dma_semaphore, #tpu.memory_space<semaphore_mem>>
      %dma_start3A = arith.constant 0 : i32
      %dma_start3A_32 = tpu.memref_slice %arg9[%run_scoped3A_14, %add3A, %dma_start3A] : memref<2x32x20224xf32, #tpu.memory_space<hbm>> -> memref<1x1x20224xf32, #tpu.memory_space<hbm>>
      %dma_start3A_33 = tpu.memref_squeeze %dma_start3A_32 : memref<1x1x20224xf32, #tpu.memory_space<hbm>> -> memref<20224xf32, #tpu.memory_space<hbm>>
      %dma_start3A_34 = arith.constant 0 : i32
      %dma_start3A_35 = tpu.memref_slice %arg9[%run_scoped3A_14, %add3A, %dma_start3A_34] : memref<2x32x20224xf32, #tpu.memory_space<hbm>> -> memref<1x1x20224xf32, #tpu.memory_space<hbm>>
      %dma_start3A_36 = tpu.memref_squeeze %dma_start3A_35 : memref<1x1x20224xf32, #tpu.memory_space<hbm>> -> memref<20224xf32, #tpu.memory_space<hbm>>
      tpu.enqueue_dma source(%arg11 : memref<20224xf32, #tpu.memory_space<vmem>>) target(%dma_start3A_36 : memref<20224xf32, #tpu.memory_space<hbm>>) target_semaphore(%run_scoped3A_31 : memref<!tpu.dma_semaphore, #tpu.memory_space<semaphore_mem>>)
      %dma_wait3A = arith.constant 0 : i32
      %dma_wait3A_37 = tpu.memref_slice %arg9[%run_scoped3A_14, %add3A, %dma_wait3A] : memref<2x32x20224xf32, #tpu.memory_space<hbm>> -> memref<1x1x20224xf32, #tpu.memory_space<hbm>>
      %dma_wait3A_38 = tpu.memref_squeeze %dma_wait3A_37 : memref<1x1x20224xf32, #tpu.memory_space<hbm>> -> memref<20224xf32, #tpu.memory_space<hbm>>
      %dma_wait3A_39 = arith.constant 0 : i32
      %dma_wait3A_40 = tpu.memref_slice %arg9[%run_scoped3A_14, %add3A, %dma_wait3A_39] : memref<2x32x20224xf32, #tpu.memory_space<hbm>> -> memref<1x1x20224xf32, #tpu.memory_space<hbm>>
      %dma_wait3A_41 = tpu.memref_squeeze %dma_wait3A_40 : memref<1x1x20224xf32, #tpu.memory_space<hbm>> -> memref<20224xf32, #tpu.memory_space<hbm>>
      tpu.wait_dma2 semaphore(%run_scoped3A_31 : memref<!tpu.dma_semaphore, #tpu.memory_space<semaphore_mem>>) src(%arg11 : memref<20224xf32, #tpu.memory_space<vmem>>) dst(%dma_wait3A_41 : memref<20224xf32, #tpu.memory_space<hbm>>)
      tpu.yield
    }) : () -> ()
    %run_scoped3A_15 = arith.constant 1 : i32
    "tpu.region"() ({
      %run_scoped3A_31 = tpu.sem_alloc : memref<!tpu.dma_semaphore, #tpu.memory_space<semaphore_mem>>
      %dma_start3A = arith.constant 0 : i32
      %dma_start3A_32 = tpu.memref_slice %arg8[%run_scoped3A_15, %add3A, %dma_start3A] : memref<2x32x80896xf32, #tpu.memory_space<hbm>> -> memref<1x1x80896xf32, #tpu.memory_space<hbm>>
      %dma_start3A_33 = tpu.memref_squeeze %dma_start3A_32 : memref<1x1x80896xf32, #tpu.memory_space<hbm>> -> memref<80896xf32, #tpu.memory_space<hbm>>
      %dma_start3A_34 = arith.constant 0 : i32
      %dma_start3A_35 = tpu.memref_slice %arg8[%run_scoped3A_15, %add3A, %dma_start3A_34] : memref<2x32x80896xf32, #tpu.memory_space<hbm>> -> memref<1x1x80896xf32, #tpu.memory_space<hbm>>
      %dma_start3A_36 = tpu.memref_squeeze %dma_start3A_35 : memref<1x1x80896xf32, #tpu.memory_space<hbm>> -> memref<80896xf32, #tpu.memory_space<hbm>>
      tpu.enqueue_dma source(%dma_start3A_36 : memref<80896xf32, #tpu.memory_space<hbm>>) target(%arg10 : memref<80896xf32, #tpu.memory_space<vmem>>) target_semaphore(%run_scoped3A_31 : memref<!tpu.dma_semaphore, #tpu.memory_space<semaphore_mem>>)
      %dma_wait3A = arith.constant 0 : i32
      %dma_wait3A_37 = tpu.memref_slice %arg8[%run_scoped3A_15, %add3A, %dma_wait3A] : memref<2x32x80896xf32, #tpu.memory_space<hbm>> -> memref<1x1x80896xf32, #tpu.memory_space<hbm>>
      %dma_wait3A_38 = tpu.memref_squeeze %dma_wait3A_37 : memref<1x1x80896xf32, #tpu.memory_space<hbm>> -> memref<80896xf32, #tpu.memory_space<hbm>>
      %dma_wait3A_39 = arith.constant 0 : i32
      %dma_wait3A_40 = tpu.memref_slice %arg8[%run_scoped3A_15, %add3A, %dma_wait3A_39] : memref<2x32x80896xf32, #tpu.memory_space<hbm>> -> memref<1x1x80896xf32, #tpu.memory_space<hbm>>
      %dma_wait3A_41 = tpu.memref_squeeze %dma_wait3A_40 : memref<1x1x80896xf32, #tpu.memory_space<hbm>> -> memref<80896xf32, #tpu.memory_space<hbm>>
      tpu.wait_dma2 semaphore(%run_scoped3A_31 : memref<!tpu.dma_semaphore, #tpu.memory_space<semaphore_mem>>) src(%dma_wait3A_41 : memref<80896xf32, #tpu.memory_space<hbm>>) dst(%arg10 : memref<80896xf32, #tpu.memory_space<vmem>>)
      tpu.yield
    }) : () -> ()
    %scan3A_16 = arith.constant 0 : i32
    %scan3A_17 = arith.constant 0 : i32
    %scan3A_18 = arith.constant 1264 : i32
    %scan3A_19 = arith.addi %scan3A_17, %scan3A_18 : i32
    %scan3A_20 = arith.constant 1 : i32
    %scan3A_21 = scf.for %scan3A_31 = %scan3A_17 to %scan3A_19 step %scan3A_20 iter_args(%scan3A_32 = %scan3A_16) -> (i32)  : i32 {
      %broadcast_in_dim3A = arith.constant 0.000000e+00 : f32
      %broadcast_in_dim3A_33 = vector.broadcast %broadcast_in_dim3A : f32 to vector<16xf32>
      %mul3A_34 = arith.constant 16 : i32
      %mul3A_35 = arith.muli %scan3A_31, %mul3A_34 : i32
      %multiple_of3A = tpu.assume_multiple %mul3A_35, 16 : i32
      %swap3A = arith.index_cast %multiple_of3A : i32 to index
      %swap3A_36 = tpu.vector_load %arg11[%swap3A] {strides = array<i32>} : memref<20224xf32, #tpu.memory_space<vmem>>, vector<16xf32>,
      tpu.vector_store %arg11[%swap3A], %broadcast_in_dim3A_33 {strides = array<i32>} : memref<20224xf32, #tpu.memory_space<vmem>>, vector<16xf32>,
      %scan3A_37 = arith.constant 0 : i32
      scf.yield %scan3A_37 : i32
    }
    %scan3A_22 = arith.constant 1264 : i32
    %scan3A_23 = arith.constant 0 : i32
    %scan3A_24 = arith.constant 0 : i32
    %scan3A_25 = arith.constant 320 : i32
    %scan3A_26 = arith.addi %scan3A_24, %scan3A_25 : i32
    %scan3A_27 = arith.constant 1 : i32
    %scan3A_28 = scf.for %scan3A_31 = %scan3A_24 to %scan3A_26 step %scan3A_27 iter_args(%scan3A_32 = %scan3A_23) -> (i32)  : i32 {
      %mul3A_33 = arith.constant 512 : i32
      %mul3A_34 = arith.muli %scan3A_31, %mul3A_33 : i32
      %multiple_of3A = tpu.assume_multiple %mul3A_34, 512 : i32
      "tpu.region"() ({
        %run_scoped3A_43 = tpu.sem_alloc : memref<!tpu.dma_semaphore, #tpu.memory_space<semaphore_mem>>
        %dma_start3A = tpu.memref_slice %arg2[%multiple_of3A] : memref<163840xi32, #tpu.memory_space<hbm>> -> memref<512xi32, #tpu.memory_space<hbm>>
        %dma_start3A_44 = tpu.memref_slice %arg2[%multiple_of3A] : memref<163840xi32, #tpu.memory_space<hbm>> -> memref<512xi32, #tpu.memory_space<hbm>>
        tpu.enqueue_dma source(%dma_start3A_44 : memref<512xi32, #tpu.memory_space<hbm>>) target(%arg12 : memref<512xi32, #tpu.memory_space<vmem>>) target_semaphore(%run_scoped3A_43 : memref<!tpu.dma_semaphore, #tpu.memory_space<semaphore_mem>>)
        %dma_wait3A = tpu.memref_slice %arg2[%multiple_of3A] : memref<163840xi32, #tpu.memory_space<hbm>> -> memref<512xi32, #tpu.memory_space<hbm>>
        %dma_wait3A_45 = tpu.memref_slice %arg2[%multiple_of3A] : memref<163840xi32, #tpu.memory_space<hbm>> -> memref<512xi32, #tpu.memory_space<hbm>>
        tpu.wait_dma2 semaphore(%run_scoped3A_43 : memref<!tpu.dma_semaphore, #tpu.memory_space<semaphore_mem>>) src(%dma_wait3A_45 : memref<512xi32, #tpu.memory_space<hbm>>) dst(%arg12 : memref<512xi32, #tpu.memory_space<vmem>>)
        tpu.yield
      }) : () -> ()
      "tpu.region"() ({
        %run_scoped3A_43 = tpu.sem_alloc : memref<!tpu.dma_semaphore, #tpu.memory_space<semaphore_mem>>
        %dma_start3A = tpu.memref_slice %arg3[%multiple_of3A] : memref<163840xi32, #tpu.memory_space<hbm>> -> memref<512xi32, #tpu.memory_space<hbm>>
        %dma_start3A_44 = tpu.memref_slice %arg3[%multiple_of3A] : memref<163840xi32, #tpu.memory_space<hbm>> -> memref<512xi32, #tpu.memory_space<hbm>>
        tpu.enqueue_dma source(%dma_start3A_44 : memref<512xi32, #tpu.memory_space<hbm>>) target(%arg13 : memref<512xi32, #tpu.memory_space<vmem>>) target_semaphore(%run_scoped3A_43 : memref<!tpu.dma_semaphore, #tpu.memory_space<semaphore_mem>>)
        %dma_wait3A = tpu.memref_slice %arg3[%multiple_of3A] : memref<163840xi32, #tpu.memory_space<hbm>> -> memref<512xi32, #tpu.memory_space<hbm>>
        %dma_wait3A_45 = tpu.memref_slice %arg3[%multiple_of3A] : memref<163840xi32, #tpu.memory_space<hbm>> -> memref<512xi32, #tpu.memory_space<hbm>>
        tpu.wait_dma2 semaphore(%run_scoped3A_43 : memref<!tpu.dma_semaphore, #tpu.memory_space<semaphore_mem>>) src(%dma_wait3A_45 : memref<512xi32, #tpu.memory_space<hbm>>) dst(%arg13 : memref<512xi32, #tpu.memory_space<vmem>>)
        tpu.yield
      }) : () -> ()
      "tpu.region"() ({
        %run_scoped3A_43 = tpu.sem_alloc : memref<!tpu.dma_semaphore, #tpu.memory_space<semaphore_mem>>
        %dma_start3A = tpu.memref_slice %arg4[%multiple_of3A] : memref<163840xf32, #tpu.memory_space<hbm>> -> memref<512xf32, #tpu.memory_space<hbm>>
        %dma_start3A_44 = tpu.memref_slice %arg4[%multiple_of3A] : memref<163840xf32, #tpu.memory_space<hbm>> -> memref<512xf32, #tpu.memory_space<hbm>>
        tpu.enqueue_dma source(%dma_start3A_44 : memref<512xf32, #tpu.memory_space<hbm>>) target(%arg14 : memref<512xf32, #tpu.memory_space<vmem>>) target_semaphore(%run_scoped3A_43 : memref<!tpu.dma_semaphore, #tpu.memory_space<semaphore_mem>>)
        %dma_wait3A = tpu.memref_slice %arg4[%multiple_of3A] : memref<163840xf32, #tpu.memory_space<hbm>> -> memref<512xf32, #tpu.memory_space<hbm>>
        %dma_wait3A_45 = tpu.memref_slice %arg4[%multiple_of3A] : memref<163840xf32, #tpu.memory_space<hbm>> -> memref<512xf32, #tpu.memory_space<hbm>>
        tpu.wait_dma2 semaphore(%run_scoped3A_43 : memref<!tpu.dma_semaphore, #tpu.memory_space<semaphore_mem>>) src(%dma_wait3A_45 : memref<512xf32, #tpu.memory_space<hbm>>) dst(%arg14 : memref<512xf32, #tpu.memory_space<vmem>>)
        tpu.yield
      }) : () -> ()
      "tpu.region"() ({
        %run_scoped3A_43 = tpu.sem_alloc : memref<!tpu.dma_semaphore, #tpu.memory_space<semaphore_mem>>
        %dma_start3A = tpu.memref_slice %arg5[%multiple_of3A] : memref<163840xf32, #tpu.memory_space<hbm>> -> memref<512xf32, #tpu.memory_space<hbm>>
        %dma_start3A_44 = tpu.memref_slice %arg5[%multiple_of3A] : memref<163840xf32, #tpu.memory_space<hbm>> -> memref<512xf32, #tpu.memory_space<hbm>>
        tpu.enqueue_dma source(%dma_start3A_44 : memref<512xf32, #tpu.memory_space<hbm>>) target(%arg15 : memref<512xf32, #tpu.memory_space<vmem>>) target_semaphore(%run_scoped3A_43 : memref<!tpu.dma_semaphore, #tpu.memory_space<semaphore_mem>>)
        %dma_wait3A = tpu.memref_slice %arg5[%multiple_of3A] : memref<163840xf32, #tpu.memory_space<hbm>> -> memref<512xf32, #tpu.memory_space<hbm>>
        %dma_wait3A_45 = tpu.memref_slice %arg5[%multiple_of3A] : memref<163840xf32, #tpu.memory_space<hbm>> -> memref<512xf32, #tpu.memory_space<hbm>>
        tpu.wait_dma2 semaphore(%run_scoped3A_43 : memref<!tpu.dma_semaphore, #tpu.memory_space<semaphore_mem>>) src(%dma_wait3A_45 : memref<512xf32, #tpu.memory_space<hbm>>) dst(%arg15 : memref<512xf32, #tpu.memory_space<vmem>>)
        tpu.yield
      }) : () -> ()
      "tpu.region"() ({
        %run_scoped3A_43 = tpu.sem_alloc : memref<!tpu.dma_semaphore, #tpu.memory_space<semaphore_mem>>
        %dma_start3A = tpu.memref_slice %arg6[%multiple_of3A] : memref<163840xf32, #tpu.memory_space<hbm>> -> memref<512xf32, #tpu.memory_space<hbm>>
        %dma_start3A_44 = tpu.memref_slice %arg6[%multiple_of3A] : memref<163840xf32, #tpu.memory_space<hbm>> -> memref<512xf32, #tpu.memory_space<hbm>>
        tpu.enqueue_dma source(%dma_start3A_44 : memref<512xf32, #tpu.memory_space<hbm>>) target(%arg16 : memref<512xf32, #tpu.memory_space<vmem>>) target_semaphore(%run_scoped3A_43 : memref<!tpu.dma_semaphore, #tpu.memory_space<semaphore_mem>>)
        %dma_wait3A = tpu.memref_slice %arg6[%multiple_of3A] : memref<163840xf32, #tpu.memory_space<hbm>> -> memref<512xf32, #tpu.memory_space<hbm>>
        %dma_wait3A_45 = tpu.memref_slice %arg6[%multiple_of3A] : memref<163840xf32, #tpu.memory_space<hbm>> -> memref<512xf32, #tpu.memory_space<hbm>>
        tpu.wait_dma2 semaphore(%run_scoped3A_43 : memref<!tpu.dma_semaphore, #tpu.memory_space<semaphore_mem>>) src(%dma_wait3A_45 : memref<512xf32, #tpu.memory_space<hbm>>) dst(%arg16 : memref<512xf32, #tpu.memory_space<vmem>>)
        tpu.yield
      }) : () -> ()
      "tpu.region"() ({
        %run_scoped3A_43 = tpu.sem_alloc : memref<!tpu.dma_semaphore, #tpu.memory_space<semaphore_mem>>
        %dma_start3A = tpu.memref_slice %arg7[%multiple_of3A] : memref<163840xf32, #tpu.memory_space<hbm>> -> memref<512xf32, #tpu.memory_space<hbm>>
        %dma_start3A_44 = tpu.memref_slice %arg7[%multiple_of3A] : memref<163840xf32, #tpu.memory_space<hbm>> -> memref<512xf32, #tpu.memory_space<hbm>>
        tpu.enqueue_dma source(%dma_start3A_44 : memref<512xf32, #tpu.memory_space<hbm>>) target(%arg17 : memref<512xf32, #tpu.memory_space<vmem>>) target_semaphore(%run_scoped3A_43 : memref<!tpu.dma_semaphore, #tpu.memory_space<semaphore_mem>>)
        %dma_wait3A = tpu.memref_slice %arg7[%multiple_of3A] : memref<163840xf32, #tpu.memory_space<hbm>> -> memref<512xf32, #tpu.memory_space<hbm>>
        %dma_wait3A_45 = tpu.memref_slice %arg7[%multiple_of3A] : memref<163840xf32, #tpu.memory_space<hbm>> -> memref<512xf32, #tpu.memory_space<hbm>>
        tpu.wait_dma2 semaphore(%run_scoped3A_43 : memref<!tpu.dma_semaphore, #tpu.memory_space<semaphore_mem>>) src(%dma_wait3A_45 : memref<512xf32, #tpu.memory_space<hbm>>) dst(%arg17 : memref<512xf32, #tpu.memory_space<vmem>>)
        tpu.yield
      }) : () -> ()
      %scan3A_35 = arith.constant 0 : i32
      %scan3A_36 = arith.constant 0 : i32
      %scan3A_37 = arith.constant 32 : i32
      %scan3A_38 = arith.addi %scan3A_36, %scan3A_37 : i32
      %scan3A_39 = arith.constant 1 : i32
      %scan3A_40 = scf.for %scan3A_43 = %scan3A_36 to %scan3A_38 step %scan3A_39 iter_args(%scan3A_44 = %scan3A_35) -> (i32)  : i32 {
        %mul3A_45 = arith.constant 16 : i32
        %mul3A_46 = arith.muli %scan3A_43, %mul3A_45 : i32
        %multiple_of3A_47 = tpu.assume_multiple %mul3A_46, 16 : i32
        %get3A = arith.index_cast %multiple_of3A_47 : i32 to index
        %get3A_48 = tpu.vector_load %arg12[%get3A] {strides = array<i32>} : memref<512xi32, #tpu.memory_space<vmem>>, vector<16xi32>,
        %mul3A_49 = arith.constant 8 : i32
        %mul3A_50 = vector.broadcast %mul3A_49 : i32 to vector<16xi32>
        %mul3A_51 = arith.muli %get3A_48, %mul3A_50 : vector<16xi32>
        %get3A_52 = arith.index_cast %multiple_of3A_47 : i32 to index
        %get3A_53 = tpu.vector_load %arg13[%get3A_52] {strides = array<i32>} : memref<512xi32, #tpu.memory_space<vmem>>, vector<16xi32>,
        %mul3A_54 = arith.constant 2 : i32
        %mul3A_55 = vector.broadcast %mul3A_54 : i32 to vector<16xi32>
        %mul3A_56 = arith.muli %get3A_53, %mul3A_55 : vector<16xi32>
        %get3A_57 = arith.index_cast %multiple_of3A_47 : i32 to index
        %get3A_58 = tpu.vector_load %arg14[%get3A_57] {strides = array<i32>} : memref<512xf32, #tpu.memory_space<vmem>>, vector<16xf32>,
        %get3A_59 = arith.index_cast %multiple_of3A_47 : i32 to index
        %get3A_60 = tpu.vector_load %arg15[%get3A_59] {strides = array<i32>} : memref<512xf32, #tpu.memory_space<vmem>>, vector<16xf32>,
        %get3A_61 = arith.index_cast %multiple_of3A_47 : i32 to index
        %get3A_62 = tpu.vector_load %arg16[%get3A_61] {strides = array<i32>} : memref<512xf32, #tpu.memory_space<vmem>>, vector<16xf32>,
        %get3A_63 = arith.index_cast %multiple_of3A_47 : i32 to index
        %get3A_64 = tpu.vector_load %arg17[%get3A_63] {strides = array<i32>} : memref<512xf32, #tpu.memory_space<vmem>>, vector<16xf32>,
        %add3A_65 = arith.constant 0 : i32
        %add3A_66 = vector.broadcast %add3A_65 : i32 to vector<16xi32>
        %add3A_67 = arith.addi %mul3A_51, %add3A_66 : vector<16xi32>
        %gather3A = tpu.vector_load_idx %arg10[%add3A_67] : memref<80896xf32, #tpu.memory_space<vmem>>[vector<16xi32>], vector<16xf32>,
        %mul3A_68 = arith.mulf %get3A_58, %gather3A : vector<16xf32>
        %add3A_69 = arith.constant 2 : i32
        %add3A_70 = vector.broadcast %add3A_69 : i32 to vector<16xi32>
        %add3A_71 = arith.addi %mul3A_51, %add3A_70 : vector<16xi32>
        %gather3A_72 = tpu.vector_load_idx %arg10[%add3A_71] : memref<80896xf32, #tpu.memory_space<vmem>>[vector<16xi32>], vector<16xf32>,
        %mul3A_73 = arith.mulf %get3A_60, %gather3A_72 : vector<16xf32>
        %add3A_74 = arith.addf %mul3A_68, %mul3A_73 : vector<16xf32>
        %add3A_75 = arith.constant 4 : i32
        %add3A_76 = vector.broadcast %add3A_75 : i32 to vector<16xi32>
        %add3A_77 = arith.addi %mul3A_51, %add3A_76 : vector<16xi32>
        %gather3A_78 = tpu.vector_load_idx %arg10[%add3A_77] : memref<80896xf32, #tpu.memory_space<vmem>>[vector<16xi32>], vector<16xf32>,
        %mul3A_79 = arith.mulf %get3A_62, %gather3A_78 : vector<16xf32>
        %add3A_80 = arith.addf %add3A_74, %mul3A_79 : vector<16xf32>
        %add3A_81 = arith.constant 6 : i32
        %add3A_82 = vector.broadcast %add3A_81 : i32 to vector<16xi32>
        %add3A_83 = arith.addi %mul3A_51, %add3A_82 : vector<16xi32>
        %gather3A_84 = tpu.vector_load_idx %arg10[%add3A_83] : memref<80896xf32, #tpu.memory_space<vmem>>[vector<16xi32>], vector<16xf32>,
        %mul3A_85 = arith.mulf %get3A_64, %gather3A_84 : vector<16xf32>
        %add3A_86 = arith.addf %add3A_80, %mul3A_85 : vector<16xf32>
        %add3A_87 = arith.constant 0 : i32
        %add3A_88 = vector.broadcast %add3A_87 : i32 to vector<16xi32>
        %add3A_89 = arith.addi %mul3A_56, %add3A_88 : vector<16xi32>
        tpu.vector_store_idx %arg11[%add3A_89], %add3A_86 {add = true} : memref<20224xf32, #tpu.memory_space<vmem>>[vector<16xi32>], vector<16xf32>,
        %add3A_90 = arith.constant 1 : i32
        %add3A_91 = vector.broadcast %add3A_90 : i32 to vector<16xi32>
        %add3A_92 = arith.addi %mul3A_51, %add3A_91 : vector<16xi32>
        %gather3A_93 = tpu.vector_load_idx %arg10[%add3A_92] : memref<80896xf32, #tpu.memory_space<vmem>>[vector<16xi32>], vector<16xf32>,
        %mul3A_94 = arith.mulf %get3A_58, %gather3A_93 : vector<16xf32>
        %add3A_95 = arith.constant 3 : i32
        %add3A_96 = vector.broadcast %add3A_95 : i32 to vector<16xi32>
        %add3A_97 = arith.addi %mul3A_51, %add3A_96 : vector<16xi32>
        %gather3A_98 = tpu.vector_load_idx %arg10[%add3A_97] : memref<80896xf32, #tpu.memory_space<vmem>>[vector<16xi32>], vector<16xf32>,
        %mul3A_99 = arith.mulf %get3A_60, %gather3A_98 : vector<16xf32>
        %add3A_100 = arith.addf %mul3A_94, %mul3A_99 : vector<16xf32>
        %add3A_101 = arith.constant 5 : i32
        %add3A_102 = vector.broadcast %add3A_101 : i32 to vector<16xi32>
        %add3A_103 = arith.addi %mul3A_51, %add3A_102 : vector<16xi32>
        %gather3A_104 = tpu.vector_load_idx %arg10[%add3A_103] : memref<80896xf32, #tpu.memory_space<vmem>>[vector<16xi32>], vector<16xf32>,
        %mul3A_105 = arith.mulf %get3A_62, %gather3A_104 : vector<16xf32>
        %add3A_106 = arith.addf %add3A_100, %mul3A_105 : vector<16xf32>
        %add3A_107 = arith.constant 7 : i32
        %add3A_108 = vector.broadcast %add3A_107 : i32 to vector<16xi32>
        %add3A_109 = arith.addi %mul3A_51, %add3A_108 : vector<16xi32>
        %gather3A_110 = tpu.vector_load_idx %arg10[%add3A_109] : memref<80896xf32, #tpu.memory_space<vmem>>[vector<16xi32>], vector<16xf32>,
        %mul3A_111 = arith.mulf %get3A_64, %gather3A_110 : vector<16xf32>
        %add3A_112 = arith.addf %add3A_106, %mul3A_111 : vector<16xf32>
        %add3A_113 = arith.constant 1 : i32
        %add3A_114 = vector.broadcast %add3A_113 : i32 to vector<16xi32>
        %add3A_115 = arith.addi %mul3A_56, %add3A_114 : vector<16xi32>
        tpu.vector_store_idx %arg11[%add3A_115], %add3A_112 {add = true} : memref<20224xf32, #tpu.memory_space<vmem>>[vector<16xi32>], vector<16xf32>,
        %scan3A_116 = arith.constant 0 : i32
        scf.yield %scan3A_116 : i32
      }
      %scan3A_41 = arith.constant 32 : i32
      %scan3A_42 = arith.constant 0 : i32
      scf.yield %scan3A_42 : i32
    }
    %scan3A_29 = arith.constant 320 : i32
    %run_scoped3A_30 = arith.constant 1 : i32
    "tpu.region"() ({
      %run_scoped3A_31 = tpu.sem_alloc : memref<!tpu.dma_semaphore, #tpu.memory_space<semaphore_mem>>
      %dma_start3A = arith.constant 0 : i32
      %dma_start3A_32 = tpu.memref_slice %arg9[%run_scoped3A_30, %add3A, %dma_start3A] : memref<2x32x20224xf32, #tpu.memory_space<hbm>> -> memref<1x1x20224xf32, #tpu.memory_space<hbm>>
      %dma_start3A_33 = tpu.memref_squeeze %dma_start3A_32 : memref<1x1x20224xf32, #tpu.memory_space<hbm>> -> memref<20224xf32, #tpu.memory_space<hbm>>
      %dma_start3A_34 = arith.constant 0 : i32
      %dma_start3A_35 = tpu.memref_slice %arg9[%run_scoped3A_30, %add3A, %dma_start3A_34] : memref<2x32x20224xf32, #tpu.memory_space<hbm>> -> memref<1x1x20224xf32, #tpu.memory_space<hbm>>
      %dma_start3A_36 = tpu.memref_squeeze %dma_start3A_35 : memref<1x1x20224xf32, #tpu.memory_space<hbm>> -> memref<20224xf32, #tpu.memory_space<hbm>>
      tpu.enqueue_dma source(%arg11 : memref<20224xf32, #tpu.memory_space<vmem>>) target(%dma_start3A_36 : memref<20224xf32, #tpu.memory_space<hbm>>) target_semaphore(%run_scoped3A_31 : memref<!tpu.dma_semaphore, #tpu.memory_space<semaphore_mem>>)
      %dma_wait3A = arith.constant 0 : i32
      %dma_wait3A_37 = tpu.memref_slice %arg9[%run_scoped3A_30, %add3A, %dma_wait3A] : memref<2x32x20224xf32, #tpu.memory_space<hbm>> -> memref<1x1x20224xf32, #tpu.memory_space<hbm>>
      %dma_wait3A_38 = tpu.memref_squeeze %dma_wait3A_37 : memref<1x1x20224xf32, #tpu.memory_space<hbm>> -> memref<20224xf32, #tpu.memory_space<hbm>>
      %dma_wait3A_39 = arith.constant 0 : i32
      %dma_wait3A_40 = tpu.memref_slice %arg9[%run_scoped3A_30, %add3A, %dma_wait3A_39] : memref<2x32x20224xf32, #tpu.memory_space<hbm>> -> memref<1x1x20224xf32, #tpu.memory_space<hbm>>
      %dma_wait3A_41 = tpu.memref_squeeze %dma_wait3A_40 : memref<1x1x20224xf32, #tpu.memory_space<hbm>> -> memref<20224xf32, #tpu.memory_space<hbm>>
      tpu.wait_dma2 semaphore(%run_scoped3A_31 : memref<!tpu.dma_semaphore, #tpu.memory_space<semaphore_mem>>) src(%arg11 : memref<20224xf32, #tpu.memory_space<vmem>>) dst(%dma_wait3A_41 : memref<20224xf32, #tpu.memory_space<hbm>>)
      tpu.yield
    }) : () -> ()
    return
  }
}

#map = affine_map<(d0, d1) -> (0)>
module attributes {stable_mosaic.version = 14 : i64} {
  func.func @_scb_body(%arg0: i32, %arg1: i32, %arg2: memref<163840xi32, #tpu.memory_space<hbm>>, %arg3: memref<163840xf32, #tpu.memory_space<hbm>>, %arg4: memref<163840xf32, #tpu.memory_space<hbm>>, %arg5: memref<163840xf32, #tpu.memory_space<hbm>>, %arg6: memref<163840xf32, #tpu.memory_space<hbm>>, %arg7: memref<40448xf32, #tpu.memory_space<hbm>>, %arg8: memref<163840xf32, #tpu.memory_space<hbm>>, %arg9: memref<163840xf32, #tpu.memory_space<hbm>>, %arg10: memref<163840xf32, #tpu.memory_space<hbm>>, %arg11: memref<163840xf32, #tpu.memory_space<hbm>>, %arg12: memref<40448xf32, #tpu.memory_space<vmem>>, %arg13: memref<512xi32, #tpu.memory_space<vmem>>, %arg14: memref<512xf32, #tpu.memory_space<vmem>>, %arg15: memref<512xf32, #tpu.memory_space<vmem>>, %arg16: memref<512xf32, #tpu.memory_space<vmem>>, %arg17: memref<512xf32, #tpu.memory_space<vmem>>, %arg18: memref<512xf32, #tpu.memory_space<vmem>>, %arg19: memref<512xf32, #tpu.memory_space<vmem>>, %arg20: memref<512xf32, #tpu.memory_space<vmem>>, %arg21: memref<512xf32, #tpu.memory_space<vmem>>) attributes {dimension_semantics = [#tpu.dimension_semantics<core_parallel>, #tpu.dimension_semantics<subcore_parallel>], iteration_bounds = array<i64: 2, 16>, scalar_prefetch = 0 : i64, scratch_operands = 10 : i64, tpu.core_type = #tpu.core_type<sc_vector_subcore>, window_params = [{transform_indices = #map}, {transform_indices = #map}, {transform_indices = #map}, {transform_indices = #map}, {transform_indices = #map}, {transform_indices = #map}, {transform_indices = #map}, {transform_indices = #map}, {transform_indices = #map}, {transform_indices = #map}]} {
    %mul3A = arith.constant 2 : i32
    %mul3A_0 = arith.muli %arg1, %mul3A : i32
    %add3A = arith.addi %mul3A_0, %arg0 : i32
    "tpu.region"() ({
      %run_scoped3A = tpu.sem_alloc : memref<!tpu.dma_semaphore, #tpu.memory_space<semaphore_mem>>
      tpu.enqueue_dma source(%arg7 : memref<40448xf32, #tpu.memory_space<hbm>>) target(%arg12 : memref<40448xf32, #tpu.memory_space<vmem>>) target_semaphore(%run_scoped3A : memref<!tpu.dma_semaphore, #tpu.memory_space<semaphore_mem>>)
      tpu.wait_dma2 semaphore(%run_scoped3A : memref<!tpu.dma_semaphore, #tpu.memory_space<semaphore_mem>>) src(%arg7 : memref<40448xf32, #tpu.memory_space<hbm>>) dst(%arg12 : memref<40448xf32, #tpu.memory_space<vmem>>)
      tpu.yield
    }) : () -> ()
    %scan3A = arith.constant 0 : i32
    %scan3A_1 = arith.constant 0 : i32
    %scan3A_2 = arith.constant 10 : i32
    %scan3A_3 = arith.addi %scan3A_1, %scan3A_2 : i32
    %scan3A_4 = arith.constant 1 : i32
    %scan3A_5 = scf.for %scan3A_7 = %scan3A_1 to %scan3A_3 step %scan3A_4 iter_args(%scan3A_8 = %scan3A) -> (i32)  : i32 {
      %mul3A_9 = arith.constant 5120 : i32
      %mul3A_10 = arith.muli %add3A, %mul3A_9 : i32
      %mul3A_11 = arith.constant 512 : i32
      %mul3A_12 = arith.muli %scan3A_7, %mul3A_11 : i32
      %add3A_13 = arith.addi %mul3A_10, %mul3A_12 : i32
      %multiple_of3A = tpu.assume_multiple %add3A_13, 512 : i32
      "tpu.region"() ({
        %run_scoped3A = tpu.sem_alloc : memref<!tpu.dma_semaphore, #tpu.memory_space<semaphore_mem>>
        %dma_start3A = tpu.memref_slice %arg2[%multiple_of3A] : memref<163840xi32, #tpu.memory_space<hbm>> -> memref<512xi32, #tpu.memory_space<hbm>>
        %dma_start3A_22 = tpu.memref_slice %arg2[%multiple_of3A] : memref<163840xi32, #tpu.memory_space<hbm>> -> memref<512xi32, #tpu.memory_space<hbm>>
        tpu.enqueue_dma source(%dma_start3A_22 : memref<512xi32, #tpu.memory_space<hbm>>) target(%arg13 : memref<512xi32, #tpu.memory_space<vmem>>) target_semaphore(%run_scoped3A : memref<!tpu.dma_semaphore, #tpu.memory_space<semaphore_mem>>)
        %dma_wait3A = tpu.memref_slice %arg2[%multiple_of3A] : memref<163840xi32, #tpu.memory_space<hbm>> -> memref<512xi32, #tpu.memory_space<hbm>>
        %dma_wait3A_23 = tpu.memref_slice %arg2[%multiple_of3A] : memref<163840xi32, #tpu.memory_space<hbm>> -> memref<512xi32, #tpu.memory_space<hbm>>
        tpu.wait_dma2 semaphore(%run_scoped3A : memref<!tpu.dma_semaphore, #tpu.memory_space<semaphore_mem>>) src(%dma_wait3A_23 : memref<512xi32, #tpu.memory_space<hbm>>) dst(%arg13 : memref<512xi32, #tpu.memory_space<vmem>>)
        tpu.yield
      }) : () -> ()
      "tpu.region"() ({
        %run_scoped3A = tpu.sem_alloc : memref<!tpu.dma_semaphore, #tpu.memory_space<semaphore_mem>>
        %dma_start3A = tpu.memref_slice %arg3[%multiple_of3A] : memref<163840xf32, #tpu.memory_space<hbm>> -> memref<512xf32, #tpu.memory_space<hbm>>
        %dma_start3A_22 = tpu.memref_slice %arg3[%multiple_of3A] : memref<163840xf32, #tpu.memory_space<hbm>> -> memref<512xf32, #tpu.memory_space<hbm>>
        tpu.enqueue_dma source(%dma_start3A_22 : memref<512xf32, #tpu.memory_space<hbm>>) target(%arg14 : memref<512xf32, #tpu.memory_space<vmem>>) target_semaphore(%run_scoped3A : memref<!tpu.dma_semaphore, #tpu.memory_space<semaphore_mem>>)
        %dma_wait3A = tpu.memref_slice %arg3[%multiple_of3A] : memref<163840xf32, #tpu.memory_space<hbm>> -> memref<512xf32, #tpu.memory_space<hbm>>
        %dma_wait3A_23 = tpu.memref_slice %arg3[%multiple_of3A] : memref<163840xf32, #tpu.memory_space<hbm>> -> memref<512xf32, #tpu.memory_space<hbm>>
        tpu.wait_dma2 semaphore(%run_scoped3A : memref<!tpu.dma_semaphore, #tpu.memory_space<semaphore_mem>>) src(%dma_wait3A_23 : memref<512xf32, #tpu.memory_space<hbm>>) dst(%arg14 : memref<512xf32, #tpu.memory_space<vmem>>)
        tpu.yield
      }) : () -> ()
      "tpu.region"() ({
        %run_scoped3A = tpu.sem_alloc : memref<!tpu.dma_semaphore, #tpu.memory_space<semaphore_mem>>
        %dma_start3A = tpu.memref_slice %arg4[%multiple_of3A] : memref<163840xf32, #tpu.memory_space<hbm>> -> memref<512xf32, #tpu.memory_space<hbm>>
        %dma_start3A_22 = tpu.memref_slice %arg4[%multiple_of3A] : memref<163840xf32, #tpu.memory_space<hbm>> -> memref<512xf32, #tpu.memory_space<hbm>>
        tpu.enqueue_dma source(%dma_start3A_22 : memref<512xf32, #tpu.memory_space<hbm>>) target(%arg15 : memref<512xf32, #tpu.memory_space<vmem>>) target_semaphore(%run_scoped3A : memref<!tpu.dma_semaphore, #tpu.memory_space<semaphore_mem>>)
        %dma_wait3A = tpu.memref_slice %arg4[%multiple_of3A] : memref<163840xf32, #tpu.memory_space<hbm>> -> memref<512xf32, #tpu.memory_space<hbm>>
        %dma_wait3A_23 = tpu.memref_slice %arg4[%multiple_of3A] : memref<163840xf32, #tpu.memory_space<hbm>> -> memref<512xf32, #tpu.memory_space<hbm>>
        tpu.wait_dma2 semaphore(%run_scoped3A : memref<!tpu.dma_semaphore, #tpu.memory_space<semaphore_mem>>) src(%dma_wait3A_23 : memref<512xf32, #tpu.memory_space<hbm>>) dst(%arg15 : memref<512xf32, #tpu.memory_space<vmem>>)
        tpu.yield
      }) : () -> ()
      "tpu.region"() ({
        %run_scoped3A = tpu.sem_alloc : memref<!tpu.dma_semaphore, #tpu.memory_space<semaphore_mem>>
        %dma_start3A = tpu.memref_slice %arg5[%multiple_of3A] : memref<163840xf32, #tpu.memory_space<hbm>> -> memref<512xf32, #tpu.memory_space<hbm>>
        %dma_start3A_22 = tpu.memref_slice %arg5[%multiple_of3A] : memref<163840xf32, #tpu.memory_space<hbm>> -> memref<512xf32, #tpu.memory_space<hbm>>
        tpu.enqueue_dma source(%dma_start3A_22 : memref<512xf32, #tpu.memory_space<hbm>>) target(%arg16 : memref<512xf32, #tpu.memory_space<vmem>>) target_semaphore(%run_scoped3A : memref<!tpu.dma_semaphore, #tpu.memory_space<semaphore_mem>>)
        %dma_wait3A = tpu.memref_slice %arg5[%multiple_of3A] : memref<163840xf32, #tpu.memory_space<hbm>> -> memref<512xf32, #tpu.memory_space<hbm>>
        %dma_wait3A_23 = tpu.memref_slice %arg5[%multiple_of3A] : memref<163840xf32, #tpu.memory_space<hbm>> -> memref<512xf32, #tpu.memory_space<hbm>>
        tpu.wait_dma2 semaphore(%run_scoped3A : memref<!tpu.dma_semaphore, #tpu.memory_space<semaphore_mem>>) src(%dma_wait3A_23 : memref<512xf32, #tpu.memory_space<hbm>>) dst(%arg16 : memref<512xf32, #tpu.memory_space<vmem>>)
        tpu.yield
      }) : () -> ()
      "tpu.region"() ({
        %run_scoped3A = tpu.sem_alloc : memref<!tpu.dma_semaphore, #tpu.memory_space<semaphore_mem>>
        %dma_start3A = tpu.memref_slice %arg6[%multiple_of3A] : memref<163840xf32, #tpu.memory_space<hbm>> -> memref<512xf32, #tpu.memory_space<hbm>>
        %dma_start3A_22 = tpu.memref_slice %arg6[%multiple_of3A] : memref<163840xf32, #tpu.memory_space<hbm>> -> memref<512xf32, #tpu.memory_space<hbm>>
        tpu.enqueue_dma source(%dma_start3A_22 : memref<512xf32, #tpu.memory_space<hbm>>) target(%arg17 : memref<512xf32, #tpu.memory_space<vmem>>) target_semaphore(%run_scoped3A : memref<!tpu.dma_semaphore, #tpu.memory_space<semaphore_mem>>)
        %dma_wait3A = tpu.memref_slice %arg6[%multiple_of3A] : memref<163840xf32, #tpu.memory_space<hbm>> -> memref<512xf32, #tpu.memory_space<hbm>>
        %dma_wait3A_23 = tpu.memref_slice %arg6[%multiple_of3A] : memref<163840xf32, #tpu.memory_space<hbm>> -> memref<512xf32, #tpu.memory_space<hbm>>
        tpu.wait_dma2 semaphore(%run_scoped3A : memref<!tpu.dma_semaphore, #tpu.memory_space<semaphore_mem>>) src(%dma_wait3A_23 : memref<512xf32, #tpu.memory_space<hbm>>) dst(%arg17 : memref<512xf32, #tpu.memory_space<vmem>>)
        tpu.yield
      }) : () -> ()
      %scan3A_14 = arith.constant 0 : i32
      %scan3A_15 = arith.constant 0 : i32
      %scan3A_16 = arith.constant 32 : i32
      %scan3A_17 = arith.addi %scan3A_15, %scan3A_16 : i32
      %scan3A_18 = arith.constant 1 : i32
      %scan3A_19 = scf.for %scan3A_22 = %scan3A_15 to %scan3A_17 step %scan3A_18 iter_args(%scan3A_23 = %scan3A_14) -> (i32)  : i32 {
        %mul3A_24 = arith.constant 16 : i32
        %mul3A_25 = arith.muli %scan3A_22, %mul3A_24 : i32
        %multiple_of3A_26 = tpu.assume_multiple %mul3A_25, 16 : i32
        %get3A = arith.index_cast %multiple_of3A_26 : i32 to index
        %get3A_27 = tpu.vector_load %arg13[%get3A] {strides = array<i32>} : memref<512xi32, #tpu.memory_space<vmem>>, vector<16xi32>,
        %mul3A_28 = arith.constant 4 : i32
        %mul3A_29 = vector.broadcast %mul3A_28 : i32 to vector<16xi32>
        %mul3A_30 = arith.muli %get3A_27, %mul3A_29 : vector<16xi32>
        %add3A_31 = arith.constant 0 : i32
        %add3A_32 = vector.broadcast %add3A_31 : i32 to vector<16xi32>
        %add3A_33 = arith.addi %mul3A_30, %add3A_32 : vector<16xi32>
        %gather3A = tpu.vector_load_idx %arg12[%add3A_33] : memref<40448xf32, #tpu.memory_space<vmem>>[vector<16xi32>], vector<16xf32>,
        %get3A_34 = arith.index_cast %multiple_of3A_26 : i32 to index
        %get3A_35 = tpu.vector_load %arg14[%get3A_34] {strides = array<i32>} : memref<512xf32, #tpu.memory_space<vmem>>, vector<16xf32>,
        %mul3A_36 = arith.mulf %get3A_35, %gather3A : vector<16xf32>
        %swap3A = arith.index_cast %multiple_of3A_26 : i32 to index
        %swap3A_37 = tpu.vector_load %arg18[%swap3A] {strides = array<i32>} : memref<512xf32, #tpu.memory_space<vmem>>, vector<16xf32>,
        tpu.vector_store %arg18[%swap3A], %mul3A_36 {strides = array<i32>} : memref<512xf32, #tpu.memory_space<vmem>>, vector<16xf32>,
        %add3A_38 = arith.constant 1 : i32
        %add3A_39 = vector.broadcast %add3A_38 : i32 to vector<16xi32>
        %add3A_40 = arith.addi %mul3A_30, %add3A_39 : vector<16xi32>
        %gather3A_41 = tpu.vector_load_idx %arg12[%add3A_40] : memref<40448xf32, #tpu.memory_space<vmem>>[vector<16xi32>], vector<16xf32>,
        %get3A_42 = arith.index_cast %multiple_of3A_26 : i32 to index
        %get3A_43 = tpu.vector_load %arg15[%get3A_42] {strides = array<i32>} : memref<512xf32, #tpu.memory_space<vmem>>, vector<16xf32>,
        %mul3A_44 = arith.mulf %get3A_43, %gather3A_41 : vector<16xf32>
        %swap3A_45 = arith.index_cast %multiple_of3A_26 : i32 to index
        %swap3A_46 = tpu.vector_load %arg19[%swap3A_45] {strides = array<i32>} : memref<512xf32, #tpu.memory_space<vmem>>, vector<16xf32>,
        tpu.vector_store %arg19[%swap3A_45], %mul3A_44 {strides = array<i32>} : memref<512xf32, #tpu.memory_space<vmem>>, vector<16xf32>,
        %add3A_47 = arith.constant 2 : i32
        %add3A_48 = vector.broadcast %add3A_47 : i32 to vector<16xi32>
        %add3A_49 = arith.addi %mul3A_30, %add3A_48 : vector<16xi32>
        %gather3A_50 = tpu.vector_load_idx %arg12[%add3A_49] : memref<40448xf32, #tpu.memory_space<vmem>>[vector<16xi32>], vector<16xf32>,
        %get3A_51 = arith.index_cast %multiple_of3A_26 : i32 to index
        %get3A_52 = tpu.vector_load %arg16[%get3A_51] {strides = array<i32>} : memref<512xf32, #tpu.memory_space<vmem>>, vector<16xf32>,
        %mul3A_53 = arith.mulf %get3A_52, %gather3A_50 : vector<16xf32>
        %swap3A_54 = arith.index_cast %multiple_of3A_26 : i32 to index
        %swap3A_55 = tpu.vector_load %arg20[%swap3A_54] {strides = array<i32>} : memref<512xf32, #tpu.memory_space<vmem>>, vector<16xf32>,
        tpu.vector_store %arg20[%swap3A_54], %mul3A_53 {strides = array<i32>} : memref<512xf32, #tpu.memory_space<vmem>>, vector<16xf32>,
        %add3A_56 = arith.constant 3 : i32
        %add3A_57 = vector.broadcast %add3A_56 : i32 to vector<16xi32>
        %add3A_58 = arith.addi %mul3A_30, %add3A_57 : vector<16xi32>
        %gather3A_59 = tpu.vector_load_idx %arg12[%add3A_58] : memref<40448xf32, #tpu.memory_space<vmem>>[vector<16xi32>], vector<16xf32>,
        %get3A_60 = arith.index_cast %multiple_of3A_26 : i32 to index
        %get3A_61 = tpu.vector_load %arg17[%get3A_60] {strides = array<i32>} : memref<512xf32, #tpu.memory_space<vmem>>, vector<16xf32>,
        %mul3A_62 = arith.mulf %get3A_61, %gather3A_59 : vector<16xf32>
        %swap3A_63 = arith.index_cast %multiple_of3A_26 : i32 to index
        %swap3A_64 = tpu.vector_load %arg21[%swap3A_63] {strides = array<i32>} : memref<512xf32, #tpu.memory_space<vmem>>, vector<16xf32>,
        tpu.vector_store %arg21[%swap3A_63], %mul3A_62 {strides = array<i32>} : memref<512xf32, #tpu.memory_space<vmem>>, vector<16xf32>,
        %scan3A_65 = arith.constant 0 : i32
        scf.yield %scan3A_65 : i32
      }
      %scan3A_20 = arith.constant 32 : i32
      "tpu.region"() ({
        %run_scoped3A = tpu.sem_alloc : memref<!tpu.dma_semaphore, #tpu.memory_space<semaphore_mem>>
        %dma_start3A = tpu.memref_slice %arg8[%multiple_of3A] : memref<163840xf32, #tpu.memory_space<hbm>> -> memref<512xf32, #tpu.memory_space<hbm>>
        %dma_start3A_22 = tpu.memref_slice %arg8[%multiple_of3A] : memref<163840xf32, #tpu.memory_space<hbm>> -> memref<512xf32, #tpu.memory_space<hbm>>
        tpu.enqueue_dma source(%arg18 : memref<512xf32, #tpu.memory_space<vmem>>) target(%dma_start3A_22 : memref<512xf32, #tpu.memory_space<hbm>>) target_semaphore(%run_scoped3A : memref<!tpu.dma_semaphore, #tpu.memory_space<semaphore_mem>>)
        %dma_wait3A = tpu.memref_slice %arg8[%multiple_of3A] : memref<163840xf32, #tpu.memory_space<hbm>> -> memref<512xf32, #tpu.memory_space<hbm>>
        %dma_wait3A_23 = tpu.memref_slice %arg8[%multiple_of3A] : memref<163840xf32, #tpu.memory_space<hbm>> -> memref<512xf32, #tpu.memory_space<hbm>>
        tpu.wait_dma2 semaphore(%run_scoped3A : memref<!tpu.dma_semaphore, #tpu.memory_space<semaphore_mem>>) src(%arg18 : memref<512xf32, #tpu.memory_space<vmem>>) dst(%dma_wait3A_23 : memref<512xf32, #tpu.memory_space<hbm>>)
        tpu.yield
      }) : () -> ()
      "tpu.region"() ({
        %run_scoped3A = tpu.sem_alloc : memref<!tpu.dma_semaphore, #tpu.memory_space<semaphore_mem>>
        %dma_start3A = tpu.memref_slice %arg9[%multiple_of3A] : memref<163840xf32, #tpu.memory_space<hbm>> -> memref<512xf32, #tpu.memory_space<hbm>>
        %dma_start3A_22 = tpu.memref_slice %arg9[%multiple_of3A] : memref<163840xf32, #tpu.memory_space<hbm>> -> memref<512xf32, #tpu.memory_space<hbm>>
        tpu.enqueue_dma source(%arg19 : memref<512xf32, #tpu.memory_space<vmem>>) target(%dma_start3A_22 : memref<512xf32, #tpu.memory_space<hbm>>) target_semaphore(%run_scoped3A : memref<!tpu.dma_semaphore, #tpu.memory_space<semaphore_mem>>)
        %dma_wait3A = tpu.memref_slice %arg9[%multiple_of3A] : memref<163840xf32, #tpu.memory_space<hbm>> -> memref<512xf32, #tpu.memory_space<hbm>>
        %dma_wait3A_23 = tpu.memref_slice %arg9[%multiple_of3A] : memref<163840xf32, #tpu.memory_space<hbm>> -> memref<512xf32, #tpu.memory_space<hbm>>
        tpu.wait_dma2 semaphore(%run_scoped3A : memref<!tpu.dma_semaphore, #tpu.memory_space<semaphore_mem>>) src(%arg19 : memref<512xf32, #tpu.memory_space<vmem>>) dst(%dma_wait3A_23 : memref<512xf32, #tpu.memory_space<hbm>>)
        tpu.yield
      }) : () -> ()
      "tpu.region"() ({
        %run_scoped3A = tpu.sem_alloc : memref<!tpu.dma_semaphore, #tpu.memory_space<semaphore_mem>>
        %dma_start3A = tpu.memref_slice %arg10[%multiple_of3A] : memref<163840xf32, #tpu.memory_space<hbm>> -> memref<512xf32, #tpu.memory_space<hbm>>
        %dma_start3A_22 = tpu.memref_slice %arg10[%multiple_of3A] : memref<163840xf32, #tpu.memory_space<hbm>> -> memref<512xf32, #tpu.memory_space<hbm>>
        tpu.enqueue_dma source(%arg20 : memref<512xf32, #tpu.memory_space<vmem>>) target(%dma_start3A_22 : memref<512xf32, #tpu.memory_space<hbm>>) target_semaphore(%run_scoped3A : memref<!tpu.dma_semaphore, #tpu.memory_space<semaphore_mem>>)
        %dma_wait3A = tpu.memref_slice %arg10[%multiple_of3A] : memref<163840xf32, #tpu.memory_space<hbm>> -> memref<512xf32, #tpu.memory_space<hbm>>
        %dma_wait3A_23 = tpu.memref_slice %arg10[%multiple_of3A] : memref<163840xf32, #tpu.memory_space<hbm>> -> memref<512xf32, #tpu.memory_space<hbm>>
        tpu.wait_dma2 semaphore(%run_scoped3A : memref<!tpu.dma_semaphore, #tpu.memory_space<semaphore_mem>>) src(%arg20 : memref<512xf32, #tpu.memory_space<vmem>>) dst(%dma_wait3A_23 : memref<512xf32, #tpu.memory_space<hbm>>)
        tpu.yield
      }) : () -> ()
      "tpu.region"() ({
        %run_scoped3A = tpu.sem_alloc : memref<!tpu.dma_semaphore, #tpu.memory_space<semaphore_mem>>
        %dma_start3A = tpu.memref_slice %arg11[%multiple_of3A] : memref<163840xf32, #tpu.memory_space<hbm>> -> memref<512xf32, #tpu.memory_space<hbm>>
        %dma_start3A_22 = tpu.memref_slice %arg11[%multiple_of3A] : memref<163840xf32, #tpu.memory_space<hbm>> -> memref<512xf32, #tpu.memory_space<hbm>>
        tpu.enqueue_dma source(%arg21 : memref<512xf32, #tpu.memory_space<vmem>>) target(%dma_start3A_22 : memref<512xf32, #tpu.memory_space<hbm>>) target_semaphore(%run_scoped3A : memref<!tpu.dma_semaphore, #tpu.memory_space<semaphore_mem>>)
        %dma_wait3A = tpu.memref_slice %arg11[%multiple_of3A] : memref<163840xf32, #tpu.memory_space<hbm>> -> memref<512xf32, #tpu.memory_space<hbm>>
        %dma_wait3A_23 = tpu.memref_slice %arg11[%multiple_of3A] : memref<163840xf32, #tpu.memory_space<hbm>> -> memref<512xf32, #tpu.memory_space<hbm>>
        tpu.wait_dma2 semaphore(%run_scoped3A : memref<!tpu.dma_semaphore, #tpu.memory_space<semaphore_mem>>) src(%arg21 : memref<512xf32, #tpu.memory_space<vmem>>) dst(%dma_wait3A_23 : memref<512xf32, #tpu.memory_space<hbm>>)
        tpu.yield
      }) : () -> ()
      %scan3A_21 = arith.constant 0 : i32
      scf.yield %scan3A_21 : i32
    }
    %scan3A_6 = arith.constant 10 : i32
    return
  }
}

#map = affine_map<(d0, d1) -> (0)>
#map1 = affine_map<(d0, d1) -> (0, 0, 0)>
module attributes {stable_mosaic.version = 14 : i64} {
  func.func @_scc_body(%arg0: i32, %arg1: i32, %arg2: memref<163840xi32, #tpu.memory_space<hbm>>, %arg3: memref<163840xi32, #tpu.memory_space<hbm>>, %arg4: memref<163840xf32, #tpu.memory_space<hbm>>, %arg5: memref<163840xf32, #tpu.memory_space<hbm>>, %arg6: memref<163840xf32, #tpu.memory_space<hbm>>, %arg7: memref<163840xf32, #tpu.memory_space<hbm>>, %arg8: memref<2x32x80896xf32, #tpu.memory_space<hbm>>, %arg9: memref<2x32x20224xf32, #tpu.memory_space<hbm>>, %arg10: memref<80896xf32, #tpu.memory_space<vmem>>, %arg11: memref<20224xf32, #tpu.memory_space<vmem>>, %arg12: memref<512xi32, #tpu.memory_space<vmem>>, %arg13: memref<512xi32, #tpu.memory_space<vmem>>, %arg14: memref<512xf32, #tpu.memory_space<vmem>>, %arg15: memref<512xf32, #tpu.memory_space<vmem>>, %arg16: memref<512xf32, #tpu.memory_space<vmem>>, %arg17: memref<512xf32, #tpu.memory_space<vmem>>) attributes {dimension_semantics = [#tpu.dimension_semantics<core_parallel>, #tpu.dimension_semantics<subcore_parallel>], iteration_bounds = array<i64: 2, 16>, scalar_prefetch = 0 : i64, scratch_operands = 8 : i64, tpu.core_type = #tpu.core_type<sc_vector_subcore>, window_params = [{transform_indices = #map}, {transform_indices = #map}, {transform_indices = #map}, {transform_indices = #map}, {transform_indices = #map}, {transform_indices = #map}, {transform_indices = #map1}, {transform_indices = #map1}]} {
    %mul3A = arith.constant 2 : i32
    %mul3A_0 = arith.muli %arg1, %mul3A : i32
    %add3A = arith.addi %mul3A_0, %arg0 : i32
    %run_scoped3A = arith.constant 0 : i32
    "tpu.region"() ({
      %run_scoped3A_31 = tpu.sem_alloc : memref<!tpu.dma_semaphore, #tpu.memory_space<semaphore_mem>>
      %dma_start3A = arith.constant 0 : i32
      %dma_start3A_32 = tpu.memref_slice %arg8[%run_scoped3A, %add3A, %dma_start3A] : memref<2x32x80896xf32, #tpu.memory_space<hbm>> -> memref<1x1x80896xf32, #tpu.memory_space<hbm>>
      %dma_start3A_33 = tpu.memref_squeeze %dma_start3A_32 : memref<1x1x80896xf32, #tpu.memory_space<hbm>> -> memref<80896xf32, #tpu.memory_space<hbm>>
      %dma_start3A_34 = arith.constant 0 : i32
      %dma_start3A_35 = tpu.memref_slice %arg8[%run_scoped3A, %add3A, %dma_start3A_34] : memref<2x32x80896xf32, #tpu.memory_space<hbm>> -> memref<1x1x80896xf32, #tpu.memory_space<hbm>>
      %dma_start3A_36 = tpu.memref_squeeze %dma_start3A_35 : memref<1x1x80896xf32, #tpu.memory_space<hbm>> -> memref<80896xf32, #tpu.memory_space<hbm>>
      tpu.enqueue_dma source(%dma_start3A_36 : memref<80896xf32, #tpu.memory_space<hbm>>) target(%arg10 : memref<80896xf32, #tpu.memory_space<vmem>>) target_semaphore(%run_scoped3A_31 : memref<!tpu.dma_semaphore, #tpu.memory_space<semaphore_mem>>)
      %dma_wait3A = arith.constant 0 : i32
      %dma_wait3A_37 = tpu.memref_slice %arg8[%run_scoped3A, %add3A, %dma_wait3A] : memref<2x32x80896xf32, #tpu.memory_space<hbm>> -> memref<1x1x80896xf32, #tpu.memory_space<hbm>>
      %dma_wait3A_38 = tpu.memref_squeeze %dma_wait3A_37 : memref<1x1x80896xf32, #tpu.memory_space<hbm>> -> memref<80896xf32, #tpu.memory_space<hbm>>
      %dma_wait3A_39 = arith.constant 0 : i32
      %dma_wait3A_40 = tpu.memref_slice %arg8[%run_scoped3A, %add3A, %dma_wait3A_39] : memref<2x32x80896xf32, #tpu.memory_space<hbm>> -> memref<1x1x80896xf32, #tpu.memory_space<hbm>>
      %dma_wait3A_41 = tpu.memref_squeeze %dma_wait3A_40 : memref<1x1x80896xf32, #tpu.memory_space<hbm>> -> memref<80896xf32, #tpu.memory_space<hbm>>
      tpu.wait_dma2 semaphore(%run_scoped3A_31 : memref<!tpu.dma_semaphore, #tpu.memory_space<semaphore_mem>>) src(%dma_wait3A_41 : memref<80896xf32, #tpu.memory_space<hbm>>) dst(%arg10 : memref<80896xf32, #tpu.memory_space<vmem>>)
      tpu.yield
    }) : () -> ()
    %scan3A = arith.constant 0 : i32
    %scan3A_1 = arith.constant 0 : i32
    %scan3A_2 = arith.constant 1264 : i32
    %scan3A_3 = arith.addi %scan3A_1, %scan3A_2 : i32
    %scan3A_4 = arith.constant 1 : i32
    %scan3A_5 = scf.for %scan3A_31 = %scan3A_1 to %scan3A_3 step %scan3A_4 iter_args(%scan3A_32 = %scan3A) -> (i32)  : i32 {
      %broadcast_in_dim3A = arith.constant 0.000000e+00 : f32
      %broadcast_in_dim3A_33 = vector.broadcast %broadcast_in_dim3A : f32 to vector<16xf32>
      %mul3A_34 = arith.constant 16 : i32
      %mul3A_35 = arith.muli %scan3A_31, %mul3A_34 : i32
      %multiple_of3A = tpu.assume_multiple %mul3A_35, 16 : i32
      %swap3A = arith.index_cast %multiple_of3A : i32 to index
      %swap3A_36 = tpu.vector_load %arg11[%swap3A] {strides = array<i32>} : memref<20224xf32, #tpu.memory_space<vmem>>, vector<16xf32>,
      tpu.vector_store %arg11[%swap3A], %broadcast_in_dim3A_33 {strides = array<i32>} : memref<20224xf32, #tpu.memory_space<vmem>>, vector<16xf32>,
      %scan3A_37 = arith.constant 0 : i32
      scf.yield %scan3A_37 : i32
    }
    %scan3A_6 = arith.constant 1264 : i32
    %scan3A_7 = arith.constant 0 : i32
    %scan3A_8 = arith.constant 0 : i32
    %scan3A_9 = arith.constant 320 : i32
    %scan3A_10 = arith.addi %scan3A_8, %scan3A_9 : i32
    %scan3A_11 = arith.constant 1 : i32
    %scan3A_12 = scf.for %scan3A_31 = %scan3A_8 to %scan3A_10 step %scan3A_11 iter_args(%scan3A_32 = %scan3A_7) -> (i32)  : i32 {
      %mul3A_33 = arith.constant 512 : i32
      %mul3A_34 = arith.muli %scan3A_31, %mul3A_33 : i32
      %multiple_of3A = tpu.assume_multiple %mul3A_34, 512 : i32
      "tpu.region"() ({
        %run_scoped3A_43 = tpu.sem_alloc : memref<!tpu.dma_semaphore, #tpu.memory_space<semaphore_mem>>
        %dma_start3A = tpu.memref_slice %arg2[%multiple_of3A] : memref<163840xi32, #tpu.memory_space<hbm>> -> memref<512xi32, #tpu.memory_space<hbm>>
        %dma_start3A_44 = tpu.memref_slice %arg2[%multiple_of3A] : memref<163840xi32, #tpu.memory_space<hbm>> -> memref<512xi32, #tpu.memory_space<hbm>>
        tpu.enqueue_dma source(%dma_start3A_44 : memref<512xi32, #tpu.memory_space<hbm>>) target(%arg12 : memref<512xi32, #tpu.memory_space<vmem>>) target_semaphore(%run_scoped3A_43 : memref<!tpu.dma_semaphore, #tpu.memory_space<semaphore_mem>>)
        %dma_wait3A = tpu.memref_slice %arg2[%multiple_of3A] : memref<163840xi32, #tpu.memory_space<hbm>> -> memref<512xi32, #tpu.memory_space<hbm>>
        %dma_wait3A_45 = tpu.memref_slice %arg2[%multiple_of3A] : memref<163840xi32, #tpu.memory_space<hbm>> -> memref<512xi32, #tpu.memory_space<hbm>>
        tpu.wait_dma2 semaphore(%run_scoped3A_43 : memref<!tpu.dma_semaphore, #tpu.memory_space<semaphore_mem>>) src(%dma_wait3A_45 : memref<512xi32, #tpu.memory_space<hbm>>) dst(%arg12 : memref<512xi32, #tpu.memory_space<vmem>>)
        tpu.yield
      }) : () -> ()
      "tpu.region"() ({
        %run_scoped3A_43 = tpu.sem_alloc : memref<!tpu.dma_semaphore, #tpu.memory_space<semaphore_mem>>
        %dma_start3A = tpu.memref_slice %arg3[%multiple_of3A] : memref<163840xi32, #tpu.memory_space<hbm>> -> memref<512xi32, #tpu.memory_space<hbm>>
        %dma_start3A_44 = tpu.memref_slice %arg3[%multiple_of3A] : memref<163840xi32, #tpu.memory_space<hbm>> -> memref<512xi32, #tpu.memory_space<hbm>>
        tpu.enqueue_dma source(%dma_start3A_44 : memref<512xi32, #tpu.memory_space<hbm>>) target(%arg13 : memref<512xi32, #tpu.memory_space<vmem>>) target_semaphore(%run_scoped3A_43 : memref<!tpu.dma_semaphore, #tpu.memory_space<semaphore_mem>>)
        %dma_wait3A = tpu.memref_slice %arg3[%multiple_of3A] : memref<163840xi32, #tpu.memory_space<hbm>> -> memref<512xi32, #tpu.memory_space<hbm>>
        %dma_wait3A_45 = tpu.memref_slice %arg3[%multiple_of3A] : memref<163840xi32, #tpu.memory_space<hbm>> -> memref<512xi32, #tpu.memory_space<hbm>>
        tpu.wait_dma2 semaphore(%run_scoped3A_43 : memref<!tpu.dma_semaphore, #tpu.memory_space<semaphore_mem>>) src(%dma_wait3A_45 : memref<512xi32, #tpu.memory_space<hbm>>) dst(%arg13 : memref<512xi32, #tpu.memory_space<vmem>>)
        tpu.yield
      }) : () -> ()
      "tpu.region"() ({
        %run_scoped3A_43 = tpu.sem_alloc : memref<!tpu.dma_semaphore, #tpu.memory_space<semaphore_mem>>
        %dma_start3A = tpu.memref_slice %arg4[%multiple_of3A] : memref<163840xf32, #tpu.memory_space<hbm>> -> memref<512xf32, #tpu.memory_space<hbm>>
        %dma_start3A_44 = tpu.memref_slice %arg4[%multiple_of3A] : memref<163840xf32, #tpu.memory_space<hbm>> -> memref<512xf32, #tpu.memory_space<hbm>>
        tpu.enqueue_dma source(%dma_start3A_44 : memref<512xf32, #tpu.memory_space<hbm>>) target(%arg14 : memref<512xf32, #tpu.memory_space<vmem>>) target_semaphore(%run_scoped3A_43 : memref<!tpu.dma_semaphore, #tpu.memory_space<semaphore_mem>>)
        %dma_wait3A = tpu.memref_slice %arg4[%multiple_of3A] : memref<163840xf32, #tpu.memory_space<hbm>> -> memref<512xf32, #tpu.memory_space<hbm>>
        %dma_wait3A_45 = tpu.memref_slice %arg4[%multiple_of3A] : memref<163840xf32, #tpu.memory_space<hbm>> -> memref<512xf32, #tpu.memory_space<hbm>>
        tpu.wait_dma2 semaphore(%run_scoped3A_43 : memref<!tpu.dma_semaphore, #tpu.memory_space<semaphore_mem>>) src(%dma_wait3A_45 : memref<512xf32, #tpu.memory_space<hbm>>) dst(%arg14 : memref<512xf32, #tpu.memory_space<vmem>>)
        tpu.yield
      }) : () -> ()
      "tpu.region"() ({
        %run_scoped3A_43 = tpu.sem_alloc : memref<!tpu.dma_semaphore, #tpu.memory_space<semaphore_mem>>
        %dma_start3A = tpu.memref_slice %arg5[%multiple_of3A] : memref<163840xf32, #tpu.memory_space<hbm>> -> memref<512xf32, #tpu.memory_space<hbm>>
        %dma_start3A_44 = tpu.memref_slice %arg5[%multiple_of3A] : memref<163840xf32, #tpu.memory_space<hbm>> -> memref<512xf32, #tpu.memory_space<hbm>>
        tpu.enqueue_dma source(%dma_start3A_44 : memref<512xf32, #tpu.memory_space<hbm>>) target(%arg15 : memref<512xf32, #tpu.memory_space<vmem>>) target_semaphore(%run_scoped3A_43 : memref<!tpu.dma_semaphore, #tpu.memory_space<semaphore_mem>>)
        %dma_wait3A = tpu.memref_slice %arg5[%multiple_of3A] : memref<163840xf32, #tpu.memory_space<hbm>> -> memref<512xf32, #tpu.memory_space<hbm>>
        %dma_wait3A_45 = tpu.memref_slice %arg5[%multiple_of3A] : memref<163840xf32, #tpu.memory_space<hbm>> -> memref<512xf32, #tpu.memory_space<hbm>>
        tpu.wait_dma2 semaphore(%run_scoped3A_43 : memref<!tpu.dma_semaphore, #tpu.memory_space<semaphore_mem>>) src(%dma_wait3A_45 : memref<512xf32, #tpu.memory_space<hbm>>) dst(%arg15 : memref<512xf32, #tpu.memory_space<vmem>>)
        tpu.yield
      }) : () -> ()
      "tpu.region"() ({
        %run_scoped3A_43 = tpu.sem_alloc : memref<!tpu.dma_semaphore, #tpu.memory_space<semaphore_mem>>
        %dma_start3A = tpu.memref_slice %arg6[%multiple_of3A] : memref<163840xf32, #tpu.memory_space<hbm>> -> memref<512xf32, #tpu.memory_space<hbm>>
        %dma_start3A_44 = tpu.memref_slice %arg6[%multiple_of3A] : memref<163840xf32, #tpu.memory_space<hbm>> -> memref<512xf32, #tpu.memory_space<hbm>>
        tpu.enqueue_dma source(%dma_start3A_44 : memref<512xf32, #tpu.memory_space<hbm>>) target(%arg16 : memref<512xf32, #tpu.memory_space<vmem>>) target_semaphore(%run_scoped3A_43 : memref<!tpu.dma_semaphore, #tpu.memory_space<semaphore_mem>>)
        %dma_wait3A = tpu.memref_slice %arg6[%multiple_of3A] : memref<163840xf32, #tpu.memory_space<hbm>> -> memref<512xf32, #tpu.memory_space<hbm>>
        %dma_wait3A_45 = tpu.memref_slice %arg6[%multiple_of3A] : memref<163840xf32, #tpu.memory_space<hbm>> -> memref<512xf32, #tpu.memory_space<hbm>>
        tpu.wait_dma2 semaphore(%run_scoped3A_43 : memref<!tpu.dma_semaphore, #tpu.memory_space<semaphore_mem>>) src(%dma_wait3A_45 : memref<512xf32, #tpu.memory_space<hbm>>) dst(%arg16 : memref<512xf32, #tpu.memory_space<vmem>>)
        tpu.yield
      }) : () -> ()
      "tpu.region"() ({
        %run_scoped3A_43 = tpu.sem_alloc : memref<!tpu.dma_semaphore, #tpu.memory_space<semaphore_mem>>
        %dma_start3A = tpu.memref_slice %arg7[%multiple_of3A] : memref<163840xf32, #tpu.memory_space<hbm>> -> memref<512xf32, #tpu.memory_space<hbm>>
        %dma_start3A_44 = tpu.memref_slice %arg7[%multiple_of3A] : memref<163840xf32, #tpu.memory_space<hbm>> -> memref<512xf32, #tpu.memory_space<hbm>>
        tpu.enqueue_dma source(%dma_start3A_44 : memref<512xf32, #tpu.memory_space<hbm>>) target(%arg17 : memref<512xf32, #tpu.memory_space<vmem>>) target_semaphore(%run_scoped3A_43 : memref<!tpu.dma_semaphore, #tpu.memory_space<semaphore_mem>>)
        %dma_wait3A = tpu.memref_slice %arg7[%multiple_of3A] : memref<163840xf32, #tpu.memory_space<hbm>> -> memref<512xf32, #tpu.memory_space<hbm>>
        %dma_wait3A_45 = tpu.memref_slice %arg7[%multiple_of3A] : memref<163840xf32, #tpu.memory_space<hbm>> -> memref<512xf32, #tpu.memory_space<hbm>>
        tpu.wait_dma2 semaphore(%run_scoped3A_43 : memref<!tpu.dma_semaphore, #tpu.memory_space<semaphore_mem>>) src(%dma_wait3A_45 : memref<512xf32, #tpu.memory_space<hbm>>) dst(%arg17 : memref<512xf32, #tpu.memory_space<vmem>>)
        tpu.yield
      }) : () -> ()
      %scan3A_35 = arith.constant 0 : i32
      %scan3A_36 = arith.constant 0 : i32
      %scan3A_37 = arith.constant 32 : i32
      %scan3A_38 = arith.addi %scan3A_36, %scan3A_37 : i32
      %scan3A_39 = arith.constant 1 : i32
      %scan3A_40 = scf.for %scan3A_43 = %scan3A_36 to %scan3A_38 step %scan3A_39 iter_args(%scan3A_44 = %scan3A_35) -> (i32)  : i32 {
        %mul3A_45 = arith.constant 16 : i32
        %mul3A_46 = arith.muli %scan3A_43, %mul3A_45 : i32
        %multiple_of3A_47 = tpu.assume_multiple %mul3A_46, 16 : i32
        %get3A = arith.index_cast %multiple_of3A_47 : i32 to index
        %get3A_48 = tpu.vector_load %arg12[%get3A] {strides = array<i32>} : memref<512xi32, #tpu.memory_space<vmem>>, vector<16xi32>,
        %mul3A_49 = arith.constant 8 : i32
        %mul3A_50 = vector.broadcast %mul3A_49 : i32 to vector<16xi32>
        %mul3A_51 = arith.muli %get3A_48, %mul3A_50 : vector<16xi32>
        %get3A_52 = arith.index_cast %multiple_of3A_47 : i32 to index
        %get3A_53 = tpu.vector_load %arg13[%get3A_52] {strides = array<i32>} : memref<512xi32, #tpu.memory_space<vmem>>, vector<16xi32>,
        %mul3A_54 = arith.constant 2 : i32
        %mul3A_55 = vector.broadcast %mul3A_54 : i32 to vector<16xi32>
        %mul3A_56 = arith.muli %get3A_53, %mul3A_55 : vector<16xi32>
        %get3A_57 = arith.index_cast %multiple_of3A_47 : i32 to index
        %get3A_58 = tpu.vector_load %arg14[%get3A_57] {strides = array<i32>} : memref<512xf32, #tpu.memory_space<vmem>>, vector<16xf32>,
        %get3A_59 = arith.index_cast %multiple_of3A_47 : i32 to index
        %get3A_60 = tpu.vector_load %arg15[%get3A_59] {strides = array<i32>} : memref<512xf32, #tpu.memory_space<vmem>>, vector<16xf32>,
        %get3A_61 = arith.index_cast %multiple_of3A_47 : i32 to index
        %get3A_62 = tpu.vector_load %arg16[%get3A_61] {strides = array<i32>} : memref<512xf32, #tpu.memory_space<vmem>>, vector<16xf32>,
        %get3A_63 = arith.index_cast %multiple_of3A_47 : i32 to index
        %get3A_64 = tpu.vector_load %arg17[%get3A_63] {strides = array<i32>} : memref<512xf32, #tpu.memory_space<vmem>>, vector<16xf32>,
        %add3A_65 = arith.constant 0 : i32
        %add3A_66 = vector.broadcast %add3A_65 : i32 to vector<16xi32>
        %add3A_67 = arith.addi %mul3A_51, %add3A_66 : vector<16xi32>
        %gather3A = tpu.vector_load_idx %arg10[%add3A_67] : memref<80896xf32, #tpu.memory_space<vmem>>[vector<16xi32>], vector<16xf32>,
        %mul3A_68 = arith.mulf %get3A_58, %gather3A : vector<16xf32>
        %add3A_69 = arith.constant 2 : i32
        %add3A_70 = vector.broadcast %add3A_69 : i32 to vector<16xi32>
        %add3A_71 = arith.addi %mul3A_51, %add3A_70 : vector<16xi32>
        %gather3A_72 = tpu.vector_load_idx %arg10[%add3A_71] : memref<80896xf32, #tpu.memory_space<vmem>>[vector<16xi32>], vector<16xf32>,
        %mul3A_73 = arith.mulf %get3A_60, %gather3A_72 : vector<16xf32>
        %add3A_74 = arith.addf %mul3A_68, %mul3A_73 : vector<16xf32>
        %add3A_75 = arith.constant 4 : i32
        %add3A_76 = vector.broadcast %add3A_75 : i32 to vector<16xi32>
        %add3A_77 = arith.addi %mul3A_51, %add3A_76 : vector<16xi32>
        %gather3A_78 = tpu.vector_load_idx %arg10[%add3A_77] : memref<80896xf32, #tpu.memory_space<vmem>>[vector<16xi32>], vector<16xf32>,
        %mul3A_79 = arith.mulf %get3A_62, %gather3A_78 : vector<16xf32>
        %add3A_80 = arith.addf %add3A_74, %mul3A_79 : vector<16xf32>
        %add3A_81 = arith.constant 6 : i32
        %add3A_82 = vector.broadcast %add3A_81 : i32 to vector<16xi32>
        %add3A_83 = arith.addi %mul3A_51, %add3A_82 : vector<16xi32>
        %gather3A_84 = tpu.vector_load_idx %arg10[%add3A_83] : memref<80896xf32, #tpu.memory_space<vmem>>[vector<16xi32>], vector<16xf32>,
        %mul3A_85 = arith.mulf %get3A_64, %gather3A_84 : vector<16xf32>
        %add3A_86 = arith.addf %add3A_80, %mul3A_85 : vector<16xf32>
        %add3A_87 = arith.constant 0 : i32
        %add3A_88 = vector.broadcast %add3A_87 : i32 to vector<16xi32>
        %add3A_89 = arith.addi %mul3A_56, %add3A_88 : vector<16xi32>
        tpu.vector_store_idx %arg11[%add3A_89], %add3A_86 {add = true} : memref<20224xf32, #tpu.memory_space<vmem>>[vector<16xi32>], vector<16xf32>,
        %add3A_90 = arith.constant 1 : i32
        %add3A_91 = vector.broadcast %add3A_90 : i32 to vector<16xi32>
        %add3A_92 = arith.addi %mul3A_51, %add3A_91 : vector<16xi32>
        %gather3A_93 = tpu.vector_load_idx %arg10[%add3A_92] : memref<80896xf32, #tpu.memory_space<vmem>>[vector<16xi32>], vector<16xf32>,
        %mul3A_94 = arith.mulf %get3A_58, %gather3A_93 : vector<16xf32>
        %add3A_95 = arith.constant 3 : i32
        %add3A_96 = vector.broadcast %add3A_95 : i32 to vector<16xi32>
        %add3A_97 = arith.addi %mul3A_51, %add3A_96 : vector<16xi32>
        %gather3A_98 = tpu.vector_load_idx %arg10[%add3A_97] : memref<80896xf32, #tpu.memory_space<vmem>>[vector<16xi32>], vector<16xf32>,
        %mul3A_99 = arith.mulf %get3A_60, %gather3A_98 : vector<16xf32>
        %add3A_100 = arith.addf %mul3A_94, %mul3A_99 : vector<16xf32>
        %add3A_101 = arith.constant 5 : i32
        %add3A_102 = vector.broadcast %add3A_101 : i32 to vector<16xi32>
        %add3A_103 = arith.addi %mul3A_51, %add3A_102 : vector<16xi32>
        %gather3A_104 = tpu.vector_load_idx %arg10[%add3A_103] : memref<80896xf32, #tpu.memory_space<vmem>>[vector<16xi32>], vector<16xf32>,
        %mul3A_105 = arith.mulf %get3A_62, %gather3A_104 : vector<16xf32>
        %add3A_106 = arith.addf %add3A_100, %mul3A_105 : vector<16xf32>
        %add3A_107 = arith.constant 7 : i32
        %add3A_108 = vector.broadcast %add3A_107 : i32 to vector<16xi32>
        %add3A_109 = arith.addi %mul3A_51, %add3A_108 : vector<16xi32>
        %gather3A_110 = tpu.vector_load_idx %arg10[%add3A_109] : memref<80896xf32, #tpu.memory_space<vmem>>[vector<16xi32>], vector<16xf32>,
        %mul3A_111 = arith.mulf %get3A_64, %gather3A_110 : vector<16xf32>
        %add3A_112 = arith.addf %add3A_106, %mul3A_111 : vector<16xf32>
        %add3A_113 = arith.constant 1 : i32
        %add3A_114 = vector.broadcast %add3A_113 : i32 to vector<16xi32>
        %add3A_115 = arith.addi %mul3A_56, %add3A_114 : vector<16xi32>
        tpu.vector_store_idx %arg11[%add3A_115], %add3A_112 {add = true} : memref<20224xf32, #tpu.memory_space<vmem>>[vector<16xi32>], vector<16xf32>,
        %scan3A_116 = arith.constant 0 : i32
        scf.yield %scan3A_116 : i32
      }
      %scan3A_41 = arith.constant 32 : i32
      %scan3A_42 = arith.constant 0 : i32
      scf.yield %scan3A_42 : i32
    }
    %scan3A_13 = arith.constant 320 : i32
    %run_scoped3A_14 = arith.constant 0 : i32
    "tpu.region"() ({
      %run_scoped3A_31 = tpu.sem_alloc : memref<!tpu.dma_semaphore, #tpu.memory_space<semaphore_mem>>
      %dma_start3A = arith.constant 0 : i32
      %dma_start3A_32 = tpu.memref_slice %arg9[%run_scoped3A_14, %add3A, %dma_start3A] : memref<2x32x20224xf32, #tpu.memory_space<hbm>> -> memref<1x1x20224xf32, #tpu.memory_space<hbm>>
      %dma_start3A_33 = tpu.memref_squeeze %dma_start3A_32 : memref<1x1x20224xf32, #tpu.memory_space<hbm>> -> memref<20224xf32, #tpu.memory_space<hbm>>
      %dma_start3A_34 = arith.constant 0 : i32
      %dma_start3A_35 = tpu.memref_slice %arg9[%run_scoped3A_14, %add3A, %dma_start3A_34] : memref<2x32x20224xf32, #tpu.memory_space<hbm>> -> memref<1x1x20224xf32, #tpu.memory_space<hbm>>
      %dma_start3A_36 = tpu.memref_squeeze %dma_start3A_35 : memref<1x1x20224xf32, #tpu.memory_space<hbm>> -> memref<20224xf32, #tpu.memory_space<hbm>>
      tpu.enqueue_dma source(%arg11 : memref<20224xf32, #tpu.memory_space<vmem>>) target(%dma_start3A_36 : memref<20224xf32, #tpu.memory_space<hbm>>) target_semaphore(%run_scoped3A_31 : memref<!tpu.dma_semaphore, #tpu.memory_space<semaphore_mem>>)
      %dma_wait3A = arith.constant 0 : i32
      %dma_wait3A_37 = tpu.memref_slice %arg9[%run_scoped3A_14, %add3A, %dma_wait3A] : memref<2x32x20224xf32, #tpu.memory_space<hbm>> -> memref<1x1x20224xf32, #tpu.memory_space<hbm>>
      %dma_wait3A_38 = tpu.memref_squeeze %dma_wait3A_37 : memref<1x1x20224xf32, #tpu.memory_space<hbm>> -> memref<20224xf32, #tpu.memory_space<hbm>>
      %dma_wait3A_39 = arith.constant 0 : i32
      %dma_wait3A_40 = tpu.memref_slice %arg9[%run_scoped3A_14, %add3A, %dma_wait3A_39] : memref<2x32x20224xf32, #tpu.memory_space<hbm>> -> memref<1x1x20224xf32, #tpu.memory_space<hbm>>
      %dma_wait3A_41 = tpu.memref_squeeze %dma_wait3A_40 : memref<1x1x20224xf32, #tpu.memory_space<hbm>> -> memref<20224xf32, #tpu.memory_space<hbm>>
      tpu.wait_dma2 semaphore(%run_scoped3A_31 : memref<!tpu.dma_semaphore, #tpu.memory_space<semaphore_mem>>) src(%arg11 : memref<20224xf32, #tpu.memory_space<vmem>>) dst(%dma_wait3A_41 : memref<20224xf32, #tpu.memory_space<hbm>>)
      tpu.yield
    }) : () -> ()
    %run_scoped3A_15 = arith.constant 1 : i32
    "tpu.region"() ({
      %run_scoped3A_31 = tpu.sem_alloc : memref<!tpu.dma_semaphore, #tpu.memory_space<semaphore_mem>>
      %dma_start3A = arith.constant 0 : i32
      %dma_start3A_32 = tpu.memref_slice %arg8[%run_scoped3A_15, %add3A, %dma_start3A] : memref<2x32x80896xf32, #tpu.memory_space<hbm>> -> memref<1x1x80896xf32, #tpu.memory_space<hbm>>
      %dma_start3A_33 = tpu.memref_squeeze %dma_start3A_32 : memref<1x1x80896xf32, #tpu.memory_space<hbm>> -> memref<80896xf32, #tpu.memory_space<hbm>>
      %dma_start3A_34 = arith.constant 0 : i32
      %dma_start3A_35 = tpu.memref_slice %arg8[%run_scoped3A_15, %add3A, %dma_start3A_34] : memref<2x32x80896xf32, #tpu.memory_space<hbm>> -> memref<1x1x80896xf32, #tpu.memory_space<hbm>>
      %dma_start3A_36 = tpu.memref_squeeze %dma_start3A_35 : memref<1x1x80896xf32, #tpu.memory_space<hbm>> -> memref<80896xf32, #tpu.memory_space<hbm>>
      tpu.enqueue_dma source(%dma_start3A_36 : memref<80896xf32, #tpu.memory_space<hbm>>) target(%arg10 : memref<80896xf32, #tpu.memory_space<vmem>>) target_semaphore(%run_scoped3A_31 : memref<!tpu.dma_semaphore, #tpu.memory_space<semaphore_mem>>)
      %dma_wait3A = arith.constant 0 : i32
      %dma_wait3A_37 = tpu.memref_slice %arg8[%run_scoped3A_15, %add3A, %dma_wait3A] : memref<2x32x80896xf32, #tpu.memory_space<hbm>> -> memref<1x1x80896xf32, #tpu.memory_space<hbm>>
      %dma_wait3A_38 = tpu.memref_squeeze %dma_wait3A_37 : memref<1x1x80896xf32, #tpu.memory_space<hbm>> -> memref<80896xf32, #tpu.memory_space<hbm>>
      %dma_wait3A_39 = arith.constant 0 : i32
      %dma_wait3A_40 = tpu.memref_slice %arg8[%run_scoped3A_15, %add3A, %dma_wait3A_39] : memref<2x32x80896xf32, #tpu.memory_space<hbm>> -> memref<1x1x80896xf32, #tpu.memory_space<hbm>>
      %dma_wait3A_41 = tpu.memref_squeeze %dma_wait3A_40 : memref<1x1x80896xf32, #tpu.memory_space<hbm>> -> memref<80896xf32, #tpu.memory_space<hbm>>
      tpu.wait_dma2 semaphore(%run_scoped3A_31 : memref<!tpu.dma_semaphore, #tpu.memory_space<semaphore_mem>>) src(%dma_wait3A_41 : memref<80896xf32, #tpu.memory_space<hbm>>) dst(%arg10 : memref<80896xf32, #tpu.memory_space<vmem>>)
      tpu.yield
    }) : () -> ()
    %scan3A_16 = arith.constant 0 : i32
    %scan3A_17 = arith.constant 0 : i32
    %scan3A_18 = arith.constant 1264 : i32
    %scan3A_19 = arith.addi %scan3A_17, %scan3A_18 : i32
    %scan3A_20 = arith.constant 1 : i32
    %scan3A_21 = scf.for %scan3A_31 = %scan3A_17 to %scan3A_19 step %scan3A_20 iter_args(%scan3A_32 = %scan3A_16) -> (i32)  : i32 {
      %broadcast_in_dim3A = arith.constant 0.000000e+00 : f32
      %broadcast_in_dim3A_33 = vector.broadcast %broadcast_in_dim3A : f32 to vector<16xf32>
      %mul3A_34 = arith.constant 16 : i32
      %mul3A_35 = arith.muli %scan3A_31, %mul3A_34 : i32
      %multiple_of3A = tpu.assume_multiple %mul3A_35, 16 : i32
      %swap3A = arith.index_cast %multiple_of3A : i32 to index
      %swap3A_36 = tpu.vector_load %arg11[%swap3A] {strides = array<i32>} : memref<20224xf32, #tpu.memory_space<vmem>>, vector<16xf32>,
      tpu.vector_store %arg11[%swap3A], %broadcast_in_dim3A_33 {strides = array<i32>} : memref<20224xf32, #tpu.memory_space<vmem>>, vector<16xf32>,
      %scan3A_37 = arith.constant 0 : i32
      scf.yield %scan3A_37 : i32
    }
    %scan3A_22 = arith.constant 1264 : i32
    %scan3A_23 = arith.constant 0 : i32
    %scan3A_24 = arith.constant 0 : i32
    %scan3A_25 = arith.constant 320 : i32
    %scan3A_26 = arith.addi %scan3A_24, %scan3A_25 : i32
    %scan3A_27 = arith.constant 1 : i32
    %scan3A_28 = scf.for %scan3A_31 = %scan3A_24 to %scan3A_26 step %scan3A_27 iter_args(%scan3A_32 = %scan3A_23) -> (i32)  : i32 {
      %mul3A_33 = arith.constant 512 : i32
      %mul3A_34 = arith.muli %scan3A_31, %mul3A_33 : i32
      %multiple_of3A = tpu.assume_multiple %mul3A_34, 512 : i32
      "tpu.region"() ({
        %run_scoped3A_43 = tpu.sem_alloc : memref<!tpu.dma_semaphore, #tpu.memory_space<semaphore_mem>>
        %dma_start3A = tpu.memref_slice %arg2[%multiple_of3A] : memref<163840xi32, #tpu.memory_space<hbm>> -> memref<512xi32, #tpu.memory_space<hbm>>
        %dma_start3A_44 = tpu.memref_slice %arg2[%multiple_of3A] : memref<163840xi32, #tpu.memory_space<hbm>> -> memref<512xi32, #tpu.memory_space<hbm>>
        tpu.enqueue_dma source(%dma_start3A_44 : memref<512xi32, #tpu.memory_space<hbm>>) target(%arg12 : memref<512xi32, #tpu.memory_space<vmem>>) target_semaphore(%run_scoped3A_43 : memref<!tpu.dma_semaphore, #tpu.memory_space<semaphore_mem>>)
        %dma_wait3A = tpu.memref_slice %arg2[%multiple_of3A] : memref<163840xi32, #tpu.memory_space<hbm>> -> memref<512xi32, #tpu.memory_space<hbm>>
        %dma_wait3A_45 = tpu.memref_slice %arg2[%multiple_of3A] : memref<163840xi32, #tpu.memory_space<hbm>> -> memref<512xi32, #tpu.memory_space<hbm>>
        tpu.wait_dma2 semaphore(%run_scoped3A_43 : memref<!tpu.dma_semaphore, #tpu.memory_space<semaphore_mem>>) src(%dma_wait3A_45 : memref<512xi32, #tpu.memory_space<hbm>>) dst(%arg12 : memref<512xi32, #tpu.memory_space<vmem>>)
        tpu.yield
      }) : () -> ()
      "tpu.region"() ({
        %run_scoped3A_43 = tpu.sem_alloc : memref<!tpu.dma_semaphore, #tpu.memory_space<semaphore_mem>>
        %dma_start3A = tpu.memref_slice %arg3[%multiple_of3A] : memref<163840xi32, #tpu.memory_space<hbm>> -> memref<512xi32, #tpu.memory_space<hbm>>
        %dma_start3A_44 = tpu.memref_slice %arg3[%multiple_of3A] : memref<163840xi32, #tpu.memory_space<hbm>> -> memref<512xi32, #tpu.memory_space<hbm>>
        tpu.enqueue_dma source(%dma_start3A_44 : memref<512xi32, #tpu.memory_space<hbm>>) target(%arg13 : memref<512xi32, #tpu.memory_space<vmem>>) target_semaphore(%run_scoped3A_43 : memref<!tpu.dma_semaphore, #tpu.memory_space<semaphore_mem>>)
        %dma_wait3A = tpu.memref_slice %arg3[%multiple_of3A] : memref<163840xi32, #tpu.memory_space<hbm>> -> memref<512xi32, #tpu.memory_space<hbm>>
        %dma_wait3A_45 = tpu.memref_slice %arg3[%multiple_of3A] : memref<163840xi32, #tpu.memory_space<hbm>> -> memref<512xi32, #tpu.memory_space<hbm>>
        tpu.wait_dma2 semaphore(%run_scoped3A_43 : memref<!tpu.dma_semaphore, #tpu.memory_space<semaphore_mem>>) src(%dma_wait3A_45 : memref<512xi32, #tpu.memory_space<hbm>>) dst(%arg13 : memref<512xi32, #tpu.memory_space<vmem>>)
        tpu.yield
      }) : () -> ()
      "tpu.region"() ({
        %run_scoped3A_43 = tpu.sem_alloc : memref<!tpu.dma_semaphore, #tpu.memory_space<semaphore_mem>>
        %dma_start3A = tpu.memref_slice %arg4[%multiple_of3A] : memref<163840xf32, #tpu.memory_space<hbm>> -> memref<512xf32, #tpu.memory_space<hbm>>
        %dma_start3A_44 = tpu.memref_slice %arg4[%multiple_of3A] : memref<163840xf32, #tpu.memory_space<hbm>> -> memref<512xf32, #tpu.memory_space<hbm>>
        tpu.enqueue_dma source(%dma_start3A_44 : memref<512xf32, #tpu.memory_space<hbm>>) target(%arg14 : memref<512xf32, #tpu.memory_space<vmem>>) target_semaphore(%run_scoped3A_43 : memref<!tpu.dma_semaphore, #tpu.memory_space<semaphore_mem>>)
        %dma_wait3A = tpu.memref_slice %arg4[%multiple_of3A] : memref<163840xf32, #tpu.memory_space<hbm>> -> memref<512xf32, #tpu.memory_space<hbm>>
        %dma_wait3A_45 = tpu.memref_slice %arg4[%multiple_of3A] : memref<163840xf32, #tpu.memory_space<hbm>> -> memref<512xf32, #tpu.memory_space<hbm>>
        tpu.wait_dma2 semaphore(%run_scoped3A_43 : memref<!tpu.dma_semaphore, #tpu.memory_space<semaphore_mem>>) src(%dma_wait3A_45 : memref<512xf32, #tpu.memory_space<hbm>>) dst(%arg14 : memref<512xf32, #tpu.memory_space<vmem>>)
        tpu.yield
      }) : () -> ()
      "tpu.region"() ({
        %run_scoped3A_43 = tpu.sem_alloc : memref<!tpu.dma_semaphore, #tpu.memory_space<semaphore_mem>>
        %dma_start3A = tpu.memref_slice %arg5[%multiple_of3A] : memref<163840xf32, #tpu.memory_space<hbm>> -> memref<512xf32, #tpu.memory_space<hbm>>
        %dma_start3A_44 = tpu.memref_slice %arg5[%multiple_of3A] : memref<163840xf32, #tpu.memory_space<hbm>> -> memref<512xf32, #tpu.memory_space<hbm>>
        tpu.enqueue_dma source(%dma_start3A_44 : memref<512xf32, #tpu.memory_space<hbm>>) target(%arg15 : memref<512xf32, #tpu.memory_space<vmem>>) target_semaphore(%run_scoped3A_43 : memref<!tpu.dma_semaphore, #tpu.memory_space<semaphore_mem>>)
        %dma_wait3A = tpu.memref_slice %arg5[%multiple_of3A] : memref<163840xf32, #tpu.memory_space<hbm>> -> memref<512xf32, #tpu.memory_space<hbm>>
        %dma_wait3A_45 = tpu.memref_slice %arg5[%multiple_of3A] : memref<163840xf32, #tpu.memory_space<hbm>> -> memref<512xf32, #tpu.memory_space<hbm>>
        tpu.wait_dma2 semaphore(%run_scoped3A_43 : memref<!tpu.dma_semaphore, #tpu.memory_space<semaphore_mem>>) src(%dma_wait3A_45 : memref<512xf32, #tpu.memory_space<hbm>>) dst(%arg15 : memref<512xf32, #tpu.memory_space<vmem>>)
        tpu.yield
      }) : () -> ()
      "tpu.region"() ({
        %run_scoped3A_43 = tpu.sem_alloc : memref<!tpu.dma_semaphore, #tpu.memory_space<semaphore_mem>>
        %dma_start3A = tpu.memref_slice %arg6[%multiple_of3A] : memref<163840xf32, #tpu.memory_space<hbm>> -> memref<512xf32, #tpu.memory_space<hbm>>
        %dma_start3A_44 = tpu.memref_slice %arg6[%multiple_of3A] : memref<163840xf32, #tpu.memory_space<hbm>> -> memref<512xf32, #tpu.memory_space<hbm>>
        tpu.enqueue_dma source(%dma_start3A_44 : memref<512xf32, #tpu.memory_space<hbm>>) target(%arg16 : memref<512xf32, #tpu.memory_space<vmem>>) target_semaphore(%run_scoped3A_43 : memref<!tpu.dma_semaphore, #tpu.memory_space<semaphore_mem>>)
        %dma_wait3A = tpu.memref_slice %arg6[%multiple_of3A] : memref<163840xf32, #tpu.memory_space<hbm>> -> memref<512xf32, #tpu.memory_space<hbm>>
        %dma_wait3A_45 = tpu.memref_slice %arg6[%multiple_of3A] : memref<163840xf32, #tpu.memory_space<hbm>> -> memref<512xf32, #tpu.memory_space<hbm>>
        tpu.wait_dma2 semaphore(%run_scoped3A_43 : memref<!tpu.dma_semaphore, #tpu.memory_space<semaphore_mem>>) src(%dma_wait3A_45 : memref<512xf32, #tpu.memory_space<hbm>>) dst(%arg16 : memref<512xf32, #tpu.memory_space<vmem>>)
        tpu.yield
      }) : () -> ()
      "tpu.region"() ({
        %run_scoped3A_43 = tpu.sem_alloc : memref<!tpu.dma_semaphore, #tpu.memory_space<semaphore_mem>>
        %dma_start3A = tpu.memref_slice %arg7[%multiple_of3A] : memref<163840xf32, #tpu.memory_space<hbm>> -> memref<512xf32, #tpu.memory_space<hbm>>
        %dma_start3A_44 = tpu.memref_slice %arg7[%multiple_of3A] : memref<163840xf32, #tpu.memory_space<hbm>> -> memref<512xf32, #tpu.memory_space<hbm>>
        tpu.enqueue_dma source(%dma_start3A_44 : memref<512xf32, #tpu.memory_space<hbm>>) target(%arg17 : memref<512xf32, #tpu.memory_space<vmem>>) target_semaphore(%run_scoped3A_43 : memref<!tpu.dma_semaphore, #tpu.memory_space<semaphore_mem>>)
        %dma_wait3A = tpu.memref_slice %arg7[%multiple_of3A] : memref<163840xf32, #tpu.memory_space<hbm>> -> memref<512xf32, #tpu.memory_space<hbm>>
        %dma_wait3A_45 = tpu.memref_slice %arg7[%multiple_of3A] : memref<163840xf32, #tpu.memory_space<hbm>> -> memref<512xf32, #tpu.memory_space<hbm>>
        tpu.wait_dma2 semaphore(%run_scoped3A_43 : memref<!tpu.dma_semaphore, #tpu.memory_space<semaphore_mem>>) src(%dma_wait3A_45 : memref<512xf32, #tpu.memory_space<hbm>>) dst(%arg17 : memref<512xf32, #tpu.memory_space<vmem>>)
        tpu.yield
      }) : () -> ()
      %scan3A_35 = arith.constant 0 : i32
      %scan3A_36 = arith.constant 0 : i32
      %scan3A_37 = arith.constant 32 : i32
      %scan3A_38 = arith.addi %scan3A_36, %scan3A_37 : i32
      %scan3A_39 = arith.constant 1 : i32
      %scan3A_40 = scf.for %scan3A_43 = %scan3A_36 to %scan3A_38 step %scan3A_39 iter_args(%scan3A_44 = %scan3A_35) -> (i32)  : i32 {
        %mul3A_45 = arith.constant 16 : i32
        %mul3A_46 = arith.muli %scan3A_43, %mul3A_45 : i32
        %multiple_of3A_47 = tpu.assume_multiple %mul3A_46, 16 : i32
        %get3A = arith.index_cast %multiple_of3A_47 : i32 to index
        %get3A_48 = tpu.vector_load %arg12[%get3A] {strides = array<i32>} : memref<512xi32, #tpu.memory_space<vmem>>, vector<16xi32>,
        %mul3A_49 = arith.constant 8 : i32
        %mul3A_50 = vector.broadcast %mul3A_49 : i32 to vector<16xi32>
        %mul3A_51 = arith.muli %get3A_48, %mul3A_50 : vector<16xi32>
        %get3A_52 = arith.index_cast %multiple_of3A_47 : i32 to index
        %get3A_53 = tpu.vector_load %arg13[%get3A_52] {strides = array<i32>} : memref<512xi32, #tpu.memory_space<vmem>>, vector<16xi32>,
        %mul3A_54 = arith.constant 2 : i32
        %mul3A_55 = vector.broadcast %mul3A_54 : i32 to vector<16xi32>
        %mul3A_56 = arith.muli %get3A_53, %mul3A_55 : vector<16xi32>
        %get3A_57 = arith.index_cast %multiple_of3A_47 : i32 to index
        %get3A_58 = tpu.vector_load %arg14[%get3A_57] {strides = array<i32>} : memref<512xf32, #tpu.memory_space<vmem>>, vector<16xf32>,
        %get3A_59 = arith.index_cast %multiple_of3A_47 : i32 to index
        %get3A_60 = tpu.vector_load %arg15[%get3A_59] {strides = array<i32>} : memref<512xf32, #tpu.memory_space<vmem>>, vector<16xf32>,
        %get3A_61 = arith.index_cast %multiple_of3A_47 : i32 to index
        %get3A_62 = tpu.vector_load %arg16[%get3A_61] {strides = array<i32>} : memref<512xf32, #tpu.memory_space<vmem>>, vector<16xf32>,
        %get3A_63 = arith.index_cast %multiple_of3A_47 : i32 to index
        %get3A_64 = tpu.vector_load %arg17[%get3A_63] {strides = array<i32>} : memref<512xf32, #tpu.memory_space<vmem>>, vector<16xf32>,
        %add3A_65 = arith.constant 0 : i32
        %add3A_66 = vector.broadcast %add3A_65 : i32 to vector<16xi32>
        %add3A_67 = arith.addi %mul3A_51, %add3A_66 : vector<16xi32>
        %gather3A = tpu.vector_load_idx %arg10[%add3A_67] : memref<80896xf32, #tpu.memory_space<vmem>>[vector<16xi32>], vector<16xf32>,
        %mul3A_68 = arith.mulf %get3A_58, %gather3A : vector<16xf32>
        %add3A_69 = arith.constant 2 : i32
        %add3A_70 = vector.broadcast %add3A_69 : i32 to vector<16xi32>
        %add3A_71 = arith.addi %mul3A_51, %add3A_70 : vector<16xi32>
        %gather3A_72 = tpu.vector_load_idx %arg10[%add3A_71] : memref<80896xf32, #tpu.memory_space<vmem>>[vector<16xi32>], vector<16xf32>,
        %mul3A_73 = arith.mulf %get3A_60, %gather3A_72 : vector<16xf32>
        %add3A_74 = arith.addf %mul3A_68, %mul3A_73 : vector<16xf32>
        %add3A_75 = arith.constant 4 : i32
        %add3A_76 = vector.broadcast %add3A_75 : i32 to vector<16xi32>
        %add3A_77 = arith.addi %mul3A_51, %add3A_76 : vector<16xi32>
        %gather3A_78 = tpu.vector_load_idx %arg10[%add3A_77] : memref<80896xf32, #tpu.memory_space<vmem>>[vector<16xi32>], vector<16xf32>,
        %mul3A_79 = arith.mulf %get3A_62, %gather3A_78 : vector<16xf32>
        %add3A_80 = arith.addf %add3A_74, %mul3A_79 : vector<16xf32>
        %add3A_81 = arith.constant 6 : i32
        %add3A_82 = vector.broadcast %add3A_81 : i32 to vector<16xi32>
        %add3A_83 = arith.addi %mul3A_51, %add3A_82 : vector<16xi32>
        %gather3A_84 = tpu.vector_load_idx %arg10[%add3A_83] : memref<80896xf32, #tpu.memory_space<vmem>>[vector<16xi32>], vector<16xf32>,
        %mul3A_85 = arith.mulf %get3A_64, %gather3A_84 : vector<16xf32>
        %add3A_86 = arith.addf %add3A_80, %mul3A_85 : vector<16xf32>
        %add3A_87 = arith.constant 0 : i32
        %add3A_88 = vector.broadcast %add3A_87 : i32 to vector<16xi32>
        %add3A_89 = arith.addi %mul3A_56, %add3A_88 : vector<16xi32>
        tpu.vector_store_idx %arg11[%add3A_89], %add3A_86 {add = true} : memref<20224xf32, #tpu.memory_space<vmem>>[vector<16xi32>], vector<16xf32>,
        %add3A_90 = arith.constant 1 : i32
        %add3A_91 = vector.broadcast %add3A_90 : i32 to vector<16xi32>
        %add3A_92 = arith.addi %mul3A_51, %add3A_91 : vector<16xi32>
        %gather3A_93 = tpu.vector_load_idx %arg10[%add3A_92] : memref<80896xf32, #tpu.memory_space<vmem>>[vector<16xi32>], vector<16xf32>,
        %mul3A_94 = arith.mulf %get3A_58, %gather3A_93 : vector<16xf32>
        %add3A_95 = arith.constant 3 : i32
        %add3A_96 = vector.broadcast %add3A_95 : i32 to vector<16xi32>
        %add3A_97 = arith.addi %mul3A_51, %add3A_96 : vector<16xi32>
        %gather3A_98 = tpu.vector_load_idx %arg10[%add3A_97] : memref<80896xf32, #tpu.memory_space<vmem>>[vector<16xi32>], vector<16xf32>,
        %mul3A_99 = arith.mulf %get3A_60, %gather3A_98 : vector<16xf32>
        %add3A_100 = arith.addf %mul3A_94, %mul3A_99 : vector<16xf32>
        %add3A_101 = arith.constant 5 : i32
        %add3A_102 = vector.broadcast %add3A_101 : i32 to vector<16xi32>
        %add3A_103 = arith.addi %mul3A_51, %add3A_102 : vector<16xi32>
        %gather3A_104 = tpu.vector_load_idx %arg10[%add3A_103] : memref<80896xf32, #tpu.memory_space<vmem>>[vector<16xi32>], vector<16xf32>,
        %mul3A_105 = arith.mulf %get3A_62, %gather3A_104 : vector<16xf32>
        %add3A_106 = arith.addf %add3A_100, %mul3A_105 : vector<16xf32>
        %add3A_107 = arith.constant 7 : i32
        %add3A_108 = vector.broadcast %add3A_107 : i32 to vector<16xi32>
        %add3A_109 = arith.addi %mul3A_51, %add3A_108 : vector<16xi32>
        %gather3A_110 = tpu.vector_load_idx %arg10[%add3A_109] : memref<80896xf32, #tpu.memory_space<vmem>>[vector<16xi32>], vector<16xf32>,
        %mul3A_111 = arith.mulf %get3A_64, %gather3A_110 : vector<16xf32>
        %add3A_112 = arith.addf %add3A_106, %mul3A_111 : vector<16xf32>
        %add3A_113 = arith.constant 1 : i32
        %add3A_114 = vector.broadcast %add3A_113 : i32 to vector<16xi32>
        %add3A_115 = arith.addi %mul3A_56, %add3A_114 : vector<16xi32>
        tpu.vector_store_idx %arg11[%add3A_115], %add3A_112 {add = true} : memref<20224xf32, #tpu.memory_space<vmem>>[vector<16xi32>], vector<16xf32>,
        %scan3A_116 = arith.constant 0 : i32
        scf.yield %scan3A_116 : i32
      }
      %scan3A_41 = arith.constant 32 : i32
      %scan3A_42 = arith.constant 0 : i32
      scf.yield %scan3A_42 : i32
    }
    %scan3A_29 = arith.constant 320 : i32
    %run_scoped3A_30 = arith.constant 1 : i32
    "tpu.region"() ({
      %run_scoped3A_31 = tpu.sem_alloc : memref<!tpu.dma_semaphore, #tpu.memory_space<semaphore_mem>>
      %dma_start3A = arith.constant 0 : i32
      %dma_start3A_32 = tpu.memref_slice %arg9[%run_scoped3A_30, %add3A, %dma_start3A] : memref<2x32x20224xf32, #tpu.memory_space<hbm>> -> memref<1x1x20224xf32, #tpu.memory_space<hbm>>
      %dma_start3A_33 = tpu.memref_squeeze %dma_start3A_32 : memref<1x1x20224xf32, #tpu.memory_space<hbm>> -> memref<20224xf32, #tpu.memory_space<hbm>>
      %dma_start3A_34 = arith.constant 0 : i32
      %dma_start3A_35 = tpu.memref_slice %arg9[%run_scoped3A_30, %add3A, %dma_start3A_34] : memref<2x32x20224xf32, #tpu.memory_space<hbm>> -> memref<1x1x20224xf32, #tpu.memory_space<hbm>>
      %dma_start3A_36 = tpu.memref_squeeze %dma_start3A_35 : memref<1x1x20224xf32, #tpu.memory_space<hbm>> -> memref<20224xf32, #tpu.memory_space<hbm>>
      tpu.enqueue_dma source(%arg11 : memref<20224xf32, #tpu.memory_space<vmem>>) target(%dma_start3A_36 : memref<20224xf32, #tpu.memory_space<hbm>>) target_semaphore(%run_scoped3A_31 : memref<!tpu.dma_semaphore, #tpu.memory_space<semaphore_mem>>)
      %dma_wait3A = arith.constant 0 : i32
      %dma_wait3A_37 = tpu.memref_slice %arg9[%run_scoped3A_30, %add3A, %dma_wait3A] : memref<2x32x20224xf32, #tpu.memory_space<hbm>> -> memref<1x1x20224xf32, #tpu.memory_space<hbm>>
      %dma_wait3A_38 = tpu.memref_squeeze %dma_wait3A_37 : memref<1x1x20224xf32, #tpu.memory_space<hbm>> -> memref<20224xf32, #tpu.memory_space<hbm>>
      %dma_wait3A_39 = arith.constant 0 : i32
      %dma_wait3A_40 = tpu.memref_slice %arg9[%run_scoped3A_30, %add3A, %dma_wait3A_39] : memref<2x32x20224xf32, #tpu.memory_space<hbm>> -> memref<1x1x20224xf32, #tpu.memory_space<hbm>>
      %dma_wait3A_41 = tpu.memref_squeeze %dma_wait3A_40 : memref<1x1x20224xf32, #tpu.memory_space<hbm>> -> memref<20224xf32, #tpu.memory_space<hbm>>
      tpu.wait_dma2 semaphore(%run_scoped3A_31 : memref<!tpu.dma_semaphore, #tpu.memory_space<semaphore_mem>>) src(%arg11 : memref<20224xf32, #tpu.memory_space<vmem>>) dst(%dma_wait3A_41 : memref<20224xf32, #tpu.memory_space<hbm>>)
      tpu.yield
    }) : () -> ()
    return
  }
}

module attributes {stable_mosaic.version = 14 : i64} {
  func.func @_tck0_body(%arg0: memref<512x128xf32, #tpu.memory_space<vmem>>, %arg1: memref<128x512xf32, #tpu.memory_space<vmem>>, %arg2: memref<1250x128xf32, #tpu.memory_space<vmem>>, %arg3: memref<512x512xf32, #tpu.memory_space<vmem>>, %arg4: memref<1x128xf32, #tpu.memory_space<vmem>>) attributes {dimension_semantics = [], scalar_prefetch = 0 : i64, scratch_operands = 0 : i64, tpu.core_type = #tpu.core_type<tc>} {
    %get3A = arith.constant 0 : index
    %get3A_0 = arith.constant 0 : index
    %get3A_1 = vector.load %arg0[%get3A, %get3A_0] : memref<512x128xf32, #tpu.memory_space<vmem>>, vector<512x128xf32>
    %get3A_2 = arith.constant 0 : index
    %get3A_3 = arith.constant 0 : index
    %get3A_4 = vector.load %arg1[%get3A_2, %get3A_3] : memref<128x512xf32, #tpu.memory_space<vmem>>, vector<128x512xf32>
    %dot_general3A = arith.constant dense<0.000000e+00> : vector<512x512xf32>
    %dot_general3A_5 = tpu.matmul %get3A_1, %get3A_4, %dot_general3A {dimension_numbers = #tpu.dot_dimension_numbers<[1], [0], [0], [1], [0, 0, 1, 1], [], []>, transpose_lhs_hint = false} : vector<512x128xf32>, vector<128x512xf32>, vector<512x512xf32> -> vector<512x512xf32>
    %swap3A = arith.constant 0 : index
    %swap3A_6 = arith.constant 0 : index
    %swap3A_7 = vector.load %arg3[%swap3A, %swap3A_6] : memref<512x512xf32, #tpu.memory_space<vmem>>, vector<512x512xf32>
    tpu.vector_store %arg3[%swap3A, %swap3A_6], %dot_general3A_5 {strides = array<i32>} : memref<512x512xf32, #tpu.memory_space<vmem>>, vector<512x512xf32>,
    %get3A_8 = arith.constant 0 : index
    %get3A_9 = arith.constant 0 : index
    %get3A_10 = vector.load %arg2[%get3A_8, %get3A_9] : memref<1250x128xf32, #tpu.memory_space<vmem>>, vector<1250x128xf32>
    %reduce_sum3A = vector.shape_cast %get3A_10 : vector<1250x128xf32> to vector<1x1250x128xf32>
    %reduce_sum3A_11 = arith.constant dense<0.000000e+00> : vector<1xf32>
    %reduce_sum3A_12 = vector.multi_reduction <add>, %reduce_sum3A, %reduce_sum3A_11 [1, 2] : vector<1x1250x128xf32> to vector<1xf32>
    %reduce_sum3A_13 = vector.shape_cast %reduce_sum3A_12 : vector<1xf32> to vector<1x1x1xf32>
    %reduce_sum3A_14 = vector.extract %reduce_sum3A_13[0, 0, 0] : f32 from vector<1x1x1xf32>
    %div3A = arith.constant 1.600000e+05 : f32
    %div3A_15 = arith.divf %reduce_sum3A_14, %div3A : f32
    %broadcast_in_dim3A = vector.broadcast %div3A_15 : f32 to vector<1x128xf32>
    %swap3A_16 = arith.constant 0 : index
    %swap3A_17 = arith.constant 0 : index
    %swap3A_18 = vector.load %arg4[%swap3A_16, %swap3A_17] : memref<1x128xf32, #tpu.memory_space<vmem>>, vector<1x128xf32>
    tpu.vector_store %arg4[%swap3A_16, %swap3A_17], %broadcast_in_dim3A {strides = array<i32>} : memref<1x128xf32, #tpu.memory_space<vmem>>, vector<1x128xf32>,
    return
  }
}

module attributes {stable_mosaic.version = 14 : i64} {
  func.func @_tck1_body(%arg0: i32, %arg1: memref<632x1xi32, #tpu.memory_space<vmem>>, %arg2: memref<632x1xf32, #tpu.memory_space<vmem>>, %arg3: memref<512x512xf32, #tpu.memory_space<vmem>>, %arg4: memref<1x512xf32, #tpu.memory_space<vmem>>, %arg5: memref<512x8xf32, #tpu.memory_space<vmem>>, %arg6: memref<1x4xf32, #tpu.memory_space<vmem>>, %arg7: memref<1x128xf32, #tpu.memory_space<vmem>>, %arg8: memref<632x512xf32, #tpu.memory_space<vmem>>, %arg9: memref<632x4xf32, #tpu.memory_space<vmem>>, %arg10: memref<632x4xf32, #tpu.memory_space<vmem>>, %arg11: memref<632x4xf32, #tpu.memory_space<vmem>>) attributes {dimension_semantics = [#tpu.dimension_semantics<arbitrary>], iteration_bounds = array<i64: 16>, scalar_prefetch = 0 : i64, scratch_operands = 0 : i64, tpu.core_type = #tpu.core_type<tc>, window_params = [{transform_indices = @transform_0, window_bounds = array<i64: 632, 1>}, {transform_indices = @transform_1, window_bounds = array<i64: 632, 1>}, {pipeline_mode = #tpu.pipeline_mode<synchronous>, transform_indices = @transform_2, window_bounds = array<i64: 512, 512>}, {pipeline_mode = #tpu.pipeline_mode<synchronous>, transform_indices = @transform_3, window_bounds = array<i64: 1, 512>}, {pipeline_mode = #tpu.pipeline_mode<synchronous>, transform_indices = @transform_4, window_bounds = array<i64: 512, 8>}, {pipeline_mode = #tpu.pipeline_mode<synchronous>, transform_indices = @transform_5, window_bounds = array<i64: 1, 4>}, {pipeline_mode = #tpu.pipeline_mode<synchronous>, transform_indices = @transform_6, window_bounds = array<i64: 1, 128>}, {transform_indices = @transform_7, window_bounds = array<i64: 632, 512>}, {transform_indices = @transform_8, window_bounds = array<i64: 632, 4>}, {transform_indices = @transform_9, window_bounds = array<i64: 632, 4>}, {transform_indices = @transform_10, window_bounds = array<i64: 632, 4>}]} {
    %iota3A = tpu.iota {dimensions = array<i32: 1>} : vector<632x512xi32>
    %get3A = arith.constant 0 : index
    %get3A_0 = arith.constant 0 : index
    %get3A_1 = vector.load %arg1[%get3A, %get3A_0] : memref<632x1xi32, #tpu.memory_space<vmem>>, vector<632x1xi32>
    %eq3A = vector.broadcast %get3A_1 : vector<632x1xi32> to vector<632x512xi32>
    %eq3A_2 = arith.cmpi eq, %eq3A, %iota3A : vector<632x512xi32>
    %convert_element_type3A = arith.extui %eq3A_2 : vector<632x512xi1> to vector<632x512xi32>
    %convert_element_type3A_3 = arith.sitofp %convert_element_type3A : vector<632x512xi32> to vector<632x512xf32>
    %get3A_4 = arith.constant 0 : index
    %get3A_5 = arith.constant 0 : index
    %get3A_6 = vector.load %arg3[%get3A_4, %get3A_5] : memref<512x512xf32, #tpu.memory_space<vmem>>, vector<512x512xf32>
    %dot_general3A = arith.constant dense<0.000000e+00> : vector<632x512xf32>
    %dot_general3A_7 = tpu.matmul %convert_element_type3A_3, %get3A_6, %dot_general3A {dimension_numbers = #tpu.dot_dimension_numbers<[1], [0], [0], [1], [0, 0, 1, 1], [], []>, transpose_lhs_hint = false} : vector<632x512xf32>, vector<512x512xf32>, vector<632x512xf32> -> vector<632x512xf32>
    %get3A_8 = arith.constant 0 : index
    %get3A_9 = arith.constant 0 : index
    %get3A_10 = vector.load %arg2[%get3A_8, %get3A_9] : memref<632x1xf32, #tpu.memory_space<vmem>>, vector<632x1xf32>
    %get3A_11 = arith.constant 0 : index
    %get3A_12 = arith.constant 0 : index
    %get3A_13 = vector.load %arg4[%get3A_11, %get3A_12] : memref<1x512xf32, #tpu.memory_space<vmem>>, vector<1x512xf32>
    %mul3A = vector.broadcast %get3A_10 : vector<632x1xf32> to vector<632x512xf32>
    %mul3A_14 = vector.broadcast %get3A_13 : vector<1x512xf32> to vector<632x512xf32>
    %mul3A_15 = arith.mulf %mul3A, %mul3A_14 : vector<632x512xf32>
    %add3A = arith.addf %dot_general3A_7, %mul3A_15 : vector<632x512xf32>
    %swap3A = arith.constant 0 : index
    %swap3A_16 = arith.constant 0 : index
    %swap3A_17 = vector.load %arg8[%swap3A, %swap3A_16] : memref<632x512xf32, #tpu.memory_space<vmem>>, vector<632x512xf32>
    tpu.vector_store %arg8[%swap3A, %swap3A_16], %add3A {strides = array<i32>} : memref<632x512xf32, #tpu.memory_space<vmem>>, vector<632x512xf32>,
    %get3A_18 = arith.constant 0 : index
    %get3A_19 = arith.constant 0 : index
    %get3A_20 = vector.load %arg5[%get3A_18, %get3A_19] : memref<512x8xf32, #tpu.memory_space<vmem>>, vector<512x8xf32>
    %dot_general3A_21 = arith.constant dense<0.000000e+00> : vector<632x8xf32>
    %dot_general3A_22 = tpu.matmul %add3A, %get3A_20, %dot_general3A_21 {dimension_numbers = #tpu.dot_dimension_numbers<[1], [0], [0], [1], [0, 0, 1, 1], [], []>, transpose_lhs_hint = false} : vector<632x512xf32>, vector<512x8xf32>, vector<632x8xf32> -> vector<632x8xf32>
    %slice3A = vector.extract_strided_slice %dot_general3A_22 {offsets = [0, 0], sizes = [632, 4], strides = [1, 1]} : vector<632x8xf32> to vector<632x4xf32>
    %swap3A_23 = arith.constant 0 : index
    %swap3A_24 = arith.constant 0 : index
    %swap3A_25 = vector.load %arg9[%swap3A_23, %swap3A_24] : memref<632x4xf32, #tpu.memory_space<vmem>>, vector<632x4xf32>
    tpu.vector_store %arg9[%swap3A_23, %swap3A_24], %slice3A {strides = array<i32>} : memref<632x4xf32, #tpu.memory_space<vmem>>, vector<632x4xf32>,
    %slice3A_26 = vector.extract_strided_slice %dot_general3A_22 {offsets = [0, 4], sizes = [632, 4], strides = [1, 1]} : vector<632x8xf32> to vector<632x4xf32>
    %swap3A_27 = arith.constant 0 : index
    %swap3A_28 = arith.constant 0 : index
    %swap3A_29 = vector.load %arg10[%swap3A_27, %swap3A_28] : memref<632x4xf32, #tpu.memory_space<vmem>>, vector<632x4xf32>
    tpu.vector_store %arg10[%swap3A_27, %swap3A_28], %slice3A_26 {strides = array<i32>} : memref<632x4xf32, #tpu.memory_space<vmem>>, vector<632x4xf32>,
    %slice3A_30 = vector.extract_strided_slice %dot_general3A_22 {offsets = [0, 0], sizes = [632, 4], strides = [1, 1]} : vector<632x8xf32> to vector<632x4xf32>
    %slice3A_31 = vector.extract_strided_slice %dot_general3A_22 {offsets = [0, 4], sizes = [632, 4], strides = [1, 1]} : vector<632x8xf32> to vector<632x4xf32>
    %add3A_32 = arith.addf %slice3A_30, %slice3A_31 : vector<632x4xf32>
    %get3A_33 = arith.constant 0 : index
    %get3A_34 = arith.constant 0 : index
    %get3A_35 = vector.load %arg7[%get3A_33, %get3A_34] : memref<1x128xf32, #tpu.memory_space<vmem>>, vector<1x1xf32>
    %get3A_36 = vector.extract %get3A_35[0, 0] : f32 from vector<1x1xf32>
    %get3A_37 = arith.constant 0 : index
    %get3A_38 = arith.constant 0 : index
    %get3A_39 = vector.load %arg6[%get3A_37, %get3A_38] : memref<1x4xf32, #tpu.memory_space<vmem>>, vector<1x4xf32>
    %mul3A_40 = vector.broadcast %get3A_36 : f32 to vector<1x4xf32>
    %mul3A_41 = arith.mulf %mul3A_40, %get3A_39 : vector<1x4xf32>
    %add3A_42 = vector.broadcast %mul3A_41 : vector<1x4xf32> to vector<632x4xf32>
    %add3A_43 = arith.addf %add3A_32, %add3A_42 : vector<632x4xf32>
    %gt3A = arith.constant 0.000000e+00 : f32
    %gt3A_44 = vector.broadcast %gt3A : f32 to vector<632x4xf32>
    %gt3A_45 = arith.cmpf ogt, %add3A_43, %gt3A_44 : vector<632x4xf32>
    %mul3A_46 = arith.constant 2.000000e-01 : f32
    %mul3A_47 = vector.broadcast %mul3A_46 : f32 to vector<632x4xf32>
    %mul3A_48 = arith.mulf %mul3A_47, %add3A_43 : vector<632x4xf32>
    %select_n3A = arith.select %gt3A_45, %add3A_43, %mul3A_48 : vector<632x4xi1>, vector<632x4xf32>
    %exp3A = math.exp %select_n3A : vector<632x4xf32>
    %swap3A_49 = arith.constant 0 : index
    %swap3A_50 = arith.constant 0 : index
    %swap3A_51 = vector.load %arg11[%swap3A_49, %swap3A_50] : memref<632x4xf32, #tpu.memory_space<vmem>>, vector<632x4xf32>
    tpu.vector_store %arg11[%swap3A_49, %swap3A_50], %exp3A {strides = array<i32>} : memref<632x4xf32, #tpu.memory_space<vmem>>, vector<632x4xf32>,
    return
  }
  func.func @transform_0(%arg0: i32) -> (i32, i32) {
    %c0_i32 = arith.constant 0 : i32
    %c0_i32_0 = arith.constant 0 : i32
    return %arg0, %c0_i32 : i32, i32
  }
  func.func @transform_1(%arg0: i32) -> (i32, i32) {
    %c0_i32 = arith.constant 0 : i32
    %c0_i32_0 = arith.constant 0 : i32
    return %arg0, %c0_i32 : i32, i32
  }
  func.func @transform_2(%arg0: i32) -> (i32, i32) {
    %c0_i32 = arith.constant 0 : i32
    %c0_i32_0 = arith.constant 0 : i32
    %c0_i32_1 = arith.constant 0 : i32
    return %c0_i32, %c0_i32_0 : i32, i32
  }
  func.func @transform_3(%arg0: i32) -> (i32, i32) {
    %c0_i32 = arith.constant 0 : i32
    %c0_i32_0 = arith.constant 0 : i32
    %c0_i32_1 = arith.constant 0 : i32
    return %c0_i32, %c0_i32_0 : i32, i32
  }
  func.func @transform_4(%arg0: i32) -> (i32, i32) {
    %c0_i32 = arith.constant 0 : i32
    %c0_i32_0 = arith.constant 0 : i32
    %c0_i32_1 = arith.constant 0 : i32
    return %c0_i32, %c0_i32_0 : i32, i32
  }
  func.func @transform_5(%arg0: i32) -> (i32, i32) {
    %c0_i32 = arith.constant 0 : i32
    %c0_i32_0 = arith.constant 0 : i32
    %c0_i32_1 = arith.constant 0 : i32
    return %c0_i32, %c0_i32_0 : i32, i32
  }
  func.func @transform_6(%arg0: i32) -> (i32, i32) {
    %c0_i32 = arith.constant 0 : i32
    %c0_i32_0 = arith.constant 0 : i32
    %c0_i32_1 = arith.constant 0 : i32
    return %c0_i32, %c0_i32_0 : i32, i32
  }
  func.func @transform_7(%arg0: i32) -> (i32, i32) {
    %c0_i32 = arith.constant 0 : i32
    %c0_i32_0 = arith.constant 0 : i32
    return %arg0, %c0_i32 : i32, i32
  }
  func.func @transform_8(%arg0: i32) -> (i32, i32) {
    %c0_i32 = arith.constant 0 : i32
    %c0_i32_0 = arith.constant 0 : i32
    return %arg0, %c0_i32 : i32, i32
  }
  func.func @transform_9(%arg0: i32) -> (i32, i32) {
    %c0_i32 = arith.constant 0 : i32
    %c0_i32_0 = arith.constant 0 : i32
    return %arg0, %c0_i32 : i32, i32
  }
  func.func @transform_10(%arg0: i32) -> (i32, i32) {
    %c0_i32 = arith.constant 0 : i32
    %c0_i32_0 = arith.constant 0 : i32
    return %arg0, %c0_i32 : i32, i32
  }
}

module attributes {stable_mosaic.version = 14 : i64} {
  func.func @_tck2_body(%arg0: i32, %arg1: memref<32x632x4xf32, #tpu.memory_space<vmem>>, %arg2: memref<632x4xf32, #tpu.memory_space<vmem>>, %arg3: memref<632x512xf32, #tpu.memory_space<vmem>>, %arg4: memref<632x4xf32, #tpu.memory_space<vmem>>, %arg5: memref<632x128xf32, #tpu.memory_space<vmem>>) attributes {dimension_semantics = [#tpu.dimension_semantics<arbitrary>], iteration_bounds = array<i64: 16>, scalar_prefetch = 0 : i64, scratch_operands = 0 : i64, tpu.core_type = #tpu.core_type<tc>, window_params = [{transform_indices = @transform_0, window_bounds = array<i64: 32, 632, 4>}, {transform_indices = @transform_1, window_bounds = array<i64: 632, 4>}, {transform_indices = @transform_2, window_bounds = array<i64: 632, 512>}, {transform_indices = @transform_3, window_bounds = array<i64: 632, 4>}, {transform_indices = @transform_4, window_bounds = array<i64: 632, 128>}]} {
    %get3A = arith.constant 0 : index
    %get3A_0 = arith.constant 0 : index
    %get3A_1 = arith.constant 0 : index
    %get3A_2 = vector.load %arg1[%get3A, %get3A_0, %get3A_1] : memref<32x632x4xf32, #tpu.memory_space<vmem>>, vector<32x632x4xf32>
    %reduce_sum3A = arith.constant dense<0.000000e+00> : vector<632x4xf32>
    %reduce_sum3A_3 = vector.multi_reduction <add>, %get3A_2, %reduce_sum3A [0] : vector<32x632x4xf32> to vector<632x4xf32>
    %get3A_4 = arith.constant 0 : index
    %get3A_5 = arith.constant 0 : index
    %get3A_6 = vector.load %arg2[%get3A_4, %get3A_5] : memref<632x4xf32, #tpu.memory_space<vmem>>, vector<632x4xf32>
    %add3A = arith.addf %reduce_sum3A_3, %get3A_6 : vector<632x4xf32>
    %add3A_7 = arith.constant 1.000000e-16 : f32
    %add3A_8 = vector.broadcast %add3A_7 : f32 to vector<632x4xf32>
    %add3A_9 = arith.addf %add3A, %add3A_8 : vector<632x4xf32>
    %div3A = arith.constant 1.000000e+00 : f32
    %div3A_10 = vector.broadcast %div3A : f32 to vector<632x4xf32>
    %div3A_11 = arith.divf %div3A_10, %add3A_9 : vector<632x4xf32>
    %swap3A = arith.constant 0 : index
    %swap3A_12 = arith.constant 0 : index
    %swap3A_13 = vector.load %arg4[%swap3A, %swap3A_12] : memref<632x4xf32, #tpu.memory_space<vmem>>, vector<632x4xf32>
    tpu.vector_store %arg4[%swap3A, %swap3A_12], %div3A_11 {strides = array<i32>} : memref<632x4xf32, #tpu.memory_space<vmem>>, vector<632x4xf32>,
    %get3A_14 = arith.constant 0 : index
    %get3A_15 = arith.constant 0 : index
    %get3A_16 = vector.load %arg2[%get3A_14, %get3A_15] : memref<632x4xf32, #tpu.memory_space<vmem>>, vector<632x4xf32>
    %mul3A = arith.mulf %get3A_16, %div3A_11 : vector<632x4xf32>
    %broadcast_in_dim3A = arith.constant 0.000000e+00 : f32
    %broadcast_in_dim3A_17 = vector.broadcast %broadcast_in_dim3A : f32 to vector<632x128xf32>
    %slice3A = vector.extract_strided_slice %mul3A {offsets = [0, 0], sizes = [632, 1], strides = [1, 1]} : vector<632x4xf32> to vector<632x1xf32>
    %get3A_18 = arith.constant 0 : index
    %get3A_19 = arith.constant 0 : index
    %get3A_20 = vector.load %arg3[%get3A_18, %get3A_19] : memref<632x512xf32, #tpu.memory_space<vmem>>, vector<632x128xf32>
    %mul3A_21 = vector.broadcast %slice3A : vector<632x1xf32> to vector<632x128xf32>
    %mul3A_22 = arith.mulf %mul3A_21, %get3A_20 : vector<632x128xf32>
    %add3A_23 = arith.addf %broadcast_in_dim3A_17, %mul3A_22 : vector<632x128xf32>
    %slice3A_24 = vector.extract_strided_slice %mul3A {offsets = [0, 1], sizes = [632, 1], strides = [1, 1]} : vector<632x4xf32> to vector<632x1xf32>
    %get3A_25 = arith.constant 0 : index
    %get3A_26 = arith.constant 128 : index
    %get3A_27 = vector.load %arg3[%get3A_25, %get3A_26] : memref<632x512xf32, #tpu.memory_space<vmem>>, vector<632x128xf32>
    %mul3A_28 = vector.broadcast %slice3A_24 : vector<632x1xf32> to vector<632x128xf32>
    %mul3A_29 = arith.mulf %mul3A_28, %get3A_27 : vector<632x128xf32>
    %add3A_30 = arith.addf %add3A_23, %mul3A_29 : vector<632x128xf32>
    %slice3A_31 = vector.extract_strided_slice %mul3A {offsets = [0, 2], sizes = [632, 1], strides = [1, 1]} : vector<632x4xf32> to vector<632x1xf32>
    %get3A_32 = arith.constant 0 : index
    %get3A_33 = arith.constant 256 : index
    %get3A_34 = vector.load %arg3[%get3A_32, %get3A_33] : memref<632x512xf32, #tpu.memory_space<vmem>>, vector<632x128xf32>
    %mul3A_35 = vector.broadcast %slice3A_31 : vector<632x1xf32> to vector<632x128xf32>
    %mul3A_36 = arith.mulf %mul3A_35, %get3A_34 : vector<632x128xf32>
    %add3A_37 = arith.addf %add3A_30, %mul3A_36 : vector<632x128xf32>
    %slice3A_38 = vector.extract_strided_slice %mul3A {offsets = [0, 3], sizes = [632, 1], strides = [1, 1]} : vector<632x4xf32> to vector<632x1xf32>
    %get3A_39 = arith.constant 0 : index
    %get3A_40 = arith.constant 384 : index
    %get3A_41 = vector.load %arg3[%get3A_39, %get3A_40] : memref<632x512xf32, #tpu.memory_space<vmem>>, vector<632x128xf32>
    %mul3A_42 = vector.broadcast %slice3A_38 : vector<632x1xf32> to vector<632x128xf32>
    %mul3A_43 = arith.mulf %mul3A_42, %get3A_41 : vector<632x128xf32>
    %add3A_44 = arith.addf %add3A_37, %mul3A_43 : vector<632x128xf32>
    %swap3A_45 = arith.constant 0 : index
    %swap3A_46 = arith.constant 0 : index
    %swap3A_47 = vector.load %arg5[%swap3A_45, %swap3A_46] : memref<632x128xf32, #tpu.memory_space<vmem>>, vector<632x128xf32>
    tpu.vector_store %arg5[%swap3A_45, %swap3A_46], %add3A_44 {strides = array<i32>} : memref<632x128xf32, #tpu.memory_space<vmem>>, vector<632x128xf32>,
    return
  }
  func.func @transform_0(%arg0: i32) -> (i32, i32, i32) {
    %c0_i32 = arith.constant 0 : i32
    %c0_i32_0 = arith.constant 0 : i32
    %c0_i32_1 = arith.constant 0 : i32
    return %c0_i32, %arg0, %c0_i32_0 : i32, i32, i32
  }
  func.func @transform_1(%arg0: i32) -> (i32, i32) {
    %c0_i32 = arith.constant 0 : i32
    %c0_i32_0 = arith.constant 0 : i32
    return %arg0, %c0_i32 : i32, i32
  }
  func.func @transform_2(%arg0: i32) -> (i32, i32) {
    %c0_i32 = arith.constant 0 : i32
    %c0_i32_0 = arith.constant 0 : i32
    return %arg0, %c0_i32 : i32, i32
  }
  func.func @transform_3(%arg0: i32) -> (i32, i32) {
    %c0_i32 = arith.constant 0 : i32
    %c0_i32_0 = arith.constant 0 : i32
    return %arg0, %c0_i32 : i32, i32
  }
  func.func @transform_4(%arg0: i32) -> (i32, i32) {
    %c0_i32 = arith.constant 0 : i32
    %c0_i32_0 = arith.constant 0 : i32
    return %arg0, %c0_i32 : i32, i32
  }
}

module attributes {stable_mosaic.version = 14 : i64} {
  func.func @_tck3_body(%arg0: i32, %arg1: memref<632x128xf32, #tpu.memory_space<vmem>>, %arg2: memref<632x128xf32, #tpu.memory_space<vmem>>, %arg3: memref<1x128xf32, #tpu.memory_space<vmem>>, %arg4: memref<128x512xf32, #tpu.memory_space<vmem>>, %arg5: memref<512x8xf32, #tpu.memory_space<vmem>>, %arg6: memref<1x4xf32, #tpu.memory_space<vmem>>, %arg7: memref<1x128xf32, #tpu.memory_space<vmem>>, %arg8: memref<632x128xf32, #tpu.memory_space<vmem>>, %arg9: memref<632x512xf32, #tpu.memory_space<vmem>>, %arg10: memref<632x4xf32, #tpu.memory_space<vmem>>, %arg11: memref<632x4xf32, #tpu.memory_space<vmem>>, %arg12: memref<632x4xf32, #tpu.memory_space<vmem>>) attributes {dimension_semantics = [#tpu.dimension_semantics<arbitrary>], iteration_bounds = array<i64: 16>, scalar_prefetch = 0 : i64, scratch_operands = 0 : i64, tpu.core_type = #tpu.core_type<tc>, window_params = [{transform_indices = @transform_0, window_bounds = array<i64: 632, 128>}, {transform_indices = @transform_1, window_bounds = array<i64: 632, 128>}, {pipeline_mode = #tpu.pipeline_mode<synchronous>, transform_indices = @transform_2, window_bounds = array<i64: 1, 128>}, {pipeline_mode = #tpu.pipeline_mode<synchronous>, transform_indices = @transform_3, window_bounds = array<i64: 128, 512>}, {pipeline_mode = #tpu.pipeline_mode<synchronous>, transform_indices = @transform_4, window_bounds = array<i64: 512, 8>}, {pipeline_mode = #tpu.pipeline_mode<synchronous>, transform_indices = @transform_5, window_bounds = array<i64: 1, 4>}, {pipeline_mode = #tpu.pipeline_mode<synchronous>, transform_indices = @transform_6, window_bounds = array<i64: 1, 128>}, {transform_indices = @transform_7, window_bounds = array<i64: 632, 128>}, {transform_indices = @transform_8, window_bounds = array<i64: 632, 512>}, {transform_indices = @transform_9, window_bounds = array<i64: 632, 4>}, {transform_indices = @transform_10, window_bounds = array<i64: 632, 4>}, {transform_indices = @transform_11, window_bounds = array<i64: 632, 4>}]} {
    %get3A = arith.constant 0 : index
    %get3A_0 = arith.constant 0 : index
    %get3A_1 = vector.load %arg1[%get3A, %get3A_0] : memref<632x128xf32, #tpu.memory_space<vmem>>, vector<632x128xf32>
    %get3A_2 = arith.constant 0 : index
    %get3A_3 = arith.constant 0 : index
    %get3A_4 = vector.load %arg2[%get3A_2, %get3A_3] : memref<632x128xf32, #tpu.memory_space<vmem>>, vector<632x128xf32>
    %add3A = arith.addf %get3A_1, %get3A_4 : vector<632x128xf32>
    %mul3A = arith.constant 2.500000e-01 : f32
    %mul3A_5 = vector.broadcast %mul3A : f32 to vector<632x128xf32>
    %mul3A_6 = arith.mulf %mul3A_5, %add3A : vector<632x128xf32>
    %get3A_7 = arith.constant 0 : index
    %get3A_8 = arith.constant 0 : index
    %get3A_9 = vector.load %arg3[%get3A_7, %get3A_8] : memref<1x128xf32, #tpu.memory_space<vmem>>, vector<1x128xf32>
    %add3A_10 = vector.broadcast %get3A_9 : vector<1x128xf32> to vector<632x128xf32>
    %add3A_11 = arith.addf %mul3A_6, %add3A_10 : vector<632x128xf32>
    %swap3A = arith.constant 0 : index
    %swap3A_12 = arith.constant 0 : index
    %swap3A_13 = vector.load %arg8[%swap3A, %swap3A_12] : memref<632x128xf32, #tpu.memory_space<vmem>>, vector<632x128xf32>
    tpu.vector_store %arg8[%swap3A, %swap3A_12], %add3A_11 {strides = array<i32>} : memref<632x128xf32, #tpu.memory_space<vmem>>, vector<632x128xf32>,
    %get3A_14 = arith.constant 0 : index
    %get3A_15 = arith.constant 0 : index
    %get3A_16 = vector.load %arg4[%get3A_14, %get3A_15] : memref<128x512xf32, #tpu.memory_space<vmem>>, vector<128x512xf32>
    %dot_general3A = arith.constant dense<0.000000e+00> : vector<632x512xf32>
    %dot_general3A_17 = tpu.matmul %add3A_11, %get3A_16, %dot_general3A {dimension_numbers = #tpu.dot_dimension_numbers<[1], [0], [0], [1], [0, 0, 1, 1], [], []>, transpose_lhs_hint = false} : vector<632x128xf32>, vector<128x512xf32>, vector<632x512xf32> -> vector<632x512xf32>
    %swap3A_18 = arith.constant 0 : index
    %swap3A_19 = arith.constant 0 : index
    %swap3A_20 = vector.load %arg9[%swap3A_18, %swap3A_19] : memref<632x512xf32, #tpu.memory_space<vmem>>, vector<632x512xf32>
    tpu.vector_store %arg9[%swap3A_18, %swap3A_19], %dot_general3A_17 {strides = array<i32>} : memref<632x512xf32, #tpu.memory_space<vmem>>, vector<632x512xf32>,
    %get3A_21 = arith.constant 0 : index
    %get3A_22 = arith.constant 0 : index
    %get3A_23 = vector.load %arg5[%get3A_21, %get3A_22] : memref<512x8xf32, #tpu.memory_space<vmem>>, vector<512x8xf32>
    %dot_general3A_24 = arith.constant dense<0.000000e+00> : vector<632x8xf32>
    %dot_general3A_25 = tpu.matmul %dot_general3A_17, %get3A_23, %dot_general3A_24 {dimension_numbers = #tpu.dot_dimension_numbers<[1], [0], [0], [1], [0, 0, 1, 1], [], []>, transpose_lhs_hint = false} : vector<632x512xf32>, vector<512x8xf32>, vector<632x8xf32> -> vector<632x8xf32>
    %slice3A = vector.extract_strided_slice %dot_general3A_25 {offsets = [0, 0], sizes = [632, 4], strides = [1, 1]} : vector<632x8xf32> to vector<632x4xf32>
    %swap3A_26 = arith.constant 0 : index
    %swap3A_27 = arith.constant 0 : index
    %swap3A_28 = vector.load %arg10[%swap3A_26, %swap3A_27] : memref<632x4xf32, #tpu.memory_space<vmem>>, vector<632x4xf32>
    tpu.vector_store %arg10[%swap3A_26, %swap3A_27], %slice3A {strides = array<i32>} : memref<632x4xf32, #tpu.memory_space<vmem>>, vector<632x4xf32>,
    %slice3A_29 = vector.extract_strided_slice %dot_general3A_25 {offsets = [0, 4], sizes = [632, 4], strides = [1, 1]} : vector<632x8xf32> to vector<632x4xf32>
    %swap3A_30 = arith.constant 0 : index
    %swap3A_31 = arith.constant 0 : index
    %swap3A_32 = vector.load %arg11[%swap3A_30, %swap3A_31] : memref<632x4xf32, #tpu.memory_space<vmem>>, vector<632x4xf32>
    tpu.vector_store %arg11[%swap3A_30, %swap3A_31], %slice3A_29 {strides = array<i32>} : memref<632x4xf32, #tpu.memory_space<vmem>>, vector<632x4xf32>,
    %slice3A_33 = vector.extract_strided_slice %dot_general3A_25 {offsets = [0, 0], sizes = [632, 4], strides = [1, 1]} : vector<632x8xf32> to vector<632x4xf32>
    %slice3A_34 = vector.extract_strided_slice %dot_general3A_25 {offsets = [0, 4], sizes = [632, 4], strides = [1, 1]} : vector<632x8xf32> to vector<632x4xf32>
    %add3A_35 = arith.addf %slice3A_33, %slice3A_34 : vector<632x4xf32>
    %get3A_36 = arith.constant 0 : index
    %get3A_37 = arith.constant 0 : index
    %get3A_38 = vector.load %arg7[%get3A_36, %get3A_37] : memref<1x128xf32, #tpu.memory_space<vmem>>, vector<1x1xf32>
    %get3A_39 = vector.extract %get3A_38[0, 0] : f32 from vector<1x1xf32>
    %get3A_40 = arith.constant 0 : index
    %get3A_41 = arith.constant 0 : index
    %get3A_42 = vector.load %arg6[%get3A_40, %get3A_41] : memref<1x4xf32, #tpu.memory_space<vmem>>, vector<1x4xf32>
    %mul3A_43 = vector.broadcast %get3A_39 : f32 to vector<1x4xf32>
    %mul3A_44 = arith.mulf %mul3A_43, %get3A_42 : vector<1x4xf32>
    %add3A_45 = vector.broadcast %mul3A_44 : vector<1x4xf32> to vector<632x4xf32>
    %add3A_46 = arith.addf %add3A_35, %add3A_45 : vector<632x4xf32>
    %gt3A = arith.constant 0.000000e+00 : f32
    %gt3A_47 = vector.broadcast %gt3A : f32 to vector<632x4xf32>
    %gt3A_48 = arith.cmpf ogt, %add3A_46, %gt3A_47 : vector<632x4xf32>
    %mul3A_49 = arith.constant 2.000000e-01 : f32
    %mul3A_50 = vector.broadcast %mul3A_49 : f32 to vector<632x4xf32>
    %mul3A_51 = arith.mulf %mul3A_50, %add3A_46 : vector<632x4xf32>
    %select_n3A = arith.select %gt3A_48, %add3A_46, %mul3A_51 : vector<632x4xi1>, vector<632x4xf32>
    %exp3A = math.exp %select_n3A : vector<632x4xf32>
    %swap3A_52 = arith.constant 0 : index
    %swap3A_53 = arith.constant 0 : index
    %swap3A_54 = vector.load %arg12[%swap3A_52, %swap3A_53] : memref<632x4xf32, #tpu.memory_space<vmem>>, vector<632x4xf32>
    tpu.vector_store %arg12[%swap3A_52, %swap3A_53], %exp3A {strides = array<i32>} : memref<632x4xf32, #tpu.memory_space<vmem>>, vector<632x4xf32>,
    return
  }
  func.func @transform_0(%arg0: i32) -> (i32, i32) {
    %c0_i32 = arith.constant 0 : i32
    %c0_i32_0 = arith.constant 0 : i32
    return %arg0, %c0_i32 : i32, i32
  }
  func.func @transform_1(%arg0: i32) -> (i32, i32) {
    %c0_i32 = arith.constant 0 : i32
    %c0_i32_0 = arith.constant 0 : i32
    return %arg0, %c0_i32 : i32, i32
  }
  func.func @transform_2(%arg0: i32) -> (i32, i32) {
    %c0_i32 = arith.constant 0 : i32
    %c0_i32_0 = arith.constant 0 : i32
    %c0_i32_1 = arith.constant 0 : i32
    return %c0_i32, %c0_i32_0 : i32, i32
  }
  func.func @transform_3(%arg0: i32) -> (i32, i32) {
    %c0_i32 = arith.constant 0 : i32
    %c0_i32_0 = arith.constant 0 : i32
    %c0_i32_1 = arith.constant 0 : i32
    return %c0_i32, %c0_i32_0 : i32, i32
  }
  func.func @transform_4(%arg0: i32) -> (i32, i32) {
    %c0_i32 = arith.constant 0 : i32
    %c0_i32_0 = arith.constant 0 : i32
    %c0_i32_1 = arith.constant 0 : i32
    return %c0_i32, %c0_i32_0 : i32, i32
  }
  func.func @transform_5(%arg0: i32) -> (i32, i32) {
    %c0_i32 = arith.constant 0 : i32
    %c0_i32_0 = arith.constant 0 : i32
    %c0_i32_1 = arith.constant 0 : i32
    return %c0_i32, %c0_i32_0 : i32, i32
  }
  func.func @transform_6(%arg0: i32) -> (i32, i32) {
    %c0_i32 = arith.constant 0 : i32
    %c0_i32_0 = arith.constant 0 : i32
    %c0_i32_1 = arith.constant 0 : i32
    return %c0_i32, %c0_i32_0 : i32, i32
  }
  func.func @transform_7(%arg0: i32) -> (i32, i32) {
    %c0_i32 = arith.constant 0 : i32
    %c0_i32_0 = arith.constant 0 : i32
    return %arg0, %c0_i32 : i32, i32
  }
  func.func @transform_8(%arg0: i32) -> (i32, i32) {
    %c0_i32 = arith.constant 0 : i32
    %c0_i32_0 = arith.constant 0 : i32
    return %arg0, %c0_i32 : i32, i32
  }
  func.func @transform_9(%arg0: i32) -> (i32, i32) {
    %c0_i32 = arith.constant 0 : i32
    %c0_i32_0 = arith.constant 0 : i32
    return %arg0, %c0_i32 : i32, i32
  }
  func.func @transform_10(%arg0: i32) -> (i32, i32) {
    %c0_i32 = arith.constant 0 : i32
    %c0_i32_0 = arith.constant 0 : i32
    return %arg0, %c0_i32 : i32, i32
  }
  func.func @transform_11(%arg0: i32) -> (i32, i32) {
    %c0_i32 = arith.constant 0 : i32
    %c0_i32_0 = arith.constant 0 : i32
    return %arg0, %c0_i32 : i32, i32
  }
}

module attributes {stable_mosaic.version = 14 : i64} {
  func.func @_tck4_body(%arg0: i32, %arg1: memref<632x128xf32, #tpu.memory_space<vmem>>, %arg2: memref<632x128xf32, #tpu.memory_space<vmem>>, %arg3: memref<1x128xf32, #tpu.memory_space<vmem>>, %arg4: memref<632x128xf32, #tpu.memory_space<vmem>>, %arg5: memref<632x1xi32, #tpu.memory_space<vmem>>, %arg6: memref<64x256xf32, #tpu.memory_space<vmem>>) attributes {dimension_semantics = [#tpu.dimension_semantics<arbitrary>], iteration_bounds = array<i64: 16>, scalar_prefetch = 0 : i64, scratch_operands = 0 : i64, tpu.core_type = #tpu.core_type<tc>, window_params = [{transform_indices = @transform_0, window_bounds = array<i64: 632, 128>}, {transform_indices = @transform_1, window_bounds = array<i64: 632, 128>}, {pipeline_mode = #tpu.pipeline_mode<synchronous>, transform_indices = @transform_2, window_bounds = array<i64: 1, 128>}, {transform_indices = @transform_3, window_bounds = array<i64: 632, 128>}, {transform_indices = @transform_4, window_bounds = array<i64: 632, 1>}, {pipeline_mode = #tpu.pipeline_mode<synchronous>, transform_indices = @transform_5, window_bounds = array<i64: 64, 256>}]} {
    %eq3A = arith.constant 0 : i32
    %eq3A_0 = arith.cmpi eq, %arg0, %eq3A : i32
    %convert_element_type3A = arith.extui %eq3A_0 : i1 to i32
    %cond3A = arith.constant 0 : i32
    %cond3A_1 = arith.cmpi ne, %convert_element_type3A, %cond3A : i32
    scf.if %cond3A_1 {
      %broadcast_in_dim3A = arith.constant 0.000000e+00 : f32
      %broadcast_in_dim3A_34 = vector.broadcast %broadcast_in_dim3A : f32 to vector<64x256xf32>
      %swap3A_35 = arith.constant 0 : index
      %swap3A_36 = arith.constant 0 : index
      %swap3A_37 = vector.load %arg6[%swap3A_35, %swap3A_36] : memref<64x256xf32, #tpu.memory_space<vmem>>, vector<64x256xf32>
      tpu.vector_store %arg6[%swap3A_35, %swap3A_36], %broadcast_in_dim3A_34 {strides = array<i32>} : memref<64x256xf32, #tpu.memory_space<vmem>>, vector<64x256xf32>,
    } else {
    }
    %get3A = arith.constant 0 : index
    %get3A_2 = arith.constant 0 : index
    %get3A_3 = vector.load %arg1[%get3A, %get3A_2] : memref<632x128xf32, #tpu.memory_space<vmem>>, vector<632x128xf32>
    %get3A_4 = arith.constant 0 : index
    %get3A_5 = arith.constant 0 : index
    %get3A_6 = vector.load %arg2[%get3A_4, %get3A_5] : memref<632x128xf32, #tpu.memory_space<vmem>>, vector<632x128xf32>
    %add3A = arith.addf %get3A_3, %get3A_6 : vector<632x128xf32>
    %mul3A = arith.constant 2.500000e-01 : f32
    %mul3A_7 = vector.broadcast %mul3A : f32 to vector<632x128xf32>
    %mul3A_8 = arith.mulf %mul3A_7, %add3A : vector<632x128xf32>
    %get3A_9 = arith.constant 0 : index
    %get3A_10 = arith.constant 0 : index
    %get3A_11 = vector.load %arg3[%get3A_9, %get3A_10] : memref<1x128xf32, #tpu.memory_space<vmem>>, vector<1x128xf32>
    %add3A_12 = vector.broadcast %get3A_11 : vector<1x128xf32> to vector<632x128xf32>
    %add3A_13 = arith.addf %mul3A_8, %add3A_12 : vector<632x128xf32>
    %iota3A = tpu.iota {dimensions = array<i32: 1>} : vector<632x64xi32>
    %get3A_14 = arith.constant 0 : index
    %get3A_15 = arith.constant 0 : index
    %get3A_16 = vector.load %arg5[%get3A_14, %get3A_15] : memref<632x1xi32, #tpu.memory_space<vmem>>, vector<632x1xi32>
    %eq3A_17 = vector.broadcast %get3A_16 : vector<632x1xi32> to vector<632x64xi32>
    %eq3A_18 = arith.cmpi eq, %eq3A_17, %iota3A : vector<632x64xi32>
    %convert_element_type3A_19 = arith.extui %eq3A_18 : vector<632x64xi1> to vector<632x64xi32>
    %convert_element_type3A_20 = arith.sitofp %convert_element_type3A_19 : vector<632x64xi32> to vector<632x64xf32>
    %transpose3A = tpu.transpose %convert_element_type3A_20, [1, 0] : vector<632x64xf32> -> vector<64x632xf32>
    %get3A_21 = arith.constant 0 : index
    %get3A_22 = arith.constant 0 : index
    %get3A_23 = vector.load %arg4[%get3A_21, %get3A_22] : memref<632x128xf32, #tpu.memory_space<vmem>>, vector<632x128xf32>
    %dot_general3A = arith.constant dense<0.000000e+00> : vector<64x128xf32>
    %dot_general3A_24 = tpu.matmul %transpose3A, %get3A_23, %dot_general3A {dimension_numbers = #tpu.dot_dimension_numbers<[1], [0], [0], [1], [0, 0, 1, 1], [], []>, transpose_lhs_hint = false} : vector<64x632xf32>, vector<632x128xf32>, vector<64x128xf32> -> vector<64x128xf32>
    %transpose3A_25 = tpu.transpose %convert_element_type3A_20, [1, 0] : vector<632x64xf32> -> vector<64x632xf32>
    %dot_general3A_26 = arith.constant dense<0.000000e+00> : vector<64x128xf32>
    %dot_general3A_27 = tpu.matmul %transpose3A_25, %add3A_13, %dot_general3A_26 {dimension_numbers = #tpu.dot_dimension_numbers<[1], [0], [0], [1], [0, 0, 1, 1], [], []>, transpose_lhs_hint = false} : vector<64x632xf32>, vector<632x128xf32>, vector<64x128xf32> -> vector<64x128xf32>
    %get3A_28 = arith.constant 0 : index
    %get3A_29 = arith.constant 0 : index
    %get3A_30 = vector.load %arg6[%get3A_28, %get3A_29] : memref<64x256xf32, #tpu.memory_space<vmem>>, vector<64x256xf32>
    %concatenate3A = tpu.concatenate %dot_general3A_24, %dot_general3A_27 in 1 : vector<64x128xf32>, vector<64x128xf32> -> vector<64x256xf32>
    %add3A_31 = arith.addf %get3A_30, %concatenate3A : vector<64x256xf32>
    %swap3A = arith.constant 0 : index
    %swap3A_32 = arith.constant 0 : index
    %swap3A_33 = vector.load %arg6[%swap3A, %swap3A_32] : memref<64x256xf32, #tpu.memory_space<vmem>>, vector<64x256xf32>
    tpu.vector_store %arg6[%swap3A, %swap3A_32], %add3A_31 {strides = array<i32>} : memref<64x256xf32, #tpu.memory_space<vmem>>, vector<64x256xf32>,
    return
  }
  func.func @transform_0(%arg0: i32) -> (i32, i32) {
    %c0_i32 = arith.constant 0 : i32
    %c0_i32_0 = arith.constant 0 : i32
    return %arg0, %c0_i32 : i32, i32
  }
  func.func @transform_1(%arg0: i32) -> (i32, i32) {
    %c0_i32 = arith.constant 0 : i32
    %c0_i32_0 = arith.constant 0 : i32
    return %arg0, %c0_i32 : i32, i32
  }
  func.func @transform_2(%arg0: i32) -> (i32, i32) {
    %c0_i32 = arith.constant 0 : i32
    %c0_i32_0 = arith.constant 0 : i32
    %c0_i32_1 = arith.constant 0 : i32
    return %c0_i32, %c0_i32_0 : i32, i32
  }
  func.func @transform_3(%arg0: i32) -> (i32, i32) {
    %c0_i32 = arith.constant 0 : i32
    %c0_i32_0 = arith.constant 0 : i32
    return %arg0, %c0_i32 : i32, i32
  }
  func.func @transform_4(%arg0: i32) -> (i32, i32) {
    %c0_i32 = arith.constant 0 : i32
    %c0_i32_0 = arith.constant 0 : i32
    return %arg0, %c0_i32 : i32, i32
  }
  func.func @transform_5(%arg0: i32) -> (i32, i32) {
    %c0_i32 = arith.constant 0 : i32
    %c0_i32_0 = arith.constant 0 : i32
    %c0_i32_1 = arith.constant 0 : i32
    return %c0_i32, %c0_i32_0 : i32, i32
  }
}

module attributes {stable_mosaic.version = 14 : i64} {
  func.func @_tck5_body(%arg0: memref<64x256xf32, #tpu.memory_space<vmem>>, %arg1: memref<256x128xf32, #tpu.memory_space<vmem>>, %arg2: memref<1x128xf32, #tpu.memory_space<vmem>>, %arg3: memref<128x512xf32, #tpu.memory_space<vmem>>, %arg4: memref<1x512xf32, #tpu.memory_space<vmem>>, %arg5: memref<256x128xf32, #tpu.memory_space<vmem>>, %arg6: memref<1x128xf32, #tpu.memory_space<vmem>>, %arg7: memref<128x512xf32, #tpu.memory_space<vmem>>, %arg8: memref<1x512xf32, #tpu.memory_space<vmem>>, %arg9: memref<64x512xf32, #tpu.memory_space<vmem>>, %arg10: memref<64x512xf32, #tpu.memory_space<vmem>>) attributes {dimension_semantics = [], scalar_prefetch = 0 : i64, scratch_operands = 0 : i64, tpu.core_type = #tpu.core_type<tc>} {
    %get3A = arith.constant 0 : index
    %get3A_0 = arith.constant 0 : index
    %get3A_1 = vector.load %arg0[%get3A, %get3A_0] : memref<64x256xf32, #tpu.memory_space<vmem>>, vector<64x256xf32>
    %get3A_2 = arith.constant 0 : index
    %get3A_3 = arith.constant 0 : index
    %get3A_4 = vector.load %arg1[%get3A_2, %get3A_3] : memref<256x128xf32, #tpu.memory_space<vmem>>, vector<256x128xf32>
    %dot_general3A = arith.constant dense<0.000000e+00> : vector<64x128xf32>
    %dot_general3A_5 = tpu.matmul %get3A_1, %get3A_4, %dot_general3A {dimension_numbers = #tpu.dot_dimension_numbers<[1], [0], [0], [1], [0, 0, 1, 1], [], []>, transpose_lhs_hint = false} : vector<64x256xf32>, vector<256x128xf32>, vector<64x128xf32> -> vector<64x128xf32>
    %get3A_6 = arith.constant 0 : index
    %get3A_7 = arith.constant 0 : index
    %get3A_8 = vector.load %arg2[%get3A_6, %get3A_7] : memref<1x128xf32, #tpu.memory_space<vmem>>, vector<1x128xf32>
    %add3A = vector.broadcast %get3A_8 : vector<1x128xf32> to vector<64x128xf32>
    %add3A_9 = arith.addf %dot_general3A_5, %add3A : vector<64x128xf32>
    %max3A = arith.constant 0.000000e+00 : f32
    %max3A_10 = vector.broadcast %max3A : f32 to vector<64x128xf32>
    %max3A_11 = arith.maximumf %add3A_9, %max3A_10 : vector<64x128xf32>
    %get3A_12 = arith.constant 0 : index
    %get3A_13 = arith.constant 0 : index
    %get3A_14 = vector.load %arg3[%get3A_12, %get3A_13] : memref<128x512xf32, #tpu.memory_space<vmem>>, vector<128x512xf32>
    %dot_general3A_15 = arith.constant dense<0.000000e+00> : vector<64x512xf32>
    %dot_general3A_16 = tpu.matmul %max3A_11, %get3A_14, %dot_general3A_15 {dimension_numbers = #tpu.dot_dimension_numbers<[1], [0], [0], [1], [0, 0, 1, 1], [], []>, transpose_lhs_hint = false} : vector<64x128xf32>, vector<128x512xf32>, vector<64x512xf32> -> vector<64x512xf32>
    %get3A_17 = arith.constant 0 : index
    %get3A_18 = arith.constant 0 : index
    %get3A_19 = vector.load %arg4[%get3A_17, %get3A_18] : memref<1x512xf32, #tpu.memory_space<vmem>>, vector<1x512xf32>
    %add3A_20 = vector.broadcast %get3A_19 : vector<1x512xf32> to vector<64x512xf32>
    %add3A_21 = arith.addf %dot_general3A_16, %add3A_20 : vector<64x512xf32>
    %swap3A = arith.constant 0 : index
    %swap3A_22 = arith.constant 0 : index
    %swap3A_23 = vector.load %arg9[%swap3A, %swap3A_22] : memref<64x512xf32, #tpu.memory_space<vmem>>, vector<64x512xf32>
    tpu.vector_store %arg9[%swap3A, %swap3A_22], %add3A_21 {strides = array<i32>} : memref<64x512xf32, #tpu.memory_space<vmem>>, vector<64x512xf32>,
    %get3A_24 = arith.constant 0 : index
    %get3A_25 = arith.constant 0 : index
    %get3A_26 = vector.load %arg5[%get3A_24, %get3A_25] : memref<256x128xf32, #tpu.memory_space<vmem>>, vector<256x128xf32>
    %dot_general3A_27 = arith.constant dense<0.000000e+00> : vector<64x128xf32>
    %dot_general3A_28 = tpu.matmul %get3A_1, %get3A_26, %dot_general3A_27 {dimension_numbers = #tpu.dot_dimension_numbers<[1], [0], [0], [1], [0, 0, 1, 1], [], []>, transpose_lhs_hint = false} : vector<64x256xf32>, vector<256x128xf32>, vector<64x128xf32> -> vector<64x128xf32>
    %get3A_29 = arith.constant 0 : index
    %get3A_30 = arith.constant 0 : index
    %get3A_31 = vector.load %arg6[%get3A_29, %get3A_30] : memref<1x128xf32, #tpu.memory_space<vmem>>, vector<1x128xf32>
    %add3A_32 = vector.broadcast %get3A_31 : vector<1x128xf32> to vector<64x128xf32>
    %add3A_33 = arith.addf %dot_general3A_28, %add3A_32 : vector<64x128xf32>
    %max3A_34 = arith.constant 0.000000e+00 : f32
    %max3A_35 = vector.broadcast %max3A_34 : f32 to vector<64x128xf32>
    %max3A_36 = arith.maximumf %add3A_33, %max3A_35 : vector<64x128xf32>
    %get3A_37 = arith.constant 0 : index
    %get3A_38 = arith.constant 0 : index
    %get3A_39 = vector.load %arg7[%get3A_37, %get3A_38] : memref<128x512xf32, #tpu.memory_space<vmem>>, vector<128x512xf32>
    %dot_general3A_40 = arith.constant dense<0.000000e+00> : vector<64x512xf32>
    %dot_general3A_41 = tpu.matmul %max3A_36, %get3A_39, %dot_general3A_40 {dimension_numbers = #tpu.dot_dimension_numbers<[1], [0], [0], [1], [0, 0, 1, 1], [], []>, transpose_lhs_hint = false} : vector<64x128xf32>, vector<128x512xf32>, vector<64x512xf32> -> vector<64x512xf32>
    %get3A_42 = arith.constant 0 : index
    %get3A_43 = arith.constant 0 : index
    %get3A_44 = vector.load %arg8[%get3A_42, %get3A_43] : memref<1x512xf32, #tpu.memory_space<vmem>>, vector<1x512xf32>
    %add3A_45 = vector.broadcast %get3A_44 : vector<1x512xf32> to vector<64x512xf32>
    %add3A_46 = arith.addf %dot_general3A_41, %add3A_45 : vector<64x512xf32>
    %swap3A_47 = arith.constant 0 : index
    %swap3A_48 = arith.constant 0 : index
    %swap3A_49 = vector.load %arg10[%swap3A_47, %swap3A_48] : memref<64x512xf32, #tpu.memory_space<vmem>>, vector<64x512xf32>
    tpu.vector_store %arg10[%swap3A_47, %swap3A_48], %add3A_46 {strides = array<i32>} : memref<64x512xf32, #tpu.memory_space<vmem>>, vector<64x512xf32>,
    return
  }
}

</mosaic_0001>

<sc_bundles>
// kernel: kernel.15.cloned.1.call-start
scs
__scs_entry_jumppad:
0x0: {  	(pc) =	sbr.rel $0x88, $3  }
0x1: {  	(tag) =	ssettag $0x0;
	lr =	simm.s32 $0x1  }
0x2: {  	[smem:$0x3F87] =	sst lr;
	_ =	strace $0xD0000000  }
0x3: {  	_ = 	snop  }
0x4: {  	_ = 	snop  }
0x5: {  	_ = 	snop  }
0x6: {  	_ = 	snop  }
0x7: {  	_ = 	snop  }
__scs_overlays_trampoline_lowered:
0x8: {  	[smem:$0x3F96] =	sst s0  }
0x9: {  	[smem:$0x3F97] =	sst s1  }
0xa: {  	[smem:$0x3F98] =	sst s2  }
0xb: {  	[smem:$0x3F99] =	sst s3  }
0xc: {  	[smem:$0x3F9A] =	sst s4  }
0xd: {  	[smem:$0x3F9B] =	sst s5  }
0xe: {  	[smem:$0x3F9C] =	sst s6  }
0xf: {  	[smem:$0x3F9D] =	sst s7  }
0x10: {  	[smem:$0x3F9E] =	sst s8  }
0x11: {  	[smem:$0x3F9F] =	sst s9;
	s0 =	simm.s32 @!p0 $0x0  }
0x12: {  	s1 =	sld [smem:$0x3F85];
	s0 =	simm.s32 @p0 $0x1  }
0x13: {  	[smem:$0x3FA0] =	sst s0;
	s0 =	simm.s32 @!p1 $0x0  }
0x14: {  	s2 =	sld [smem:$0x3F84];
	s0 =	simm.s32 @p1 $0x1  }
0x15: {  	[smem:$0x3FA1] =	sst s0;
	s0 =	simm.s32 @!p2 $0x0  }
0x16: {  	s3 =	sld [smem:$0x3FDB];
	s0 =	simm.s32 @p2 $0x1  }
0x17: {  	s4 =	simm.s32 $0x1BF5;
	[smem:$0x3FA3] =	sst s0  }
0x18: {  	s0 =	sld [smem:$0x3F86];
	_ =	swait.ge [sflag:s4], $0x0  }
0x19: {  	s7 =	sld [smem:$0x3F87]  }
0x1a: {  	s8 =	sadd.s32 $0xFFFFE003, lr  }
0x1b: {  	s9 =	sadd.s32 $0xFFFFFEF7, lr;
	s5 =	simm.s32 $0xFFFFFFFF;
	p2 =	slt.u32 s8, $0xFFFFF086  }
0x1c: {  	p1 =	slt.u32 s9, $0xF7A;
	s5 =	simm.s32 @!p2 $0x0  }
0x1d: {  	s5 =	simm.s32 @p1 $0x1;
	p0 =	seq.s32 s7, s2  }
0x1e: {  	s7 =	smul.u32 @!p0 $0xF7A, s2;
	p2 =	seq.s32 @!p0 s5, $0x0  }
0x1f: {  	s9 =	smul.u32 $0xF7A, s1;
	s8 =	simm.s32 @!p0 $0x1BF5;
	p2 =	por !p2, p0  }
0x20: {  	[sflag:s8] =	ssyncset.s32 @!p0 $0xFFFFF086;
	s6 =	sadd.s32 @!p0 s3, s7;
	s7 =	simm.s32 @!p0 $0x108  }
0x21: {  	s3 =	sadd.s32 s3, s9;
	s6 =	sadd.s32 @!p0 $0x88, s6;
	s7 =	simm.s32 @p2 $0x1082  }
0x22: {  	[simem:s7], [sflag:s8] =	dma.local @!p0 [hbm:s6], $0xF7A  }
0x23: {  	s9 =	sor.u32 $0xD0000000, s2;
	s6 =	simm.s32 $0x108;
	_ =	swait.ge @!p0 [sflag:s8], $0x0  }
0x24: {  	s3 =	sadd.s32 $0x88, s3;
	s6 =	simm.s32 @!p1 $0x1082;
	[sflag:s4] =	ssyncset.s32 $0xFFFFF086  }
0x25: {  	[simem:s6], [sflag:s4] =	dma.local [hbm:s3], $0xF7A  }
0x26: {  	[smem:$0x3F87] =	sst s1;
	(tag) =	ssettag s2;
	_ =	strace s9  }
0x27: {  	s1 =	sld [smem:$0x3F97]  }
0x28: {  	s2 =	sld [smem:$0x3F98]  }
0x29: {  	s4 =	sld [smem:$0x3F9A]  }
0x2a: {  	p0 =	seq.s32 s5, $0x0;
	s5 =	sld [smem:$0x3F9B]  }
0x2b: {  	s6 =	sld [smem:$0x3F9C]  }
0x2c: {  	s7 =	sld [smem:$0x3F9D]  }
0x2d: {  	s3 =	simm.s32 $0x108;
	s8 =	sld [smem:$0x3F9E]  }
0x2e: {  	s3 =	simm.s32 @!p0 $0x1082;
	s9 =	sld [smem:$0x3F9F]  }
0x2f: {  	lr =	sadd.s32 s0, s3;
	s0 =	sld [smem:$0x3F96]  }
0x30: {  	s3 =	sld [smem:$0x3F99]  }
0x31: {  	[smem:$0x3FA2] =	sst s10  }
0x32: {  	s10 =	sld [smem:$0x3FA0];
	_ =	sdelay $0x3  }
0x33: {  	p0 =	seq.s32 s10, $0x1;
	s10 =	sld [smem:$0x3FA2];
	_ =	sdelay $0x3  }
0x34: {  	[smem:$0x3FA2] =	sst s10  }
0x35: {  	s10 =	sld [smem:$0x3FA1];
	_ =	sdelay $0x3  }
0x36: {  	p1 =	seq.s32 s10, $0x1;
	s10 =	sld [smem:$0x3FA2];
	_ =	sdelay $0x3  }
0x37: {  	[smem:$0x3FA2] =	sst s10  }
0x38: {  	s10 =	sld [smem:$0x3FA3]  }
0x39: {  	_ = 	snop;
	(pc) =	sbr.ind lr, $3  }
0x3a: {  	_ = 	snop  }
0x3b: {  	_ = 	snop  }
0x3c: {  	p2 =	seq.s32 s10, $0x1;
	s10 =	sld [smem:$0x3FA2]  }
0x3d: {  	_ =	shalt  }
0x3e: {  	_ =	shalt  }
0x3f: {  	_ =	shalt  }
0x40: {  	_ =	shalt  }
0x41: {  	_ =	shalt  }
0x42: {  	_ =	shalt  }
0x43: {  	_ =	shalt  }
0x44: {  	_ =	shalt  }
0x45: {  	_ =	shalt  }
0x46: {  	_ =	shalt  }
0x47: {  	_ =	shalt  }
0x48: {  	_ =	shalt  }
0x49: {  	_ =	shalt  }
0x4a: {  	_ =	shalt  }
0x4b: {  	_ =	shalt  }
0x4c: {  	_ =	shalt  }
0x4d: {  	_ =	shalt  }
0x4e: {  	_ =	shalt  }
0x4f: {  	_ =	shalt  }
0x50: {  	_ =	shalt  }
0x51: {  	_ =	shalt  }
0x52: {  	_ =	shalt  }
0x53: {  	_ =	shalt  }
0x54: {  	_ =	shalt  }
0x55: {  	_ =	shalt  }
0x56: {  	_ =	shalt  }
0x57: {  	_ =	shalt  }
0x58: {  	_ =	shalt  }
0x59: {  	_ =	shalt  }
0x5a: {  	_ =	shalt  }
0x5b: {  	_ =	shalt  }
0x5c: {  	_ =	shalt  }
0x5d: {  	_ =	shalt  }
0x5e: {  	_ =	shalt  }
0x5f: {  	_ =	shalt  }
0x60: {  	_ =	shalt  }
0x61: {  	_ =	shalt  }
0x62: {  	_ =	shalt  }
0x63: {  	_ =	shalt  }
0x64: {  	_ =	shalt  }
0x65: {  	_ =	shalt  }
0x66: {  	_ =	shalt  }
0x67: {  	_ =	shalt  }
0x68: {  	_ =	shalt  }
0x69: {  	_ =	shalt  }
0x6a: {  	_ =	shalt  }
0x6b: {  	_ =	shalt  }
0x6c: {  	_ =	shalt  }
0x6d: {  	_ =	shalt  }
0x6e: {  	_ =	shalt  }
0x6f: {  	_ =	shalt  }
0x70: {  	_ =	shalt  }
0x71: {  	_ =	shalt  }
0x72: {  	_ =	shalt  }
0x73: {  	_ =	shalt  }
0x74: {  	_ =	shalt  }
0x75: {  	_ =	shalt  }
0x76: {  	_ =	shalt  }
0x77: {  	_ =	shalt  }
0x78: {  	_ =	shalt  }
0x79: {  	_ =	shalt  }
0x7a: {  	_ =	shalt  }
0x7b: {  	_ =	shalt  }
0x7c: {  	_ =	shalt  }
0x7d: {  	_ =	shalt  }
0x7e: {  	_ =	shalt  }
0x7f: {  	_ =	shalt  }
0x80: {  	_ =	shalt  }
0x81: {  	_ =	shalt  }
0x82: {  	_ =	shalt  }
0x83: {  	_ =	shalt  }
0x84: {  	_ =	shalt  }
0x85: {  	_ =	shalt  }
0x86: {  	_ =	shalt  }
0x87: {  	_ =	shalt  }
.Lfunc_end0:
.L_simem_size_0:
called_computation_lowered:
.L_overlay_start_0:
0x88: {  	s2 =	sld [smem:$0x3FD9]  }
0x89: {  	s3 =	sld [smem:$0x3FFE];
	_ =	sdelay $0x1  }
0x8a: {  	s1 =	srdreg.scid  }
0x8b: {  	s0 =	sand.u32 $0x1, s1  }
0x8c: {  	s16 =	sshll.u32 s0, $0xA;
	s2 =	sadd.s32 s3, s2  }
0x8d: {  	s2 =	sadd.s32 s2, s16  }
0x8e: {  	[smem:$0x3FAE] =	sst s2  }
0x8f: {  	_ = 	snop  }
0x90: {  	(tm) =	ssettm $0x1  }
0x91: {  	s17 =	sld [smem:$0x3FFB];
	_ =	sdelay $0x3  }
0x92: {  	_ =	strace s17  }
0x93: {  	s2 =	sld [smem:$0x3FFC];
	_ =	sdelay $0x3  }
0x94: {  	_ =	strace s2  }
0x95: {  	s2 =	sld [smem:$0x3FFD];
	_ =	sdelay $0x3  }
0x96: {  	_ =	strace s2  }
0x97: {  	_ =	strace $0x8FFFFFFF  }
0x98: {  	s18 =	sld [smem:$0x3FDB];
	_ =	sdelay $0x1  }
0x99: {  	s19 =	simm.s32 $_scs_section_size  }
0x9a: {  	s4 =	simm.s32 $_size__tile_overlayer_lowered;
	s5 =	simm.s32 $_tile_overlayer_lowered  }
0x9b: {  	s22 =	simm.s32 $0x1BFF;
	s21 =	sshll.u32 s5, $0x1;
	s2 =	sadd.s32 s19, s18  }
0x9c: {  	s6 =	simm.s32 $0x0;
	s20 =	sshll.u32 s4, $0x1;
	s4 =	sadd.s32 s21, s2  }
0x9d: {  	[timem:s6], [sflag:s22] =	dma.local [hbm:s4], s20  }
0x9e: {  	_ =	swait.ge [sflag:s22], s20  }
0x9f: {  	s3 =	ssub.s32 $0x0, s20;
	[sflag:s22] =	ssyncset.done $0x0  }
0xa0: {  	[sflag:s22] =	ssyncadd.s32 s3;
	_ =	sdelay $0x1  }
0xa1: {  	s23 =	simm.s32 $0x1B8B  }
0xa2: {  	_ =	swait.ge [sflag:s23], $0x1  }
0xa3: {  	[sflag:s23] =	ssyncset.done $0x0  }
0xa4: {  	s25 =	simm.s32 $0x1B8E;
	s24 =	sld [smem:$0x3FFE];
	[sflag:s23] =	ssyncadd.s32 $0xFFFFFFFF  }
0xa5: {  	s26 =	simm.s32 $execute0_lowered;
	[smem:$0x3FD2] =	sst s25  }
0xa6: {  	s4 =	sshll.u32 s26, $0x1;
	_ =	strace $0x80000046;
	[dreg:$0x1] =	wrdreg $0xFFFFFFFF  }
0xa7: {  	s28 =	simm.s32 $_size_execute0_lowered;
	s2 =	sadd.s32 s2, s4;
	[dreg:$0x0] =	wrdreg $0x0  }
0xa8: {  	s4 =	sshll.u32 s28, $0x1;
	[dreg:$0x2] =	wrdreg s2  }
0xa9: {  	[dreg:$0x3] =	wrdreg s4  }
0xaa: {  	[dreg:$0x4] =	wrdreg $0xC0  }
0xab: {  	_ =	task [dreg:s6], $0x5FFFF  }
0xac: {  	[dreg:$0x1] =	wrdreg $0xFFFFFFFF  }
0xad: {  	[dreg:$0x0] =	wrdreg $0x60  }
0xae: {  	[dreg:$0x2] =	wrdreg s24  }
0xaf: {  	[dreg:$0x3] =	wrdreg $0x9  }
0xb0: {  	_ =	task.clear_ibuf [dreg:s6], $0x4FFFF;
	_ =	strace $0x90000046  }
0xb1: {  	s29 =	simm.s32 $0x9;
	_ =	strace $0x80000048  }
0xb2: {  	_ =	swait.ge [sflag:s29], $0x1  }
0xb3: {  	[sflag:s29] =	ssyncadd.s32 $0xFFFFFFFF  }
0xb4: {  	_ =	strace $0x90000048  }
0xb5: {  	_ =	sfence  }
0xb6: {  	s30 =	sld [smem:$0x0];
	_ =	sdelay $0x2  }
0xb7: {  	s31 =	sshll.u32 s1, $0xD;
	s1 =	sshrl.u32 s1, $0x2  }
0xb8: {  	s3 =	sand.u32 $0x4000, s31;
	s1 =	sadd.s32 s1, s30  }
0xb9: {  	s0 =	sor.u32 s3, s0;
	s1 =	sshll.u32 s1, $0x11  }
0xba: {  	s0 =	sor.u32 s1, s0  }
0xbb: {  	s0 =	sadd.s32 $0x8F2B, s0  }
0xbc: {  	[sflag:s0] =	ssyncadd.remote.s32 $0x1  }
0xbd: {  	_ =	sfence.sel $0xFFFF  }
0xbe: {  	[dreg:$0x0] =	wrdreg $0xFFFFFFFF;
	(pc) =	sbr.abs _section_cstart, $3  }
0xbf: {  	[dreg:$0x1] =	wrdreg $0xFFFFFFFF  }
0xc0: {  	_ =	task.clear_ibuf [dreg:s6], $0x2FFFF;
	_ =	strace $0x9FFFFFFF  }
0xc1: {  	(tm) =	ssettm $0x7FFFFFFF  }
tec
execute0_lowered:
.L_overlay_start_1:
0x0: {  	(tag) =	ssettag $0x1  }
0x1: {  	s0 =	rddreg [dreg:$0x0];
	s1 =	simm.s32 $0x0  }
0x2: {  	s2 =	srdreg.scid;
	s7 =	stileid.u32;
	s16 =	simm.s32 $0x1  }
0x3: {  	s17 =	simm.s32 $0x9E00;
	s19 =	simm.s32 $0x1DA80;
	s20 =	simm.s32 $0x1DC80  }
0x4: {  	s21 =	simm.s32 $0x1DE80;
	s22 =	simm.s32 $0x13C00;
	s23 =	simm.s32 $0x1E080  }
0x5: {  	s24 =	simm.s32 $0x1E280;
	s25 =	simm.s32 $0x1E480;
	s26 =	simm.s32 $0x1E680  }
0x6: {  	s30 =	simm.s32 $0x0;
	s31 =	simm.s32 $0x0;
	[smem:$0x7FF] =	sst s1  }
0x7: {  	s3 =	sadd.s32 $0x6000, s0;
	s4 =	sadd.s32 $0x12800, s0;
	s2 =	sand.u32 $0x1, s2  }
0x8: {  	s6 =	sshll.u32 s7, $0x1;
	s5 =	sadd.s32 $0xB000, s0;
	s7 =	sshrl.u32 s7, $0x2  }
0x9: {  	s8 =	sadd.s32 $0x37800, s0;
	s10 =	sadd.s32 $0x1C800, s0;
	s13 =	sor.u32 s2, s6  }
0xa: {  	_ =	strace $0x80000047;
	s11 =	smul.u32 $0x4F000, s7;
	s9 =	sshll.u32 s13, $0x7  }
0xb: {  	s6 =	sadd.s32 $0x10000, s0;
	s2 =	ssub.s32 $0x2, s2;
	s12 =	sand.u32 $0x380, s9  }
0xc: {  	s7 =	sadd.s32 $0x11400, s0;
	s29 =	sshrl.u32 s2, $0x1;
	s12 =	sor.u32 s11, s12  }
0xd: {  	s9 =	sadd.s32 $0x17800, s0;
	s2 =	ssub.s32 s2, s29;
	s14 =	sshrl.u32 s12, $0x3  }
0xe: {  	s11 =	sadd.s32 $0x21800, s0;
	s12 =	sadd.s32 $0x26800, s0;
	s0 =	sadd.s32 s14, s0  }
0xf: {  	v0 =	vimm.f32 $0.0e+00;
	s13 =	smul.u32 $0x1400, s13;
	s15 =	smax.u32 s2, $0x1;
	s14 =	sadd.s32 $0xD5C00, s0  }
.LBB2_1:
0x10: {  	[tilespmem:s1], [sflag:$0x1] =	stream.linear.gather [hbm4b:s6+s1], $0x9E00, $0x38;
	[tilespmem:$0x1E880] =	vst v63  }
0x11: {  	_ =	swait.ge [sflag:s16], $0x9E00  }
0x12: {  	[sflag:s16] =	ssyncset.done $0x0  }
0x13: {  	[sflag:s16] =	ssyncadd.s32 $0xFFFF6200  }
0x14: {  	[tilespmem:s17], [sflag:$0x1] =	stream.linear.gather [hbm4b:s7+s1], $0x9E00, $0x38;
	[tilespmem:$0x1E880] =	vst v63  }
0x15: {  	_ =	swait.ge [sflag:s16], $0x9E00  }
0x16: {  	[sflag:s16] =	ssyncset.done $0x0  }
0x17: {  	s0 =	simm.s32 $0x1DA00;
	[sflag:s16] =	ssyncadd.s32 $0xFFFF6200  }
0x18: {  	[tilespmem:s0], [sflag:$0x1] =	stream.linear.gather [hbm4b:s8+s1], $0x80, $0x38;
	[tilespmem:$0x1E880] =	vst v63  }
0x19: {  	_ =	swait.ge [sflag:s16], $0x80  }
0x1a: {  	[sflag:s16] =	ssyncset.done $0x0  }
0x1b: {  	[sflag:s16] =	ssyncadd.s32 $0xFFFFFF80  }
0x1c: {  	s2 =	simm.s32 $0x0;
	s0 =	simm.s32 $0x40;
	v4 =	vld [tilespmem:$0x1DA00]  }
.LBB2_2:
0x1d: {  	p0 =	seq.s32 s0, $0x277C0;
	[tilespmem:s2+$0x13C00] =	vst v0;
	s2 =	smov.u32 s0;
	s0 =	sadd.s32 $0x40, s0  }
.Ltmp0:
0x1e: {  	(pc) =	sbr.rel @!p0 .LBB2_2-.Ltmp0, $2  }
0x1f: {  	_ =	sdelay $0x2  }
0x20: {  	s2 =	sshra.s32 s2, $0x2  }
0x21: {  	v1 =	vbroadcast v4, $0x0;
	v2 =	vbroadcast v4, $0x1  }
0x22: {  	[tilespmem:s2+$0x13C00] =	vst v0;
	v3 =	vbroadcast v4, $0x2;
	v4 =	vbroadcast v4, $0x3;
	s0 =	simm.s32 $0x0  }
.LBB2_4:
0x23: {  	s2 =	sshll.u32 s0, $0x9  }
0x24: {  	s2 =	sadd.s32 s13, s2  }
0x25: {  	s2 =	sshrl.u32 s2, $0x3  }
0x26: {  	s18 =	sadd.s32 s3, s2  }
0x27: {  	[tilespmem:s19], [sflag:$0x1] =	stream.linear.gather [hbm4b:s18+s31], $0x200, $0x38;
	[tilespmem:$0x1E880] =	vst v63  }
0x28: {  	_ =	swait.ge [sflag:s16], $0x200  }
0x29: {  	[sflag:s16] =	ssyncset.done $0x0  }
0x2a: {  	s29 =	sadd.s32 s4, s2;
	[sflag:s16] =	ssyncadd.s32 $0xFFFFFE00  }
0x2b: {  	[tilespmem:s20], [sflag:$0x1] =	stream.linear.gather [hbm4b:s29+s31], $0x200, $0x38;
	[tilespmem:$0x1E880] =	vst v63  }
0x2c: {  	_ =	swait.ge [sflag:s16], $0x200  }
0x2d: {  	[sflag:s16] =	ssyncset.done $0x0  }
0x2e: {  	s29 =	sadd.s32 s5, s2;
	[sflag:s16] =	ssyncadd.s32 $0xFFFFFE00  }
0x2f: {  	[tilespmem:s21], [sflag:$0x1] =	stream.linear.gather [hbm4b:s29+s31], $0x200, $0x38;
	[tilespmem:$0x1E880] =	vst v63  }
0x30: {  	_ =	swait.ge [sflag:s16], $0x200  }
0x31: {  	[sflag:s16] =	ssyncset.done $0x0  }
0x32: {  	s18 =	simm.s32 $0x0;
	[sflag:s16] =	ssyncadd.s32 $0xFFFFFE00  }
0x33: {  	v5 =	vld [tilespmem:s18+$0x1DA80]  }
0x34: {  	v6 =	vld [tilespmem:s18+$0x1DC80];
	_ =	sdelay $0x3  }
0x35: {  	v5 =	vshll.u32 v5, $0x2  }
0x36: {  	v6 =	vshll.u32 v6, $0x2;
	_ =	sdelay $0x2  }
0x37: {  	v7 =	vld [tilespmem:s18+$0x1DE80]  }
0x38: {  	v8 =	vld.idx.msk [tilespmem:v5+s1+$0x0], $0xffff  }
0x39: {  	v9 =	vld.idx.msk [tilespmem:v6+s17+$0x0], $0xffff;
	_ =	sdelay $0x4  }
0x3a: {  	v10 =	vmul.f32 v7, v1;
	v8 =	vadd.f32 v9, v8;
	_ =	sdelay $0x1  }
0x3b: {  	v8 =	vadd.f32 v8, v10;
	_ =	sdelay $0x1  }
0x3c: {  	v56 =	vmul.f32 $2.000000030e-01, v8  }
0x3d: {  	vm0 =	vgt.f32 v8, $0.0e+00  }
0x3e: {  	v8 =	vsel vm0, v8, v56  }
0x3f: {  	v8 =	vmul.f32 $1.442695020e+00, v8;
	_ =	sdelay $0x1  }
0x40: {  	(erf) = vpow2.f32 v8;
	_ =	sdelay $0x6  }
0x41: {  	v8 =	vor.u32 $0x1, v5  }
0x42: {  	v57 =	vor.u32 $0x1, v6  }
0x43: {  	v58 =	vpop (erf)  }
0x44: {  	[tilespmem:v6+s22+$0x0] =	vst.idx.add.f32.msk $0xffff, v58  }
0x45: {  	[tilespmem:s18+$0x1E080] =	vst v58  }
0x46: {  	v8 =	vld.idx.msk [tilespmem:v8+s1+$0x0], $0xffff  }
0x47: {  	v10 =	vld.idx.msk [tilespmem:v57+s17+$0x0], $0xffff;
	_ =	sdelay $0x4  }
0x48: {  	v11 =	vmul.f32 v7, v2;
	v8 =	vadd.f32 v10, v8;
	_ =	sdelay $0x1  }
0x49: {  	v8 =	vadd.f32 v8, v11;
	_ =	sdelay $0x1  }
0x4a: {  	v59 =	vmul.f32 $2.000000030e-01, v8  }
0x4b: {  	vm13 =	vgt.f32 v8, $0.0e+00  }
0x4c: {  	v8 =	vsel vm13, v8, v59  }
0x4d: {  	v8 =	vmul.f32 $1.442695020e+00, v8;
	_ =	sdelay $0x1  }
0x4e: {  	(erf) = vpow2.f32 v8;
	_ =	sdelay $0x6  }
0x4f: {  	v8 =	vor.u32 $0x2, v5  }
0x50: {  	v60 =	vor.u32 $0x2, v6  }
0x51: {  	v61 =	vpop (erf)  }
0x52: {  	[tilespmem:v57+s22+$0x0] =	vst.idx.add.f32.msk $0xffff, v61  }
0x53: {  	[tilespmem:s18+$0x1E280] =	vst v61  }
0x54: {  	v8 =	vld.idx.msk [tilespmem:v8+s1+$0x0], $0xffff  }
0x55: {  	v9 =	vld.idx.msk [tilespmem:v60+s17+$0x0], $0xffff;
	_ =	sdelay $0x4  }
0x56: {  	v62 =	vmul.f32 v7, v3;
	v8 =	vadd.f32 v9, v8;
	_ =	sdelay $0x1  }
0x57: {  	v8 =	vadd.f32 v8, v62;
	_ =	sdelay $0x1  }
0x58: {  	v63 =	vmul.f32 $2.000000030e-01, v8  }
0x59: {  	vm14 =	vgt.f32 v8, $0.0e+00  }
0x5a: {  	v8 =	vsel vm14, v8, v63  }
0x5b: {  	v8 =	vmul.f32 $1.442695020e+00, v8;
	_ =	sdelay $0x1  }
0x5c: {  	(erf) = vpow2.f32 v8;
	_ =	sdelay $0x6  }
0x5d: {  	v5 =	vor.u32 $0x3, v5  }
0x5e: {  	v6 =	vor.u32 $0x3, v6  }
0x5f: {  	v8 =	vpop (erf)  }
0x60: {  	[tilespmem:v60+s22+$0x0] =	vst.idx.add.f32.msk $0xffff, v8  }
0x61: {  	[tilespmem:s18+$0x1E480] =	vst v8  }
0x62: {  	v5 =	vld.idx.msk [tilespmem:v5+s1+$0x0], $0xffff  }
0x63: {  	v8 =	vld.idx.msk [tilespmem:v6+s17+$0x0], $0xffff;
	_ =	sdelay $0x4  }
0x64: {  	v7 =	vmul.f32 v7, v4;
	v5 =	vadd.f32 v8, v5;
	_ =	sdelay $0x1  }
0x65: {  	v5 =	vadd.f32 v5, v7;
	_ =	sdelay $0x1  }
0x66: {  	v7 =	vmul.f32 $2.000000030e-01, v5  }
0x67: {  	vm15 =	vgt.f32 v5, $0.0e+00  }
0x68: {  	v5 =	vsel vm15, v5, v7  }
0x69: {  	v5 =	vmul.f32 $1.442695020e+00, v5;
	_ =	sdelay $0x1  }
0x6a: {  	s28 =	simm.s32 $0x40;
	(erf) = vpow2.f32 v5  }
.LBB2_5:
0x6b: {  	_ =	sdelay $0x5  }
0x6c: {  	p0 =	sne.s32 s28, $0x7C0;
	s29 =	smov.u32 s28;
	s28 =	sadd.s32 $0x40, s28  }
0x6d: {  	_ = 	snop  }
0x6e: {  	v5 =	vpop (erf)  }
0x6f: {  	s29 =	sshra.s32 s29, $0x2;
	[tilespmem:v6+s22+$0x0] =	vst.idx.add.f32.msk $0xffff, v5  }
0x70: {  	v6 =	vld [tilespmem:s29+$0x1DA80];
	[tilespmem:s18+$0x1E680] =	vst v5;
	s18 =	smov.u32 s29  }
0x71: {  	v5 =	vld [tilespmem:s18+$0x1DC80];
	_ =	sdelay $0x3  }
0x72: {  	v6 =	vshll.u32 v6, $0x2  }
0x73: {  	v7 =	vshll.u32 v5, $0x2;
	_ =	sdelay $0x2  }
0x74: {  	v5 =	vld [tilespmem:s18+$0x1DE80]  }
0x75: {  	v8 =	vld.idx.msk [tilespmem:v6+s1+$0x0], $0xffff  }
0x76: {  	v9 =	vld.idx.msk [tilespmem:v7+s17+$0x0], $0xffff;
	_ =	sdelay $0x4  }
0x77: {  	v10 =	vmul.f32 v5, v1  }
0x78: {  	v8 =	vadd.f32 v9, v8;
	_ =	sdelay $0x1  }
0x79: {  	v8 =	vadd.f32 v8, v10;
	_ =	sdelay $0x1  }
0x7a: {  	vm0 =	vgt.f32 v8, $0.0e+00;
	v9 =	vmul.f32 $2.000000030e-01, v8;
	_ =	sdelay $0x1  }
0x7b: {  	v8 =	vsel vm0, v8, v9  }
0x7c: {  	v8 =	vmul.f32 $1.442695020e+00, v8;
	_ =	sdelay $0x1  }
0x7d: {  	(erf) = vpow2.f32 v8;
	_ =	sdelay $0x6  }
0x7e: {  	v9 =	vor.u32 $0x1, v7;
	v8 =	vor.u32 $0x1, v6;
	_ =	sdelay $0x1  }
0x7f: {  	v10 =	vpop (erf)  }
0x80: {  	[tilespmem:v7+s22+$0x0] =	vst.idx.add.f32.msk $0xffff, v10  }
0x81: {  	[tilespmem:s18+$0x1E080] =	vst v10  }
0x82: {  	v8 =	vld.idx.msk [tilespmem:v8+s1+$0x0], $0xffff  }
0x83: {  	v10 =	vld.idx.msk [tilespmem:v9+s17+$0x0], $0xffff;
	_ =	sdelay $0x3  }
0x84: {  	v11 =	vmul.f32 v5, v2;
	_ =	sdelay $0x1  }
0x85: {  	v8 =	vadd.f32 v10, v8;
	_ =	sdelay $0x1  }
0x86: {  	v8 =	vadd.f32 v8, v11;
	_ =	sdelay $0x1  }
0x87: {  	vm0 =	vgt.f32 v8, $0.0e+00;
	v10 =	vmul.f32 $2.000000030e-01, v8;
	_ =	sdelay $0x1  }
0x88: {  	v8 =	vsel vm0, v8, v10  }
0x89: {  	v8 =	vmul.f32 $1.442695020e+00, v8;
	_ =	sdelay $0x1  }
0x8a: {  	(erf) = vpow2.f32 v8;
	_ =	sdelay $0x6  }
0x8b: {  	v10 =	vor.u32 $0x2, v7;
	v8 =	vor.u32 $0x2, v6;
	_ =	sdelay $0x1  }
0x8c: {  	v11 =	vpop (erf)  }
0x8d: {  	[tilespmem:v9+s22+$0x0] =	vst.idx.add.f32.msk $0xffff, v11  }
0x8e: {  	[tilespmem:s18+$0x1E280] =	vst v11  }
0x8f: {  	v8 =	vld.idx.msk [tilespmem:v8+s1+$0x0], $0xffff  }
0x90: {  	v9 =	vld.idx.msk [tilespmem:v10+s17+$0x0], $0xffff;
	_ =	sdelay $0x2  }
0x91: {  	v11 =	vmul.f32 v5, v3;
	_ =	sdelay $0x2  }
0x92: {  	v8 =	vadd.f32 v9, v8;
	_ =	sdelay $0x1  }
0x93: {  	v8 =	vadd.f32 v8, v11;
	_ =	sdelay $0x1  }
0x94: {  	vm0 =	vgt.f32 v8, $0.0e+00;
	v9 =	vmul.f32 $2.000000030e-01, v8;
	_ =	sdelay $0x1  }
0x95: {  	v8 =	vsel vm0, v8, v9  }
0x96: {  	v8 =	vmul.f32 $1.442695020e+00, v8;
	_ =	sdelay $0x1  }
0x97: {  	(erf) = vpow2.f32 v8;
	_ =	sdelay $0x6  }
0x98: {  	v8 =	vor.u32 $0x3, v6;
	v6 =	vor.u32 $0x3, v7;
	_ =	sdelay $0x1  }
0x99: {  	v7 =	vpop (erf)  }
0x9a: {  	[tilespmem:v10+s22+$0x0] =	vst.idx.add.f32.msk $0xffff, v7  }
0x9b: {  	[tilespmem:s18+$0x1E480] =	vst v7  }
0x9c: {  	v7 =	vld.idx.msk [tilespmem:v8+s1+$0x0], $0xffff  }
0x9d: {  	v8 =	vld.idx.msk [tilespmem:v6+s17+$0x0], $0xffff;
	_ =	sdelay $0x1  }
0x9e: {  	v5 =	vmul.f32 v5, v4;
	_ =	sdelay $0x3  }
0x9f: {  	v7 =	vadd.f32 v8, v7;
	_ =	sdelay $0x1  }
0xa0: {  	v5 =	vadd.f32 v7, v5;
	_ =	sdelay $0x1  }
0xa1: {  	vm0 =	vgt.f32 v5, $0.0e+00;
	v7 =	vmul.f32 $2.000000030e-01, v5  }
.Ltmp1:
0xa2: {  	(pc) =	sbr.rel @p0 .LBB2_5-.Ltmp1, $3  }
0xa3: {  	v5 =	vsel vm0, v5, v7  }
0xa4: {  	v5 =	vmul.f32 $1.442695020e+00, v5;
	_ =	sdelay $0x1  }
0xa5: {  	(erf) = vpow2.f32 v5  }
0xa6: {  	_ =	sdelay $0x7  }
0xa7: {  	v5 =	vpop (erf)  }
0xa8: {  	[tilespmem:v6+s22+$0x0] =	vst.idx.add.f32.msk $0xffff, v5  }
0xa9: {  	s28 =	sadd.s32 s9, s2;
	[tilespmem:s18+$0x1E680] =	vst v5  }
0xaa: {  	[hbm4b:s28+s1] =	stream.linear.scatter [tilespmem:s23], [sflag:$0x1], $0x200, $0x38;
	[tilespmem:$0x1E880] =	vst v63  }
0xab: {  	_ =	swait.ge [sflag:s16], $0x200  }
0xac: {  	[sflag:s16] =	ssyncset.done $0x0  }
0xad: {  	s29 =	sadd.s32 s10, s2;
	[sflag:s16] =	ssyncadd.s32 $0xFFFFFE00  }
0xae: {  	[hbm4b:s29+s1] =	stream.linear.scatter [tilespmem:s24], [sflag:$0x1], $0x200, $0x38;
	[tilespmem:$0x1E880] =	vst v63  }
0xaf: {  	_ =	swait.ge [sflag:s16], $0x200  }
0xb0: {  	[sflag:s16] =	ssyncset.done $0x0  }
0xb1: {  	s28 =	sadd.s32 s11, s2;
	[sflag:s16] =	ssyncadd.s32 $0xFFFFFE00  }
0xb2: {  	[hbm4b:s28+s1] =	stream.linear.scatter [tilespmem:s25], [sflag:$0x1], $0x200, $0x38;
	[tilespmem:$0x1E880] =	vst v63  }
0xb3: {  	s0 =	sadd.s32 $0x1, s0;
	_ =	swait.ge [sflag:s16], $0x200  }
0xb4: {  	p0 =	sne.s32 s0, $0xA;
	[sflag:s16] =	ssyncset.done $0x0  }
.Ltmp2:
0xb5: {  	s29 =	sadd.s32 s12, s2;
	[sflag:s16] =	ssyncadd.s32 $0xFFFFFE00;
	(pc) =	sbr.rel @p0 .LBB2_4-.Ltmp2, $4  }
0xb6: {  	[hbm4b:s29+s1] =	stream.linear.scatter [tilespmem:s26], [sflag:$0x1], $0x200, $0x38;
	[tilespmem:$0x1E880] =	vst v63  }
0xb7: {  	_ =	swait.ge [sflag:s16], $0x200  }
0xb8: {  	[sflag:s16] =	ssyncset.done $0x0  }
0xb9: {  	[sflag:s16] =	ssyncadd.s32 $0xFFFFFE00  }
0xba: {  	s30 =	sadd.s32 $0x1, s30  }
0xbb: {  	p0 =	sne.s32 s30, s15  }
.Ltmp3:
0xbc: {  	s0 =	simm.s32 $0x80;
	s2 =	simm.s32 $0x400;
	(pc) =	sbr.rel @p0 .LBB2_1-.Ltmp3, $4  }
0xbd: {  	[hbm4b:s14+s0] =	stream.strided.scatter [tilespmem:s22], [sflag:$0x1], $0x9E00, s2, s0, $0x38;
	[tilespmem:$0x1E880] =	vst v63  }
0xbe: {  	_ =	swait.ge [sflag:s16], $0x9E00  }
0xbf: {  	[sflag:s16] =	ssyncset.done $0x0  }
0xc0: {  	[sflag:s16] =	ssyncadd.s32 $0xFFFF6200  }
0xc1: {  	_ =	sfence.sel $0x180000  }
0xc2: {  	[bflag:$0x0] =	sbarrier.arrive $0xFFFF  }
0xc3: {  	_ =	strace $0x90000047  }
0xc4: {  	s0 =	stileid.u32;
	[bflag:$0x2] =	sbarrier.arrive $0xFFFF  }
0xc5: {  	p0 =	sne.s32 s0, $0x0;
	s0 =	rddreg [dreg:$0x1]  }
0xc6: {  	s0 =	sadd.s32 @!p0 $0x100000, s0  }
0xc7: {  	[sflag:s0] =	ssyncadd.tile.s32 @!p0 $0x1;
	_ =	shalt  }
.Lfunc_end2:
_tile_overlayer_lowered:
.L_overlay_start_2:
0xc8: {  	(tag) =	ssettag $0x2  }
0xc9: {  	s0 =	rddreg [dreg:$0x0];
	s2 =	stileid.u32  }
0xca: {  	s1 =	rddreg [dreg:$0x1];
	p0 =	sne.s32 s2, $0x0  }
0xcb: {  	s3 =	rddreg [dreg:$0x2];
	[bflag:$0x3] =	sbarrier.arrive $0xFFFF;
	s2 =	simm.s32 @!p0 $0x1C01  }
0xcc: {  	[timem:s3], [sflag:s2] =	dma.local @!p0 [hbm:s0], s1  }
0xcd: {  	s0 =	simm.s32 @!p0 $0x1  }
0xce: {  	_ =	swait.ge @!p0 [sflag:s0], s1  }
0xcf: {  	s1 =	ssub.s32 @!p0 $0x0, s1;
	[sflag:s0] =	ssyncset.done @!p0 $0x0  }
0xd0: {  	[sflag:s0] =	ssyncadd.s32 @!p0 s1  }
0xd1: {  	[bflag:$0x3] =	sbarrier.arrive $0xFFFF  }
0xd2: {  	_ =	shalt  }

// kernel: kernel.18.cloned.1.call-start
scs
__scs_entry_jumppad:
0x0: {  	(pc) =	sbr.rel $0x88, $3  }
0x1: {  	(tag) =	ssettag $0x0;
	lr =	simm.s32 $0x1  }
0x2: {  	[smem:$0x3F87] =	sst lr;
	_ =	strace $0xD0000000  }
0x3: {  	_ = 	snop  }
0x4: {  	_ = 	snop  }
0x5: {  	_ = 	snop  }
0x6: {  	_ = 	snop  }
0x7: {  	_ = 	snop  }
__scs_overlays_trampoline_lowered:
0x8: {  	[smem:$0x3F96] =	sst s0  }
0x9: {  	[smem:$0x3F97] =	sst s1  }
0xa: {  	[smem:$0x3F98] =	sst s2  }
0xb: {  	[smem:$0x3F99] =	sst s3  }
0xc: {  	[smem:$0x3F9A] =	sst s4  }
0xd: {  	[smem:$0x3F9B] =	sst s5  }
0xe: {  	[smem:$0x3F9C] =	sst s6  }
0xf: {  	[smem:$0x3F9D] =	sst s7  }
0x10: {  	[smem:$0x3F9E] =	sst s8  }
0x11: {  	[smem:$0x3F9F] =	sst s9;
	s0 =	simm.s32 @!p0 $0x0  }
0x12: {  	s1 =	sld [smem:$0x3F85];
	s0 =	simm.s32 @p0 $0x1  }
0x13: {  	[smem:$0x3FA0] =	sst s0;
	s0 =	simm.s32 @!p1 $0x0  }
0x14: {  	s2 =	sld [smem:$0x3F84];
	s0 =	simm.s32 @p1 $0x1  }
0x15: {  	[smem:$0x3FA1] =	sst s0;
	s0 =	simm.s32 @!p2 $0x0  }
0x16: {  	s3 =	sld [smem:$0x3FDB];
	s0 =	simm.s32 @p2 $0x1  }
0x17: {  	s4 =	simm.s32 $0x1BF5;
	[smem:$0x3FA3] =	sst s0  }
0x18: {  	s0 =	sld [smem:$0x3F86];
	_ =	swait.ge [sflag:s4], $0x0  }
0x19: {  	s7 =	sld [smem:$0x3F87]  }
0x1a: {  	s8 =	sadd.s32 $0xFFFFE003, lr  }
0x1b: {  	s9 =	sadd.s32 $0xFFFFFEF7, lr;
	s5 =	simm.s32 $0xFFFFFFFF;
	p2 =	slt.u32 s8, $0xFFFFF086  }
0x1c: {  	p1 =	slt.u32 s9, $0xF7A;
	s5 =	simm.s32 @!p2 $0x0  }
0x1d: {  	s5 =	simm.s32 @p1 $0x1;
	p0 =	seq.s32 s7, s2  }
0x1e: {  	s7 =	smul.u32 @!p0 $0xF7A, s2;
	p2 =	seq.s32 @!p0 s5, $0x0  }
0x1f: {  	s9 =	smul.u32 $0xF7A, s1;
	s8 =	simm.s32 @!p0 $0x1BF5;
	p2 =	por !p2, p0  }
0x20: {  	[sflag:s8] =	ssyncset.s32 @!p0 $0xFFFFF086;
	s6 =	sadd.s32 @!p0 s3, s7;
	s7 =	simm.s32 @!p0 $0x108  }
0x21: {  	s3 =	sadd.s32 s3, s9;
	s6 =	sadd.s32 @!p0 $0x88, s6;
	s7 =	simm.s32 @p2 $0x1082  }
0x22: {  	[simem:s7], [sflag:s8] =	dma.local @!p0 [hbm:s6], $0xF7A  }
0x23: {  	s9 =	sor.u32 $0xD0000000, s2;
	s6 =	simm.s32 $0x108;
	_ =	swait.ge @!p0 [sflag:s8], $0x0  }
0x24: {  	s3 =	sadd.s32 $0x88, s3;
	s6 =	simm.s32 @!p1 $0x1082;
	[sflag:s4] =	ssyncset.s32 $0xFFFFF086  }
0x25: {  	[simem:s6], [sflag:s4] =	dma.local [hbm:s3], $0xF7A  }
0x26: {  	[smem:$0x3F87] =	sst s1;
	(tag) =	ssettag s2;
	_ =	strace s9  }
0x27: {  	s1 =	sld [smem:$0x3F97]  }
0x28: {  	s2 =	sld [smem:$0x3F98]  }
0x29: {  	s4 =	sld [smem:$0x3F9A]  }
0x2a: {  	p0 =	seq.s32 s5, $0x0;
	s5 =	sld [smem:$0x3F9B]  }
0x2b: {  	s6 =	sld [smem:$0x3F9C]  }
0x2c: {  	s7 =	sld [smem:$0x3F9D]  }
0x2d: {  	s3 =	simm.s32 $0x108;
	s8 =	sld [smem:$0x3F9E]  }
0x2e: {  	s3 =	simm.s32 @!p0 $0x1082;
	s9 =	sld [smem:$0x3F9F]  }
0x2f: {  	lr =	sadd.s32 s0, s3;
	s0 =	sld [smem:$0x3F96]  }
0x30: {  	s3 =	sld [smem:$0x3F99]  }
0x31: {  	[smem:$0x3FA2] =	sst s10  }
0x32: {  	s10 =	sld [smem:$0x3FA0];
	_ =	sdelay $0x3  }
0x33: {  	p0 =	seq.s32 s10, $0x1;
	s10 =	sld [smem:$0x3FA2];
	_ =	sdelay $0x3  }
0x34: {  	[smem:$0x3FA2] =	sst s10  }
0x35: {  	s10 =	sld [smem:$0x3FA1];
	_ =	sdelay $0x3  }
0x36: {  	p1 =	seq.s32 s10, $0x1;
	s10 =	sld [smem:$0x3FA2];
	_ =	sdelay $0x3  }
0x37: {  	[smem:$0x3FA2] =	sst s10  }
0x38: {  	s10 =	sld [smem:$0x3FA3]  }
0x39: {  	_ = 	snop;
	(pc) =	sbr.ind lr, $3  }
0x3a: {  	_ = 	snop  }
0x3b: {  	_ = 	snop  }
0x3c: {  	p2 =	seq.s32 s10, $0x1;
	s10 =	sld [smem:$0x3FA2]  }
0x3d: {  	_ =	shalt  }
0x3e: {  	_ =	shalt  }
0x3f: {  	_ =	shalt  }
0x40: {  	_ =	shalt  }
0x41: {  	_ =	shalt  }
0x42: {  	_ =	shalt  }
0x43: {  	_ =	shalt  }
0x44: {  	_ =	shalt  }
0x45: {  	_ =	shalt  }
0x46: {  	_ =	shalt  }
0x47: {  	_ =	shalt  }
0x48: {  	_ =	shalt  }
0x49: {  	_ =	shalt  }
0x4a: {  	_ =	shalt  }
0x4b: {  	_ =	shalt  }
0x4c: {  	_ =	shalt  }
0x4d: {  	_ =	shalt  }
0x4e: {  	_ =	shalt  }
0x4f: {  	_ =	shalt  }
0x50: {  	_ =	shalt  }
0x51: {  	_ =	shalt  }
0x52: {  	_ =	shalt  }
0x53: {  	_ =	shalt  }
0x54: {  	_ =	shalt  }
0x55: {  	_ =	shalt  }
0x56: {  	_ =	shalt  }
0x57: {  	_ =	shalt  }
0x58: {  	_ =	shalt  }
0x59: {  	_ =	shalt  }
0x5a: {  	_ =	shalt  }
0x5b: {  	_ =	shalt  }
0x5c: {  	_ =	shalt  }
0x5d: {  	_ =	shalt  }
0x5e: {  	_ =	shalt  }
0x5f: {  	_ =	shalt  }
0x60: {  	_ =	shalt  }
0x61: {  	_ =	shalt  }
0x62: {  	_ =	shalt  }
0x63: {  	_ =	shalt  }
0x64: {  	_ =	shalt  }
0x65: {  	_ =	shalt  }
0x66: {  	_ =	shalt  }
0x67: {  	_ =	shalt  }
0x68: {  	_ =	shalt  }
0x69: {  	_ =	shalt  }
0x6a: {  	_ =	shalt  }
0x6b: {  	_ =	shalt  }
0x6c: {  	_ =	shalt  }
0x6d: {  	_ =	shalt  }
0x6e: {  	_ =	shalt  }
0x6f: {  	_ =	shalt  }
0x70: {  	_ =	shalt  }
0x71: {  	_ =	shalt  }
0x72: {  	_ =	shalt  }
0x73: {  	_ =	shalt  }
0x74: {  	_ =	shalt  }
0x75: {  	_ =	shalt  }
0x76: {  	_ =	shalt  }
0x77: {  	_ =	shalt  }
0x78: {  	_ =	shalt  }
0x79: {  	_ =	shalt  }
0x7a: {  	_ =	shalt  }
0x7b: {  	_ =	shalt  }
0x7c: {  	_ =	shalt  }
0x7d: {  	_ =	shalt  }
0x7e: {  	_ =	shalt  }
0x7f: {  	_ =	shalt  }
0x80: {  	_ =	shalt  }
0x81: {  	_ =	shalt  }
0x82: {  	_ =	shalt  }
0x83: {  	_ =	shalt  }
0x84: {  	_ =	shalt  }
0x85: {  	_ =	shalt  }
0x86: {  	_ =	shalt  }
0x87: {  	_ =	shalt  }
.Lfunc_end0:
.L_simem_size_0:
called_computation.1_lowered:
.L_overlay_start_0:
0x88: {  	s2 =	sld [smem:$0x3FD9]  }
0x89: {  	s3 =	sld [smem:$0x3FFE];
	_ =	sdelay $0x1  }
0x8a: {  	s1 =	srdreg.scid  }
0x8b: {  	s0 =	sand.u32 $0x1, s1  }
0x8c: {  	s16 =	sshll.u32 s0, $0xA;
	s2 =	sadd.s32 s3, s2  }
0x8d: {  	s2 =	sadd.s32 s2, s16  }
0x8e: {  	[smem:$0x3FAE] =	sst s2  }
0x8f: {  	_ = 	snop  }
0x90: {  	(tm) =	ssettm $0x1  }
0x91: {  	s17 =	sld [smem:$0x3FFB];
	_ =	sdelay $0x3  }
0x92: {  	_ =	strace s17  }
0x93: {  	s2 =	sld [smem:$0x3FFC];
	_ =	sdelay $0x3  }
0x94: {  	_ =	strace s2  }
0x95: {  	s2 =	sld [smem:$0x3FFD];
	_ =	sdelay $0x3  }
0x96: {  	_ =	strace s2  }
0x97: {  	_ =	strace $0x8FFFFFFF  }
0x98: {  	s18 =	sld [smem:$0x3FDB];
	_ =	sdelay $0x1  }
0x99: {  	s19 =	simm.s32 $_scs_section_size  }
0x9a: {  	s4 =	simm.s32 $_size__tile_overlayer_lowered;
	s5 =	simm.s32 $_tile_overlayer_lowered  }
0x9b: {  	s22 =	simm.s32 $0x1BFF;
	s21 =	sshll.u32 s5, $0x1;
	s2 =	sadd.s32 s19, s18  }
0x9c: {  	s6 =	simm.s32 $0x0;
	s20 =	sshll.u32 s4, $0x1;
	s4 =	sadd.s32 s21, s2  }
0x9d: {  	[timem:s6], [sflag:s22] =	dma.local [hbm:s4], s20  }
0x9e: {  	_ =	swait.ge [sflag:s22], s20  }
0x9f: {  	s3 =	ssub.s32 $0x0, s20;
	[sflag:s22] =	ssyncset.done $0x0  }
0xa0: {  	[sflag:s22] =	ssyncadd.s32 s3;
	_ =	sdelay $0x1  }
0xa1: {  	s23 =	simm.s32 $0x1B8B  }
0xa2: {  	_ =	swait.ge [sflag:s23], $0x1  }
0xa3: {  	[sflag:s23] =	ssyncset.done $0x0  }
0xa4: {  	s25 =	simm.s32 $0x1B8E;
	s24 =	sld [smem:$0x3FFE];
	[sflag:s23] =	ssyncadd.s32 $0xFFFFFFFF  }
0xa5: {  	s26 =	simm.s32 $execute0_lowered;
	[smem:$0x3FD2] =	sst s25  }
0xa6: {  	s4 =	sshll.u32 s26, $0x1;
	_ =	strace $0x80000049;
	[dreg:$0x1] =	wrdreg $0xFFFFFFFF  }
0xa7: {  	s28 =	simm.s32 $_size_execute0_lowered;
	s2 =	sadd.s32 s2, s4;
	[dreg:$0x0] =	wrdreg $0x0  }
0xa8: {  	s4 =	sshll.u32 s28, $0x1;
	[dreg:$0x2] =	wrdreg s2  }
0xa9: {  	[dreg:$0x3] =	wrdreg s4  }
0xaa: {  	[dreg:$0x4] =	wrdreg $0xC0  }
0xab: {  	_ =	task [dreg:s6], $0x5FFFF  }
0xac: {  	[dreg:$0x1] =	wrdreg $0xFFFFFFFF  }
0xad: {  	[dreg:$0x0] =	wrdreg $0x60  }
0xae: {  	[dreg:$0x2] =	wrdreg s24  }
0xaf: {  	[dreg:$0x3] =	wrdreg $0x9  }
0xb0: {  	_ =	task.clear_ibuf [dreg:s6], $0x4FFFF;
	_ =	strace $0x90000049  }
0xb1: {  	s29 =	simm.s32 $0x9;
	_ =	strace $0x8000004B  }
0xb2: {  	_ =	swait.ge [sflag:s29], $0x1  }
0xb3: {  	[sflag:s29] =	ssyncadd.s32 $0xFFFFFFFF  }
0xb4: {  	_ =	strace $0x9000004B  }
0xb5: {  	_ =	sfence  }
0xb6: {  	s30 =	sld [smem:$0x0];
	_ =	sdelay $0x2  }
0xb7: {  	s31 =	sshll.u32 s1, $0xD;
	s1 =	sshrl.u32 s1, $0x2  }
0xb8: {  	s3 =	sand.u32 $0x4000, s31;
	s1 =	sadd.s32 s1, s30  }
0xb9: {  	s0 =	sor.u32 s3, s0;
	s1 =	sshll.u32 s1, $0x11  }
0xba: {  	s0 =	sor.u32 s1, s0  }
0xbb: {  	s0 =	sadd.s32 $0x8F2B, s0  }
0xbc: {  	[sflag:s0] =	ssyncadd.remote.s32 $0x1  }
0xbd: {  	_ =	sfence.sel $0xFFFF  }
0xbe: {  	[dreg:$0x0] =	wrdreg $0xFFFFFFFF;
	(pc) =	sbr.abs _section_cstart, $3  }
0xbf: {  	[dreg:$0x1] =	wrdreg $0xFFFFFFFF  }
0xc0: {  	_ =	task.clear_ibuf [dreg:s6], $0x2FFFF;
	_ =	strace $0x9FFFFFFF  }
0xc1: {  	(tm) =	ssettm $0x7FFFFFFF  }
tec
execute0_lowered:
.L_overlay_start_1:
0x0: {  	(tag) =	ssettag $0x1  }
0x1: {  	s12 =	rddreg [dreg:$0x0]  }
0x2: {  	s0 =	rddreg [dreg:$0x1];
	s1 =	simm.s32 $0x0  }
0x3: {  	s10 =	srdreg.scid;
	s6 =	stileid.u32;
	s17 =	simm.s32 $0xA000  }
0x4: {  	s18 =	simm.s32 $0xA200;
	s19 =	simm.s32 $0xA400;
	s20 =	simm.s32 $0xA600  }
0x5: {  	s21 =	simm.s32 $0xA800;
	s22 =	simm.s32 $0xAA00;
	s23 =	simm.s32 $0xAC00  }
0x6: {  	s24 =	simm.s32 $0xAE00;
	s25 =	simm.s32 $0x0;
	[smem:$0x7FF] =	sst s1  }
0x7: {  	s2 =	sadd.s32 $0x12800, s12;
	s3 =	sadd.s32 $0x17800, s12;
	s4 =	sadd.s32 $0x1C800, s12  }
0x8: {  	s5 =	sadd.s32 $0x21800, s12;
	s7 =	sadd.s32 $0x26800, s12;
	s8 =	sadd.s32 $0x10000, s12  }
0x9: {  	s9 =	sadd.s32 $0x2B800, s12;
	s13 =	sand.u32 $0x1, s10;
	s10 =	sadd.s32 $0x30800, s12  }
0xa: {  	s15 =	sshll.u32 s6, $0x1;
	s11 =	sadd.s32 $0xFD400, s12;
	s14 =	ssub.s32 $0x2, s13  }
0xb: {  	s12 =	sadd.s32 $0x102400, s12;
	_ =	strace $0x8000004A;
	s16 =	sshrl.u32 s14, $0x1  }
0xc: {  	s13 =	sor.u32 s13, s15;
	s15 =	simm.s32 $0x1;
	s14 =	ssub.s32 s14, s16  }
0xd: {  	s13 =	smul.u32 $0x1400, s13;
	s16 =	simm.s32 $0x9E00;
	s14 =	smax.u32 s14, $0x1  }
.LBB2_1:
0xe: {  	[tilespmem:s1], [sflag:$0x1] =	stream.linear.gather [hbm4b:s8+s1], $0x9E00, $0x38;
	[tilespmem:$0xB000] =	vst v63  }
0xf: {  	_ =	swait.ge [sflag:s15], $0x9E00  }
0x10: {  	[sflag:s15] =	ssyncset.done $0x0  }
0x11: {  	s26 =	simm.s32 $0x0;
	[sflag:s15] =	ssyncadd.s32 $0xFFFF6200  }
.LBB2_2:
0x12: {  	s28 =	sshll.u32 s26, $0x9  }
0x13: {  	s28 =	sadd.s32 s13, s28  }
0x14: {  	s28 =	sshrl.u32 s28, $0x3  }
0x15: {  	s30 =	simm.s32 $0x0;
	s29 =	sadd.s32 s2, s28  }
0x16: {  	[tilespmem:s16], [sflag:$0x1] =	stream.linear.gather [hbm4b:s29+s30], $0x200, $0x38;
	[tilespmem:$0xB000] =	vst v63  }
0x17: {  	_ =	swait.ge [sflag:s15], $0x200  }
0x18: {  	[sflag:s15] =	ssyncset.done $0x0  }
0x19: {  	s29 =	sadd.s32 s3, s28;
	[sflag:s15] =	ssyncadd.s32 $0xFFFFFE00  }
0x1a: {  	[tilespmem:s17], [sflag:$0x1] =	stream.linear.gather [hbm4b:s29+s30], $0x200, $0x38;
	[tilespmem:$0xB000] =	vst v63  }
0x1b: {  	_ =	swait.ge [sflag:s15], $0x200  }
0x1c: {  	[sflag:s15] =	ssyncset.done $0x0  }
0x1d: {  	s29 =	sadd.s32 s4, s28;
	[sflag:s15] =	ssyncadd.s32 $0xFFFFFE00  }
0x1e: {  	[tilespmem:s18], [sflag:$0x1] =	stream.linear.gather [hbm4b:s29+s30], $0x200, $0x38;
	[tilespmem:$0xB000] =	vst v63  }
0x1f: {  	_ =	swait.ge [sflag:s15], $0x200  }
0x20: {  	[sflag:s15] =	ssyncset.done $0x0  }
0x21: {  	s29 =	sadd.s32 s5, s28;
	[sflag:s15] =	ssyncadd.s32 $0xFFFFFE00  }
0x22: {  	[tilespmem:s19], [sflag:$0x1] =	stream.linear.gather [hbm4b:s29+s30], $0x200, $0x38;
	[tilespmem:$0xB000] =	vst v63  }
0x23: {  	_ =	swait.ge [sflag:s15], $0x200  }
0x24: {  	[sflag:s15] =	ssyncset.done $0x0  }
0x25: {  	s29 =	sadd.s32 s7, s28;
	[sflag:s15] =	ssyncadd.s32 $0xFFFFFE00  }
0x26: {  	[tilespmem:s20], [sflag:$0x1] =	stream.linear.gather [hbm4b:s29+s30], $0x200, $0x38;
	[tilespmem:$0xB000] =	vst v63  }
0x27: {  	_ =	swait.ge [sflag:s15], $0x200  }
0x28: {  	[sflag:s15] =	ssyncset.done $0x0  }
0x29: {  	s29 =	simm.s32 $0x0;
	[sflag:s15] =	ssyncadd.s32 $0xFFFFFE00  }
0x2a: {  	v0 =	vld [tilespmem:s29+$0x9E00];
	_ =	sdelay $0x4  }
0x2b: {  	v0 =	vshll.u32 v0, $0x2;
	_ =	sdelay $0x3  }
0x2c: {  	v2 =	vld [tilespmem:s29+$0xA000]  }
0x2d: {  	v1 =	vld.idx.msk [tilespmem:v0+s1+$0x0], $0xffff;
	_ =	sdelay $0x2  }
0x2e: {  	v3 =	vor.u32 $0x1, v0;
	_ =	sdelay $0x1  }
0x2f: {  	v1 =	vmul.f32 v2, v1;
	_ =	sdelay $0x1  }
0x30: {  	v2 =	vld [tilespmem:s29+$0xA200];
	[tilespmem:s29+$0xA800] =	vst v1  }
0x31: {  	v1 =	vld.idx.msk [tilespmem:v3+s1+$0x0], $0xffff;
	_ =	sdelay $0x2  }
0x32: {  	v3 =	vor.u32 $0x2, v0;
	_ =	sdelay $0x1  }
0x33: {  	v1 =	vmul.f32 v2, v1;
	_ =	sdelay $0x1  }
0x34: {  	v2 =	vld [tilespmem:s29+$0xA400];
	[tilespmem:s29+$0xAA00] =	vst v1  }
0x35: {  	v1 =	vld.idx.msk [tilespmem:v3+s1+$0x0], $0xffff;
	_ =	sdelay $0x2  }
0x36: {  	v0 =	vor.u32 $0x3, v0;
	_ =	sdelay $0x1  }
0x37: {  	v1 =	vmul.f32 v2, v1  }
0x38: {  	s31 =	simm.s32 $0x10;
	s30 =	simm.s32 $0x80  }
.LBB2_3:
0x39: {  	p0 =	sne.s32 s30, $0x7C0;
	v2 =	vld [tilespmem:s31+$0x9E00];
	[tilespmem:s29+$0xAC00] =	vst v1  }
0x3a: {  	v0 =	vld.idx.msk [tilespmem:v0+s1+$0x0], $0xffff  }
0x3b: {  	v1 =	vld [tilespmem:s29+$0xA600];
	_ =	sdelay $0x2  }
0x3c: {  	v2 =	vshll.u32 v2, $0x2;
	_ =	sdelay $0x1  }
0x3d: {  	v0 =	vmul.f32 v1, v0;
	_ =	sdelay $0x1  }
0x3e: {  	[tilespmem:s29+$0xAE00] =	vst v0;
	s29 =	smov.u32 s31  }
0x3f: {  	v0 =	vld.idx.msk [tilespmem:v2+s1+$0x0], $0xffff  }
0x40: {  	v1 =	vld [tilespmem:s29+$0xA000];
	_ =	sdelay $0x2  }
0x41: {  	v3 =	vor.u32 $0x1, v2;
	_ =	sdelay $0x1  }
0x42: {  	v0 =	vmul.f32 v1, v0;
	_ =	sdelay $0x1  }
0x43: {  	[tilespmem:s29+$0xA800] =	vst v0  }
0x44: {  	v0 =	vld.idx.msk [tilespmem:v3+s1+$0x0], $0xffff  }
0x45: {  	v1 =	vld [tilespmem:s29+$0xA200];
	_ =	sdelay $0x2  }
0x46: {  	v3 =	vor.u32 $0x2, v2;
	_ =	sdelay $0x1  }
0x47: {  	v0 =	vmul.f32 v1, v0;
	_ =	sdelay $0x1  }
0x48: {  	[tilespmem:s29+$0xAA00] =	vst v0  }
0x49: {  	v1 =	vld.idx.msk [tilespmem:v3+s1+$0x0], $0xffff  }
0x4a: {  	v3 =	vld [tilespmem:s29+$0xA400];
	_ =	sdelay $0x1  }
.Ltmp0:
0x4b: {  	(pc) =	sbr.rel @p0 .LBB2_3-.Ltmp0, $3  }
0x4c: {  	v0 =	vor.u32 $0x3, v2;
	_ =	sdelay $0x1  }
0x4d: {  	v1 =	vmul.f32 v3, v1  }
0x4e: {  	s31 =	sshra.s32 s30, $0x2;
	s30 =	sadd.s32 $0x40, s30  }
0x4f: {  	_ =	sdelay $0x1  }
0x50: {  	v2 =	vld [tilespmem:s31+$0x9E00]  }
0x51: {  	[tilespmem:s29+$0xAC00] =	vst v1;
	v58 =	vld [tilespmem:s29+$0xA600]  }
0x52: {  	v0 =	vld.idx.msk [tilespmem:v0+s1+$0x0], $0xffff;
	_ =	sdelay $0x3  }
0x53: {  	v2 =	vshll.u32 v2, $0x2  }
0x54: {  	v0 =	vmul.f32 v58, v0;
	_ =	sdelay $0x1  }
0x55: {  	[tilespmem:s29+$0xAE00] =	vst v0  }
0x56: {  	v59 =	vld [tilespmem:s31+$0xA000]  }
0x57: {  	v0 =	vld.idx.msk [tilespmem:v2+s1+$0x0], $0xffff;
	_ =	sdelay $0x2  }
0x58: {  	v3 =	vor.u32 $0x1, v2;
	_ =	sdelay $0x1  }
0x59: {  	v0 =	vmul.f32 v59, v0;
	_ =	sdelay $0x1  }
0x5a: {  	v60 =	vld [tilespmem:s31+$0xA200];
	[tilespmem:s31+$0xA800] =	vst v0  }
0x5b: {  	v0 =	vld.idx.msk [tilespmem:v3+s1+$0x0], $0xffff;
	_ =	sdelay $0x2  }
0x5c: {  	v61 =	vor.u32 $0x2, v2;
	_ =	sdelay $0x1  }
0x5d: {  	v0 =	vmul.f32 v60, v0;
	_ =	sdelay $0x1  }
0x5e: {  	v62 =	vld [tilespmem:s31+$0xA400];
	[tilespmem:s31+$0xAA00] =	vst v0  }
0x5f: {  	v0 =	vld.idx.msk [tilespmem:v61+s1+$0x0], $0xffff;
	_ =	sdelay $0x2  }
0x60: {  	v2 =	vor.u32 $0x3, v2;
	_ =	sdelay $0x1  }
0x61: {  	v0 =	vmul.f32 v62, v0;
	_ =	sdelay $0x1  }
0x62: {  	v63 =	vld [tilespmem:s31+$0xA600];
	[tilespmem:s31+$0xAC00] =	vst v0  }
0x63: {  	v0 =	vld.idx.msk [tilespmem:v2+s1+$0x0], $0xffff;
	_ =	sdelay $0x4  }
0x64: {  	v0 =	vmul.f32 v63, v0;
	_ =	sdelay $0x1  }
0x65: {  	s30 =	sadd.s32 s9, s28;
	[tilespmem:s31+$0xAE00] =	vst v0  }
0x66: {  	[hbm4b:s30+s1] =	stream.linear.scatter [tilespmem:s21], [sflag:$0x1], $0x200, $0x38;
	[tilespmem:$0xB000] =	vst v63  }
0x67: {  	_ =	swait.ge [sflag:s15], $0x200  }
0x68: {  	[sflag:s15] =	ssyncset.done $0x0  }
0x69: {  	s31 =	sadd.s32 s10, s28;
	[sflag:s15] =	ssyncadd.s32 $0xFFFFFE00  }
0x6a: {  	[hbm4b:s31+s1] =	stream.linear.scatter [tilespmem:s22], [sflag:$0x1], $0x200, $0x38;
	[tilespmem:$0xB000] =	vst v63  }
0x6b: {  	_ =	swait.ge [sflag:s15], $0x200  }
0x6c: {  	[sflag:s15] =	ssyncset.done $0x0  }
0x6d: {  	s30 =	sadd.s32 s11, s28;
	[sflag:s15] =	ssyncadd.s32 $0xFFFFFE00  }
0x6e: {  	[hbm4b:s30+s1] =	stream.linear.scatter [tilespmem:s23], [sflag:$0x1], $0x200, $0x38;
	[tilespmem:$0xB000] =	vst v63  }
0x6f: {  	s26 =	sadd.s32 $0x1, s26;
	_ =	swait.ge [sflag:s15], $0x200  }
0x70: {  	p0 =	sne.s32 s26, $0xA;
	[sflag:s15] =	ssyncset.done $0x0  }
.Ltmp1:
0x71: {  	s31 =	sadd.s32 s12, s28;
	[sflag:s15] =	ssyncadd.s32 $0xFFFFFE00;
	(pc) =	sbr.rel @p0 .LBB2_2-.Ltmp1, $4  }
0x72: {  	[hbm4b:s31+s1] =	stream.linear.scatter [tilespmem:s24], [sflag:$0x1], $0x200, $0x38;
	[tilespmem:$0xB000] =	vst v63  }
0x73: {  	_ =	swait.ge [sflag:s15], $0x200  }
0x74: {  	[sflag:s15] =	ssyncset.done $0x0  }
0x75: {  	[sflag:s15] =	ssyncadd.s32 $0xFFFFFE00  }
0x76: {  	s25 =	sadd.s32 $0x1, s25  }
0x77: {  	p0 =	sne.s32 s25, s14  }
.Ltmp2:
0x78: {  	_ = 	snop;
	(pc) =	sbr.rel @p0 .LBB2_1-.Ltmp2, $1  }
0x79: {  	_ =	sdelay $0x3  }
0x7a: {  	_ =	sfence.sel $0x180000  }
0x7b: {  	[bflag:$0x0] =	sbarrier.arrive $0xFFFF  }
0x7c: {  	p0 =	sne.s32 s6, $0x0;
	_ =	strace $0x9000004A  }
0x7d: {  	s0 =	sadd.s32 @!p0 $0x100000, s0;
	[bflag:$0x2] =	sbarrier.arrive $0xFFFF  }
0x7e: {  	[sflag:s0] =	ssyncadd.tile.s32 @!p0 $0x1;
	_ =	shalt  }
.Lfunc_end2:
_tile_overlayer_lowered:
.L_overlay_start_2:
0x7f: {  	(tag) =	ssettag $0x2  }
0x80: {  	s0 =	rddreg [dreg:$0x0];
	s2 =	stileid.u32  }
0x81: {  	s1 =	rddreg [dreg:$0x1];
	p0 =	sne.s32 s2, $0x0  }
0x82: {  	s3 =	rddreg [dreg:$0x2];
	[bflag:$0x3] =	sbarrier.arrive $0xFFFF;
	s2 =	simm.s32 @!p0 $0x1C01  }
0x83: {  	[timem:s3], [sflag:s2] =	dma.local @!p0 [hbm:s0], s1  }
0x84: {  	s0 =	simm.s32 @!p0 $0x1  }
0x85: {  	_ =	swait.ge @!p0 [sflag:s0], s1  }
0x86: {  	s1 =	ssub.s32 @!p0 $0x0, s1;
	[sflag:s0] =	ssyncset.done @!p0 $0x0  }
0x87: {  	[sflag:s0] =	ssyncadd.s32 @!p0 s1  }
0x88: {  	[bflag:$0x3] =	sbarrier.arrive $0xFFFF  }
0x89: {  	_ =	shalt  }

// kernel: kernel.21.cloned.1.call-start
scs
__scs_entry_jumppad:
0x0: {  	(pc) =	sbr.rel $0x88, $3  }
0x1: {  	(tag) =	ssettag $0x0;
	lr =	simm.s32 $0x1  }
0x2: {  	[smem:$0x3F87] =	sst lr;
	_ =	strace $0xD0000000  }
0x3: {  	_ = 	snop  }
0x4: {  	_ = 	snop  }
0x5: {  	_ = 	snop  }
0x6: {  	_ = 	snop  }
0x7: {  	_ = 	snop  }
__scs_overlays_trampoline_lowered:
0x8: {  	[smem:$0x3F96] =	sst s0  }
0x9: {  	[smem:$0x3F97] =	sst s1  }
0xa: {  	[smem:$0x3F98] =	sst s2  }
0xb: {  	[smem:$0x3F99] =	sst s3  }
0xc: {  	[smem:$0x3F9A] =	sst s4  }
0xd: {  	[smem:$0x3F9B] =	sst s5  }
0xe: {  	[smem:$0x3F9C] =	sst s6  }
0xf: {  	[smem:$0x3F9D] =	sst s7  }
0x10: {  	[smem:$0x3F9E] =	sst s8  }
0x11: {  	[smem:$0x3F9F] =	sst s9;
	s0 =	simm.s32 @!p0 $0x0  }
0x12: {  	s1 =	sld [smem:$0x3F85];
	s0 =	simm.s32 @p0 $0x1  }
0x13: {  	[smem:$0x3FA0] =	sst s0;
	s0 =	simm.s32 @!p1 $0x0  }
0x14: {  	s2 =	sld [smem:$0x3F84];
	s0 =	simm.s32 @p1 $0x1  }
0x15: {  	[smem:$0x3FA1] =	sst s0;
	s0 =	simm.s32 @!p2 $0x0  }
0x16: {  	s3 =	sld [smem:$0x3FDB];
	s0 =	simm.s32 @p2 $0x1  }
0x17: {  	s4 =	simm.s32 $0x1BF5;
	[smem:$0x3FA3] =	sst s0  }
0x18: {  	s0 =	sld [smem:$0x3F86];
	_ =	swait.ge [sflag:s4], $0x0  }
0x19: {  	s7 =	sld [smem:$0x3F87]  }
0x1a: {  	s8 =	sadd.s32 $0xFFFFE003, lr  }
0x1b: {  	s9 =	sadd.s32 $0xFFFFFEF7, lr;
	s5 =	simm.s32 $0xFFFFFFFF;
	p2 =	slt.u32 s8, $0xFFFFF086  }
0x1c: {  	p1 =	slt.u32 s9, $0xF7A;
	s5 =	simm.s32 @!p2 $0x0  }
0x1d: {  	s5 =	simm.s32 @p1 $0x1;
	p0 =	seq.s32 s7, s2  }
0x1e: {  	s7 =	smul.u32 @!p0 $0xF7A, s2;
	p2 =	seq.s32 @!p0 s5, $0x0  }
0x1f: {  	s9 =	smul.u32 $0xF7A, s1;
	s8 =	simm.s32 @!p0 $0x1BF5;
	p2 =	por !p2, p0  }
0x20: {  	[sflag:s8] =	ssyncset.s32 @!p0 $0xFFFFF086;
	s6 =	sadd.s32 @!p0 s3, s7;
	s7 =	simm.s32 @!p0 $0x108  }
0x21: {  	s3 =	sadd.s32 s3, s9;
	s6 =	sadd.s32 @!p0 $0x88, s6;
	s7 =	simm.s32 @p2 $0x1082  }
0x22: {  	[simem:s7], [sflag:s8] =	dma.local @!p0 [hbm:s6], $0xF7A  }
0x23: {  	s9 =	sor.u32 $0xD0000000, s2;
	s6 =	simm.s32 $0x108;
	_ =	swait.ge @!p0 [sflag:s8], $0x0  }
0x24: {  	s3 =	sadd.s32 $0x88, s3;
	s6 =	simm.s32 @!p1 $0x1082;
	[sflag:s4] =	ssyncset.s32 $0xFFFFF086  }
0x25: {  	[simem:s6], [sflag:s4] =	dma.local [hbm:s3], $0xF7A  }
0x26: {  	[smem:$0x3F87] =	sst s1;
	(tag) =	ssettag s2;
	_ =	strace s9  }
0x27: {  	s1 =	sld [smem:$0x3F97]  }
0x28: {  	s2 =	sld [smem:$0x3F98]  }
0x29: {  	s4 =	sld [smem:$0x3F9A]  }
0x2a: {  	p0 =	seq.s32 s5, $0x0;
	s5 =	sld [smem:$0x3F9B]  }
0x2b: {  	s6 =	sld [smem:$0x3F9C]  }
0x2c: {  	s7 =	sld [smem:$0x3F9D]  }
0x2d: {  	s3 =	simm.s32 $0x108;
	s8 =	sld [smem:$0x3F9E]  }
0x2e: {  	s3 =	simm.s32 @!p0 $0x1082;
	s9 =	sld [smem:$0x3F9F]  }
0x2f: {  	lr =	sadd.s32 s0, s3;
	s0 =	sld [smem:$0x3F96]  }
0x30: {  	s3 =	sld [smem:$0x3F99]  }
0x31: {  	[smem:$0x3FA2] =	sst s10  }
0x32: {  	s10 =	sld [smem:$0x3FA0];
	_ =	sdelay $0x3  }
0x33: {  	p0 =	seq.s32 s10, $0x1;
	s10 =	sld [smem:$0x3FA2];
	_ =	sdelay $0x3  }
0x34: {  	[smem:$0x3FA2] =	sst s10  }
0x35: {  	s10 =	sld [smem:$0x3FA1];
	_ =	sdelay $0x3  }
0x36: {  	p1 =	seq.s32 s10, $0x1;
	s10 =	sld [smem:$0x3FA2];
	_ =	sdelay $0x3  }
0x37: {  	[smem:$0x3FA2] =	sst s10  }
0x38: {  	s10 =	sld [smem:$0x3FA3]  }
0x39: {  	_ = 	snop;
	(pc) =	sbr.ind lr, $3  }
0x3a: {  	_ = 	snop  }
0x3b: {  	_ = 	snop  }
0x3c: {  	p2 =	seq.s32 s10, $0x1;
	s10 =	sld [smem:$0x3FA2]  }
0x3d: {  	_ =	shalt  }
0x3e: {  	_ =	shalt  }
0x3f: {  	_ =	shalt  }
0x40: {  	_ =	shalt  }
0x41: {  	_ =	shalt  }
0x42: {  	_ =	shalt  }
0x43: {  	_ =	shalt  }
0x44: {  	_ =	shalt  }
0x45: {  	_ =	shalt  }
0x46: {  	_ =	shalt  }
0x47: {  	_ =	shalt  }
0x48: {  	_ =	shalt  }
0x49: {  	_ =	shalt  }
0x4a: {  	_ =	shalt  }
0x4b: {  	_ =	shalt  }
0x4c: {  	_ =	shalt  }
0x4d: {  	_ =	shalt  }
0x4e: {  	_ =	shalt  }
0x4f: {  	_ =	shalt  }
0x50: {  	_ =	shalt  }
0x51: {  	_ =	shalt  }
0x52: {  	_ =	shalt  }
0x53: {  	_ =	shalt  }
0x54: {  	_ =	shalt  }
0x55: {  	_ =	shalt  }
0x56: {  	_ =	shalt  }
0x57: {  	_ =	shalt  }
0x58: {  	_ =	shalt  }
0x59: {  	_ =	shalt  }
0x5a: {  	_ =	shalt  }
0x5b: {  	_ =	shalt  }
0x5c: {  	_ =	shalt  }
0x5d: {  	_ =	shalt  }
0x5e: {  	_ =	shalt  }
0x5f: {  	_ =	shalt  }
0x60: {  	_ =	shalt  }
0x61: {  	_ =	shalt  }
0x62: {  	_ =	shalt  }
0x63: {  	_ =	shalt  }
0x64: {  	_ =	shalt  }
0x65: {  	_ =	shalt  }
0x66: {  	_ =	shalt  }
0x67: {  	_ =	shalt  }
0x68: {  	_ =	shalt  }
0x69: {  	_ =	shalt  }
0x6a: {  	_ =	shalt  }
0x6b: {  	_ =	shalt  }
0x6c: {  	_ =	shalt  }
0x6d: {  	_ =	shalt  }
0x6e: {  	_ =	shalt  }
0x6f: {  	_ =	shalt  }
0x70: {  	_ =	shalt  }
0x71: {  	_ =	shalt  }
0x72: {  	_ =	shalt  }
0x73: {  	_ =	shalt  }
0x74: {  	_ =	shalt  }
0x75: {  	_ =	shalt  }
0x76: {  	_ =	shalt  }
0x77: {  	_ =	shalt  }
0x78: {  	_ =	shalt  }
0x79: {  	_ =	shalt  }
0x7a: {  	_ =	shalt  }
0x7b: {  	_ =	shalt  }
0x7c: {  	_ =	shalt  }
0x7d: {  	_ =	shalt  }
0x7e: {  	_ =	shalt  }
0x7f: {  	_ =	shalt  }
0x80: {  	_ =	shalt  }
0x81: {  	_ =	shalt  }
0x82: {  	_ =	shalt  }
0x83: {  	_ =	shalt  }
0x84: {  	_ =	shalt  }
0x85: {  	_ =	shalt  }
0x86: {  	_ =	shalt  }
0x87: {  	_ =	shalt  }
.Lfunc_end0:
.L_simem_size_0:
called_computation.2_lowered:
.L_overlay_start_0:
0x88: {  	s2 =	sld [smem:$0x3FD9]  }
0x89: {  	s3 =	sld [smem:$0x3FFE];
	_ =	sdelay $0x1  }
0x8a: {  	s1 =	srdreg.scid  }
0x8b: {  	s0 =	sand.u32 $0x1, s1  }
0x8c: {  	s16 =	sshll.u32 s0, $0xA;
	s2 =	sadd.s32 s3, s2  }
0x8d: {  	s2 =	sadd.s32 s2, s16  }
0x8e: {  	[smem:$0x3FAE] =	sst s2  }
0x8f: {  	_ = 	snop  }
0x90: {  	(tm) =	ssettm $0x1  }
0x91: {  	s17 =	sld [smem:$0x3FFB];
	_ =	sdelay $0x3  }
0x92: {  	_ =	strace s17  }
0x93: {  	s2 =	sld [smem:$0x3FFC];
	_ =	sdelay $0x3  }
0x94: {  	_ =	strace s2  }
0x95: {  	s2 =	sld [smem:$0x3FFD];
	_ =	sdelay $0x3  }
0x96: {  	_ =	strace s2  }
0x97: {  	_ =	strace $0x8FFFFFFF  }
0x98: {  	s18 =	sld [smem:$0x3FDB];
	_ =	sdelay $0x1  }
0x99: {  	s19 =	simm.s32 $_scs_section_size  }
0x9a: {  	s4 =	simm.s32 $_size__tile_overlayer_lowered;
	s5 =	simm.s32 $_tile_overlayer_lowered  }
0x9b: {  	s22 =	simm.s32 $0x1BFF;
	s21 =	sshll.u32 s5, $0x1;
	s2 =	sadd.s32 s19, s18  }
0x9c: {  	s6 =	simm.s32 $0x0;
	s20 =	sshll.u32 s4, $0x1;
	s4 =	sadd.s32 s21, s2  }
0x9d: {  	[timem:s6], [sflag:s22] =	dma.local [hbm:s4], s20  }
0x9e: {  	_ =	swait.ge [sflag:s22], s20  }
0x9f: {  	s3 =	ssub.s32 $0x0, s20;
	[sflag:s22] =	ssyncset.done $0x0  }
0xa0: {  	[sflag:s22] =	ssyncadd.s32 s3;
	_ =	sdelay $0x1  }
0xa1: {  	s23 =	simm.s32 $0x1B8B  }
0xa2: {  	_ =	swait.ge [sflag:s23], $0x1  }
0xa3: {  	[sflag:s23] =	ssyncset.done $0x0  }
0xa4: {  	s25 =	simm.s32 $0x1B8E;
	s24 =	sld [smem:$0x3FFE];
	[sflag:s23] =	ssyncadd.s32 $0xFFFFFFFF  }
0xa5: {  	s26 =	simm.s32 $execute0_lowered;
	[smem:$0x3FD2] =	sst s25  }
0xa6: {  	s4 =	sshll.u32 s26, $0x1;
	_ =	strace $0x8000004C;
	[dreg:$0x1] =	wrdreg $0xFFFFFFFF  }
0xa7: {  	s28 =	simm.s32 $_size_execute0_lowered;
	s2 =	sadd.s32 s2, s4;
	[dreg:$0x0] =	wrdreg $0x0  }
0xa8: {  	s4 =	sshll.u32 s28, $0x1;
	[dreg:$0x2] =	wrdreg s2  }
0xa9: {  	[dreg:$0x3] =	wrdreg s4  }
0xaa: {  	[dreg:$0x4] =	wrdreg $0xC0  }
0xab: {  	_ =	task [dreg:s6], $0x5FFFF  }
0xac: {  	[dreg:$0x1] =	wrdreg $0xFFFFFFFF  }
0xad: {  	[dreg:$0x0] =	wrdreg $0x60  }
0xae: {  	[dreg:$0x2] =	wrdreg s24  }
0xaf: {  	[dreg:$0x3] =	wrdreg $0x9  }
0xb0: {  	_ =	task.clear_ibuf [dreg:s6], $0x4FFFF;
	_ =	strace $0x9000004C  }
0xb1: {  	s29 =	simm.s32 $0x9;
	_ =	strace $0x8000004E  }
0xb2: {  	_ =	swait.ge [sflag:s29], $0x1  }
0xb3: {  	[sflag:s29] =	ssyncadd.s32 $0xFFFFFFFF  }
0xb4: {  	_ =	strace $0x9000004E  }
0xb5: {  	_ =	sfence  }
0xb6: {  	s30 =	sld [smem:$0x0];
	_ =	sdelay $0x2  }
0xb7: {  	s31 =	sshll.u32 s1, $0xD;
	s1 =	sshrl.u32 s1, $0x2  }
0xb8: {  	s3 =	sand.u32 $0x4000, s31;
	s1 =	sadd.s32 s1, s30  }
0xb9: {  	s0 =	sor.u32 s3, s0;
	s1 =	sshll.u32 s1, $0x11  }
0xba: {  	s0 =	sor.u32 s1, s0  }
0xbb: {  	s0 =	sadd.s32 $0x8F2B, s0  }
0xbc: {  	[sflag:s0] =	ssyncadd.remote.s32 $0x1  }
0xbd: {  	_ =	sfence.sel $0xFFFF  }
0xbe: {  	[dreg:$0x0] =	wrdreg $0xFFFFFFFF;
	(pc) =	sbr.abs _section_cstart, $3  }
0xbf: {  	[dreg:$0x1] =	wrdreg $0xFFFFFFFF  }
0xc0: {  	_ =	task.clear_ibuf [dreg:s6], $0x2FFFF;
	_ =	strace $0x9FFFFFFF  }
0xc1: {  	(tm) =	ssettm $0x7FFFFFFF  }
tec
execute0_lowered:
.L_overlay_start_1:
0x0: {  	(tag) =	ssettag $0x1  }
0x1: {  	s9 =	rddreg [dreg:$0x0]  }
0x2: {  	s0 =	rddreg [dreg:$0x1]  }
0x3: {  	s1 =	simm.s32 $0x0;
	s10 =	srdreg.scid;
	s6 =	stileid.u32  }
0x4: {  	s17 =	simm.s32 $0x18B00;
	s18 =	simm.s32 $0x18D00;
	s19 =	simm.s32 $0x18F00  }
0x5: {  	s20 =	simm.s32 $0x19100;
	s21 =	simm.s32 $0x19300;
	s22 =	simm.s32 $0x19500  }
0x6: {  	s23 =	simm.s32 $0x13C00;
	s24 =	simm.s32 $0x0;
	[smem:$0x7FF] =	sst s1  }
0x7: {  	s2 =	sadd.s32 $0x6000, s9;
	s3 =	sadd.s32 $0x12800, s9;
	s4 =	sadd.s32 $0x2B800, s9  }
0x8: {  	s5 =	sadd.s32 $0x30800, s9;
	s7 =	sadd.s32 $0xFD400, s9;
	s8 =	sadd.s32 $0x102400, s9  }
0x9: {  	s11 =	sadd.s32 $0x37C00, s9;
	s10 =	sand.u32 $0x1, s10;
	s12 =	sshrl.u32 s6, $0x2  }
0xa: {  	s13 =	sshll.u32 s6, $0x8;
	s26 =	sadd.s32 $0x107400, s9;
	_ =	strace $0x8000004D  }
0xb: {  	s14 =	smul.u32 $0x9E000, s12;
	s15 =	sshll.u32 s10, $0x7;
	s13 =	sand.u32 $0x300, s13  }
0xc: {  	s10 =	ssub.s32 $0x2, s10;
	s12 =	smul.u32 $0x27800, s12;
	s13 =	sor.u32 s15, s13  }
0xd: {  	s28 =	sshrl.u32 s10, $0x1;
	s15 =	simm.s32 $0x400;
	s14 =	sor.u32 s14, s13  }
0xe: {  	s16 =	ssub.s32 s10, s28;
	s30 =	sor.u32 s12, s13;
	s29 =	sshrl.u32 s14, $0x3  }
0xf: {  	s31 =	sadd.s32 $0x278000, s14;
	s13 =	sadd.s32 $0x9E000, s30;
	s10 =	sshrl.u32 s30, $0x3  }
0x10: {  	s14 =	simm.s32 $0x80;
	s9 =	sadd.s32 s11, s29;
	s12 =	sshrl.u32 s31, $0x3  }
0x11: {  	s13 =	sshrl.u32 s13, $0x3;
	s10 =	sadd.s32 s26, s10;
	s11 =	sadd.s32 s11, s12  }
0x12: {  	v0 =	vimm.f32 $0.0e+00;
	s12 =	sadd.s32 s26, s13;
	s13 =	smax.u32 s16, $0x1;
	s16 =	simm.s32 $0x1  }
.LBB2_1:
0x13: {  	[tilespmem:s1], [sflag:$0x1] =	stream.strided.gather [hbm4b:s9+s14], $0x13C00, s15, s14, $0x38;
	[tilespmem:$0x19700] =	vst v63  }
0x14: {  	_ =	swait.ge [sflag:s16], $0x13C00  }
0x15: {  	[sflag:s16] =	ssyncset.done $0x0  }
0x16: {  	s25 =	simm.s32 $0x40;
	s26 =	simm.s32 $0x0;
	[sflag:s16] =	ssyncadd.s32 $0xFFFEC400  }
.LBB2_2:
0x17: {  	p0 =	sne.s32 s25, $0x13BC0;
	[tilespmem:s26+$0x13C00] =	vst v0;
	s26 =	smov.u32 s25;
	s25 =	sadd.s32 $0x40, s25  }
.Ltmp0:
0x18: {  	(pc) =	sbr.rel @p0 .LBB2_2-.Ltmp0, $2  }
0x19: {  	_ =	sdelay $0x2  }
0x1a: {  	s26 =	sshra.s32 s26, $0x2  }
0x1b: {  	[tilespmem:s26+$0x13C00] =	vst v0;
	s25 =	simm.s32 $0x0;
	s26 =	simm.s32 $0x0  }
.LBB2_4:
0x1c: {  	s28 =	sshll.u32 s26, $0x6  }
0x1d: {  	s29 =	sadd.s32 s2, s28  }
0x1e: {  	[tilespmem:s17], [sflag:$0x1] =	stream.linear.gather [hbm4b:s29+s25], $0x200, $0x38;
	[tilespmem:$0x19700] =	vst v63  }
0x1f: {  	_ =	swait.ge [sflag:s16], $0x200  }
0x20: {  	[sflag:s16] =	ssyncset.done $0x0  }
0x21: {  	s30 =	sadd.s32 s3, s28;
	[sflag:s16] =	ssyncadd.s32 $0xFFFFFE00  }
0x22: {  	[tilespmem:s18], [sflag:$0x1] =	stream.linear.gather [hbm4b:s30+s25], $0x200, $0x38;
	[tilespmem:$0x19700] =	vst v63  }
0x23: {  	_ =	swait.ge [sflag:s16], $0x200  }
0x24: {  	[sflag:s16] =	ssyncset.done $0x0  }
0x25: {  	s31 =	sadd.s32 s4, s28;
	[sflag:s16] =	ssyncadd.s32 $0xFFFFFE00  }
0x26: {  	[tilespmem:s19], [sflag:$0x1] =	stream.linear.gather [hbm4b:s31+s25], $0x200, $0x38;
	[tilespmem:$0x19700] =	vst v63  }
0x27: {  	_ =	swait.ge [sflag:s16], $0x200  }
0x28: {  	[sflag:s16] =	ssyncset.done $0x0  }
0x29: {  	s30 =	sadd.s32 s5, s28;
	[sflag:s16] =	ssyncadd.s32 $0xFFFFFE00  }
0x2a: {  	[tilespmem:s20], [sflag:$0x1] =	stream.linear.gather [hbm4b:s30+s25], $0x200, $0x38;
	[tilespmem:$0x19700] =	vst v63  }
0x2b: {  	_ =	swait.ge [sflag:s16], $0x200  }
0x2c: {  	[sflag:s16] =	ssyncset.done $0x0  }
0x2d: {  	s31 =	sadd.s32 s7, s28;
	[sflag:s16] =	ssyncadd.s32 $0xFFFFFE00  }
0x2e: {  	[tilespmem:s21], [sflag:$0x1] =	stream.linear.gather [hbm4b:s31+s25], $0x200, $0x38;
	[tilespmem:$0x19700] =	vst v63  }
0x2f: {  	_ =	swait.ge [sflag:s16], $0x200  }
0x30: {  	[sflag:s16] =	ssyncset.done $0x0  }
0x31: {  	s28 =	sadd.s32 s8, s28;
	[sflag:s16] =	ssyncadd.s32 $0xFFFFFE00  }
0x32: {  	[tilespmem:s22], [sflag:$0x1] =	stream.linear.gather [hbm4b:s28+s25], $0x200, $0x38;
	[tilespmem:$0x19700] =	vst v63  }
0x33: {  	_ =	swait.ge [sflag:s16], $0x200  }
0x34: {  	[sflag:s16] =	ssyncset.done $0x0  }
0x35: {  	s28 =	simm.s32 $0x0;
	[sflag:s16] =	ssyncadd.s32 $0xFFFFFE00  }
0x36: {  	v1 =	vld [tilespmem:s28+$0x18B00];
	_ =	sdelay $0x4  }
0x37: {  	v1 =	vshll.u32 v1, $0x3  }
0x38: {  	v2 =	vor.u32 $0x2, v1  }
0x39: {  	v4 =	vld [tilespmem:s28+$0x18D00]  }
0x3a: {  	v5 =	vld [tilespmem:s28+$0x19100];
	v3 =	vor.u32 $0x4, v1  }
0x3b: {  	v8 =	vld [tilespmem:s28+$0x18F00]  }
0x3c: {  	v6 =	vor.u32 $0x6, v1;
	v7 =	vld.idx.msk [tilespmem:v1+s1+$0x0], $0xffff  }
0x3d: {  	v2 =	vld.idx.msk [tilespmem:v2+s1+$0x0], $0xffff  }
0x3e: {  	v9 =	vld [tilespmem:s28+$0x19300]  }
0x3f: {  	v3 =	vld.idx.msk [tilespmem:v3+s1+$0x0], $0xffff  }
0x40: {  	v10 =	vld [tilespmem:s28+$0x19500]  }
0x41: {  	v6 =	vld.idx.msk [tilespmem:v6+s1+$0x0], $0xffff  }
0x42: {  	v7 =	vmul.f32 v7, v8;
	v2 =	vmul.f32 v2, v5;
	_ =	sdelay $0x1  }
0x43: {  	v3 =	vmul.f32 v3, v9;
	v2 =	vadd.f32 v2, v7  }
0x44: {  	v4 =	vshll.u32 v4, $0x1  }
0x45: {  	v60 =	vor.u32 $0x1, v1;
	v2 =	vadd.f32 v3, v2;
	v3 =	vmul.f32 v6, v10  }
0x46: {  	v61 =	vor.u32 $0x3, v1  }
0x47: {  	v2 =	vadd.f32 v3, v2  }
0x48: {  	v3 =	vor.u32 $0x5, v1  }
0x49: {  	v1 =	vor.u32 $0x7, v1;
	[tilespmem:v4+s23+$0x0] =	vst.idx.add.f32.msk $0xffff, v2  }
0x4a: {  	v2 =	vld.idx.msk [tilespmem:v60+s1+$0x0], $0xffff  }
0x4b: {  	v62 =	vld.idx.msk [tilespmem:v61+s1+$0x0], $0xffff;
	_ =	sdelay $0x1  }
0x4c: {  	v3 =	vld.idx.msk [tilespmem:v3+s1+$0x0], $0xffff  }
0x4d: {  	v1 =	vld.idx.msk [tilespmem:v1+s1+$0x0], $0xffff;
	_ =	sdelay $0x1  }
0x4e: {  	v2 =	vmul.f32 v2, v8;
	v5 =	vmul.f32 v62, v5;
	_ =	sdelay $0x1  }
0x4f: {  	v3 =	vmul.f32 v3, v9;
	v2 =	vadd.f32 v5, v2  }
0x50: {  	v63 =	vmul.f32 v1, v10;
	v1 =	vor.u32 $0x1, v4  }
0x51: {  	v2 =	vadd.f32 v3, v2;
	_ =	sdelay $0x1  }
0x52: {  	s28 =	simm.s32 $0x40;
	v2 =	vadd.f32 v63, v2  }
.LBB2_5:
0x53: {  	p0 =	sne.s32 s28, $0x7C0;
	s29 =	smov.u32 s28;
	s28 =	sadd.s32 $0x40, s28  }
0x54: {  	s29 =	sshra.s32 s29, $0x2;
	[tilespmem:v1+s23+$0x0] =	vst.idx.add.f32.msk $0xffff, v2  }
0x55: {  	v1 =	vld [tilespmem:s29+$0x18B00];
	_ =	sdelay $0x4  }
0x56: {  	v1 =	vshll.u32 v1, $0x3  }
0x57: {  	v2 =	vor.u32 $0x2, v1;
	v3 =	vor.u32 $0x4, v1;
	v4 =	vor.u32 $0x6, v1;
	_ =	sdelay $0x1  }
0x58: {  	v5 =	vld [tilespmem:s29+$0x18D00]  }
0x59: {  	v6 =	vld [tilespmem:s29+$0x19100]  }
0x5a: {  	v7 =	vld.idx.msk [tilespmem:v1+s1+$0x0], $0xffff  }
0x5b: {  	v2 =	vld.idx.msk [tilespmem:v2+s1+$0x0], $0xffff  }
0x5c: {  	v8 =	vld [tilespmem:s29+$0x18F00]  }
0x5d: {  	v3 =	vld.idx.msk [tilespmem:v3+s1+$0x0], $0xffff  }
0x5e: {  	v9 =	vld [tilespmem:s29+$0x19300]  }
0x5f: {  	v4 =	vld.idx.msk [tilespmem:v4+s1+$0x0], $0xffff  }
0x60: {  	v10 =	vld [tilespmem:s29+$0x19500]  }
0x61: {  	v2 =	vmul.f32 v2, v6;
	v7 =	vmul.f32 v7, v8;
	_ =	sdelay $0x1  }
0x62: {  	v2 =	vadd.f32 v2, v7;
	v3 =	vmul.f32 v3, v9  }
0x63: {  	v5 =	vshll.u32 v5, $0x1;
	v7 =	vor.u32 $0x3, v1  }
0x64: {  	v2 =	vadd.f32 v3, v2;
	v3 =	vmul.f32 v4, v10;
	v4 =	vor.u32 $0x1, v1;
	_ =	sdelay $0x1  }
0x65: {  	v2 =	vadd.f32 v3, v2;
	v3 =	vor.u32 $0x5, v1;
	_ =	sdelay $0x1  }
0x66: {  	v1 =	vor.u32 $0x7, v1;
	[tilespmem:v5+s23+$0x0] =	vst.idx.add.f32.msk $0xffff, v2  }
0x67: {  	v2 =	vld.idx.msk [tilespmem:v4+s1+$0x0], $0xffff  }
0x68: {  	v4 =	vld.idx.msk [tilespmem:v7+s1+$0x0], $0xffff  }
0x69: {  	v3 =	vld.idx.msk [tilespmem:v3+s1+$0x0], $0xffff;
	_ =	sdelay $0x1  }
0x6a: {  	v7 =	vld.idx.msk [tilespmem:v1+s1+$0x0], $0xffff;
	_ =	sdelay $0x1  }
0x6b: {  	v1 =	vmul.f32 v2, v8  }
0x6c: {  	v2 =	vmul.f32 v4, v6  }
0x6d: {  	v3 =	vmul.f32 v3, v9  }
.Ltmp1:
0x6e: {  	v2 =	vadd.f32 v2, v1;
	v1 =	vor.u32 $0x1, v5;
	(pc) =	sbr.rel @p0 .LBB2_5-.Ltmp1, $3  }
0x6f: {  	v4 =	vmul.f32 v7, v10  }
0x70: {  	v2 =	vadd.f32 v3, v2;
	_ =	sdelay $0x1  }
0x71: {  	v2 =	vadd.f32 v4, v2  }
0x72: {  	s26 =	sadd.s32 $0x1, s26  }
0x73: {  	p0 =	sne.s32 s26, $0x140  }
.Ltmp2:
0x74: {  	_ = 	snop;
	(pc) =	sbr.rel @p0 .LBB2_4-.Ltmp2, $2  }
0x75: {  	_ =	sdelay $0x2  }
0x76: {  	[tilespmem:v1+s23+$0x0] =	vst.idx.add.f32.msk $0xffff, v2  }
0x77: {  	[hbm4b:s10+s14] =	stream.strided.scatter [tilespmem:s23], [sflag:$0x1], $0x4F00, s15, s14, $0x38;
	[tilespmem:$0x19700] =	vst v63  }
0x78: {  	_ =	swait.ge [sflag:s16], $0x4F00  }
0x79: {  	[sflag:s16] =	ssyncset.done $0x0  }
0x7a: {  	s25 =	simm.s32 $0x0;
	[sflag:s16] =	ssyncadd.s32 $0xFFFFB100  }
0x7b: {  	[tilespmem:s25], [sflag:$0x1] =	stream.strided.gather [hbm4b:s11+s14], $0x13C00, s15, s14, $0x38;
	[tilespmem:$0x19700] =	vst v63  }
0x7c: {  	_ =	swait.ge [sflag:s16], $0x13C00  }
0x7d: {  	[sflag:s16] =	ssyncset.done $0x0  }
0x7e: {  	s26 =	simm.s32 $0x40;
	s28 =	simm.s32 $0x0;
	[sflag:s16] =	ssyncadd.s32 $0xFFFEC400  }
.LBB2_8:
0x7f: {  	p0 =	sne.s32 s26, $0x13BC0;
	[tilespmem:s28+$0x13C00] =	vst v0;
	s28 =	smov.u32 s26;
	s26 =	sadd.s32 $0x40, s26  }
.Ltmp3:
0x80: {  	(pc) =	sbr.rel @p0 .LBB2_8-.Ltmp3, $2  }
0x81: {  	_ =	sdelay $0x2  }
0x82: {  	s28 =	sshra.s32 s28, $0x2  }
0x83: {  	[tilespmem:s28+$0x13C00] =	vst v0  }
.LBB2_10:
0x84: {  	s26 =	sshll.u32 s25, $0x6  }
0x85: {  	s29 =	simm.s32 $0x0;
	s28 =	sadd.s32 s2, s26  }
0x86: {  	[tilespmem:s17], [sflag:$0x1] =	stream.linear.gather [hbm4b:s28+s29], $0x200, $0x38;
	[tilespmem:$0x19700] =	vst v63  }
0x87: {  	_ =	swait.ge [sflag:s16], $0x200  }
0x88: {  	[sflag:s16] =	ssyncset.done $0x0  }
0x89: {  	s31 =	sadd.s32 s3, s26;
	[sflag:s16] =	ssyncadd.s32 $0xFFFFFE00  }
0x8a: {  	[tilespmem:s18], [sflag:$0x1] =	stream.linear.gather [hbm4b:s31+s29], $0x200, $0x38;
	[tilespmem:$0x19700] =	vst v63  }
0x8b: {  	_ =	swait.ge [sflag:s16], $0x200  }
0x8c: {  	[sflag:s16] =	ssyncset.done $0x0  }
0x8d: {  	s30 =	sadd.s32 s4, s26;
	[sflag:s16] =	ssyncadd.s32 $0xFFFFFE00  }
0x8e: {  	[tilespmem:s19], [sflag:$0x1] =	stream.linear.gather [hbm4b:s30+s29], $0x200, $0x38;
	[tilespmem:$0x19700] =	vst v63  }
0x8f: {  	_ =	swait.ge [sflag:s16], $0x200  }
0x90: {  	[sflag:s16] =	ssyncset.done $0x0  }
0x91: {  	s31 =	sadd.s32 s5, s26;
	[sflag:s16] =	ssyncadd.s32 $0xFFFFFE00  }
0x92: {  	[tilespmem:s20], [sflag:$0x1] =	stream.linear.gather [hbm4b:s31+s29], $0x200, $0x38;
	[tilespmem:$0x19700] =	vst v63  }
0x93: {  	_ =	swait.ge [sflag:s16], $0x200  }
0x94: {  	[sflag:s16] =	ssyncset.done $0x0  }
0x95: {  	s30 =	sadd.s32 s7, s26;
	[sflag:s16] =	ssyncadd.s32 $0xFFFFFE00  }
0x96: {  	[tilespmem:s21], [sflag:$0x1] =	stream.linear.gather [hbm4b:s30+s29], $0x200, $0x38;
	[tilespmem:$0x19700] =	vst v63  }
0x97: {  	_ =	swait.ge [sflag:s16], $0x200  }
0x98: {  	[sflag:s16] =	ssyncset.done $0x0  }
0x99: {  	s26 =	sadd.s32 s8, s26;
	[sflag:s16] =	ssyncadd.s32 $0xFFFFFE00  }
0x9a: {  	[tilespmem:s22], [sflag:$0x1] =	stream.linear.gather [hbm4b:s26+s29], $0x200, $0x38;
	[tilespmem:$0x19700] =	vst v63  }
0x9b: {  	_ =	swait.ge [sflag:s16], $0x200  }
0x9c: {  	[sflag:s16] =	ssyncset.done $0x0  }
0x9d: {  	s31 =	simm.s32 $0x0;
	[sflag:s16] =	ssyncadd.s32 $0xFFFFFE00  }
0x9e: {  	v1 =	vld [tilespmem:s31+$0x18B00];
	_ =	sdelay $0x4  }
0x9f: {  	v1 =	vshll.u32 v1, $0x3  }
0xa0: {  	v2 =	vor.u32 $0x2, v1  }
0xa1: {  	v4 =	vld [tilespmem:s31+$0x18D00]  }
0xa2: {  	v5 =	vld [tilespmem:s31+$0x19100];
	v3 =	vor.u32 $0x4, v1  }
0xa3: {  	v8 =	vld [tilespmem:s31+$0x18F00]  }
0xa4: {  	v6 =	vor.u32 $0x6, v1;
	v7 =	vld.idx.msk [tilespmem:v1+s1+$0x0], $0xffff  }
0xa5: {  	v2 =	vld.idx.msk [tilespmem:v2+s1+$0x0], $0xffff  }
0xa6: {  	v9 =	vld [tilespmem:s31+$0x19300]  }
0xa7: {  	v3 =	vld.idx.msk [tilespmem:v3+s1+$0x0], $0xffff  }
0xa8: {  	v10 =	vld [tilespmem:s31+$0x19500]  }
0xa9: {  	v6 =	vld.idx.msk [tilespmem:v6+s1+$0x0], $0xffff  }
0xaa: {  	v7 =	vmul.f32 v7, v8;
	v2 =	vmul.f32 v2, v5;
	_ =	sdelay $0x1  }
0xab: {  	v3 =	vmul.f32 v3, v9;
	v2 =	vadd.f32 v2, v7  }
0xac: {  	v4 =	vshll.u32 v4, $0x1  }
0xad: {  	v60 =	vor.u32 $0x1, v1;
	v2 =	vadd.f32 v3, v2;
	v3 =	vmul.f32 v6, v10  }
0xae: {  	v61 =	vor.u32 $0x3, v1  }
0xaf: {  	v2 =	vadd.f32 v3, v2  }
0xb0: {  	v3 =	vor.u32 $0x5, v1  }
0xb1: {  	v1 =	vor.u32 $0x7, v1;
	[tilespmem:v4+s23+$0x0] =	vst.idx.add.f32.msk $0xffff, v2  }
0xb2: {  	v2 =	vld.idx.msk [tilespmem:v60+s1+$0x0], $0xffff  }
0xb3: {  	v62 =	vld.idx.msk [tilespmem:v61+s1+$0x0], $0xffff;
	_ =	sdelay $0x1  }
0xb4: {  	v3 =	vld.idx.msk [tilespmem:v3+s1+$0x0], $0xffff  }
0xb5: {  	v1 =	vld.idx.msk [tilespmem:v1+s1+$0x0], $0xffff;
	_ =	sdelay $0x1  }
0xb6: {  	v2 =	vmul.f32 v2, v8;
	v5 =	vmul.f32 v62, v5;
	_ =	sdelay $0x1  }
0xb7: {  	v3 =	vmul.f32 v3, v9;
	v2 =	vadd.f32 v5, v2  }
0xb8: {  	v63 =	vmul.f32 v1, v10;
	v1 =	vor.u32 $0x1, v4  }
0xb9: {  	v2 =	vadd.f32 v3, v2;
	_ =	sdelay $0x1  }
0xba: {  	s26 =	simm.s32 $0x40;
	v2 =	vadd.f32 v63, v2  }
.LBB2_11:
0xbb: {  	p0 =	sne.s32 s26, $0x7C0;
	s28 =	smov.u32 s26;
	s26 =	sadd.s32 $0x40, s26  }
0xbc: {  	s28 =	sshra.s32 s28, $0x2;
	[tilespmem:v1+s23+$0x0] =	vst.idx.add.f32.msk $0xffff, v2  }
0xbd: {  	v1 =	vld [tilespmem:s28+$0x18B00];
	_ =	sdelay $0x4  }
0xbe: {  	v1 =	vshll.u32 v1, $0x3  }
0xbf: {  	v2 =	vor.u32 $0x2, v1;
	v3 =	vor.u32 $0x4, v1;
	v4 =	vor.u32 $0x6, v1;
	_ =	sdelay $0x1  }
0xc0: {  	v5 =	vld [tilespmem:s28+$0x18D00]  }
0xc1: {  	v6 =	vld [tilespmem:s28+$0x19100]  }
0xc2: {  	v7 =	vld.idx.msk [tilespmem:v1+s1+$0x0], $0xffff  }
0xc3: {  	v2 =	vld.idx.msk [tilespmem:v2+s1+$0x0], $0xffff  }
0xc4: {  	v8 =	vld [tilespmem:s28+$0x18F00]  }
0xc5: {  	v3 =	vld.idx.msk [tilespmem:v3+s1+$0x0], $0xffff  }
0xc6: {  	v9 =	vld [tilespmem:s28+$0x19300]  }
0xc7: {  	v4 =	vld.idx.msk [tilespmem:v4+s1+$0x0], $0xffff  }
0xc8: {  	v10 =	vld [tilespmem:s28+$0x19500]  }
0xc9: {  	v2 =	vmul.f32 v2, v6;
	v7 =	vmul.f32 v7, v8;
	_ =	sdelay $0x1  }
0xca: {  	v2 =	vadd.f32 v2, v7;
	v3 =	vmul.f32 v3, v9  }
0xcb: {  	v5 =	vshll.u32 v5, $0x1;
	v7 =	vor.u32 $0x3, v1  }
0xcc: {  	v2 =	vadd.f32 v3, v2;
	v3 =	vmul.f32 v4, v10;
	v4 =	vor.u32 $0x1, v1;
	_ =	sdelay $0x1  }
0xcd: {  	v2 =	vadd.f32 v3, v2;
	v3 =	vor.u32 $0x5, v1;
	_ =	sdelay $0x1  }
0xce: {  	v1 =	vor.u32 $0x7, v1;
	[tilespmem:v5+s23+$0x0] =	vst.idx.add.f32.msk $0xffff, v2  }
0xcf: {  	v2 =	vld.idx.msk [tilespmem:v4+s1+$0x0], $0xffff  }
0xd0: {  	v4 =	vld.idx.msk [tilespmem:v7+s1+$0x0], $0xffff  }
0xd1: {  	v3 =	vld.idx.msk [tilespmem:v3+s1+$0x0], $0xffff;
	_ =	sdelay $0x1  }
0xd2: {  	v7 =	vld.idx.msk [tilespmem:v1+s1+$0x0], $0xffff;
	_ =	sdelay $0x1  }
0xd3: {  	v1 =	vmul.f32 v2, v8  }
0xd4: {  	v2 =	vmul.f32 v4, v6  }
0xd5: {  	v3 =	vmul.f32 v3, v9  }
.Ltmp4:
0xd6: {  	v2 =	vadd.f32 v2, v1;
	v1 =	vor.u32 $0x1, v5;
	(pc) =	sbr.rel @p0 .LBB2_11-.Ltmp4, $3  }
0xd7: {  	v4 =	vmul.f32 v7, v10  }
0xd8: {  	v2 =	vadd.f32 v3, v2;
	_ =	sdelay $0x1  }
0xd9: {  	v2 =	vadd.f32 v4, v2  }
0xda: {  	s25 =	sadd.s32 $0x1, s25  }
0xdb: {  	p0 =	sne.s32 s25, $0x140  }
.Ltmp5:
0xdc: {  	_ = 	snop;
	(pc) =	sbr.rel @p0 .LBB2_10-.Ltmp5, $2  }
0xdd: {  	_ =	sdelay $0x2  }
0xde: {  	[tilespmem:v1+s23+$0x0] =	vst.idx.add.f32.msk $0xffff, v2  }
0xdf: {  	s24 =	sadd.s32 $0x1, s24  }
0xe0: {  	p0 =	sne.s32 s24, s13  }
.Ltmp6:
0xe1: {  	_ = 	snop;
	(pc) =	sbr.rel @p0 .LBB2_1-.Ltmp6, $4  }
0xe2: {  	[hbm4b:s12+s14] =	stream.strided.scatter [tilespmem:s23], [sflag:$0x1], $0x4F00, s15, s14, $0x38;
	[tilespmem:$0x19700] =	vst v63  }
0xe3: {  	_ =	swait.ge [sflag:s16], $0x4F00  }
0xe4: {  	[sflag:s16] =	ssyncset.done $0x0  }
0xe5: {  	[sflag:s16] =	ssyncadd.s32 $0xFFFFB100  }
0xe6: {  	_ =	sfence.sel $0x180000  }
0xe7: {  	[bflag:$0x0] =	sbarrier.arrive $0xFFFF  }
0xe8: {  	p0 =	sne.s32 s6, $0x0;
	_ =	strace $0x9000004D  }
0xe9: {  	s0 =	sadd.s32 @!p0 $0x100000, s0;
	[bflag:$0x2] =	sbarrier.arrive $0xFFFF  }
0xea: {  	[sflag:s0] =	ssyncadd.tile.s32 @!p0 $0x1;
	_ =	shalt  }
.Lfunc_end2:
_tile_overlayer_lowered:
.L_overlay_start_2:
0xeb: {  	(tag) =	ssettag $0x2  }
0xec: {  	s0 =	rddreg [dreg:$0x0];
	s2 =	stileid.u32  }
0xed: {  	s1 =	rddreg [dreg:$0x1];
	p0 =	sne.s32 s2, $0x0  }
0xee: {  	s3 =	rddreg [dreg:$0x2];
	[bflag:$0x3] =	sbarrier.arrive $0xFFFF;
	s2 =	simm.s32 @!p0 $0x1C01  }
0xef: {  	[timem:s3], [sflag:s2] =	dma.local @!p0 [hbm:s0], s1  }
0xf0: {  	s0 =	simm.s32 @!p0 $0x1  }
0xf1: {  	_ =	swait.ge @!p0 [sflag:s0], s1  }
0xf2: {  	s1 =	ssub.s32 @!p0 $0x0, s1;
	[sflag:s0] =	ssyncset.done @!p0 $0x0  }
0xf3: {  	[sflag:s0] =	ssyncadd.s32 @!p0 s1  }
0xf4: {  	[bflag:$0x3] =	sbarrier.arrive $0xFFFF  }
0xf5: {  	_ =	shalt  }

// kernel: kernel.24.cloned.1.call-start
scs
__scs_entry_jumppad:
0x0: {  	(pc) =	sbr.rel $0x88, $3  }
0x1: {  	(tag) =	ssettag $0x0;
	lr =	simm.s32 $0x1  }
0x2: {  	[smem:$0x3F87] =	sst lr;
	_ =	strace $0xD0000000  }
0x3: {  	_ = 	snop  }
0x4: {  	_ = 	snop  }
0x5: {  	_ = 	snop  }
0x6: {  	_ = 	snop  }
0x7: {  	_ = 	snop  }
__scs_overlays_trampoline_lowered:
0x8: {  	[smem:$0x3F96] =	sst s0  }
0x9: {  	[smem:$0x3F97] =	sst s1  }
0xa: {  	[smem:$0x3F98] =	sst s2  }
0xb: {  	[smem:$0x3F99] =	sst s3  }
0xc: {  	[smem:$0x3F9A] =	sst s4  }
0xd: {  	[smem:$0x3F9B] =	sst s5  }
0xe: {  	[smem:$0x3F9C] =	sst s6  }
0xf: {  	[smem:$0x3F9D] =	sst s7  }
0x10: {  	[smem:$0x3F9E] =	sst s8  }
0x11: {  	[smem:$0x3F9F] =	sst s9;
	s0 =	simm.s32 @!p0 $0x0  }
0x12: {  	s1 =	sld [smem:$0x3F85];
	s0 =	simm.s32 @p0 $0x1  }
0x13: {  	[smem:$0x3FA0] =	sst s0;
	s0 =	simm.s32 @!p1 $0x0  }
0x14: {  	s2 =	sld [smem:$0x3F84];
	s0 =	simm.s32 @p1 $0x1  }
0x15: {  	[smem:$0x3FA1] =	sst s0;
	s0 =	simm.s32 @!p2 $0x0  }
0x16: {  	s3 =	sld [smem:$0x3FDB];
	s0 =	simm.s32 @p2 $0x1  }
0x17: {  	s4 =	simm.s32 $0x1BF5;
	[smem:$0x3FA3] =	sst s0  }
0x18: {  	s0 =	sld [smem:$0x3F86];
	_ =	swait.ge [sflag:s4], $0x0  }
0x19: {  	s7 =	sld [smem:$0x3F87]  }
0x1a: {  	s8 =	sadd.s32 $0xFFFFE003, lr  }
0x1b: {  	s9 =	sadd.s32 $0xFFFFFEF7, lr;
	s5 =	simm.s32 $0xFFFFFFFF;
	p2 =	slt.u32 s8, $0xFFFFF086  }
0x1c: {  	p1 =	slt.u32 s9, $0xF7A;
	s5 =	simm.s32 @!p2 $0x0  }
0x1d: {  	s5 =	simm.s32 @p1 $0x1;
	p0 =	seq.s32 s7, s2  }
0x1e: {  	s7 =	smul.u32 @!p0 $0xF7A, s2;
	p2 =	seq.s32 @!p0 s5, $0x0  }
0x1f: {  	s9 =	smul.u32 $0xF7A, s1;
	s8 =	simm.s32 @!p0 $0x1BF5;
	p2 =	por !p2, p0  }
0x20: {  	[sflag:s8] =	ssyncset.s32 @!p0 $0xFFFFF086;
	s6 =	sadd.s32 @!p0 s3, s7;
	s7 =	simm.s32 @!p0 $0x108  }
0x21: {  	s3 =	sadd.s32 s3, s9;
	s6 =	sadd.s32 @!p0 $0x88, s6;
	s7 =	simm.s32 @p2 $0x1082  }
0x22: {  	[simem:s7], [sflag:s8] =	dma.local @!p0 [hbm:s6], $0xF7A  }
0x23: {  	s9 =	sor.u32 $0xD0000000, s2;
	s6 =	simm.s32 $0x108;
	_ =	swait.ge @!p0 [sflag:s8], $0x0  }
0x24: {  	s3 =	sadd.s32 $0x88, s3;
	s6 =	simm.s32 @!p1 $0x1082;
	[sflag:s4] =	ssyncset.s32 $0xFFFFF086  }
0x25: {  	[simem:s6], [sflag:s4] =	dma.local [hbm:s3], $0xF7A  }
0x26: {  	[smem:$0x3F87] =	sst s1;
	(tag) =	ssettag s2;
	_ =	strace s9  }
0x27: {  	s1 =	sld [smem:$0x3F97]  }
0x28: {  	s2 =	sld [smem:$0x3F98]  }
0x29: {  	s4 =	sld [smem:$0x3F9A]  }
0x2a: {  	p0 =	seq.s32 s5, $0x0;
	s5 =	sld [smem:$0x3F9B]  }
0x2b: {  	s6 =	sld [smem:$0x3F9C]  }
0x2c: {  	s7 =	sld [smem:$0x3F9D]  }
0x2d: {  	s3 =	simm.s32 $0x108;
	s8 =	sld [smem:$0x3F9E]  }
0x2e: {  	s3 =	simm.s32 @!p0 $0x1082;
	s9 =	sld [smem:$0x3F9F]  }
0x2f: {  	lr =	sadd.s32 s0, s3;
	s0 =	sld [smem:$0x3F96]  }
0x30: {  	s3 =	sld [smem:$0x3F99]  }
0x31: {  	[smem:$0x3FA2] =	sst s10  }
0x32: {  	s10 =	sld [smem:$0x3FA0];
	_ =	sdelay $0x3  }
0x33: {  	p0 =	seq.s32 s10, $0x1;
	s10 =	sld [smem:$0x3FA2];
	_ =	sdelay $0x3  }
0x34: {  	[smem:$0x3FA2] =	sst s10  }
0x35: {  	s10 =	sld [smem:$0x3FA1];
	_ =	sdelay $0x3  }
0x36: {  	p1 =	seq.s32 s10, $0x1;
	s10 =	sld [smem:$0x3FA2];
	_ =	sdelay $0x3  }
0x37: {  	[smem:$0x3FA2] =	sst s10  }
0x38: {  	s10 =	sld [smem:$0x3FA3]  }
0x39: {  	_ = 	snop;
	(pc) =	sbr.ind lr, $3  }
0x3a: {  	_ = 	snop  }
0x3b: {  	_ = 	snop  }
0x3c: {  	p2 =	seq.s32 s10, $0x1;
	s10 =	sld [smem:$0x3FA2]  }
0x3d: {  	_ =	shalt  }
0x3e: {  	_ =	shalt  }
0x3f: {  	_ =	shalt  }
0x40: {  	_ =	shalt  }
0x41: {  	_ =	shalt  }
0x42: {  	_ =	shalt  }
0x43: {  	_ =	shalt  }
0x44: {  	_ =	shalt  }
0x45: {  	_ =	shalt  }
0x46: {  	_ =	shalt  }
0x47: {  	_ =	shalt  }
0x48: {  	_ =	shalt  }
0x49: {  	_ =	shalt  }
0x4a: {  	_ =	shalt  }
0x4b: {  	_ =	shalt  }
0x4c: {  	_ =	shalt  }
0x4d: {  	_ =	shalt  }
0x4e: {  	_ =	shalt  }
0x4f: {  	_ =	shalt  }
0x50: {  	_ =	shalt  }
0x51: {  	_ =	shalt  }
0x52: {  	_ =	shalt  }
0x53: {  	_ =	shalt  }
0x54: {  	_ =	shalt  }
0x55: {  	_ =	shalt  }
0x56: {  	_ =	shalt  }
0x57: {  	_ =	shalt  }
0x58: {  	_ =	shalt  }
0x59: {  	_ =	shalt  }
0x5a: {  	_ =	shalt  }
0x5b: {  	_ =	shalt  }
0x5c: {  	_ =	shalt  }
0x5d: {  	_ =	shalt  }
0x5e: {  	_ =	shalt  }
0x5f: {  	_ =	shalt  }
0x60: {  	_ =	shalt  }
0x61: {  	_ =	shalt  }
0x62: {  	_ =	shalt  }
0x63: {  	_ =	shalt  }
0x64: {  	_ =	shalt  }
0x65: {  	_ =	shalt  }
0x66: {  	_ =	shalt  }
0x67: {  	_ =	shalt  }
0x68: {  	_ =	shalt  }
0x69: {  	_ =	shalt  }
0x6a: {  	_ =	shalt  }
0x6b: {  	_ =	shalt  }
0x6c: {  	_ =	shalt  }
0x6d: {  	_ =	shalt  }
0x6e: {  	_ =	shalt  }
0x6f: {  	_ =	shalt  }
0x70: {  	_ =	shalt  }
0x71: {  	_ =	shalt  }
0x72: {  	_ =	shalt  }
0x73: {  	_ =	shalt  }
0x74: {  	_ =	shalt  }
0x75: {  	_ =	shalt  }
0x76: {  	_ =	shalt  }
0x77: {  	_ =	shalt  }
0x78: {  	_ =	shalt  }
0x79: {  	_ =	shalt  }
0x7a: {  	_ =	shalt  }
0x7b: {  	_ =	shalt  }
0x7c: {  	_ =	shalt  }
0x7d: {  	_ =	shalt  }
0x7e: {  	_ =	shalt  }
0x7f: {  	_ =	shalt  }
0x80: {  	_ =	shalt  }
0x81: {  	_ =	shalt  }
0x82: {  	_ =	shalt  }
0x83: {  	_ =	shalt  }
0x84: {  	_ =	shalt  }
0x85: {  	_ =	shalt  }
0x86: {  	_ =	shalt  }
0x87: {  	_ =	shalt  }
.Lfunc_end0:
.L_simem_size_0:
called_computation.3_lowered:
.L_overlay_start_0:
0x88: {  	s2 =	sld [smem:$0x3FD9]  }
0x89: {  	s3 =	sld [smem:$0x3FFE];
	_ =	sdelay $0x1  }
0x8a: {  	s1 =	srdreg.scid  }
0x8b: {  	s0 =	sand.u32 $0x1, s1  }
0x8c: {  	s14 =	sshll.u32 s0, $0xA;
	s2 =	sadd.s32 s3, s2  }
0x8d: {  	s2 =	sadd.s32 s2, s14  }
0x8e: {  	[smem:$0x3FAE] =	sst s2  }
0x8f: {  	_ = 	snop  }
0x90: {  	s2 =	sld [smem:$0x3FD0];
	_ =	sdelay $0x2  }
0x91: {  	s15 =	simm.s32 $0xA;
	s4 =	simm.s32 $0x10  }
0x92: {  	[smem:s4], [sflag:s15] =	dma.local [hbm:s2], $0x1  }
0x93: {  	_ =	swait.eq [sflag:s15], $0x1  }
0x94: {  	[sflag:s15] =	ssyncset.done $0x0  }
0x95: {  	[sflag:s15] =	ssyncadd.s32 $0xFFFFFFFF  }
0x96: {  	s16 =	sld [smem:$0x11];
	(tm) =	ssettm $0x1  }
0x97: {  	s17 =	sld [smem:$0x3FFB];
	_ =	sdelay $0x3  }
0x98: {  	_ =	strace s17  }
0x99: {  	s3 =	sld [smem:$0x3FFC];
	_ =	sdelay $0x3  }
0x9a: {  	_ =	strace s3  }
0x9b: {  	s3 =	sld [smem:$0x3FFD];
	_ =	sdelay $0x3  }
0x9c: {  	_ =	strace s3  }
0x9d: {  	_ =	strace $0x8FFFFFFF  }
0x9e: {  	s18 =	sld [smem:$0x3FDB];
	_ =	sdelay $0x1  }
0x9f: {  	s19 =	simm.s32 $_scs_section_size  }
0xa0: {  	s5 =	simm.s32 $_size__tile_overlayer_lowered;
	s6 =	simm.s32 $_tile_overlayer_lowered  }
0xa1: {  	s22 =	simm.s32 $0x1BFF;
	s21 =	sshll.u32 s6, $0x1;
	s3 =	sadd.s32 s19, s18  }
0xa2: {  	s7 =	simm.s32 $0x0;
	s20 =	sshll.u32 s5, $0x1;
	s5 =	sadd.s32 s21, s3  }
0xa3: {  	[timem:s7], [sflag:s22] =	dma.local [hbm:s5], s20  }
0xa4: {  	_ =	swait.ge [sflag:s22], s20  }
0xa5: {  	s4 =	ssub.s32 $0x0, s20;
	[sflag:s22] =	ssyncset.done $0x0  }
0xa6: {  	[sflag:s22] =	ssyncadd.s32 s4;
	_ =	sdelay $0x1  }
0xa7: {  	s23 =	simm.s32 $0x1B8B  }
0xa8: {  	_ =	swait.ge [sflag:s23], $0x1  }
0xa9: {  	[sflag:s23] =	ssyncset.done $0x0  }
0xaa: {  	s25 =	simm.s32 $0x1B8E;
	s24 =	sld [smem:$0x3FFE];
	[sflag:s23] =	ssyncadd.s32 $0xFFFFFFFF  }
0xab: {  	s26 =	simm.s32 $execute0_lowered;
	[smem:$0x3FD2] =	sst s25  }
0xac: {  	s5 =	sshll.u32 s26, $0x1;
	_ =	strace $0x8000004F;
	[dreg:$0x1] =	wrdreg $0xFFFFFFFF  }
0xad: {  	s28 =	simm.s32 $_size_execute0_lowered;
	s3 =	sadd.s32 s3, s5;
	[dreg:$0x0] =	wrdreg $0x0  }
0xae: {  	s5 =	sshll.u32 s28, $0x1;
	[dreg:$0x2] =	wrdreg s3  }
0xaf: {  	[dreg:$0x3] =	wrdreg s5  }
0xb0: {  	[dreg:$0x4] =	wrdreg $0xC0  }
0xb1: {  	_ =	task [dreg:s7], $0x5FFFF  }
0xb2: {  	[dreg:$0x1] =	wrdreg $0xFFFFFFFF  }
0xb3: {  	[dreg:$0x0] =	wrdreg $0x60  }
0xb4: {  	[dreg:$0x2] =	wrdreg s24  }
0xb5: {  	[dreg:$0x3] =	wrdreg s16  }
0xb6: {  	[dreg:$0x4] =	wrdreg $0x9  }
0xb7: {  	_ =	task.clear_ibuf [dreg:s7], $0x5FFFF;
	_ =	strace $0x9000004F  }
0xb8: {  	s29 =	simm.s32 $0x9;
	_ =	strace $0x80000051  }
0xb9: {  	_ =	swait.ge [sflag:s29], $0x1  }
0xba: {  	[sflag:s29] =	ssyncadd.s32 $0xFFFFFFFF  }
0xbb: {  	_ =	strace $0x90000051  }
0xbc: {  	_ =	sfence  }
0xbd: {  	s30 =	sld [smem:$0x0];
	_ =	sdelay $0x2  }
0xbe: {  	s31 =	sshll.u32 s1, $0xD;
	s1 =	sshrl.u32 s1, $0x2  }
0xbf: {  	s3 =	sand.u32 $0x4000, s31;
	s1 =	sadd.s32 s1, s30  }
0xc0: {  	s0 =	sor.u32 s3, s0;
	s1 =	sshll.u32 s1, $0x11  }
0xc1: {  	s0 =	sor.u32 s1, s0  }
0xc2: {  	s0 =	sadd.s32 $0x8F2B, s0  }
0xc3: {  	[sflag:s0] =	ssyncadd.remote.s32 $0x1  }
0xc4: {  	_ =	sfence.sel $0xFFFF  }
0xc5: {  	[dreg:$0x0] =	wrdreg $0xFFFFFFFF;
	(pc) =	sbr.abs _section_cstart, $3  }
0xc6: {  	[dreg:$0x1] =	wrdreg $0xFFFFFFFF  }
0xc7: {  	_ =	task.clear_ibuf [dreg:s7], $0x2FFFF;
	_ =	strace $0x9FFFFFFF  }
0xc8: {  	(tm) =	ssettm $0x7FFFFFFF  }
0xc9: {  	_ =	shalt  }
tec
execute0_lowered:
.L_overlay_start_1:
0x0: {  	(tag) =	ssettag $0x1  }
0x1: {  	s0 =	rddreg [dreg:$0x0];
	s3 =	simm.s32 $0x0  }
0x2: {  	s1 =	srdreg.scid;
	s6 =	stileid.u32;
	s16 =	simm.s32 $0x1  }
0x3: {  	s17 =	simm.s32 $0x9E00;
	s19 =	simm.s32 $0x1DA80;
	s20 =	simm.s32 $0x1DC80  }
0x4: {  	s21 =	simm.s32 $0x1DE80;
	s22 =	simm.s32 $0x13C00;
	s23 =	simm.s32 $0x1E080  }
0x5: {  	s24 =	simm.s32 $0x1E280;
	s25 =	simm.s32 $0x1E480;
	s26 =	simm.s32 $0x1E680  }
0x6: {  	s29 =	simm.s32 $0x400;
	s30 =	simm.s32 $0x0;
	s31 =	simm.s32 $0x0  }
0x7: {  	[smem:$0x7FF] =	sst s3;
	s4 =	sadd.s32 $0x6000, s0;
	s1 =	sand.u32 $0x1, s1  }
0x8: {  	s2 =	sshll.u32 s6, $0x1;
	s5 =	sadd.s32 $0x12800, s0;
	s7 =	sshrl.u32 s6, $0x2  }
0x9: {  	s6 =	sadd.s32 $0xB000, s0;
	s8 =	sadd.s32 $0x11400, s0;
	s2 =	sor.u32 s1, s2  }
0xa: {  	s10 =	sadd.s32 $0x6B800, s0;
	s11 =	smul.u32 $0x4F000, s7;
	s9 =	sshll.u32 s2, $0x7  }
0xb: {  	_ =	strace $0x80000050;
	s1 =	ssub.s32 $0x2, s1;
	s12 =	sand.u32 $0x380, s9  }
0xc: {  	s7 =	sadd.s32 $0x10000, s0;
	s28 =	sshrl.u32 s1, $0x1;
	s12 =	sor.u32 s11, s12  }
0xd: {  	s9 =	sadd.s32 $0x66800, s0;
	s1 =	ssub.s32 s1, s28;
	s13 =	sshrl.u32 s12, $0x3  }
0xe: {  	s11 =	sadd.s32 $0x70800, s0;
	s12 =	sadd.s32 $0x75800, s0;
	s0 =	sadd.s32 s13, s0  }
0xf: {  	v0 =	vimm.f32 $0.0e+00;
	s15 =	smax.u32 s1, $0x1;
	s13 =	smul.u32 $0x1400, s2;
	s14 =	sadd.s32 $0x3F000, s0  }
.LBB2_1:
0x10: {  	[tilespmem:s3], [sflag:$0x1] =	stream.linear.gather [hbm4b:s7+s3], $0x9E00, $0x38;
	[tilespmem:$0x1E880] =	vst v63  }
0x11: {  	_ =	swait.ge [sflag:s16], $0x9E00  }
0x12: {  	[sflag:s16] =	ssyncset.done $0x0  }
0x13: {  	[sflag:s16] =	ssyncadd.s32 $0xFFFF6200  }
0x14: {  	[tilespmem:s17], [sflag:$0x1] =	stream.linear.gather [hbm4b:s8+s3], $0x9E00, $0x38;
	[tilespmem:$0x1E880] =	vst v63  }
0x15: {  	_ =	swait.ge [sflag:s16], $0x9E00  }
0x16: {  	[sflag:s16] =	ssyncset.done $0x0  }
0x17: {  	[sflag:s16] =	ssyncadd.s32 $0xFFFF6200  }
0x18: {  	s1 =	simm.s32 $0x1DA00;
	s0 =	rddreg [dreg:$0x1]  }
0x19: {  	[tilespmem:s1], [sflag:$0x1] =	stream.linear.gather [hbm4b:s0+s3], $0x80, $0x38;
	[tilespmem:$0x1E880] =	vst v63  }
0x1a: {  	_ =	swait.ge [sflag:s16], $0x80  }
0x1b: {  	[sflag:s16] =	ssyncset.done $0x0  }
0x1c: {  	[sflag:s16] =	ssyncadd.s32 $0xFFFFFF80  }
0x1d: {  	s0 =	simm.s32 $0x40;
	s1 =	simm.s32 $0x0;
	v4 =	vld [tilespmem:$0x1DA00]  }
.LBB2_2:
0x1e: {  	p0 =	seq.s32 s0, $0x277C0;
	[tilespmem:s1+$0x13C00] =	vst v0;
	s1 =	smov.u32 s0;
	s0 =	sadd.s32 $0x40, s0  }
.Ltmp0:
0x1f: {  	(pc) =	sbr.rel @!p0 .LBB2_2-.Ltmp0, $2  }
0x20: {  	_ =	sdelay $0x2  }
0x21: {  	s1 =	sshra.s32 s1, $0x2  }
0x22: {  	v1 =	vbroadcast v4, $0x0;
	v2 =	vbroadcast v4, $0x1  }
0x23: {  	[tilespmem:s1+$0x13C00] =	vst v0;
	v3 =	vbroadcast v4, $0x2;
	v4 =	vbroadcast v4, $0x3;
	s0 =	simm.s32 $0x0  }
.LBB2_4:
0x24: {  	s1 =	sshll.u32 s0, $0x9  }
0x25: {  	s1 =	sadd.s32 s13, s1  }
0x26: {  	s2 =	sshrl.u32 s1, $0x3  }
0x27: {  	s1 =	sadd.s32 s4, s2  }
0x28: {  	[tilespmem:s19], [sflag:$0x1] =	stream.linear.gather [hbm4b:s1+s31], $0x200, $0x38;
	[tilespmem:$0x1E880] =	vst v63  }
0x29: {  	_ =	swait.ge [sflag:s16], $0x200  }
0x2a: {  	[sflag:s16] =	ssyncset.done $0x0  }
0x2b: {  	s18 =	sadd.s32 s5, s2;
	[sflag:s16] =	ssyncadd.s32 $0xFFFFFE00  }
0x2c: {  	[tilespmem:s20], [sflag:$0x1] =	stream.linear.gather [hbm4b:s18+s31], $0x200, $0x38;
	[tilespmem:$0x1E880] =	vst v63  }
0x2d: {  	_ =	swait.ge [sflag:s16], $0x200  }
0x2e: {  	[sflag:s16] =	ssyncset.done $0x0  }
0x2f: {  	s28 =	sadd.s32 s6, s2;
	[sflag:s16] =	ssyncadd.s32 $0xFFFFFE00  }
0x30: {  	[tilespmem:s21], [sflag:$0x1] =	stream.linear.gather [hbm4b:s28+s31], $0x200, $0x38;
	[tilespmem:$0x1E880] =	vst v63  }
0x31: {  	_ =	swait.ge [sflag:s16], $0x200  }
0x32: {  	[sflag:s16] =	ssyncset.done $0x0  }
0x33: {  	s1 =	simm.s32 $0x0;
	[sflag:s16] =	ssyncadd.s32 $0xFFFFFE00  }
0x34: {  	v5 =	vld [tilespmem:s1+$0x1DA80]  }
0x35: {  	v6 =	vld [tilespmem:s1+$0x1DC80];
	_ =	sdelay $0x3  }
0x36: {  	v5 =	vshll.u32 v5, $0x2  }
0x37: {  	v6 =	vshll.u32 v6, $0x2;
	_ =	sdelay $0x2  }
0x38: {  	v7 =	vld [tilespmem:s1+$0x1DE80]  }
0x39: {  	v8 =	vld.idx.msk [tilespmem:v5+s3+$0x0], $0xffff  }
0x3a: {  	v9 =	vld.idx.msk [tilespmem:v6+s17+$0x0], $0xffff;
	_ =	sdelay $0x4  }
0x3b: {  	v10 =	vmul.f32 v7, v1;
	v8 =	vadd.f32 v9, v8;
	_ =	sdelay $0x1  }
0x3c: {  	v8 =	vadd.f32 v8, v10;
	_ =	sdelay $0x1  }
0x3d: {  	v56 =	vmul.f32 $2.000000030e-01, v8  }
0x3e: {  	vm0 =	vgt.f32 v8, $0.0e+00  }
0x3f: {  	v8 =	vsel vm0, v8, v56  }
0x40: {  	v8 =	vmul.f32 $1.442695020e+00, v8;
	_ =	sdelay $0x1  }
0x41: {  	(erf) = vpow2.f32 v8;
	_ =	sdelay $0x6  }
0x42: {  	v8 =	vor.u32 $0x1, v5  }
0x43: {  	v57 =	vor.u32 $0x1, v6  }
0x44: {  	v58 =	vpop (erf)  }
0x45: {  	[tilespmem:v6+s22+$0x0] =	vst.idx.add.f32.msk $0xffff, v58  }
0x46: {  	[tilespmem:s1+$0x1E080] =	vst v58  }
0x47: {  	v8 =	vld.idx.msk [tilespmem:v8+s3+$0x0], $0xffff  }
0x48: {  	v10 =	vld.idx.msk [tilespmem:v57+s17+$0x0], $0xffff;
	_ =	sdelay $0x4  }
0x49: {  	v11 =	vmul.f32 v7, v2;
	v8 =	vadd.f32 v10, v8;
	_ =	sdelay $0x1  }
0x4a: {  	v8 =	vadd.f32 v8, v11;
	_ =	sdelay $0x1  }
0x4b: {  	v59 =	vmul.f32 $2.000000030e-01, v8  }
0x4c: {  	vm13 =	vgt.f32 v8, $0.0e+00  }
0x4d: {  	v8 =	vsel vm13, v8, v59  }
0x4e: {  	v8 =	vmul.f32 $1.442695020e+00, v8;
	_ =	sdelay $0x1  }
0x4f: {  	(erf) = vpow2.f32 v8;
	_ =	sdelay $0x6  }
0x50: {  	v8 =	vor.u32 $0x2, v5  }
0x51: {  	v60 =	vor.u32 $0x2, v6  }
0x52: {  	v61 =	vpop (erf)  }
0x53: {  	[tilespmem:v57+s22+$0x0] =	vst.idx.add.f32.msk $0xffff, v61  }
0x54: {  	[tilespmem:s1+$0x1E280] =	vst v61  }
0x55: {  	v8 =	vld.idx.msk [tilespmem:v8+s3+$0x0], $0xffff  }
0x56: {  	v9 =	vld.idx.msk [tilespmem:v60+s17+$0x0], $0xffff;
	_ =	sdelay $0x4  }
0x57: {  	v62 =	vmul.f32 v7, v3;
	v8 =	vadd.f32 v9, v8;
	_ =	sdelay $0x1  }
0x58: {  	v8 =	vadd.f32 v8, v62;
	_ =	sdelay $0x1  }
0x59: {  	v63 =	vmul.f32 $2.000000030e-01, v8  }
0x5a: {  	vm14 =	vgt.f32 v8, $0.0e+00  }
0x5b: {  	v8 =	vsel vm14, v8, v63  }
0x5c: {  	v8 =	vmul.f32 $1.442695020e+00, v8;
	_ =	sdelay $0x1  }
0x5d: {  	(erf) = vpow2.f32 v8;
	_ =	sdelay $0x6  }
0x5e: {  	v5 =	vor.u32 $0x3, v5  }
0x5f: {  	v6 =	vor.u32 $0x3, v6  }
0x60: {  	v8 =	vpop (erf)  }
0x61: {  	[tilespmem:v60+s22+$0x0] =	vst.idx.add.f32.msk $0xffff, v8  }
0x62: {  	[tilespmem:s1+$0x1E480] =	vst v8  }
0x63: {  	v5 =	vld.idx.msk [tilespmem:v5+s3+$0x0], $0xffff  }
0x64: {  	v8 =	vld.idx.msk [tilespmem:v6+s17+$0x0], $0xffff;
	_ =	sdelay $0x4  }
0x65: {  	v7 =	vmul.f32 v7, v4;
	v5 =	vadd.f32 v8, v5;
	_ =	sdelay $0x1  }
0x66: {  	v5 =	vadd.f32 v5, v7;
	_ =	sdelay $0x1  }
0x67: {  	v7 =	vmul.f32 $2.000000030e-01, v5  }
0x68: {  	vm15 =	vgt.f32 v5, $0.0e+00  }
0x69: {  	v5 =	vsel vm15, v5, v7  }
0x6a: {  	v5 =	vmul.f32 $1.442695020e+00, v5;
	_ =	sdelay $0x1  }
0x6b: {  	s18 =	simm.s32 $0x40;
	(erf) = vpow2.f32 v5  }
.LBB2_5:
0x6c: {  	_ =	sdelay $0x5  }
0x6d: {  	p0 =	sne.s32 s18, $0x7C0;
	s28 =	smov.u32 s18;
	s18 =	sadd.s32 $0x40, s18  }
0x6e: {  	_ = 	snop  }
0x6f: {  	v5 =	vpop (erf)  }
0x70: {  	s28 =	sshra.s32 s28, $0x2;
	[tilespmem:v6+s22+$0x0] =	vst.idx.add.f32.msk $0xffff, v5  }
0x71: {  	v6 =	vld [tilespmem:s28+$0x1DA80];
	[tilespmem:s1+$0x1E680] =	vst v5;
	s1 =	smov.u32 s28  }
0x72: {  	v5 =	vld [tilespmem:s1+$0x1DC80];
	_ =	sdelay $0x3  }
0x73: {  	v6 =	vshll.u32 v6, $0x2  }
0x74: {  	v7 =	vshll.u32 v5, $0x2;
	_ =	sdelay $0x2  }
0x75: {  	v5 =	vld [tilespmem:s1+$0x1DE80]  }
0x76: {  	v8 =	vld.idx.msk [tilespmem:v6+s3+$0x0], $0xffff  }
0x77: {  	v9 =	vld.idx.msk [tilespmem:v7+s17+$0x0], $0xffff;
	_ =	sdelay $0x4  }
0x78: {  	v10 =	vmul.f32 v5, v1  }
0x79: {  	v8 =	vadd.f32 v9, v8;
	_ =	sdelay $0x1  }
0x7a: {  	v8 =	vadd.f32 v8, v10;
	_ =	sdelay $0x1  }
0x7b: {  	vm0 =	vgt.f32 v8, $0.0e+00;
	v9 =	vmul.f32 $2.000000030e-01, v8;
	_ =	sdelay $0x1  }
0x7c: {  	v8 =	vsel vm0, v8, v9  }
0x7d: {  	v8 =	vmul.f32 $1.442695020e+00, v8;
	_ =	sdelay $0x1  }
0x7e: {  	(erf) = vpow2.f32 v8;
	_ =	sdelay $0x6  }
0x7f: {  	v9 =	vor.u32 $0x1, v7;
	v8 =	vor.u32 $0x1, v6;
	_ =	sdelay $0x1  }
0x80: {  	v10 =	vpop (erf)  }
0x81: {  	[tilespmem:v7+s22+$0x0] =	vst.idx.add.f32.msk $0xffff, v10  }
0x82: {  	[tilespmem:s1+$0x1E080] =	vst v10  }
0x83: {  	v8 =	vld.idx.msk [tilespmem:v8+s3+$0x0], $0xffff  }
0x84: {  	v10 =	vld.idx.msk [tilespmem:v9+s17+$0x0], $0xffff;
	_ =	sdelay $0x3  }
0x85: {  	v11 =	vmul.f32 v5, v2;
	_ =	sdelay $0x1  }
0x86: {  	v8 =	vadd.f32 v10, v8;
	_ =	sdelay $0x1  }
0x87: {  	v8 =	vadd.f32 v8, v11;
	_ =	sdelay $0x1  }
0x88: {  	vm0 =	vgt.f32 v8, $0.0e+00;
	v10 =	vmul.f32 $2.000000030e-01, v8;
	_ =	sdelay $0x1  }
0x89: {  	v8 =	vsel vm0, v8, v10  }
0x8a: {  	v8 =	vmul.f32 $1.442695020e+00, v8;
	_ =	sdelay $0x1  }
0x8b: {  	(erf) = vpow2.f32 v8;
	_ =	sdelay $0x6  }
0x8c: {  	v10 =	vor.u32 $0x2, v7;
	v8 =	vor.u32 $0x2, v6;
	_ =	sdelay $0x1  }
0x8d: {  	v11 =	vpop (erf)  }
0x8e: {  	[tilespmem:v9+s22+$0x0] =	vst.idx.add.f32.msk $0xffff, v11  }
0x8f: {  	[tilespmem:s1+$0x1E280] =	vst v11  }
0x90: {  	v8 =	vld.idx.msk [tilespmem:v8+s3+$0x0], $0xffff  }
0x91: {  	v9 =	vld.idx.msk [tilespmem:v10+s17+$0x0], $0xffff;
	_ =	sdelay $0x2  }
0x92: {  	v11 =	vmul.f32 v5, v3;
	_ =	sdelay $0x2  }
0x93: {  	v8 =	vadd.f32 v9, v8;
	_ =	sdelay $0x1  }
0x94: {  	v8 =	vadd.f32 v8, v11;
	_ =	sdelay $0x1  }
0x95: {  	vm0 =	vgt.f32 v8, $0.0e+00;
	v9 =	vmul.f32 $2.000000030e-01, v8;
	_ =	sdelay $0x1  }
0x96: {  	v8 =	vsel vm0, v8, v9  }
0x97: {  	v8 =	vmul.f32 $1.442695020e+00, v8;
	_ =	sdelay $0x1  }
0x98: {  	(erf) = vpow2.f32 v8;
	_ =	sdelay $0x6  }
0x99: {  	v8 =	vor.u32 $0x3, v6;
	v6 =	vor.u32 $0x3, v7;
	_ =	sdelay $0x1  }
0x9a: {  	v7 =	vpop (erf)  }
0x9b: {  	[tilespmem:v10+s22+$0x0] =	vst.idx.add.f32.msk $0xffff, v7  }
0x9c: {  	[tilespmem:s1+$0x1E480] =	vst v7  }
0x9d: {  	v7 =	vld.idx.msk [tilespmem:v8+s3+$0x0], $0xffff  }
0x9e: {  	v8 =	vld.idx.msk [tilespmem:v6+s17+$0x0], $0xffff;
	_ =	sdelay $0x1  }
0x9f: {  	v5 =	vmul.f32 v5, v4;
	_ =	sdelay $0x3  }
0xa0: {  	v7 =	vadd.f32 v8, v7;
	_ =	sdelay $0x1  }
0xa1: {  	v5 =	vadd.f32 v7, v5;
	_ =	sdelay $0x1  }
0xa2: {  	vm0 =	vgt.f32 v5, $0.0e+00;
	v7 =	vmul.f32 $2.000000030e-01, v5  }
.Ltmp1:
0xa3: {  	(pc) =	sbr.rel @p0 .LBB2_5-.Ltmp1, $3  }
0xa4: {  	v5 =	vsel vm0, v5, v7  }
0xa5: {  	v5 =	vmul.f32 $1.442695020e+00, v5;
	_ =	sdelay $0x1  }
0xa6: {  	(erf) = vpow2.f32 v5  }
0xa7: {  	_ =	sdelay $0x7  }
0xa8: {  	v5 =	vpop (erf)  }
0xa9: {  	[tilespmem:v6+s22+$0x0] =	vst.idx.add.f32.msk $0xffff, v5  }
0xaa: {  	s18 =	sadd.s32 s9, s2;
	[tilespmem:s1+$0x1E680] =	vst v5  }
0xab: {  	[hbm4b:s18+s3] =	stream.linear.scatter [tilespmem:s23], [sflag:$0x1], $0x200, $0x38;
	[tilespmem:$0x1E880] =	vst v63  }
0xac: {  	_ =	swait.ge [sflag:s16], $0x200  }
0xad: {  	[sflag:s16] =	ssyncset.done $0x0  }
0xae: {  	s28 =	sadd.s32 s10, s2;
	[sflag:s16] =	ssyncadd.s32 $0xFFFFFE00  }
0xaf: {  	[hbm4b:s28+s3] =	stream.linear.scatter [tilespmem:s24], [sflag:$0x1], $0x200, $0x38;
	[tilespmem:$0x1E880] =	vst v63  }
0xb0: {  	_ =	swait.ge [sflag:s16], $0x200  }
0xb1: {  	[sflag:s16] =	ssyncset.done $0x0  }
0xb2: {  	s18 =	sadd.s32 s11, s2;
	[sflag:s16] =	ssyncadd.s32 $0xFFFFFE00  }
0xb3: {  	[hbm4b:s18+s3] =	stream.linear.scatter [tilespmem:s25], [sflag:$0x1], $0x200, $0x38;
	[tilespmem:$0x1E880] =	vst v63  }
0xb4: {  	s0 =	sadd.s32 $0x1, s0;
	_ =	swait.ge [sflag:s16], $0x200  }
0xb5: {  	p0 =	sne.s32 s0, $0xA;
	[sflag:s16] =	ssyncset.done $0x0  }
.Ltmp2:
0xb6: {  	s28 =	sadd.s32 s12, s2;
	[sflag:s16] =	ssyncadd.s32 $0xFFFFFE00;
	(pc) =	sbr.rel @p0 .LBB2_4-.Ltmp2, $4  }
0xb7: {  	[hbm4b:s28+s3] =	stream.linear.scatter [tilespmem:s26], [sflag:$0x1], $0x200, $0x38;
	[tilespmem:$0x1E880] =	vst v63  }
0xb8: {  	_ =	swait.ge [sflag:s16], $0x200  }
0xb9: {  	[sflag:s16] =	ssyncset.done $0x0  }
0xba: {  	[sflag:s16] =	ssyncadd.s32 $0xFFFFFE00  }
0xbb: {  	s30 =	sadd.s32 $0x1, s30  }
0xbc: {  	p0 =	sne.s32 s30, s15  }
.Ltmp3:
0xbd: {  	s0 =	simm.s32 $0x80;
	(pc) =	sbr.rel @p0 .LBB2_1-.Ltmp3, $4  }
0xbe: {  	[hbm4b:s14+s0] =	stream.strided.scatter [tilespmem:s22], [sflag:$0x1], $0x9E00, s29, s0, $0x38;
	[tilespmem:$0x1E880] =	vst v63  }
0xbf: {  	_ =	swait.ge [sflag:s16], $0x9E00  }
0xc0: {  	[sflag:s16] =	ssyncset.done $0x0  }
0xc1: {  	[sflag:s16] =	ssyncadd.s32 $0xFFFF6200  }
0xc2: {  	_ =	sfence.sel $0x180000  }
0xc3: {  	[bflag:$0x0] =	sbarrier.arrive $0xFFFF  }
0xc4: {  	_ =	strace $0x90000050  }
0xc5: {  	s0 =	stileid.u32;
	[bflag:$0x2] =	sbarrier.arrive $0xFFFF  }
0xc6: {  	p0 =	sne.s32 s0, $0x0;
	s0 =	rddreg [dreg:$0x2]  }
0xc7: {  	s0 =	sadd.s32 @!p0 $0x100000, s0  }
0xc8: {  	[sflag:s0] =	ssyncadd.tile.s32 @!p0 $0x1;
	_ =	shalt  }
.Lfunc_end2:
_tile_overlayer_lowered:
.L_overlay_start_2:
0xc9: {  	(tag) =	ssettag $0x2  }
0xca: {  	s0 =	rddreg [dreg:$0x0];
	s2 =	stileid.u32  }
0xcb: {  	s1 =	rddreg [dreg:$0x1];
	p0 =	sne.s32 s2, $0x0  }
0xcc: {  	s3 =	rddreg [dreg:$0x2];
	[bflag:$0x3] =	sbarrier.arrive $0xFFFF;
	s2 =	simm.s32 @!p0 $0x1C01  }
0xcd: {  	[timem:s3], [sflag:s2] =	dma.local @!p0 [hbm:s0], s1  }
0xce: {  	s0 =	simm.s32 @!p0 $0x1  }
0xcf: {  	_ =	swait.ge @!p0 [sflag:s0], s1  }
0xd0: {  	s1 =	ssub.s32 @!p0 $0x0, s1;
	[sflag:s0] =	ssyncset.done @!p0 $0x0  }
0xd1: {  	[sflag:s0] =	ssyncadd.s32 @!p0 s1  }
0xd2: {  	[bflag:$0x3] =	sbarrier.arrive $0xFFFF  }
0xd3: {  	_ =	shalt  }

// kernel: kernel.27.cloned.1.call-start
scs
__scs_entry_jumppad:
0x0: {  	(pc) =	sbr.rel $0x88, $3  }
0x1: {  	(tag) =	ssettag $0x0;
	lr =	simm.s32 $0x1  }
0x2: {  	[smem:$0x3F87] =	sst lr;
	_ =	strace $0xD0000000  }
0x3: {  	_ = 	snop  }
0x4: {  	_ = 	snop  }
0x5: {  	_ = 	snop  }
0x6: {  	_ = 	snop  }
0x7: {  	_ = 	snop  }
__scs_overlays_trampoline_lowered:
0x8: {  	[smem:$0x3F96] =	sst s0  }
0x9: {  	[smem:$0x3F97] =	sst s1  }
0xa: {  	[smem:$0x3F98] =	sst s2  }
0xb: {  	[smem:$0x3F99] =	sst s3  }
0xc: {  	[smem:$0x3F9A] =	sst s4  }
0xd: {  	[smem:$0x3F9B] =	sst s5  }
0xe: {  	[smem:$0x3F9C] =	sst s6  }
0xf: {  	[smem:$0x3F9D] =	sst s7  }
0x10: {  	[smem:$0x3F9E] =	sst s8  }
0x11: {  	[smem:$0x3F9F] =	sst s9;
	s0 =	simm.s32 @!p0 $0x0  }
0x12: {  	s1 =	sld [smem:$0x3F85];
	s0 =	simm.s32 @p0 $0x1  }
0x13: {  	[smem:$0x3FA0] =	sst s0;
	s0 =	simm.s32 @!p1 $0x0  }
0x14: {  	s2 =	sld [smem:$0x3F84];
	s0 =	simm.s32 @p1 $0x1  }
0x15: {  	[smem:$0x3FA1] =	sst s0;
	s0 =	simm.s32 @!p2 $0x0  }
0x16: {  	s3 =	sld [smem:$0x3FDB];
	s0 =	simm.s32 @p2 $0x1  }
0x17: {  	s4 =	simm.s32 $0x1BF5;
	[smem:$0x3FA3] =	sst s0  }
0x18: {  	s0 =	sld [smem:$0x3F86];
	_ =	swait.ge [sflag:s4], $0x0  }
0x19: {  	s7 =	sld [smem:$0x3F87]  }
0x1a: {  	s8 =	sadd.s32 $0xFFFFE003, lr  }
0x1b: {  	s9 =	sadd.s32 $0xFFFFFEF7, lr;
	s5 =	simm.s32 $0xFFFFFFFF;
	p2 =	slt.u32 s8, $0xFFFFF086  }
0x1c: {  	p1 =	slt.u32 s9, $0xF7A;
	s5 =	simm.s32 @!p2 $0x0  }
0x1d: {  	s5 =	simm.s32 @p1 $0x1;
	p0 =	seq.s32 s7, s2  }
0x1e: {  	s7 =	smul.u32 @!p0 $0xF7A, s2;
	p2 =	seq.s32 @!p0 s5, $0x0  }
0x1f: {  	s9 =	smul.u32 $0xF7A, s1;
	s8 =	simm.s32 @!p0 $0x1BF5;
	p2 =	por !p2, p0  }
0x20: {  	[sflag:s8] =	ssyncset.s32 @!p0 $0xFFFFF086;
	s6 =	sadd.s32 @!p0 s3, s7;
	s7 =	simm.s32 @!p0 $0x108  }
0x21: {  	s3 =	sadd.s32 s3, s9;
	s6 =	sadd.s32 @!p0 $0x88, s6;
	s7 =	simm.s32 @p2 $0x1082  }
0x22: {  	[simem:s7], [sflag:s8] =	dma.local @!p0 [hbm:s6], $0xF7A  }
0x23: {  	s9 =	sor.u32 $0xD0000000, s2;
	s6 =	simm.s32 $0x108;
	_ =	swait.ge @!p0 [sflag:s8], $0x0  }
0x24: {  	s3 =	sadd.s32 $0x88, s3;
	s6 =	simm.s32 @!p1 $0x1082;
	[sflag:s4] =	ssyncset.s32 $0xFFFFF086  }
0x25: {  	[simem:s6], [sflag:s4] =	dma.local [hbm:s3], $0xF7A  }
0x26: {  	[smem:$0x3F87] =	sst s1;
	(tag) =	ssettag s2;
	_ =	strace s9  }
0x27: {  	s1 =	sld [smem:$0x3F97]  }
0x28: {  	s2 =	sld [smem:$0x3F98]  }
0x29: {  	s4 =	sld [smem:$0x3F9A]  }
0x2a: {  	p0 =	seq.s32 s5, $0x0;
	s5 =	sld [smem:$0x3F9B]  }
0x2b: {  	s6 =	sld [smem:$0x3F9C]  }
0x2c: {  	s7 =	sld [smem:$0x3F9D]  }
0x2d: {  	s3 =	simm.s32 $0x108;
	s8 =	sld [smem:$0x3F9E]  }
0x2e: {  	s3 =	simm.s32 @!p0 $0x1082;
	s9 =	sld [smem:$0x3F9F]  }
0x2f: {  	lr =	sadd.s32 s0, s3;
	s0 =	sld [smem:$0x3F96]  }
0x30: {  	s3 =	sld [smem:$0x3F99]  }
0x31: {  	[smem:$0x3FA2] =	sst s10  }
0x32: {  	s10 =	sld [smem:$0x3FA0];
	_ =	sdelay $0x3  }
0x33: {  	p0 =	seq.s32 s10, $0x1;
	s10 =	sld [smem:$0x3FA2];
	_ =	sdelay $0x3  }
0x34: {  	[smem:$0x3FA2] =	sst s10  }
0x35: {  	s10 =	sld [smem:$0x3FA1];
	_ =	sdelay $0x3  }
0x36: {  	p1 =	seq.s32 s10, $0x1;
	s10 =	sld [smem:$0x3FA2];
	_ =	sdelay $0x3  }
0x37: {  	[smem:$0x3FA2] =	sst s10  }
0x38: {  	s10 =	sld [smem:$0x3FA3]  }
0x39: {  	_ = 	snop;
	(pc) =	sbr.ind lr, $3  }
0x3a: {  	_ = 	snop  }
0x3b: {  	_ = 	snop  }
0x3c: {  	p2 =	seq.s32 s10, $0x1;
	s10 =	sld [smem:$0x3FA2]  }
0x3d: {  	_ =	shalt  }
0x3e: {  	_ =	shalt  }
0x3f: {  	_ =	shalt  }
0x40: {  	_ =	shalt  }
0x41: {  	_ =	shalt  }
0x42: {  	_ =	shalt  }
0x43: {  	_ =	shalt  }
0x44: {  	_ =	shalt  }
0x45: {  	_ =	shalt  }
0x46: {  	_ =	shalt  }
0x47: {  	_ =	shalt  }
0x48: {  	_ =	shalt  }
0x49: {  	_ =	shalt  }
0x4a: {  	_ =	shalt  }
0x4b: {  	_ =	shalt  }
0x4c: {  	_ =	shalt  }
0x4d: {  	_ =	shalt  }
0x4e: {  	_ =	shalt  }
0x4f: {  	_ =	shalt  }
0x50: {  	_ =	shalt  }
0x51: {  	_ =	shalt  }
0x52: {  	_ =	shalt  }
0x53: {  	_ =	shalt  }
0x54: {  	_ =	shalt  }
0x55: {  	_ =	shalt  }
0x56: {  	_ =	shalt  }
0x57: {  	_ =	shalt  }
0x58: {  	_ =	shalt  }
0x59: {  	_ =	shalt  }
0x5a: {  	_ =	shalt  }
0x5b: {  	_ =	shalt  }
0x5c: {  	_ =	shalt  }
0x5d: {  	_ =	shalt  }
0x5e: {  	_ =	shalt  }
0x5f: {  	_ =	shalt  }
0x60: {  	_ =	shalt  }
0x61: {  	_ =	shalt  }
0x62: {  	_ =	shalt  }
0x63: {  	_ =	shalt  }
0x64: {  	_ =	shalt  }
0x65: {  	_ =	shalt  }
0x66: {  	_ =	shalt  }
0x67: {  	_ =	shalt  }
0x68: {  	_ =	shalt  }
0x69: {  	_ =	shalt  }
0x6a: {  	_ =	shalt  }
0x6b: {  	_ =	shalt  }
0x6c: {  	_ =	shalt  }
0x6d: {  	_ =	shalt  }
0x6e: {  	_ =	shalt  }
0x6f: {  	_ =	shalt  }
0x70: {  	_ =	shalt  }
0x71: {  	_ =	shalt  }
0x72: {  	_ =	shalt  }
0x73: {  	_ =	shalt  }
0x74: {  	_ =	shalt  }
0x75: {  	_ =	shalt  }
0x76: {  	_ =	shalt  }
0x77: {  	_ =	shalt  }
0x78: {  	_ =	shalt  }
0x79: {  	_ =	shalt  }
0x7a: {  	_ =	shalt  }
0x7b: {  	_ =	shalt  }
0x7c: {  	_ =	shalt  }
0x7d: {  	_ =	shalt  }
0x7e: {  	_ =	shalt  }
0x7f: {  	_ =	shalt  }
0x80: {  	_ =	shalt  }
0x81: {  	_ =	shalt  }
0x82: {  	_ =	shalt  }
0x83: {  	_ =	shalt  }
0x84: {  	_ =	shalt  }
0x85: {  	_ =	shalt  }
0x86: {  	_ =	shalt  }
0x87: {  	_ =	shalt  }
.Lfunc_end0:
.L_simem_size_0:
called_computation.4_lowered:
.L_overlay_start_0:
0x88: {  	s2 =	sld [smem:$0x3FD9]  }
0x89: {  	s3 =	sld [smem:$0x3FFE];
	_ =	sdelay $0x1  }
0x8a: {  	s1 =	srdreg.scid  }
0x8b: {  	s0 =	sand.u32 $0x1, s1  }
0x8c: {  	s16 =	sshll.u32 s0, $0xA;
	s2 =	sadd.s32 s3, s2  }
0x8d: {  	s2 =	sadd.s32 s2, s16  }
0x8e: {  	[smem:$0x3FAE] =	sst s2  }
0x8f: {  	_ = 	snop  }
0x90: {  	(tm) =	ssettm $0x1  }
0x91: {  	s17 =	sld [smem:$0x3FFB];
	_ =	sdelay $0x3  }
0x92: {  	_ =	strace s17  }
0x93: {  	s2 =	sld [smem:$0x3FFC];
	_ =	sdelay $0x3  }
0x94: {  	_ =	strace s2  }
0x95: {  	s2 =	sld [smem:$0x3FFD];
	_ =	sdelay $0x3  }
0x96: {  	_ =	strace s2  }
0x97: {  	_ =	strace $0x8FFFFFFF  }
0x98: {  	s18 =	sld [smem:$0x3FDB];
	_ =	sdelay $0x1  }
0x99: {  	s19 =	simm.s32 $_scs_section_size  }
0x9a: {  	s4 =	simm.s32 $_size__tile_overlayer_lowered;
	s5 =	simm.s32 $_tile_overlayer_lowered  }
0x9b: {  	s22 =	simm.s32 $0x1BFF;
	s21 =	sshll.u32 s5, $0x1;
	s2 =	sadd.s32 s19, s18  }
0x9c: {  	s6 =	simm.s32 $0x0;
	s20 =	sshll.u32 s4, $0x1;
	s4 =	sadd.s32 s21, s2  }
0x9d: {  	[timem:s6], [sflag:s22] =	dma.local [hbm:s4], s20  }
0x9e: {  	_ =	swait.ge [sflag:s22], s20  }
0x9f: {  	s3 =	ssub.s32 $0x0, s20;
	[sflag:s22] =	ssyncset.done $0x0  }
0xa0: {  	[sflag:s22] =	ssyncadd.s32 s3;
	_ =	sdelay $0x1  }
0xa1: {  	s23 =	simm.s32 $0x1B8B  }
0xa2: {  	_ =	swait.ge [sflag:s23], $0x1  }
0xa3: {  	[sflag:s23] =	ssyncset.done $0x0  }
0xa4: {  	s25 =	simm.s32 $0x1B8E;
	s24 =	sld [smem:$0x3FFE];
	[sflag:s23] =	ssyncadd.s32 $0xFFFFFFFF  }
0xa5: {  	s26 =	simm.s32 $execute0_lowered;
	[smem:$0x3FD2] =	sst s25  }
0xa6: {  	s4 =	sshll.u32 s26, $0x1;
	_ =	strace $0x80000052;
	[dreg:$0x1] =	wrdreg $0xFFFFFFFF  }
0xa7: {  	s28 =	simm.s32 $_size_execute0_lowered;
	s2 =	sadd.s32 s2, s4;
	[dreg:$0x0] =	wrdreg $0x0  }
0xa8: {  	s4 =	sshll.u32 s28, $0x1;
	[dreg:$0x2] =	wrdreg s2  }
0xa9: {  	[dreg:$0x3] =	wrdreg s4  }
0xaa: {  	[dreg:$0x4] =	wrdreg $0xC0  }
0xab: {  	_ =	task [dreg:s6], $0x5FFFF  }
0xac: {  	[dreg:$0x1] =	wrdreg $0xFFFFFFFF  }
0xad: {  	[dreg:$0x0] =	wrdreg $0x60  }
0xae: {  	[dreg:$0x2] =	wrdreg s24  }
0xaf: {  	[dreg:$0x3] =	wrdreg $0x9  }
0xb0: {  	_ =	task.clear_ibuf [dreg:s6], $0x4FFFF;
	_ =	strace $0x90000052  }
0xb1: {  	s29 =	simm.s32 $0x9;
	_ =	strace $0x80000054  }
0xb2: {  	_ =	swait.ge [sflag:s29], $0x1  }
0xb3: {  	[sflag:s29] =	ssyncadd.s32 $0xFFFFFFFF  }
0xb4: {  	_ =	strace $0x90000054  }
0xb5: {  	_ =	sfence  }
0xb6: {  	s30 =	sld [smem:$0x0];
	_ =	sdelay $0x2  }
0xb7: {  	s31 =	sshll.u32 s1, $0xD;
	s1 =	sshrl.u32 s1, $0x2  }
0xb8: {  	s3 =	sand.u32 $0x4000, s31;
	s1 =	sadd.s32 s1, s30  }
0xb9: {  	s0 =	sor.u32 s3, s0;
	s1 =	sshll.u32 s1, $0x11  }
0xba: {  	s0 =	sor.u32 s1, s0  }
0xbb: {  	s0 =	sadd.s32 $0x8F2B, s0  }
0xbc: {  	[sflag:s0] =	ssyncadd.remote.s32 $0x1  }
0xbd: {  	_ =	sfence.sel $0xFFFF  }
0xbe: {  	[dreg:$0x0] =	wrdreg $0xFFFFFFFF;
	(pc) =	sbr.abs _section_cstart, $3  }
0xbf: {  	[dreg:$0x1] =	wrdreg $0xFFFFFFFF  }
0xc0: {  	_ =	task.clear_ibuf [dreg:s6], $0x2FFFF;
	_ =	strace $0x9FFFFFFF  }
0xc1: {  	(tm) =	ssettm $0x7FFFFFFF  }
tec
execute0_lowered:
.L_overlay_start_1:
0x0: {  	(tag) =	ssettag $0x1  }
0x1: {  	s12 =	rddreg [dreg:$0x0]  }
0x2: {  	s0 =	rddreg [dreg:$0x1];
	s1 =	simm.s32 $0x0  }
0x3: {  	s10 =	srdreg.scid;
	s6 =	stileid.u32;
	s17 =	simm.s32 $0xA000  }
0x4: {  	s18 =	simm.s32 $0xA200;
	s19 =	simm.s32 $0xA400;
	s20 =	simm.s32 $0xA600  }
0x5: {  	s21 =	simm.s32 $0xA800;
	s22 =	simm.s32 $0xAA00;
	s23 =	simm.s32 $0xAC00  }
0x6: {  	s24 =	simm.s32 $0xAE00;
	s25 =	simm.s32 $0x0;
	[smem:$0x7FF] =	sst s1  }
0x7: {  	s2 =	sadd.s32 $0x12800, s12;
	s3 =	sadd.s32 $0x66800, s12;
	s4 =	sadd.s32 $0x6B800, s12  }
0x8: {  	s5 =	sadd.s32 $0x70800, s12;
	s7 =	sadd.s32 $0x75800, s12;
	s8 =	sadd.s32 $0xB000, s12  }
0x9: {  	s9 =	sadd.s32 $0xC400, s12;
	s13 =	sand.u32 $0x1, s10;
	s10 =	sadd.s32 $0x3F000, s12  }
0xa: {  	s15 =	sshll.u32 s6, $0x1;
	s11 =	sadd.s32 $0x44000, s12;
	s14 =	ssub.s32 $0x2, s13  }
0xb: {  	s12 =	sadd.s32 $0x49000, s12;
	_ =	strace $0x80000053;
	s16 =	sshrl.u32 s14, $0x1  }
0xc: {  	s13 =	sor.u32 s13, s15;
	s15 =	simm.s32 $0x1;
	s14 =	ssub.s32 s14, s16  }
0xd: {  	s13 =	smul.u32 $0x1400, s13;
	s16 =	simm.s32 $0x9E00;
	s14 =	smax.u32 s14, $0x1  }
.LBB2_1:
0xe: {  	[tilespmem:s1], [sflag:$0x1] =	stream.linear.gather [hbm4b:s8+s1], $0x9E00, $0x38;
	[tilespmem:$0xB000] =	vst v63  }
0xf: {  	_ =	swait.ge [sflag:s15], $0x9E00  }
0x10: {  	[sflag:s15] =	ssyncset.done $0x0  }
0x11: {  	s26 =	simm.s32 $0x0;
	[sflag:s15] =	ssyncadd.s32 $0xFFFF6200  }
.LBB2_2:
0x12: {  	s28 =	sshll.u32 s26, $0x9  }
0x13: {  	s28 =	sadd.s32 s13, s28  }
0x14: {  	s28 =	sshrl.u32 s28, $0x3  }
0x15: {  	s30 =	simm.s32 $0x0;
	s29 =	sadd.s32 s2, s28  }
0x16: {  	[tilespmem:s16], [sflag:$0x1] =	stream.linear.gather [hbm4b:s29+s30], $0x200, $0x38;
	[tilespmem:$0xB000] =	vst v63  }
0x17: {  	_ =	swait.ge [sflag:s15], $0x200  }
0x18: {  	[sflag:s15] =	ssyncset.done $0x0  }
0x19: {  	s29 =	sadd.s32 s3, s28;
	[sflag:s15] =	ssyncadd.s32 $0xFFFFFE00  }
0x1a: {  	[tilespmem:s17], [sflag:$0x1] =	stream.linear.gather [hbm4b:s29+s30], $0x200, $0x38;
	[tilespmem:$0xB000] =	vst v63  }
0x1b: {  	_ =	swait.ge [sflag:s15], $0x200  }
0x1c: {  	[sflag:s15] =	ssyncset.done $0x0  }
0x1d: {  	s29 =	sadd.s32 s4, s28;
	[sflag:s15] =	ssyncadd.s32 $0xFFFFFE00  }
0x1e: {  	[tilespmem:s18], [sflag:$0x1] =	stream.linear.gather [hbm4b:s29+s30], $0x200, $0x38;
	[tilespmem:$0xB000] =	vst v63  }
0x1f: {  	_ =	swait.ge [sflag:s15], $0x200  }
0x20: {  	[sflag:s15] =	ssyncset.done $0x0  }
0x21: {  	s29 =	sadd.s32 s5, s28;
	[sflag:s15] =	ssyncadd.s32 $0xFFFFFE00  }
0x22: {  	[tilespmem:s19], [sflag:$0x1] =	stream.linear.gather [hbm4b:s29+s30], $0x200, $0x38;
	[tilespmem:$0xB000] =	vst v63  }
0x23: {  	_ =	swait.ge [sflag:s15], $0x200  }
0x24: {  	[sflag:s15] =	ssyncset.done $0x0  }
0x25: {  	s29 =	sadd.s32 s7, s28;
	[sflag:s15] =	ssyncadd.s32 $0xFFFFFE00  }
0x26: {  	[tilespmem:s20], [sflag:$0x1] =	stream.linear.gather [hbm4b:s29+s30], $0x200, $0x38;
	[tilespmem:$0xB000] =	vst v63  }
0x27: {  	_ =	swait.ge [sflag:s15], $0x200  }
0x28: {  	[sflag:s15] =	ssyncset.done $0x0  }
0x29: {  	s29 =	simm.s32 $0x0;
	[sflag:s15] =	ssyncadd.s32 $0xFFFFFE00  }
0x2a: {  	v0 =	vld [tilespmem:s29+$0x9E00];
	_ =	sdelay $0x4  }
0x2b: {  	v0 =	vshll.u32 v0, $0x2;
	_ =	sdelay $0x3  }
0x2c: {  	v2 =	vld [tilespmem:s29+$0xA000]  }
0x2d: {  	v1 =	vld.idx.msk [tilespmem:v0+s1+$0x0], $0xffff;
	_ =	sdelay $0x2  }
0x2e: {  	v3 =	vor.u32 $0x1, v0;
	_ =	sdelay $0x1  }
0x2f: {  	v1 =	vmul.f32 v2, v1;
	_ =	sdelay $0x1  }
0x30: {  	v2 =	vld [tilespmem:s29+$0xA200];
	[tilespmem:s29+$0xA800] =	vst v1  }
0x31: {  	v1 =	vld.idx.msk [tilespmem:v3+s1+$0x0], $0xffff;
	_ =	sdelay $0x2  }
0x32: {  	v3 =	vor.u32 $0x2, v0;
	_ =	sdelay $0x1  }
0x33: {  	v1 =	vmul.f32 v2, v1;
	_ =	sdelay $0x1  }
0x34: {  	v2 =	vld [tilespmem:s29+$0xA400];
	[tilespmem:s29+$0xAA00] =	vst v1  }
0x35: {  	v1 =	vld.idx.msk [tilespmem:v3+s1+$0x0], $0xffff;
	_ =	sdelay $0x2  }
0x36: {  	v0 =	vor.u32 $0x3, v0;
	_ =	sdelay $0x1  }
0x37: {  	v1 =	vmul.f32 v2, v1  }
0x38: {  	s31 =	simm.s32 $0x10;
	s30 =	simm.s32 $0x80  }
.LBB2_3:
0x39: {  	p0 =	sne.s32 s30, $0x7C0;
	v2 =	vld [tilespmem:s31+$0x9E00];
	[tilespmem:s29+$0xAC00] =	vst v1  }
0x3a: {  	v0 =	vld.idx.msk [tilespmem:v0+s1+$0x0], $0xffff  }
0x3b: {  	v1 =	vld [tilespmem:s29+$0xA600];
	_ =	sdelay $0x2  }
0x3c: {  	v2 =	vshll.u32 v2, $0x2;
	_ =	sdelay $0x1  }
0x3d: {  	v0 =	vmul.f32 v1, v0;
	_ =	sdelay $0x1  }
0x3e: {  	[tilespmem:s29+$0xAE00] =	vst v0;
	s29 =	smov.u32 s31  }
0x3f: {  	v0 =	vld.idx.msk [tilespmem:v2+s1+$0x0], $0xffff  }
0x40: {  	v1 =	vld [tilespmem:s29+$0xA000];
	_ =	sdelay $0x2  }
0x41: {  	v3 =	vor.u32 $0x1, v2;
	_ =	sdelay $0x1  }
0x42: {  	v0 =	vmul.f32 v1, v0;
	_ =	sdelay $0x1  }
0x43: {  	[tilespmem:s29+$0xA800] =	vst v0  }
0x44: {  	v0 =	vld.idx.msk [tilespmem:v3+s1+$0x0], $0xffff  }
0x45: {  	v1 =	vld [tilespmem:s29+$0xA200];
	_ =	sdelay $0x2  }
0x46: {  	v3 =	vor.u32 $0x2, v2;
	_ =	sdelay $0x1  }
0x47: {  	v0 =	vmul.f32 v1, v0;
	_ =	sdelay $0x1  }
0x48: {  	[tilespmem:s29+$0xAA00] =	vst v0  }
0x49: {  	v1 =	vld.idx.msk [tilespmem:v3+s1+$0x0], $0xffff  }
0x4a: {  	v3 =	vld [tilespmem:s29+$0xA400];
	_ =	sdelay $0x1  }
.Ltmp0:
0x4b: {  	(pc) =	sbr.rel @p0 .LBB2_3-.Ltmp0, $3  }
0x4c: {  	v0 =	vor.u32 $0x3, v2;
	_ =	sdelay $0x1  }
0x4d: {  	v1 =	vmul.f32 v3, v1  }
0x4e: {  	s31 =	sshra.s32 s30, $0x2;
	s30 =	sadd.s32 $0x40, s30  }
0x4f: {  	_ =	sdelay $0x1  }
0x50: {  	v2 =	vld [tilespmem:s31+$0x9E00]  }
0x51: {  	[tilespmem:s29+$0xAC00] =	vst v1;
	v58 =	vld [tilespmem:s29+$0xA600]  }
0x52: {  	v0 =	vld.idx.msk [tilespmem:v0+s1+$0x0], $0xffff;
	_ =	sdelay $0x3  }
0x53: {  	v2 =	vshll.u32 v2, $0x2  }
0x54: {  	v0 =	vmul.f32 v58, v0;
	_ =	sdelay $0x1  }
0x55: {  	[tilespmem:s29+$0xAE00] =	vst v0  }
0x56: {  	v59 =	vld [tilespmem:s31+$0xA000]  }
0x57: {  	v0 =	vld.idx.msk [tilespmem:v2+s1+$0x0], $0xffff;
	_ =	sdelay $0x2  }
0x58: {  	v3 =	vor.u32 $0x1, v2;
	_ =	sdelay $0x1  }
0x59: {  	v0 =	vmul.f32 v59, v0;
	_ =	sdelay $0x1  }
0x5a: {  	v60 =	vld [tilespmem:s31+$0xA200];
	[tilespmem:s31+$0xA800] =	vst v0  }
0x5b: {  	v0 =	vld.idx.msk [tilespmem:v3+s1+$0x0], $0xffff;
	_ =	sdelay $0x2  }
0x5c: {  	v61 =	vor.u32 $0x2, v2;
	_ =	sdelay $0x1  }
0x5d: {  	v0 =	vmul.f32 v60, v0;
	_ =	sdelay $0x1  }
0x5e: {  	v62 =	vld [tilespmem:s31+$0xA400];
	[tilespmem:s31+$0xAA00] =	vst v0  }
0x5f: {  	v0 =	vld.idx.msk [tilespmem:v61+s1+$0x0], $0xffff;
	_ =	sdelay $0x2  }
0x60: {  	v2 =	vor.u32 $0x3, v2;
	_ =	sdelay $0x1  }
0x61: {  	v0 =	vmul.f32 v62, v0;
	_ =	sdelay $0x1  }
0x62: {  	v63 =	vld [tilespmem:s31+$0xA600];
	[tilespmem:s31+$0xAC00] =	vst v0  }
0x63: {  	v0 =	vld.idx.msk [tilespmem:v2+s1+$0x0], $0xffff;
	_ =	sdelay $0x4  }
0x64: {  	v0 =	vmul.f32 v63, v0;
	_ =	sdelay $0x1  }
0x65: {  	s30 =	sadd.s32 s9, s28;
	[tilespmem:s31+$0xAE00] =	vst v0  }
0x66: {  	[hbm4b:s30+s1] =	stream.linear.scatter [tilespmem:s21], [sflag:$0x1], $0x200, $0x38;
	[tilespmem:$0xB000] =	vst v63  }
0x67: {  	_ =	swait.ge [sflag:s15], $0x200  }
0x68: {  	[sflag:s15] =	ssyncset.done $0x0  }
0x69: {  	s31 =	sadd.s32 s10, s28;
	[sflag:s15] =	ssyncadd.s32 $0xFFFFFE00  }
0x6a: {  	[hbm4b:s31+s1] =	stream.linear.scatter [tilespmem:s22], [sflag:$0x1], $0x200, $0x38;
	[tilespmem:$0xB000] =	vst v63  }
0x6b: {  	_ =	swait.ge [sflag:s15], $0x200  }
0x6c: {  	[sflag:s15] =	ssyncset.done $0x0  }
0x6d: {  	s30 =	sadd.s32 s11, s28;
	[sflag:s15] =	ssyncadd.s32 $0xFFFFFE00  }
0x6e: {  	[hbm4b:s30+s1] =	stream.linear.scatter [tilespmem:s23], [sflag:$0x1], $0x200, $0x38;
	[tilespmem:$0xB000] =	vst v63  }
0x6f: {  	s26 =	sadd.s32 $0x1, s26;
	_ =	swait.ge [sflag:s15], $0x200  }
0x70: {  	p0 =	sne.s32 s26, $0xA;
	[sflag:s15] =	ssyncset.done $0x0  }
.Ltmp1:
0x71: {  	s31 =	sadd.s32 s12, s28;
	[sflag:s15] =	ssyncadd.s32 $0xFFFFFE00;
	(pc) =	sbr.rel @p0 .LBB2_2-.Ltmp1, $4  }
0x72: {  	[hbm4b:s31+s1] =	stream.linear.scatter [tilespmem:s24], [sflag:$0x1], $0x200, $0x38;
	[tilespmem:$0xB000] =	vst v63  }
0x73: {  	_ =	swait.ge [sflag:s15], $0x200  }
0x74: {  	[sflag:s15] =	ssyncset.done $0x0  }
0x75: {  	[sflag:s15] =	ssyncadd.s32 $0xFFFFFE00  }
0x76: {  	s25 =	sadd.s32 $0x1, s25  }
0x77: {  	p0 =	sne.s32 s25, s14  }
.Ltmp2:
0x78: {  	_ = 	snop;
	(pc) =	sbr.rel @p0 .LBB2_1-.Ltmp2, $1  }
0x79: {  	_ =	sdelay $0x3  }
0x7a: {  	_ =	sfence.sel $0x180000  }
0x7b: {  	[bflag:$0x0] =	sbarrier.arrive $0xFFFF  }
0x7c: {  	p0 =	sne.s32 s6, $0x0;
	_ =	strace $0x90000053  }
0x7d: {  	s0 =	sadd.s32 @!p0 $0x100000, s0;
	[bflag:$0x2] =	sbarrier.arrive $0xFFFF  }
0x7e: {  	[sflag:s0] =	ssyncadd.tile.s32 @!p0 $0x1;
	_ =	shalt  }
.Lfunc_end2:
_tile_overlayer_lowered:
.L_overlay_start_2:
0x7f: {  	(tag) =	ssettag $0x2  }
0x80: {  	s0 =	rddreg [dreg:$0x0];
	s2 =	stileid.u32  }
0x81: {  	s1 =	rddreg [dreg:$0x1];
	p0 =	sne.s32 s2, $0x0  }
0x82: {  	s3 =	rddreg [dreg:$0x2];
	[bflag:$0x3] =	sbarrier.arrive $0xFFFF;
	s2 =	simm.s32 @!p0 $0x1C01  }
0x83: {  	[timem:s3], [sflag:s2] =	dma.local @!p0 [hbm:s0], s1  }
0x84: {  	s0 =	simm.s32 @!p0 $0x1  }
0x85: {  	_ =	swait.ge @!p0 [sflag:s0], s1  }
0x86: {  	s1 =	ssub.s32 @!p0 $0x0, s1;
	[sflag:s0] =	ssyncset.done @!p0 $0x0  }
0x87: {  	[sflag:s0] =	ssyncadd.s32 @!p0 s1  }
0x88: {  	[bflag:$0x3] =	sbarrier.arrive $0xFFFF  }
0x89: {  	_ =	shalt  }

// kernel: kernel.30.cloned.1.call-start
scs
__scs_entry_jumppad:
0x0: {  	(pc) =	sbr.rel $0x88, $3  }
0x1: {  	(tag) =	ssettag $0x0;
	lr =	simm.s32 $0x1  }
0x2: {  	[smem:$0x3F87] =	sst lr;
	_ =	strace $0xD0000000  }
0x3: {  	_ = 	snop  }
0x4: {  	_ = 	snop  }
0x5: {  	_ = 	snop  }
0x6: {  	_ = 	snop  }
0x7: {  	_ = 	snop  }
__scs_overlays_trampoline_lowered:
0x8: {  	[smem:$0x3F96] =	sst s0  }
0x9: {  	[smem:$0x3F97] =	sst s1  }
0xa: {  	[smem:$0x3F98] =	sst s2  }
0xb: {  	[smem:$0x3F99] =	sst s3  }
0xc: {  	[smem:$0x3F9A] =	sst s4  }
0xd: {  	[smem:$0x3F9B] =	sst s5  }
0xe: {  	[smem:$0x3F9C] =	sst s6  }
0xf: {  	[smem:$0x3F9D] =	sst s7  }
0x10: {  	[smem:$0x3F9E] =	sst s8  }
0x11: {  	[smem:$0x3F9F] =	sst s9;
	s0 =	simm.s32 @!p0 $0x0  }
0x12: {  	s1 =	sld [smem:$0x3F85];
	s0 =	simm.s32 @p0 $0x1  }
0x13: {  	[smem:$0x3FA0] =	sst s0;
	s0 =	simm.s32 @!p1 $0x0  }
0x14: {  	s2 =	sld [smem:$0x3F84];
	s0 =	simm.s32 @p1 $0x1  }
0x15: {  	[smem:$0x3FA1] =	sst s0;
	s0 =	simm.s32 @!p2 $0x0  }
0x16: {  	s3 =	sld [smem:$0x3FDB];
	s0 =	simm.s32 @p2 $0x1  }
0x17: {  	s4 =	simm.s32 $0x1BF5;
	[smem:$0x3FA3] =	sst s0  }
0x18: {  	s0 =	sld [smem:$0x3F86];
	_ =	swait.ge [sflag:s4], $0x0  }
0x19: {  	s7 =	sld [smem:$0x3F87]  }
0x1a: {  	s8 =	sadd.s32 $0xFFFFE003, lr  }
0x1b: {  	s9 =	sadd.s32 $0xFFFFFEF7, lr;
	s5 =	simm.s32 $0xFFFFFFFF;
	p2 =	slt.u32 s8, $0xFFFFF086  }
0x1c: {  	p1 =	slt.u32 s9, $0xF7A;
	s5 =	simm.s32 @!p2 $0x0  }
0x1d: {  	s5 =	simm.s32 @p1 $0x1;
	p0 =	seq.s32 s7, s2  }
0x1e: {  	s7 =	smul.u32 @!p0 $0xF7A, s2;
	p2 =	seq.s32 @!p0 s5, $0x0  }
0x1f: {  	s9 =	smul.u32 $0xF7A, s1;
	s8 =	simm.s32 @!p0 $0x1BF5;
	p2 =	por !p2, p0  }
0x20: {  	[sflag:s8] =	ssyncset.s32 @!p0 $0xFFFFF086;
	s6 =	sadd.s32 @!p0 s3, s7;
	s7 =	simm.s32 @!p0 $0x108  }
0x21: {  	s3 =	sadd.s32 s3, s9;
	s6 =	sadd.s32 @!p0 $0x88, s6;
	s7 =	simm.s32 @p2 $0x1082  }
0x22: {  	[simem:s7], [sflag:s8] =	dma.local @!p0 [hbm:s6], $0xF7A  }
0x23: {  	s9 =	sor.u32 $0xD0000000, s2;
	s6 =	simm.s32 $0x108;
	_ =	swait.ge @!p0 [sflag:s8], $0x0  }
0x24: {  	s3 =	sadd.s32 $0x88, s3;
	s6 =	simm.s32 @!p1 $0x1082;
	[sflag:s4] =	ssyncset.s32 $0xFFFFF086  }
0x25: {  	[simem:s6], [sflag:s4] =	dma.local [hbm:s3], $0xF7A  }
0x26: {  	[smem:$0x3F87] =	sst s1;
	(tag) =	ssettag s2;
	_ =	strace s9  }
0x27: {  	s1 =	sld [smem:$0x3F97]  }
0x28: {  	s2 =	sld [smem:$0x3F98]  }
0x29: {  	s4 =	sld [smem:$0x3F9A]  }
0x2a: {  	p0 =	seq.s32 s5, $0x0;
	s5 =	sld [smem:$0x3F9B]  }
0x2b: {  	s6 =	sld [smem:$0x3F9C]  }
0x2c: {  	s7 =	sld [smem:$0x3F9D]  }
0x2d: {  	s3 =	simm.s32 $0x108;
	s8 =	sld [smem:$0x3F9E]  }
0x2e: {  	s3 =	simm.s32 @!p0 $0x1082;
	s9 =	sld [smem:$0x3F9F]  }
0x2f: {  	lr =	sadd.s32 s0, s3;
	s0 =	sld [smem:$0x3F96]  }
0x30: {  	s3 =	sld [smem:$0x3F99]  }
0x31: {  	[smem:$0x3FA2] =	sst s10  }
0x32: {  	s10 =	sld [smem:$0x3FA0];
	_ =	sdelay $0x3  }
0x33: {  	p0 =	seq.s32 s10, $0x1;
	s10 =	sld [smem:$0x3FA2];
	_ =	sdelay $0x3  }
0x34: {  	[smem:$0x3FA2] =	sst s10  }
0x35: {  	s10 =	sld [smem:$0x3FA1];
	_ =	sdelay $0x3  }
0x36: {  	p1 =	seq.s32 s10, $0x1;
	s10 =	sld [smem:$0x3FA2];
	_ =	sdelay $0x3  }
0x37: {  	[smem:$0x3FA2] =	sst s10  }
0x38: {  	s10 =	sld [smem:$0x3FA3]  }
0x39: {  	_ = 	snop;
	(pc) =	sbr.ind lr, $3  }
0x3a: {  	_ = 	snop  }
0x3b: {  	_ = 	snop  }
0x3c: {  	p2 =	seq.s32 s10, $0x1;
	s10 =	sld [smem:$0x3FA2]  }
0x3d: {  	_ =	shalt  }
0x3e: {  	_ =	shalt  }
0x3f: {  	_ =	shalt  }
0x40: {  	_ =	shalt  }
0x41: {  	_ =	shalt  }
0x42: {  	_ =	shalt  }
0x43: {  	_ =	shalt  }
0x44: {  	_ =	shalt  }
0x45: {  	_ =	shalt  }
0x46: {  	_ =	shalt  }
0x47: {  	_ =	shalt  }
0x48: {  	_ =	shalt  }
0x49: {  	_ =	shalt  }
0x4a: {  	_ =	shalt  }
0x4b: {  	_ =	shalt  }
0x4c: {  	_ =	shalt  }
0x4d: {  	_ =	shalt  }
0x4e: {  	_ =	shalt  }
0x4f: {  	_ =	shalt  }
0x50: {  	_ =	shalt  }
0x51: {  	_ =	shalt  }
0x52: {  	_ =	shalt  }
0x53: {  	_ =	shalt  }
0x54: {  	_ =	shalt  }
0x55: {  	_ =	shalt  }
0x56: {  	_ =	shalt  }
0x57: {  	_ =	shalt  }
0x58: {  	_ =	shalt  }
0x59: {  	_ =	shalt  }
0x5a: {  	_ =	shalt  }
0x5b: {  	_ =	shalt  }
0x5c: {  	_ =	shalt  }
0x5d: {  	_ =	shalt  }
0x5e: {  	_ =	shalt  }
0x5f: {  	_ =	shalt  }
0x60: {  	_ =	shalt  }
0x61: {  	_ =	shalt  }
0x62: {  	_ =	shalt  }
0x63: {  	_ =	shalt  }
0x64: {  	_ =	shalt  }
0x65: {  	_ =	shalt  }
0x66: {  	_ =	shalt  }
0x67: {  	_ =	shalt  }
0x68: {  	_ =	shalt  }
0x69: {  	_ =	shalt  }
0x6a: {  	_ =	shalt  }
0x6b: {  	_ =	shalt  }
0x6c: {  	_ =	shalt  }
0x6d: {  	_ =	shalt  }
0x6e: {  	_ =	shalt  }
0x6f: {  	_ =	shalt  }
0x70: {  	_ =	shalt  }
0x71: {  	_ =	shalt  }
0x72: {  	_ =	shalt  }
0x73: {  	_ =	shalt  }
0x74: {  	_ =	shalt  }
0x75: {  	_ =	shalt  }
0x76: {  	_ =	shalt  }
0x77: {  	_ =	shalt  }
0x78: {  	_ =	shalt  }
0x79: {  	_ =	shalt  }
0x7a: {  	_ =	shalt  }
0x7b: {  	_ =	shalt  }
0x7c: {  	_ =	shalt  }
0x7d: {  	_ =	shalt  }
0x7e: {  	_ =	shalt  }
0x7f: {  	_ =	shalt  }
0x80: {  	_ =	shalt  }
0x81: {  	_ =	shalt  }
0x82: {  	_ =	shalt  }
0x83: {  	_ =	shalt  }
0x84: {  	_ =	shalt  }
0x85: {  	_ =	shalt  }
0x86: {  	_ =	shalt  }
0x87: {  	_ =	shalt  }
.Lfunc_end0:
.L_simem_size_0:
called_computation.5_lowered:
.L_overlay_start_0:
0x88: {  	s2 =	sld [smem:$0x3FD9]  }
0x89: {  	s3 =	sld [smem:$0x3FFE];
	_ =	sdelay $0x1  }
0x8a: {  	s1 =	srdreg.scid  }
0x8b: {  	s0 =	sand.u32 $0x1, s1  }
0x8c: {  	s16 =	sshll.u32 s0, $0xA;
	s2 =	sadd.s32 s3, s2  }
0x8d: {  	s2 =	sadd.s32 s2, s16  }
0x8e: {  	[smem:$0x3FAE] =	sst s2  }
0x8f: {  	_ = 	snop  }
0x90: {  	(tm) =	ssettm $0x1  }
0x91: {  	s17 =	sld [smem:$0x3FFB];
	_ =	sdelay $0x3  }
0x92: {  	_ =	strace s17  }
0x93: {  	s2 =	sld [smem:$0x3FFC];
	_ =	sdelay $0x3  }
0x94: {  	_ =	strace s2  }
0x95: {  	s2 =	sld [smem:$0x3FFD];
	_ =	sdelay $0x3  }
0x96: {  	_ =	strace s2  }
0x97: {  	_ =	strace $0x8FFFFFFF  }
0x98: {  	s18 =	sld [smem:$0x3FDB];
	_ =	sdelay $0x1  }
0x99: {  	s19 =	simm.s32 $_scs_section_size  }
0x9a: {  	s4 =	simm.s32 $_size__tile_overlayer_lowered;
	s5 =	simm.s32 $_tile_overlayer_lowered  }
0x9b: {  	s22 =	simm.s32 $0x1BFF;
	s21 =	sshll.u32 s5, $0x1;
	s2 =	sadd.s32 s19, s18  }
0x9c: {  	s6 =	simm.s32 $0x0;
	s20 =	sshll.u32 s4, $0x1;
	s4 =	sadd.s32 s21, s2  }
0x9d: {  	[timem:s6], [sflag:s22] =	dma.local [hbm:s4], s20  }
0x9e: {  	_ =	swait.ge [sflag:s22], s20  }
0x9f: {  	s3 =	ssub.s32 $0x0, s20;
	[sflag:s22] =	ssyncset.done $0x0  }
0xa0: {  	[sflag:s22] =	ssyncadd.s32 s3;
	_ =	sdelay $0x1  }
0xa1: {  	s23 =	simm.s32 $0x1B8B  }
0xa2: {  	_ =	swait.ge [sflag:s23], $0x1  }
0xa3: {  	[sflag:s23] =	ssyncset.done $0x0  }
0xa4: {  	s25 =	simm.s32 $0x1B8E;
	s24 =	sld [smem:$0x3FFE];
	[sflag:s23] =	ssyncadd.s32 $0xFFFFFFFF  }
0xa5: {  	s26 =	simm.s32 $execute0_lowered;
	[smem:$0x3FD2] =	sst s25  }
0xa6: {  	s4 =	sshll.u32 s26, $0x1;
	_ =	strace $0x80000055;
	[dreg:$0x1] =	wrdreg $0xFFFFFFFF  }
0xa7: {  	s28 =	simm.s32 $_size_execute0_lowered;
	s2 =	sadd.s32 s2, s4;
	[dreg:$0x0] =	wrdreg $0x0  }
0xa8: {  	s4 =	sshll.u32 s28, $0x1;
	[dreg:$0x2] =	wrdreg s2  }
0xa9: {  	[dreg:$0x3] =	wrdreg s4  }
0xaa: {  	[dreg:$0x4] =	wrdreg $0xC0  }
0xab: {  	_ =	task [dreg:s6], $0x5FFFF  }
0xac: {  	[dreg:$0x1] =	wrdreg $0xFFFFFFFF  }
0xad: {  	[dreg:$0x0] =	wrdreg $0x60  }
0xae: {  	[dreg:$0x2] =	wrdreg s24  }
0xaf: {  	[dreg:$0x3] =	wrdreg $0x9  }
0xb0: {  	_ =	task.clear_ibuf [dreg:s6], $0x4FFFF;
	_ =	strace $0x90000055  }
0xb1: {  	s29 =	simm.s32 $0x9;
	_ =	strace $0x80000057  }
0xb2: {  	_ =	swait.ge [sflag:s29], $0x1  }
0xb3: {  	[sflag:s29] =	ssyncadd.s32 $0xFFFFFFFF  }
0xb4: {  	_ =	strace $0x90000057  }
0xb5: {  	_ =	sfence  }
0xb6: {  	s30 =	sld [smem:$0x0];
	_ =	sdelay $0x2  }
0xb7: {  	s31 =	sshll.u32 s1, $0xD;
	s1 =	sshrl.u32 s1, $0x2  }
0xb8: {  	s3 =	sand.u32 $0x4000, s31;
	s1 =	sadd.s32 s1, s30  }
0xb9: {  	s0 =	sor.u32 s3, s0;
	s1 =	sshll.u32 s1, $0x11  }
0xba: {  	s0 =	sor.u32 s1, s0  }
0xbb: {  	s0 =	sadd.s32 $0x8F2B, s0  }
0xbc: {  	[sflag:s0] =	ssyncadd.remote.s32 $0x1  }
0xbd: {  	_ =	sfence.sel $0xFFFF  }
0xbe: {  	[dreg:$0x0] =	wrdreg $0xFFFFFFFF;
	(pc) =	sbr.abs _section_cstart, $3  }
0xbf: {  	[dreg:$0x1] =	wrdreg $0xFFFFFFFF  }
0xc0: {  	_ =	task.clear_ibuf [dreg:s6], $0x2FFFF;
	_ =	strace $0x9FFFFFFF  }
0xc1: {  	(tm) =	ssettm $0x7FFFFFFF  }
tec
execute0_lowered:
.L_overlay_start_1:
0x0: {  	(tag) =	ssettag $0x1  }
0x1: {  	s9 =	rddreg [dreg:$0x0]  }
0x2: {  	s0 =	rddreg [dreg:$0x1]  }
0x3: {  	s1 =	simm.s32 $0x0;
	s10 =	srdreg.scid;
	s6 =	stileid.u32  }
0x4: {  	s17 =	simm.s32 $0x18B00;
	s18 =	simm.s32 $0x18D00;
	s19 =	simm.s32 $0x18F00  }
0x5: {  	s20 =	simm.s32 $0x19100;
	s21 =	simm.s32 $0x19300;
	s22 =	simm.s32 $0x19500  }
0x6: {  	s23 =	simm.s32 $0x13C00;
	s24 =	simm.s32 $0x0;
	[smem:$0x7FF] =	sst s1  }
0x7: {  	s2 =	sadd.s32 $0x6000, s9;
	s3 =	sadd.s32 $0x12800, s9;
	s4 =	sadd.s32 $0xC400, s9  }
0x8: {  	s5 =	sadd.s32 $0x3F000, s9;
	s7 =	sadd.s32 $0x44000, s9;
	s8 =	sadd.s32 $0x49000, s9  }
0x9: {  	s11 =	sadd.s32 $0x7A800, s9;
	s10 =	sand.u32 $0x1, s10;
	s12 =	sshrl.u32 s6, $0x2  }
0xa: {  	s13 =	sshll.u32 s6, $0x8;
	s26 =	sadd.s32 $0x4E000, s9;
	_ =	strace $0x80000056  }
0xb: {  	s14 =	smul.u32 $0x9E000, s12;
	s15 =	sshll.u32 s10, $0x7;
	s13 =	sand.u32 $0x300, s13  }
0xc: {  	s10 =	ssub.s32 $0x2, s10;
	s12 =	smul.u32 $0x27800, s12;
	s13 =	sor.u32 s15, s13  }
0xd: {  	s28 =	sshrl.u32 s10, $0x1;
	s15 =	simm.s32 $0x400;
	s14 =	sor.u32 s14, s13  }
0xe: {  	s16 =	ssub.s32 s10, s28;
	s30 =	sor.u32 s12, s13;
	s29 =	sshrl.u32 s14, $0x3  }
0xf: {  	s31 =	sadd.s32 $0x278000, s14;
	s13 =	sadd.s32 $0x9E000, s30;
	s10 =	sshrl.u32 s30, $0x3  }
0x10: {  	s14 =	simm.s32 $0x80;
	s9 =	sadd.s32 s11, s29;
	s12 =	sshrl.u32 s31, $0x3  }
0x11: {  	s13 =	sshrl.u32 s13, $0x3;
	s10 =	sadd.s32 s26, s10;
	s11 =	sadd.s32 s11, s12  }
0x12: {  	v0 =	vimm.f32 $0.0e+00;
	s12 =	sadd.s32 s26, s13;
	s13 =	smax.u32 s16, $0x1;
	s16 =	simm.s32 $0x1  }
.LBB2_1:
0x13: {  	[tilespmem:s1], [sflag:$0x1] =	stream.strided.gather [hbm4b:s9+s14], $0x13C00, s15, s14, $0x38;
	[tilespmem:$0x19700] =	vst v63  }
0x14: {  	_ =	swait.ge [sflag:s16], $0x13C00  }
0x15: {  	[sflag:s16] =	ssyncset.done $0x0  }
0x16: {  	s25 =	simm.s32 $0x40;
	s26 =	simm.s32 $0x0;
	[sflag:s16] =	ssyncadd.s32 $0xFFFEC400  }
.LBB2_2:
0x17: {  	p0 =	sne.s32 s25, $0x13BC0;
	[tilespmem:s26+$0x13C00] =	vst v0;
	s26 =	smov.u32 s25;
	s25 =	sadd.s32 $0x40, s25  }
.Ltmp0:
0x18: {  	(pc) =	sbr.rel @p0 .LBB2_2-.Ltmp0, $2  }
0x19: {  	_ =	sdelay $0x2  }
0x1a: {  	s26 =	sshra.s32 s26, $0x2  }
0x1b: {  	[tilespmem:s26+$0x13C00] =	vst v0;
	s25 =	simm.s32 $0x0;
	s26 =	simm.s32 $0x0  }
.LBB2_4:
0x1c: {  	s28 =	sshll.u32 s26, $0x6  }
0x1d: {  	s29 =	sadd.s32 s2, s28  }
0x1e: {  	[tilespmem:s17], [sflag:$0x1] =	stream.linear.gather [hbm4b:s29+s25], $0x200, $0x38;
	[tilespmem:$0x19700] =	vst v63  }
0x1f: {  	_ =	swait.ge [sflag:s16], $0x200  }
0x20: {  	[sflag:s16] =	ssyncset.done $0x0  }
0x21: {  	s30 =	sadd.s32 s3, s28;
	[sflag:s16] =	ssyncadd.s32 $0xFFFFFE00  }
0x22: {  	[tilespmem:s18], [sflag:$0x1] =	stream.linear.gather [hbm4b:s30+s25], $0x200, $0x38;
	[tilespmem:$0x19700] =	vst v63  }
0x23: {  	_ =	swait.ge [sflag:s16], $0x200  }
0x24: {  	[sflag:s16] =	ssyncset.done $0x0  }
0x25: {  	s31 =	sadd.s32 s4, s28;
	[sflag:s16] =	ssyncadd.s32 $0xFFFFFE00  }
0x26: {  	[tilespmem:s19], [sflag:$0x1] =	stream.linear.gather [hbm4b:s31+s25], $0x200, $0x38;
	[tilespmem:$0x19700] =	vst v63  }
0x27: {  	_ =	swait.ge [sflag:s16], $0x200  }
0x28: {  	[sflag:s16] =	ssyncset.done $0x0  }
0x29: {  	s30 =	sadd.s32 s5, s28;
	[sflag:s16] =	ssyncadd.s32 $0xFFFFFE00  }
0x2a: {  	[tilespmem:s20], [sflag:$0x1] =	stream.linear.gather [hbm4b:s30+s25], $0x200, $0x38;
	[tilespmem:$0x19700] =	vst v63  }
0x2b: {  	_ =	swait.ge [sflag:s16], $0x200  }
0x2c: {  	[sflag:s16] =	ssyncset.done $0x0  }
0x2d: {  	s31 =	sadd.s32 s7, s28;
	[sflag:s16] =	ssyncadd.s32 $0xFFFFFE00  }
0x2e: {  	[tilespmem:s21], [sflag:$0x1] =	stream.linear.gather [hbm4b:s31+s25], $0x200, $0x38;
	[tilespmem:$0x19700] =	vst v63  }
0x2f: {  	_ =	swait.ge [sflag:s16], $0x200  }
0x30: {  	[sflag:s16] =	ssyncset.done $0x0  }
0x31: {  	s28 =	sadd.s32 s8, s28;
	[sflag:s16] =	ssyncadd.s32 $0xFFFFFE00  }
0x32: {  	[tilespmem:s22], [sflag:$0x1] =	stream.linear.gather [hbm4b:s28+s25], $0x200, $0x38;
	[tilespmem:$0x19700] =	vst v63  }
0x33: {  	_ =	swait.ge [sflag:s16], $0x200  }
0x34: {  	[sflag:s16] =	ssyncset.done $0x0  }
0x35: {  	s28 =	simm.s32 $0x0;
	[sflag:s16] =	ssyncadd.s32 $0xFFFFFE00  }
0x36: {  	v1 =	vld [tilespmem:s28+$0x18B00];
	_ =	sdelay $0x4  }
0x37: {  	v1 =	vshll.u32 v1, $0x3  }
0x38: {  	v2 =	vor.u32 $0x2, v1  }
0x39: {  	v4 =	vld [tilespmem:s28+$0x18D00]  }
0x3a: {  	v5 =	vld [tilespmem:s28+$0x19100];
	v3 =	vor.u32 $0x4, v1  }
0x3b: {  	v8 =	vld [tilespmem:s28+$0x18F00]  }
0x3c: {  	v6 =	vor.u32 $0x6, v1;
	v7 =	vld.idx.msk [tilespmem:v1+s1+$0x0], $0xffff  }
0x3d: {  	v2 =	vld.idx.msk [tilespmem:v2+s1+$0x0], $0xffff  }
0x3e: {  	v9 =	vld [tilespmem:s28+$0x19300]  }
0x3f: {  	v3 =	vld.idx.msk [tilespmem:v3+s1+$0x0], $0xffff  }
0x40: {  	v10 =	vld [tilespmem:s28+$0x19500]  }
0x41: {  	v6 =	vld.idx.msk [tilespmem:v6+s1+$0x0], $0xffff  }
0x42: {  	v7 =	vmul.f32 v7, v8;
	v2 =	vmul.f32 v2, v5;
	_ =	sdelay $0x1  }
0x43: {  	v3 =	vmul.f32 v3, v9;
	v2 =	vadd.f32 v2, v7  }
0x44: {  	v4 =	vshll.u32 v4, $0x1  }
0x45: {  	v60 =	vor.u32 $0x1, v1;
	v2 =	vadd.f32 v3, v2;
	v3 =	vmul.f32 v6, v10  }
0x46: {  	v61 =	vor.u32 $0x3, v1  }
0x47: {  	v2 =	vadd.f32 v3, v2  }
0x48: {  	v3 =	vor.u32 $0x5, v1  }
0x49: {  	v1 =	vor.u32 $0x7, v1;
	[tilespmem:v4+s23+$0x0] =	vst.idx.add.f32.msk $0xffff, v2  }
0x4a: {  	v2 =	vld.idx.msk [tilespmem:v60+s1+$0x0], $0xffff  }
0x4b: {  	v62 =	vld.idx.msk [tilespmem:v61+s1+$0x0], $0xffff;
	_ =	sdelay $0x1  }
0x4c: {  	v3 =	vld.idx.msk [tilespmem:v3+s1+$0x0], $0xffff  }
0x4d: {  	v1 =	vld.idx.msk [tilespmem:v1+s1+$0x0], $0xffff;
	_ =	sdelay $0x1  }
0x4e: {  	v2 =	vmul.f32 v2, v8;
	v5 =	vmul.f32 v62, v5;
	_ =	sdelay $0x1  }
0x4f: {  	v3 =	vmul.f32 v3, v9;
	v2 =	vadd.f32 v5, v2  }
0x50: {  	v63 =	vmul.f32 v1, v10;
	v1 =	vor.u32 $0x1, v4  }
0x51: {  	v2 =	vadd.f32 v3, v2;
	_ =	sdelay $0x1  }
0x52: {  	s28 =	simm.s32 $0x40;
	v2 =	vadd.f32 v63, v2  }
.LBB2_5:
0x53: {  	p0 =	sne.s32 s28, $0x7C0;
	s29 =	smov.u32 s28;
	s28 =	sadd.s32 $0x40, s28  }
0x54: {  	s29 =	sshra.s32 s29, $0x2;
	[tilespmem:v1+s23+$0x0] =	vst.idx.add.f32.msk $0xffff, v2  }
0x55: {  	v1 =	vld [tilespmem:s29+$0x18B00];
	_ =	sdelay $0x4  }
0x56: {  	v1 =	vshll.u32 v1, $0x3  }
0x57: {  	v2 =	vor.u32 $0x2, v1;
	v3 =	vor.u32 $0x4, v1;
	v4 =	vor.u32 $0x6, v1;
	_ =	sdelay $0x1  }
0x58: {  	v5 =	vld [tilespmem:s29+$0x18D00]  }
0x59: {  	v6 =	vld [tilespmem:s29+$0x19100]  }
0x5a: {  	v7 =	vld.idx.msk [tilespmem:v1+s1+$0x0], $0xffff  }
0x5b: {  	v2 =	vld.idx.msk [tilespmem:v2+s1+$0x0], $0xffff  }
0x5c: {  	v8 =	vld [tilespmem:s29+$0x18F00]  }
0x5d: {  	v3 =	vld.idx.msk [tilespmem:v3+s1+$0x0], $0xffff  }
0x5e: {  	v9 =	vld [tilespmem:s29+$0x19300]  }
0x5f: {  	v4 =	vld.idx.msk [tilespmem:v4+s1+$0x0], $0xffff  }
0x60: {  	v10 =	vld [tilespmem:s29+$0x19500]  }
0x61: {  	v2 =	vmul.f32 v2, v6;
	v7 =	vmul.f32 v7, v8;
	_ =	sdelay $0x1  }
0x62: {  	v2 =	vadd.f32 v2, v7;
	v3 =	vmul.f32 v3, v9  }
0x63: {  	v5 =	vshll.u32 v5, $0x1;
	v7 =	vor.u32 $0x3, v1  }
0x64: {  	v2 =	vadd.f32 v3, v2;
	v3 =	vmul.f32 v4, v10;
	v4 =	vor.u32 $0x1, v1;
	_ =	sdelay $0x1  }
0x65: {  	v2 =	vadd.f32 v3, v2;
	v3 =	vor.u32 $0x5, v1;
	_ =	sdelay $0x1  }
0x66: {  	v1 =	vor.u32 $0x7, v1;
	[tilespmem:v5+s23+$0x0] =	vst.idx.add.f32.msk $0xffff, v2  }
0x67: {  	v2 =	vld.idx.msk [tilespmem:v4+s1+$0x0], $0xffff  }
0x68: {  	v4 =	vld.idx.msk [tilespmem:v7+s1+$0x0], $0xffff  }
0x69: {  	v3 =	vld.idx.msk [tilespmem:v3+s1+$0x0], $0xffff;
	_ =	sdelay $0x1  }
0x6a: {  	v7 =	vld.idx.msk [tilespmem:v1+s1+$0x0], $0xffff;
	_ =	sdelay $0x1  }
0x6b: {  	v1 =	vmul.f32 v2, v8  }
0x6c: {  	v2 =	vmul.f32 v4, v6  }
0x6d: {  	v3 =	vmul.f32 v3, v9  }
.Ltmp1:
0x6e: {  	v2 =	vadd.f32 v2, v1;
	v1 =	vor.u32 $0x1, v5;
	(pc) =	sbr.rel @p0 .LBB2_5-.Ltmp1, $3  }
0x6f: {  	v4 =	vmul.f32 v7, v10  }
0x70: {  	v2 =	vadd.f32 v3, v2;
	_ =	sdelay $0x1  }
0x71: {  	v2 =	vadd.f32 v4, v2  }
0x72: {  	s26 =	sadd.s32 $0x1, s26  }
0x73: {  	p0 =	sne.s32 s26, $0x140  }
.Ltmp2:
0x74: {  	_ = 	snop;
	(pc) =	sbr.rel @p0 .LBB2_4-.Ltmp2, $2  }
0x75: {  	_ =	sdelay $0x2  }
0x76: {  	[tilespmem:v1+s23+$0x0] =	vst.idx.add.f32.msk $0xffff, v2  }
0x77: {  	[hbm4b:s10+s14] =	stream.strided.scatter [tilespmem:s23], [sflag:$0x1], $0x4F00, s15, s14, $0x38;
	[tilespmem:$0x19700] =	vst v63  }
0x78: {  	_ =	swait.ge [sflag:s16], $0x4F00  }
0x79: {  	[sflag:s16] =	ssyncset.done $0x0  }
0x7a: {  	s25 =	simm.s32 $0x0;
	[sflag:s16] =	ssyncadd.s32 $0xFFFFB100  }
0x7b: {  	[tilespmem:s25], [sflag:$0x1] =	stream.strided.gather [hbm4b:s11+s14], $0x13C00, s15, s14, $0x38;
	[tilespmem:$0x19700] =	vst v63  }
0x7c: {  	_ =	swait.ge [sflag:s16], $0x13C00  }
0x7d: {  	[sflag:s16] =	ssyncset.done $0x0  }
0x7e: {  	s26 =	simm.s32 $0x40;
	s28 =	simm.s32 $0x0;
	[sflag:s16] =	ssyncadd.s32 $0xFFFEC400  }
.LBB2_8:
0x7f: {  	p0 =	sne.s32 s26, $0x13BC0;
	[tilespmem:s28+$0x13C00] =	vst v0;
	s28 =	smov.u32 s26;
	s26 =	sadd.s32 $0x40, s26  }
.Ltmp3:
0x80: {  	(pc) =	sbr.rel @p0 .LBB2_8-.Ltmp3, $2  }
0x81: {  	_ =	sdelay $0x2  }
0x82: {  	s28 =	sshra.s32 s28, $0x2  }
0x83: {  	[tilespmem:s28+$0x13C00] =	vst v0  }
.LBB2_10:
0x84: {  	s26 =	sshll.u32 s25, $0x6  }
0x85: {  	s29 =	simm.s32 $0x0;
	s28 =	sadd.s32 s2, s26  }
0x86: {  	[tilespmem:s17], [sflag:$0x1] =	stream.linear.gather [hbm4b:s28+s29], $0x200, $0x38;
	[tilespmem:$0x19700] =	vst v63  }
0x87: {  	_ =	swait.ge [sflag:s16], $0x200  }
0x88: {  	[sflag:s16] =	ssyncset.done $0x0  }
0x89: {  	s31 =	sadd.s32 s3, s26;
	[sflag:s16] =	ssyncadd.s32 $0xFFFFFE00  }
0x8a: {  	[tilespmem:s18], [sflag:$0x1] =	stream.linear.gather [hbm4b:s31+s29], $0x200, $0x38;
	[tilespmem:$0x19700] =	vst v63  }
0x8b: {  	_ =	swait.ge [sflag:s16], $0x200  }
0x8c: {  	[sflag:s16] =	ssyncset.done $0x0  }
0x8d: {  	s30 =	sadd.s32 s4, s26;
	[sflag:s16] =	ssyncadd.s32 $0xFFFFFE00  }
0x8e: {  	[tilespmem:s19], [sflag:$0x1] =	stream.linear.gather [hbm4b:s30+s29], $0x200, $0x38;
	[tilespmem:$0x19700] =	vst v63  }
0x8f: {  	_ =	swait.ge [sflag:s16], $0x200  }
0x90: {  	[sflag:s16] =	ssyncset.done $0x0  }
0x91: {  	s31 =	sadd.s32 s5, s26;
	[sflag:s16] =	ssyncadd.s32 $0xFFFFFE00  }
0x92: {  	[tilespmem:s20], [sflag:$0x1] =	stream.linear.gather [hbm4b:s31+s29], $0x200, $0x38;
	[tilespmem:$0x19700] =	vst v63  }
0x93: {  	_ =	swait.ge [sflag:s16], $0x200  }
0x94: {  	[sflag:s16] =	ssyncset.done $0x0  }
0x95: {  	s30 =	sadd.s32 s7, s26;
	[sflag:s16] =	ssyncadd.s32 $0xFFFFFE00  }
0x96: {  	[tilespmem:s21], [sflag:$0x1] =	stream.linear.gather [hbm4b:s30+s29], $0x200, $0x38;
	[tilespmem:$0x19700] =	vst v63  }
0x97: {  	_ =	swait.ge [sflag:s16], $0x200  }
0x98: {  	[sflag:s16] =	ssyncset.done $0x0  }
0x99: {  	s26 =	sadd.s32 s8, s26;
	[sflag:s16] =	ssyncadd.s32 $0xFFFFFE00  }
0x9a: {  	[tilespmem:s22], [sflag:$0x1] =	stream.linear.gather [hbm4b:s26+s29], $0x200, $0x38;
	[tilespmem:$0x19700] =	vst v63  }
0x9b: {  	_ =	swait.ge [sflag:s16], $0x200  }
0x9c: {  	[sflag:s16] =	ssyncset.done $0x0  }
0x9d: {  	s31 =	simm.s32 $0x0;
	[sflag:s16] =	ssyncadd.s32 $0xFFFFFE00  }
0x9e: {  	v1 =	vld [tilespmem:s31+$0x18B00];
	_ =	sdelay $0x4  }
0x9f: {  	v1 =	vshll.u32 v1, $0x3  }
0xa0: {  	v2 =	vor.u32 $0x2, v1  }
0xa1: {  	v4 =	vld [tilespmem:s31+$0x18D00]  }
0xa2: {  	v5 =	vld [tilespmem:s31+$0x19100];
	v3 =	vor.u32 $0x4, v1  }
0xa3: {  	v8 =	vld [tilespmem:s31+$0x18F00]  }
0xa4: {  	v6 =	vor.u32 $0x6, v1;
	v7 =	vld.idx.msk [tilespmem:v1+s1+$0x0], $0xffff  }
0xa5: {  	v2 =	vld.idx.msk [tilespmem:v2+s1+$0x0], $0xffff  }
0xa6: {  	v9 =	vld [tilespmem:s31+$0x19300]  }
0xa7: {  	v3 =	vld.idx.msk [tilespmem:v3+s1+$0x0], $0xffff  }
0xa8: {  	v10 =	vld [tilespmem:s31+$0x19500]  }
0xa9: {  	v6 =	vld.idx.msk [tilespmem:v6+s1+$0x0], $0xffff  }
0xaa: {  	v7 =	vmul.f32 v7, v8;
	v2 =	vmul.f32 v2, v5;
	_ =	sdelay $0x1  }
0xab: {  	v3 =	vmul.f32 v3, v9;
	v2 =	vadd.f32 v2, v7  }
0xac: {  	v4 =	vshll.u32 v4, $0x1  }
0xad: {  	v60 =	vor.u32 $0x1, v1;
	v2 =	vadd.f32 v3, v2;
	v3 =	vmul.f32 v6, v10  }
0xae: {  	v61 =	vor.u32 $0x3, v1  }
0xaf: {  	v2 =	vadd.f32 v3, v2  }
0xb0: {  	v3 =	vor.u32 $0x5, v1  }
0xb1: {  	v1 =	vor.u32 $0x7, v1;
	[tilespmem:v4+s23+$0x0] =	vst.idx.add.f32.msk $0xffff, v2  }
0xb2: {  	v2 =	vld.idx.msk [tilespmem:v60+s1+$0x0], $0xffff  }
0xb3: {  	v62 =	vld.idx.msk [tilespmem:v61+s1+$0x0], $0xffff;
	_ =	sdelay $0x1  }
0xb4: {  	v3 =	vld.idx.msk [tilespmem:v3+s1+$0x0], $0xffff  }
0xb5: {  	v1 =	vld.idx.msk [tilespmem:v1+s1+$0x0], $0xffff;
	_ =	sdelay $0x1  }
0xb6: {  	v2 =	vmul.f32 v2, v8;
	v5 =	vmul.f32 v62, v5;
	_ =	sdelay $0x1  }
0xb7: {  	v3 =	vmul.f32 v3, v9;
	v2 =	vadd.f32 v5, v2  }
0xb8: {  	v63 =	vmul.f32 v1, v10;
	v1 =	vor.u32 $0x1, v4  }
0xb9: {  	v2 =	vadd.f32 v3, v2;
	_ =	sdelay $0x1  }
0xba: {  	s26 =	simm.s32 $0x40;
	v2 =	vadd.f32 v63, v2  }
.LBB2_11:
0xbb: {  	p0 =	sne.s32 s26, $0x7C0;
	s28 =	smov.u32 s26;
	s26 =	sadd.s32 $0x40, s26  }
0xbc: {  	s28 =	sshra.s32 s28, $0x2;
	[tilespmem:v1+s23+$0x0] =	vst.idx.add.f32.msk $0xffff, v2  }
0xbd: {  	v1 =	vld [tilespmem:s28+$0x18B00];
	_ =	sdelay $0x4  }
0xbe: {  	v1 =	vshll.u32 v1, $0x3  }
0xbf: {  	v2 =	vor.u32 $0x2, v1;
	v3 =	vor.u32 $0x4, v1;
	v4 =	vor.u32 $0x6, v1;
	_ =	sdelay $0x1  }
0xc0: {  	v5 =	vld [tilespmem:s28+$0x18D00]  }
0xc1: {  	v6 =	vld [tilespmem:s28+$0x19100]  }
0xc2: {  	v7 =	vld.idx.msk [tilespmem:v1+s1+$0x0], $0xffff  }
0xc3: {  	v2 =	vld.idx.msk [tilespmem:v2+s1+$0x0], $0xffff  }
0xc4: {  	v8 =	vld [tilespmem:s28+$0x18F00]  }
0xc5: {  	v3 =	vld.idx.msk [tilespmem:v3+s1+$0x0], $0xffff  }
0xc6: {  	v9 =	vld [tilespmem:s28+$0x19300]  }
0xc7: {  	v4 =	vld.idx.msk [tilespmem:v4+s1+$0x0], $0xffff  }
0xc8: {  	v10 =	vld [tilespmem:s28+$0x19500]  }
0xc9: {  	v2 =	vmul.f32 v2, v6;
	v7 =	vmul.f32 v7, v8;
	_ =	sdelay $0x1  }
0xca: {  	v2 =	vadd.f32 v2, v7;
	v3 =	vmul.f32 v3, v9  }
0xcb: {  	v5 =	vshll.u32 v5, $0x1;
	v7 =	vor.u32 $0x3, v1  }
0xcc: {  	v2 =	vadd.f32 v3, v2;
	v3 =	vmul.f32 v4, v10;
	v4 =	vor.u32 $0x1, v1;
	_ =	sdelay $0x1  }
0xcd: {  	v2 =	vadd.f32 v3, v2;
	v3 =	vor.u32 $0x5, v1;
	_ =	sdelay $0x1  }
0xce: {  	v1 =	vor.u32 $0x7, v1;
	[tilespmem:v5+s23+$0x0] =	vst.idx.add.f32.msk $0xffff, v2  }
0xcf: {  	v2 =	vld.idx.msk [tilespmem:v4+s1+$0x0], $0xffff  }
0xd0: {  	v4 =	vld.idx.msk [tilespmem:v7+s1+$0x0], $0xffff  }
0xd1: {  	v3 =	vld.idx.msk [tilespmem:v3+s1+$0x0], $0xffff;
	_ =	sdelay $0x1  }
0xd2: {  	v7 =	vld.idx.msk [tilespmem:v1+s1+$0x0], $0xffff;
	_ =	sdelay $0x1  }
0xd3: {  	v1 =	vmul.f32 v2, v8  }
0xd4: {  	v2 =	vmul.f32 v4, v6  }
0xd5: {  	v3 =	vmul.f32 v3, v9  }
.Ltmp4:
0xd6: {  	v2 =	vadd.f32 v2, v1;
	v1 =	vor.u32 $0x1, v5;
	(pc) =	sbr.rel @p0 .LBB2_11-.Ltmp4, $3  }
0xd7: {  	v4 =	vmul.f32 v7, v10  }
0xd8: {  	v2 =	vadd.f32 v3, v2;
	_ =	sdelay $0x1  }
0xd9: {  	v2 =	vadd.f32 v4, v2  }
0xda: {  	s25 =	sadd.s32 $0x1, s25  }
0xdb: {  	p0 =	sne.s32 s25, $0x140  }
.Ltmp5:
0xdc: {  	_ = 	snop;
	(pc) =	sbr.rel @p0 .LBB2_10-.Ltmp5, $2  }
0xdd: {  	_ =	sdelay $0x2  }
0xde: {  	[tilespmem:v1+s23+$0x0] =	vst.idx.add.f32.msk $0xffff, v2  }
0xdf: {  	s24 =	sadd.s32 $0x1, s24  }
0xe0: {  	p0 =	sne.s32 s24, s13  }
.Ltmp6:
0xe1: {  	_ = 	snop;
	(pc) =	sbr.rel @p0 .LBB2_1-.Ltmp6, $4  }
0xe2: {  	[hbm4b:s12+s14] =	stream.strided.scatter [tilespmem:s23], [sflag:$0x1], $0x4F00, s15, s14, $0x38;
	[tilespmem:$0x19700] =	vst v63  }
0xe3: {  	_ =	swait.ge [sflag:s16], $0x4F00  }
0xe4: {  	[sflag:s16] =	ssyncset.done $0x0  }
0xe5: {  	[sflag:s16] =	ssyncadd.s32 $0xFFFFB100  }
0xe6: {  	_ =	sfence.sel $0x180000  }
0xe7: {  	[bflag:$0x0] =	sbarrier.arrive $0xFFFF  }
0xe8: {  	p0 =	sne.s32 s6, $0x0;
	_ =	strace $0x90000056  }
0xe9: {  	s0 =	sadd.s32 @!p0 $0x100000, s0;
	[bflag:$0x2] =	sbarrier.arrive $0xFFFF  }
0xea: {  	[sflag:s0] =	ssyncadd.tile.s32 @!p0 $0x1;
	_ =	shalt  }
.Lfunc_end2:
_tile_overlayer_lowered:
.L_overlay_start_2:
0xeb: {  	(tag) =	ssettag $0x2  }
0xec: {  	s0 =	rddreg [dreg:$0x0];
	s2 =	stileid.u32  }
0xed: {  	s1 =	rddreg [dreg:$0x1];
	p0 =	sne.s32 s2, $0x0  }
0xee: {  	s3 =	rddreg [dreg:$0x2];
	[bflag:$0x3] =	sbarrier.arrive $0xFFFF;
	s2 =	simm.s32 @!p0 $0x1C01  }
0xef: {  	[timem:s3], [sflag:s2] =	dma.local @!p0 [hbm:s0], s1  }
0xf0: {  	s0 =	simm.s32 @!p0 $0x1  }
0xf1: {  	_ =	swait.ge @!p0 [sflag:s0], s1  }
0xf2: {  	s1 =	ssub.s32 @!p0 $0x0, s1;
	[sflag:s0] =	ssyncset.done @!p0 $0x0  }
0xf3: {  	[sflag:s0] =	ssyncadd.s32 @!p0 s1  }
0xf4: {  	[bflag:$0x3] =	sbarrier.arrive $0xFFFF  }
0xf5: {  	_ =	shalt  }

</sc_bundles>
